<compile_context>
chip_gen: v7x
topology: tpu7x:2x2x1
jax: 0.10.2.dev20260603
libtpu: 0.0.44.dev20260713+nightly
codegen_flags: <defaults>
</compile_context>

<pallas_src>
import functools

import jax
import jax.numpy as jnp
from jax import lax
from jax.experimental import pallas as pl
from jax.experimental.pallas import tpu as pltpu
from jax.experimental.pallas import tpu_sc as plsc

N = 10000
E = 320000
D = 128
NCORES = 2
NSUB = 16
HALF = N // NCORES
ACC_ROWS = 5120
IPT = ACC_ROWS // NSUB
WPT = 312
KB = 128
NBLK = E // KB


def _tc_precompute(x, wbig, bias):
    def body(x_ref, w_ref, b_ref, o_ref):
        o_ref[...] = (
            jnp.dot(x_ref[...], w_ref[...], preferred_element_type=jnp.float32)
            + b_ref[...]
        )

    return pl.pallas_call(
        body,
        grid=(5,),
        in_specs=[
            pl.BlockSpec((N // 5, D), lambda i: (i, 0)),
            pl.BlockSpec((D, 2 * D), lambda i: (0, 0)),
            pl.BlockSpec((1, 2 * D), lambda i: (0, 0)),
        ],
        out_specs=pl.BlockSpec((N // 5, 2 * D), lambda i: (i, 0)),
        out_shape=jax.ShapeDtypeStruct((N, 2 * D), jnp.float32),
    )(x, wbig, bias)


@functools.partial(
    pl.kernel,
    out_type=[
        jax.ShapeDtypeStruct((N, D), jnp.float32),
        jax.ShapeDtypeStruct((N, D), jnp.float32),
    ],
    mesh=plsc.VectorSubcoreMesh(core_axis_name="c", subcore_axis_name="s"),
    compiler_params=pltpu.CompilerParams(needs_layout_passes=False),
    scratch_types=[
        pltpu.VMEM((KB,), jnp.int32),
        pltpu.VMEM((KB,), jnp.int32),
        pltpu.VMEM((KB,), jnp.int32),
        pltpu.VMEM((KB,), jnp.float32),
        pltpu.VMEM((KB,), jnp.float32),
        pltpu.VMEM((KB,), jnp.float32),
        pltpu.VMEM((KB, D), jnp.float32),
        pltpu.VMEM((KB, D), jnp.float32),
        pltpu.VMEM_SHARED((ACC_ROWS, D), jnp.float32),
        pltpu.VMEM_SHARED((ACC_ROWS, D), jnp.float32),
    ],
)
def _sc_edges(src_hbm, dest_hbm, s1_hbm, s2_hbm, y_hbm,
              feat_out, att_out,
              src_v, dest_v, adj_v, s1_v, s2_v, scores_v, rows_v, abs_v,
              feat_acc, att_acc):
    core = lax.axis_index("c")
    sub = lax.axis_index("s")
    base = core * HALF

    def zbody(r, _):
        z = jnp.zeros((16,), jnp.float32)
        for j in range(D // 16):
            rows_v[r, pl.ds(j * 16, 16)] = z
        return 0
    lax.fori_loop(0, KB, zbody, 0)
    r0 = sub * IPT
    for acc in (feat_acc, att_acc):
        pltpu.sync_copy(rows_v, acc.at[pl.ds(r0, KB)])
        pltpu.sync_copy(rows_v, acc.at[pl.ds(r0 + KB, KB)])
        pltpu.sync_copy(rows_v.at[pl.ds(0, IPT - 2 * KB)],
                        acc.at[pl.ds(r0 + 2 * KB, IPT - 2 * KB)])

    plsc.subcore_barrier()

    nblk_t = (NBLK - 1 - sub) // NSUB + 1

    def block_body(i, _):
        blk = sub + i * NSUB
        off = blk * KB
        pltpu.sync_copy(src_hbm.at[pl.ds(off, KB)], src_v)
        pltpu.sync_copy(dest_hbm.at[pl.ds(off, KB)], dest_v)
        pltpu.sync_copy(y_hbm.at[src_v], rows_v)
        pltpu.sync_copy(s1_hbm.at[src_v], s1_v)
        pltpu.sync_copy(s2_hbm.at[dest_v], s2_v)

        for j in range(KB // 16):
            sl = pl.ds(j * 16, 16)
            sc = s1_v[sl] + s2_v[sl]
            sc = jnp.where(sc >= 0.0, sc, sc * 0.01)
            scores_v[sl] = sc
            adj = dest_v[sl] - base
            ok = (adj >= 0) & (adj < HALF)
            adj_v[sl] = jnp.where(ok, adj, HALF)

        def gbody(g, _):
            scv = scores_v[pl.ds(g * 16, 16)]
            for e16 in range(16):
                e = g * 16 + e16
                s = scv[e16]
                for j in range(D // 16):
                    sl = pl.ds(j * 16, 16)
                    w = rows_v[e, sl] * s
                    rows_v[e, sl] = w
                    abs_v[e, sl] = jnp.abs(w)
            return 0
        lax.fori_loop(0, KB // 16, gbody, 0)

        pltpu.sync_copy(rows_v, feat_acc.at[adj_v], add=True)
        pltpu.sync_copy(abs_v, att_acc.at[adj_v], add=True)
        return 0

    lax.fori_loop(0, nblk_t, block_body, 0)

    plsc.subcore_barrier()

    @pl.when(sub < NSUB - 1)
    def _():
        w0 = sub * WPT
        pltpu.sync_copy(feat_acc.at[pl.ds(w0, WPT)],
                        feat_out.at[pl.ds(base + w0, WPT)])
        pltpu.sync_copy(att_acc.at[pl.ds(w0, WPT)],
                        att_out.at[pl.ds(base + w0, WPT)])

    @pl.when(sub == NSUB - 1)
    def _():
        w0 = (NSUB - 1) * WPT
        pltpu.sync_copy(feat_acc.at[pl.ds(w0, HALF - w0)],
                        feat_out.at[pl.ds(base + w0, HALF - w0)])
        pltpu.sync_copy(att_acc.at[pl.ds(w0, HALF - w0)],
                        att_out.at[pl.ds(base + w0, HALF - w0)])


def kernel(x, edge_index, W_lin, W_att, b_att):
    a1 = W_att[0, :D]
    a2 = W_att[0, D:]
    wbig = jnp.concatenate(
        [W_lin.T, a1[:, None], a2[:, None],
         jnp.zeros((D, 2 * D - D - 2), jnp.float32)], axis=1)
    bias = jnp.zeros((1, 2 * D), jnp.float32).at[0, D].set(b_att[0])
    Y = _tc_precompute(x, wbig, bias)
    y = Y[:, :D]
    s1 = Y[:, D]
    s2 = Y[:, D + 1]
    src = edge_index[0]
    dest = edge_index[1]
    feat, att = _sc_edges(src, dest, s1, s2, y)
    return feat, att

# --- scband reference (transcript-rebuilt; emitter-appended) ---
"""Pipeline reference for scband-gcnconvolution-9844065042902 (READ-ONLY COPY).

The authoritative reference and input builder live on the scoring server;
editing this copy changes nothing except your own understanding.
"""

import jax, jax.numpy as jnp
import numpy as np

N = 10000
E = 320000
D_IN = 128
D_OUT = 128


def setup_inputs(seed: int = 0) -> dict:
    key = jax.random.key(seed)
    k1, k2, k3, k4, k5 = jax.random.split(key, 5)
    x = jax.random.normal(k1, (N, D_IN), dtype=jnp.float32)
    edge_index = jax.random.randint(k2, (2, E), 0, N, dtype=jnp.int32)
    # Learned params. torch nn.Linear weight layout is [out_features, in_features].
    W_lin = jax.random.normal(k3, (D_OUT, D_IN), dtype=jnp.float32) * (1.0 / np.sqrt(D_IN))
    W_att = jax.random.normal(k4, (1, 2 * D_IN), dtype=jnp.float32) * (1.0 / np.sqrt(2 * D_IN))
    b_att = jax.random.normal(k5, (1,), dtype=jnp.float32) * 0.01
    return {"x": x, "edge_index": edge_index, "W_lin": W_lin, "W_att": W_att, "b_att": b_att}


def reference(x, edge_index, W_lin, W_att, b_att):
    src = edge_index[0]
    dest = edge_index[1]
    h_src = jnp.take(x, src, axis=0)
    h_dest = jnp.take(x, dest, axis=0)
    cat = jnp.concatenate([h_src, h_dest], axis=-1)
    score = jax.nn.leaky_relu(cat @ W_att.T + b_att, negative_slope=0.01)
    weighted = score * (h_src @ W_lin.T)
    nodes = x.shape[0]
    features = jnp.zeros((nodes, D_OUT), dtype=x.dtype).at[dest].add(weighted)
    att_score = jnp.zeros((nodes, D_OUT), dtype=x.dtype).at[dest].add(jnp.abs(weighted))
    return (features, att_score)

if __name__ == "__main__":
    import jax
    _d = setup_inputs()
    print(jax.jit(kernel)(*tuple(_d.values())))

</pallas_src>

<mosaic_0001>
#map = affine_map<(d0, d1) -> (0)>
#map1 = affine_map<(d0, d1) -> (0, 0)>
module attributes {stable_mosaic.version = 14 : i64} {
  func.func @_sc_edges(%arg0: i32, %arg1: i32, %arg2: memref<320000xi32, #tpu.memory_space<hbm>>, %arg3: memref<320000xi32, #tpu.memory_space<hbm>>, %arg4: memref<10000xf32, #tpu.memory_space<hbm>>, %arg5: memref<10000xf32, #tpu.memory_space<hbm>>, %arg6: memref<10000x128xf32, #tpu.memory_space<hbm>>, %arg7: memref<10000x128xf32, #tpu.memory_space<hbm>>, %arg8: memref<10000x128xf32, #tpu.memory_space<hbm>>, %arg9: memref<128xi32, #tpu.memory_space<vmem>>, %arg10: memref<128xi32, #tpu.memory_space<vmem>>, %arg11: memref<128xi32, #tpu.memory_space<vmem>>, %arg12: memref<128xf32, #tpu.memory_space<vmem>>, %arg13: memref<128xf32, #tpu.memory_space<vmem>>, %arg14: memref<128xf32, #tpu.memory_space<vmem>>, %arg15: memref<128x128xf32, #tpu.memory_space<vmem>>, %arg16: memref<128x128xf32, #tpu.memory_space<vmem>>, %arg17: memref<5120x128xf32, #tpu.memory_space<vmem_shared>>, %arg18: memref<5120x128xf32, #tpu.memory_space<vmem_shared>>) attributes {dimension_semantics = [#tpu.dimension_semantics<core_parallel>, #tpu.dimension_semantics<subcore_parallel>], iteration_bounds = array<i64: 2, 16>, scalar_prefetch = 0 : i64, scratch_operands = 10 : i64, tpu.core_type = #tpu.core_type<sc_vector_subcore>, window_params = [{transform_indices = #map}, {transform_indices = #map}, {transform_indices = #map}, {transform_indices = #map}, {transform_indices = #map1}, {transform_indices = #map1}, {transform_indices = #map1}]} {
    %mul3A = arith.constant 5000 : i32
    %mul3A_0 = arith.muli %arg0, %mul3A : i32
    %scan3A = arith.constant 0 : i32
    %scan3A_1 = arith.constant 0 : i32
    %scan3A_2 = arith.constant 128 : i32
    %scan3A_3 = arith.addi %scan3A_1, %scan3A_2 : i32
    %scan3A_4 = arith.constant 1 : i32
    %scan3A_5 = scf.for %scan3A_54 = %scan3A_1 to %scan3A_3 step %scan3A_4 iter_args(%scan3A_55 = %scan3A) -> (i32)  : i32 {
      %broadcast_in_dim3A = arith.constant 0.000000e+00 : f32
      %broadcast_in_dim3A_56 = vector.broadcast %broadcast_in_dim3A : f32 to vector<16xf32>
      %swap3A = arith.index_cast %scan3A_54 : i32 to index
      %swap3A_57 = arith.constant 0 : index
      %swap3A_58 = tpu.vector_load %arg15[%swap3A, %swap3A_57] {strides = array<i32>} : memref<128x128xf32, #tpu.memory_space<vmem>>, vector<16xf32>,
      tpu.vector_store %arg15[%swap3A, %swap3A_57], %broadcast_in_dim3A_56 {strides = array<i32>} : memref<128x128xf32, #tpu.memory_space<vmem>>, vector<16xf32>,
      %swap3A_59 = arith.index_cast %scan3A_54 : i32 to index
      %swap3A_60 = arith.constant 16 : index
      %swap3A_61 = tpu.vector_load %arg15[%swap3A_59, %swap3A_60] {strides = array<i32>} : memref<128x128xf32, #tpu.memory_space<vmem>>, vector<16xf32>,
      tpu.vector_store %arg15[%swap3A_59, %swap3A_60], %broadcast_in_dim3A_56 {strides = array<i32>} : memref<128x128xf32, #tpu.memory_space<vmem>>, vector<16xf32>,
      %swap3A_62 = arith.index_cast %scan3A_54 : i32 to index
      %swap3A_63 = arith.constant 32 : index
      %swap3A_64 = tpu.vector_load %arg15[%swap3A_62, %swap3A_63] {strides = array<i32>} : memref<128x128xf32, #tpu.memory_space<vmem>>, vector<16xf32>,
      tpu.vector_store %arg15[%swap3A_62, %swap3A_63], %broadcast_in_dim3A_56 {strides = array<i32>} : memref<128x128xf32, #tpu.memory_space<vmem>>, vector<16xf32>,
      %swap3A_65 = arith.index_cast %scan3A_54 : i32 to index
      %swap3A_66 = arith.constant 48 : index
      %swap3A_67 = tpu.vector_load %arg15[%swap3A_65, %swap3A_66] {strides = array<i32>} : memref<128x128xf32, #tpu.memory_space<vmem>>, vector<16xf32>,
      tpu.vector_store %arg15[%swap3A_65, %swap3A_66], %broadcast_in_dim3A_56 {strides = array<i32>} : memref<128x128xf32, #tpu.memory_space<vmem>>, vector<16xf32>,
      %swap3A_68 = arith.index_cast %scan3A_54 : i32 to index
      %swap3A_69 = arith.constant 64 : index
      %swap3A_70 = tpu.vector_load %arg15[%swap3A_68, %swap3A_69] {strides = array<i32>} : memref<128x128xf32, #tpu.memory_space<vmem>>, vector<16xf32>,
      tpu.vector_store %arg15[%swap3A_68, %swap3A_69], %broadcast_in_dim3A_56 {strides = array<i32>} : memref<128x128xf32, #tpu.memory_space<vmem>>, vector<16xf32>,
      %swap3A_71 = arith.index_cast %scan3A_54 : i32 to index
      %swap3A_72 = arith.constant 80 : index
      %swap3A_73 = tpu.vector_load %arg15[%swap3A_71, %swap3A_72] {strides = array<i32>} : memref<128x128xf32, #tpu.memory_space<vmem>>, vector<16xf32>,
      tpu.vector_store %arg15[%swap3A_71, %swap3A_72], %broadcast_in_dim3A_56 {strides = array<i32>} : memref<128x128xf32, #tpu.memory_space<vmem>>, vector<16xf32>,
      %swap3A_74 = arith.index_cast %scan3A_54 : i32 to index
      %swap3A_75 = arith.constant 96 : index
      %swap3A_76 = tpu.vector_load %arg15[%swap3A_74, %swap3A_75] {strides = array<i32>} : memref<128x128xf32, #tpu.memory_space<vmem>>, vector<16xf32>,
      tpu.vector_store %arg15[%swap3A_74, %swap3A_75], %broadcast_in_dim3A_56 {strides = array<i32>} : memref<128x128xf32, #tpu.memory_space<vmem>>, vector<16xf32>,
      %swap3A_77 = arith.index_cast %scan3A_54 : i32 to index
      %swap3A_78 = arith.constant 112 : index
      %swap3A_79 = tpu.vector_load %arg15[%swap3A_77, %swap3A_78] {strides = array<i32>} : memref<128x128xf32, #tpu.memory_space<vmem>>, vector<16xf32>,
      tpu.vector_store %arg15[%swap3A_77, %swap3A_78], %broadcast_in_dim3A_56 {strides = array<i32>} : memref<128x128xf32, #tpu.memory_space<vmem>>, vector<16xf32>,
      %scan3A_80 = arith.constant 0 : i32
      scf.yield %scan3A_80 : i32
    }
    %scan3A_6 = arith.constant 128 : i32
    %mul3A_7 = arith.constant 320 : i32
    %mul3A_8 = arith.muli %arg1, %mul3A_7 : i32
    "tpu.region"() ({
      %run_scoped3A = tpu.sem_alloc : memref<!tpu.dma_semaphore, #tpu.memory_space<semaphore_mem>>
      %dma_start3A = arith.constant 0 : i32
      %dma_start3A_54 = tpu.memref_slice %arg17[%mul3A_8, %dma_start3A] : memref<5120x128xf32, #tpu.memory_space<vmem_shared>> -> memref<128x128xf32, #tpu.memory_space<vmem_shared>>
      %dma_start3A_55 = arith.constant 0 : i32
      %dma_start3A_56 = tpu.memref_slice %arg17[%mul3A_8, %dma_start3A_55] : memref<5120x128xf32, #tpu.memory_space<vmem_shared>> -> memref<128x128xf32, #tpu.memory_space<vmem_shared>>
      tpu.enqueue_dma source(%arg15 : memref<128x128xf32, #tpu.memory_space<vmem>>) target(%dma_start3A_56 : memref<128x128xf32, #tpu.memory_space<vmem_shared>>) target_semaphore(%run_scoped3A : memref<!tpu.dma_semaphore, #tpu.memory_space<semaphore_mem>>)
      %dma_wait3A = arith.constant 0 : i32
      %dma_wait3A_57 = tpu.memref_slice %arg17[%mul3A_8, %dma_wait3A] : memref<5120x128xf32, #tpu.memory_space<vmem_shared>> -> memref<128x128xf32, #tpu.memory_space<vmem_shared>>
      %dma_wait3A_58 = arith.constant 0 : i32
      %dma_wait3A_59 = tpu.memref_slice %arg17[%mul3A_8, %dma_wait3A_58] : memref<5120x128xf32, #tpu.memory_space<vmem_shared>> -> memref<128x128xf32, #tpu.memory_space<vmem_shared>>
      tpu.wait_dma2 semaphore(%run_scoped3A : memref<!tpu.dma_semaphore, #tpu.memory_space<semaphore_mem>>) src(%arg15 : memref<128x128xf32, #tpu.memory_space<vmem>>) dst(%dma_wait3A_59 : memref<128x128xf32, #tpu.memory_space<vmem_shared>>)
      tpu.yield
    }) : () -> ()
    %add3A = arith.constant 128 : i32
    %add3A_9 = arith.addi %mul3A_8, %add3A : i32
    "tpu.region"() ({
      %run_scoped3A = tpu.sem_alloc : memref<!tpu.dma_semaphore, #tpu.memory_space<semaphore_mem>>
      %dma_start3A = arith.constant 0 : i32
      %dma_start3A_54 = tpu.memref_slice %arg17[%add3A_9, %dma_start3A] : memref<5120x128xf32, #tpu.memory_space<vmem_shared>> -> memref<128x128xf32, #tpu.memory_space<vmem_shared>>
      %dma_start3A_55 = arith.constant 0 : i32
      %dma_start3A_56 = tpu.memref_slice %arg17[%add3A_9, %dma_start3A_55] : memref<5120x128xf32, #tpu.memory_space<vmem_shared>> -> memref<128x128xf32, #tpu.memory_space<vmem_shared>>
      tpu.enqueue_dma source(%arg15 : memref<128x128xf32, #tpu.memory_space<vmem>>) target(%dma_start3A_56 : memref<128x128xf32, #tpu.memory_space<vmem_shared>>) target_semaphore(%run_scoped3A : memref<!tpu.dma_semaphore, #tpu.memory_space<semaphore_mem>>)
      %dma_wait3A = arith.constant 0 : i32
      %dma_wait3A_57 = tpu.memref_slice %arg17[%add3A_9, %dma_wait3A] : memref<5120x128xf32, #tpu.memory_space<vmem_shared>> -> memref<128x128xf32, #tpu.memory_space<vmem_shared>>
      %dma_wait3A_58 = arith.constant 0 : i32
      %dma_wait3A_59 = tpu.memref_slice %arg17[%add3A_9, %dma_wait3A_58] : memref<5120x128xf32, #tpu.memory_space<vmem_shared>> -> memref<128x128xf32, #tpu.memory_space<vmem_shared>>
      tpu.wait_dma2 semaphore(%run_scoped3A : memref<!tpu.dma_semaphore, #tpu.memory_space<semaphore_mem>>) src(%arg15 : memref<128x128xf32, #tpu.memory_space<vmem>>) dst(%dma_wait3A_59 : memref<128x128xf32, #tpu.memory_space<vmem_shared>>)
      tpu.yield
    }) : () -> ()
    %add3A_10 = arith.constant 256 : i32
    %add3A_11 = arith.addi %mul3A_8, %add3A_10 : i32
    "tpu.region"() ({
      %run_scoped3A = tpu.sem_alloc : memref<!tpu.dma_semaphore, #tpu.memory_space<semaphore_mem>>
      %dma_start3A = arith.constant 0 : i32
      %dma_start3A_54 = arith.constant 0 : i32
      %dma_start3A_55 = tpu.memref_slice %arg15[%dma_start3A, %dma_start3A_54] : memref<128x128xf32, #tpu.memory_space<vmem>> -> memref<64x128xf32, #tpu.memory_space<vmem>>
      %dma_start3A_56 = arith.constant 0 : i32
      %dma_start3A_57 = tpu.memref_slice %arg17[%add3A_11, %dma_start3A_56] : memref<5120x128xf32, #tpu.memory_space<vmem_shared>> -> memref<64x128xf32, #tpu.memory_space<vmem_shared>>
      %dma_start3A_58 = arith.constant 0 : i32
      %dma_start3A_59 = tpu.memref_slice %arg17[%add3A_11, %dma_start3A_58] : memref<5120x128xf32, #tpu.memory_space<vmem_shared>> -> memref<64x128xf32, #tpu.memory_space<vmem_shared>>
      %dma_start3A_60 = arith.constant 0 : i32
      %dma_start3A_61 = arith.constant 0 : i32
      %dma_start3A_62 = tpu.memref_slice %arg15[%dma_start3A_60, %dma_start3A_61] : memref<128x128xf32, #tpu.memory_space<vmem>> -> memref<64x128xf32, #tpu.memory_space<vmem>>
      tpu.enqueue_dma source(%dma_start3A_62 : memref<64x128xf32, #tpu.memory_space<vmem>>) target(%dma_start3A_59 : memref<64x128xf32, #tpu.memory_space<vmem_shared>>) target_semaphore(%run_scoped3A : memref<!tpu.dma_semaphore, #tpu.memory_space<semaphore_mem>>)
      %dma_wait3A = arith.constant 0 : i32
      %dma_wait3A_63 = arith.constant 0 : i32
      %dma_wait3A_64 = tpu.memref_slice %arg15[%dma_wait3A, %dma_wait3A_63] : memref<128x128xf32, #tpu.memory_space<vmem>> -> memref<64x128xf32, #tpu.memory_space<vmem>>
      %dma_wait3A_65 = arith.constant 0 : i32
      %dma_wait3A_66 = tpu.memref_slice %arg17[%add3A_11, %dma_wait3A_65] : memref<5120x128xf32, #tpu.memory_space<vmem_shared>> -> memref<64x128xf32, #tpu.memory_space<vmem_shared>>
      %dma_wait3A_67 = arith.constant 0 : i32
      %dma_wait3A_68 = tpu.memref_slice %arg17[%add3A_11, %dma_wait3A_67] : memref<5120x128xf32, #tpu.memory_space<vmem_shared>> -> memref<64x128xf32, #tpu.memory_space<vmem_shared>>
      %dma_wait3A_69 = arith.constant 0 : i32
      %dma_wait3A_70 = arith.constant 0 : i32
      %dma_wait3A_71 = tpu.memref_slice %arg15[%dma_wait3A_69, %dma_wait3A_70] : memref<128x128xf32, #tpu.memory_space<vmem>> -> memref<64x128xf32, #tpu.memory_space<vmem>>
      tpu.wait_dma2 semaphore(%run_scoped3A : memref<!tpu.dma_semaphore, #tpu.memory_space<semaphore_mem>>) src(%dma_wait3A_71 : memref<64x128xf32, #tpu.memory_space<vmem>>) dst(%dma_wait3A_68 : memref<64x128xf32, #tpu.memory_space<vmem_shared>>)
      tpu.yield
    }) : () -> ()
    "tpu.region"() ({
      %run_scoped3A = tpu.sem_alloc : memref<!tpu.dma_semaphore, #tpu.memory_space<semaphore_mem>>
      %dma_start3A = arith.constant 0 : i32
      %dma_start3A_54 = tpu.memref_slice %arg18[%mul3A_8, %dma_start3A] : memref<5120x128xf32, #tpu.memory_space<vmem_shared>> -> memref<128x128xf32, #tpu.memory_space<vmem_shared>>
      %dma_start3A_55 = arith.constant 0 : i32
      %dma_start3A_56 = tpu.memref_slice %arg18[%mul3A_8, %dma_start3A_55] : memref<5120x128xf32, #tpu.memory_space<vmem_shared>> -> memref<128x128xf32, #tpu.memory_space<vmem_shared>>
      tpu.enqueue_dma source(%arg15 : memref<128x128xf32, #tpu.memory_space<vmem>>) target(%dma_start3A_56 : memref<128x128xf32, #tpu.memory_space<vmem_shared>>) target_semaphore(%run_scoped3A : memref<!tpu.dma_semaphore, #tpu.memory_space<semaphore_mem>>)
      %dma_wait3A = arith.constant 0 : i32
      %dma_wait3A_57 = tpu.memref_slice %arg18[%mul3A_8, %dma_wait3A] : memref<5120x128xf32, #tpu.memory_space<vmem_shared>> -> memref<128x128xf32, #tpu.memory_space<vmem_shared>>
      %dma_wait3A_58 = arith.constant 0 : i32
      %dma_wait3A_59 = tpu.memref_slice %arg18[%mul3A_8, %dma_wait3A_58] : memref<5120x128xf32, #tpu.memory_space<vmem_shared>> -> memref<128x128xf32, #tpu.memory_space<vmem_shared>>
      tpu.wait_dma2 semaphore(%run_scoped3A : memref<!tpu.dma_semaphore, #tpu.memory_space<semaphore_mem>>) src(%arg15 : memref<128x128xf32, #tpu.memory_space<vmem>>) dst(%dma_wait3A_59 : memref<128x128xf32, #tpu.memory_space<vmem_shared>>)
      tpu.yield
    }) : () -> ()
    %add3A_12 = arith.constant 128 : i32
    %add3A_13 = arith.addi %mul3A_8, %add3A_12 : i32
    "tpu.region"() ({
      %run_scoped3A = tpu.sem_alloc : memref<!tpu.dma_semaphore, #tpu.memory_space<semaphore_mem>>
      %dma_start3A = arith.constant 0 : i32
      %dma_start3A_54 = tpu.memref_slice %arg18[%add3A_13, %dma_start3A] : memref<5120x128xf32, #tpu.memory_space<vmem_shared>> -> memref<128x128xf32, #tpu.memory_space<vmem_shared>>
      %dma_start3A_55 = arith.constant 0 : i32
      %dma_start3A_56 = tpu.memref_slice %arg18[%add3A_13, %dma_start3A_55] : memref<5120x128xf32, #tpu.memory_space<vmem_shared>> -> memref<128x128xf32, #tpu.memory_space<vmem_shared>>
      tpu.enqueue_dma source(%arg15 : memref<128x128xf32, #tpu.memory_space<vmem>>) target(%dma_start3A_56 : memref<128x128xf32, #tpu.memory_space<vmem_shared>>) target_semaphore(%run_scoped3A : memref<!tpu.dma_semaphore, #tpu.memory_space<semaphore_mem>>)
      %dma_wait3A = arith.constant 0 : i32
      %dma_wait3A_57 = tpu.memref_slice %arg18[%add3A_13, %dma_wait3A] : memref<5120x128xf32, #tpu.memory_space<vmem_shared>> -> memref<128x128xf32, #tpu.memory_space<vmem_shared>>
      %dma_wait3A_58 = arith.constant 0 : i32
      %dma_wait3A_59 = tpu.memref_slice %arg18[%add3A_13, %dma_wait3A_58] : memref<5120x128xf32, #tpu.memory_space<vmem_shared>> -> memref<128x128xf32, #tpu.memory_space<vmem_shared>>
      tpu.wait_dma2 semaphore(%run_scoped3A : memref<!tpu.dma_semaphore, #tpu.memory_space<semaphore_mem>>) src(%arg15 : memref<128x128xf32, #tpu.memory_space<vmem>>) dst(%dma_wait3A_59 : memref<128x128xf32, #tpu.memory_space<vmem_shared>>)
      tpu.yield
    }) : () -> ()
    %add3A_14 = arith.constant 256 : i32
    %add3A_15 = arith.addi %mul3A_8, %add3A_14 : i32
    "tpu.region"() ({
      %run_scoped3A = tpu.sem_alloc : memref<!tpu.dma_semaphore, #tpu.memory_space<semaphore_mem>>
      %dma_start3A = arith.constant 0 : i32
      %dma_start3A_54 = arith.constant 0 : i32
      %dma_start3A_55 = tpu.memref_slice %arg15[%dma_start3A, %dma_start3A_54] : memref<128x128xf32, #tpu.memory_space<vmem>> -> memref<64x128xf32, #tpu.memory_space<vmem>>
      %dma_start3A_56 = arith.constant 0 : i32
      %dma_start3A_57 = tpu.memref_slice %arg18[%add3A_15, %dma_start3A_56] : memref<5120x128xf32, #tpu.memory_space<vmem_shared>> -> memref<64x128xf32, #tpu.memory_space<vmem_shared>>
      %dma_start3A_58 = arith.constant 0 : i32
      %dma_start3A_59 = tpu.memref_slice %arg18[%add3A_15, %dma_start3A_58] : memref<5120x128xf32, #tpu.memory_space<vmem_shared>> -> memref<64x128xf32, #tpu.memory_space<vmem_shared>>
      %dma_start3A_60 = arith.constant 0 : i32
      %dma_start3A_61 = arith.constant 0 : i32
      %dma_start3A_62 = tpu.memref_slice %arg15[%dma_start3A_60, %dma_start3A_61] : memref<128x128xf32, #tpu.memory_space<vmem>> -> memref<64x128xf32, #tpu.memory_space<vmem>>
      tpu.enqueue_dma source(%dma_start3A_62 : memref<64x128xf32, #tpu.memory_space<vmem>>) target(%dma_start3A_59 : memref<64x128xf32, #tpu.memory_space<vmem_shared>>) target_semaphore(%run_scoped3A : memref<!tpu.dma_semaphore, #tpu.memory_space<semaphore_mem>>)
      %dma_wait3A = arith.constant 0 : i32
      %dma_wait3A_63 = arith.constant 0 : i32
      %dma_wait3A_64 = tpu.memref_slice %arg15[%dma_wait3A, %dma_wait3A_63] : memref<128x128xf32, #tpu.memory_space<vmem>> -> memref<64x128xf32, #tpu.memory_space<vmem>>
      %dma_wait3A_65 = arith.constant 0 : i32
      %dma_wait3A_66 = tpu.memref_slice %arg18[%add3A_15, %dma_wait3A_65] : memref<5120x128xf32, #tpu.memory_space<vmem_shared>> -> memref<64x128xf32, #tpu.memory_space<vmem_shared>>
      %dma_wait3A_67 = arith.constant 0 : i32
      %dma_wait3A_68 = tpu.memref_slice %arg18[%add3A_15, %dma_wait3A_67] : memref<5120x128xf32, #tpu.memory_space<vmem_shared>> -> memref<64x128xf32, #tpu.memory_space<vmem_shared>>
      %dma_wait3A_69 = arith.constant 0 : i32
      %dma_wait3A_70 = arith.constant 0 : i32
      %dma_wait3A_71 = tpu.memref_slice %arg15[%dma_wait3A_69, %dma_wait3A_70] : memref<128x128xf32, #tpu.memory_space<vmem>> -> memref<64x128xf32, #tpu.memory_space<vmem>>
      tpu.wait_dma2 semaphore(%run_scoped3A : memref<!tpu.dma_semaphore, #tpu.memory_space<semaphore_mem>>) src(%dma_wait3A_71 : memref<64x128xf32, #tpu.memory_space<vmem>>) dst(%dma_wait3A_68 : memref<64x128xf32, #tpu.memory_space<vmem_shared>>)
      tpu.yield
    }) : () -> ()
    %barrier3A = arith.constant 0 : index
    tpu.barrier barrier_id(%barrier3A)
    %sub3A = arith.constant 2499 : i32
    %sub3A_16 = arith.subi %sub3A, %arg1 : i32
    %jit3A = arith.constant 16 : i32
    %div3A = arith.divsi %sub3A_16, %jit3A : i32
    %sign3A = arith.constant 0 : i32
    %sign3A_17 = arith.cmpi sgt, %sub3A_16, %sign3A : i32
    %sign3A_18 = arith.extui %sign3A_17 : i1 to i32
    %sign3A_19 = arith.constant 0 : i32
    %sign3A_20 = arith.cmpi slt, %sub3A_16, %sign3A_19 : i32
    %sign3A_21 = arith.extui %sign3A_20 : i1 to i32
    %sign3A_22 = arith.subi %sign3A_18, %sign3A_21 : i32
    %sign3A_23 = arith.constant 0 : i32
    %sign3A_24 = arith.cmpi sgt, %jit3A, %sign3A_23 : i32
    %sign3A_25 = arith.extui %sign3A_24 : i1 to i32
    %sign3A_26 = arith.constant 0 : i32
    %sign3A_27 = arith.cmpi slt, %jit3A, %sign3A_26 : i32
    %sign3A_28 = arith.extui %sign3A_27 : i1 to i32
    %sign3A_29 = arith.subi %sign3A_25, %sign3A_28 : i32
    %ne3A = arith.cmpi ne, %sign3A_22, %sign3A_29 : i32
    %rem3A = arith.remsi %sub3A_16, %jit3A : i32
    %ne3A_30 = arith.constant 0 : i32
    %ne3A_31 = arith.cmpi ne, %rem3A, %ne3A_30 : i32
    %and3A = arith.andi %ne3A, %ne3A_31 : i1
    %sub3A_32 = arith.constant 1 : i32
    %sub3A_33 = arith.subi %div3A, %sub3A_32 : i32
    %select_n3A = arith.select %and3A, %sub3A_33, %div3A : i32
    %add3A_34 = arith.constant 1 : i32
    %add3A_35 = arith.addi %select_n3A, %add3A_34 : i32
    %while3A = arith.constant 0 : i32
    %while3A_36 = arith.constant 0 : i32
    %while3A_37 = arith.subi %add3A_35, %while3A : i32
    %while3A_38 = arith.addi %while3A, %while3A_37 : i32
    %while3A_39 = arith.constant 1 : i32
    %while3A_40 = arith.divsi %while3A_37, %while3A_39 : i32
    %while3A_41 = arith.muli %while3A_40, %while3A_39 : i32
    %while3A_42 = arith.addi %while3A, %while3A_41 : i32
    %while3A_43 = arith.constant 1 : i32
    %while3A_44 = scf.for %while3A_54 = %while3A to %while3A_42 step %while3A_43 iter_args(%while3A_55 = %while3A_36) -> (i32)  : i32 {
      %mul3A_56 = arith.constant 16 : i32
      %mul3A_57 = arith.muli %while3A_54, %mul3A_56 : i32
      %add3A_58 = arith.addi %arg1, %mul3A_57 : i32
      %mul3A_59 = arith.constant 128 : i32
      %mul3A_60 = arith.muli %add3A_58, %mul3A_59 : i32
      "tpu.region"() ({
        %run_scoped3A = tpu.sem_alloc : memref<!tpu.dma_semaphore, #tpu.memory_space<semaphore_mem>>
        %dma_start3A = tpu.memref_slice %arg2[%mul3A_60] : memref<320000xi32, #tpu.memory_space<hbm>> -> memref<128xi32, #tpu.memory_space<hbm>>
        %dma_start3A_305 = tpu.memref_slice %arg2[%mul3A_60] : memref<320000xi32, #tpu.memory_space<hbm>> -> memref<128xi32, #tpu.memory_space<hbm>>
        tpu.enqueue_dma source(%dma_start3A_305 : memref<128xi32, #tpu.memory_space<hbm>>) target(%arg9 : memref<128xi32, #tpu.memory_space<vmem>>) target_semaphore(%run_scoped3A : memref<!tpu.dma_semaphore, #tpu.memory_space<semaphore_mem>>)
        %dma_wait3A = tpu.memref_slice %arg2[%mul3A_60] : memref<320000xi32, #tpu.memory_space<hbm>> -> memref<128xi32, #tpu.memory_space<hbm>>
        %dma_wait3A_306 = tpu.memref_slice %arg2[%mul3A_60] : memref<320000xi32, #tpu.memory_space<hbm>> -> memref<128xi32, #tpu.memory_space<hbm>>
        tpu.wait_dma2 semaphore(%run_scoped3A : memref<!tpu.dma_semaphore, #tpu.memory_space<semaphore_mem>>) src(%dma_wait3A_306 : memref<128xi32, #tpu.memory_space<hbm>>) dst(%arg9 : memref<128xi32, #tpu.memory_space<vmem>>)
        tpu.yield
      }) : () -> ()
      "tpu.region"() ({
        %run_scoped3A = tpu.sem_alloc : memref<!tpu.dma_semaphore, #tpu.memory_space<semaphore_mem>>
        %dma_start3A = tpu.memref_slice %arg3[%mul3A_60] : memref<320000xi32, #tpu.memory_space<hbm>> -> memref<128xi32, #tpu.memory_space<hbm>>
        %dma_start3A_305 = tpu.memref_slice %arg3[%mul3A_60] : memref<320000xi32, #tpu.memory_space<hbm>> -> memref<128xi32, #tpu.memory_space<hbm>>
        tpu.enqueue_dma source(%dma_start3A_305 : memref<128xi32, #tpu.memory_space<hbm>>) target(%arg10 : memref<128xi32, #tpu.memory_space<vmem>>) target_semaphore(%run_scoped3A : memref<!tpu.dma_semaphore, #tpu.memory_space<semaphore_mem>>)
        %dma_wait3A = tpu.memref_slice %arg3[%mul3A_60] : memref<320000xi32, #tpu.memory_space<hbm>> -> memref<128xi32, #tpu.memory_space<hbm>>
        %dma_wait3A_306 = tpu.memref_slice %arg3[%mul3A_60] : memref<320000xi32, #tpu.memory_space<hbm>> -> memref<128xi32, #tpu.memory_space<hbm>>
        tpu.wait_dma2 semaphore(%run_scoped3A : memref<!tpu.dma_semaphore, #tpu.memory_space<semaphore_mem>>) src(%dma_wait3A_306 : memref<128xi32, #tpu.memory_space<hbm>>) dst(%arg10 : memref<128xi32, #tpu.memory_space<vmem>>)
        tpu.yield
      }) : () -> ()
      "tpu.region"() ({
        %run_scoped3A = tpu.sem_alloc : memref<!tpu.dma_semaphore, #tpu.memory_space<semaphore_mem>>
        %dma_start3A = arith.constant 0 : i32
        %dma_start3A_305 = arith.constant 0 : i32
        %dma_start3A_306 = tpu.memref_slice %arg6[%dma_start3A, %dma_start3A_305] : memref<10000x128xf32, #tpu.memory_space<hbm>> -> memref<10000x128xf32, #tpu.memory_space<hbm>>
        tpu.enqueue_indirect_dma source(%dma_start3A_306 : memref<10000x128xf32, #tpu.memory_space<hbm>>) target(%arg15 : memref<128x128xf32, #tpu.memory_space<vmem>>) offsets(%arg9 : memref<128xi32, #tpu.memory_space<vmem>>) semaphore(%run_scoped3A : memref<!tpu.dma_semaphore, #tpu.memory_space<semaphore_mem>>)
        %dma_wait3A = arith.constant 0 : i32
        %dma_wait3A_307 = arith.constant 0 : i32
        %dma_wait3A_308 = tpu.memref_slice %arg6[%dma_wait3A, %dma_wait3A_307] : memref<10000x128xf32, #tpu.memory_space<hbm>> -> memref<10000x128xf32, #tpu.memory_space<hbm>>
        tpu.wait_indirect_dma semaphore(%run_scoped3A : memref<!tpu.dma_semaphore, #tpu.memory_space<semaphore_mem>>) src(%dma_wait3A_308 : memref<10000x128xf32, #tpu.memory_space<hbm>>) dst(%arg15 : memref<128x128xf32, #tpu.memory_space<vmem>>)
        tpu.yield
      }) : () -> ()
      "tpu.region"() ({
        %run_scoped3A = tpu.sem_alloc : memref<!tpu.dma_semaphore, #tpu.memory_space<semaphore_mem>>
        %dma_start3A = arith.constant 0 : i32
        %dma_start3A_305 = tpu.memref_slice %arg4[%dma_start3A] : memref<10000xf32, #tpu.memory_space<hbm>> -> memref<10000xf32, #tpu.memory_space<hbm>>
        tpu.enqueue_indirect_dma source(%dma_start3A_305 : memref<10000xf32, #tpu.memory_space<hbm>>) target(%arg12 : memref<128xf32, #tpu.memory_space<vmem>>) offsets(%arg9 : memref<128xi32, #tpu.memory_space<vmem>>) semaphore(%run_scoped3A : memref<!tpu.dma_semaphore, #tpu.memory_space<semaphore_mem>>)
        %dma_wait3A = arith.constant 0 : i32
        %dma_wait3A_306 = tpu.memref_slice %arg4[%dma_wait3A] : memref<10000xf32, #tpu.memory_space<hbm>> -> memref<10000xf32, #tpu.memory_space<hbm>>
        tpu.wait_indirect_dma semaphore(%run_scoped3A : memref<!tpu.dma_semaphore, #tpu.memory_space<semaphore_mem>>) src(%dma_wait3A_306 : memref<10000xf32, #tpu.memory_space<hbm>>) dst(%arg12 : memref<128xf32, #tpu.memory_space<vmem>>)
        tpu.yield
      }) : () -> ()
      "tpu.region"() ({
        %run_scoped3A = tpu.sem_alloc : memref<!tpu.dma_semaphore, #tpu.memory_space<semaphore_mem>>
        %dma_start3A = arith.constant 0 : i32
        %dma_start3A_305 = tpu.memref_slice %arg5[%dma_start3A] : memref<10000xf32, #tpu.memory_space<hbm>> -> memref<10000xf32, #tpu.memory_space<hbm>>
        tpu.enqueue_indirect_dma source(%dma_start3A_305 : memref<10000xf32, #tpu.memory_space<hbm>>) target(%arg13 : memref<128xf32, #tpu.memory_space<vmem>>) offsets(%arg10 : memref<128xi32, #tpu.memory_space<vmem>>) semaphore(%run_scoped3A : memref<!tpu.dma_semaphore, #tpu.memory_space<semaphore_mem>>)
        %dma_wait3A = arith.constant 0 : i32
        %dma_wait3A_306 = tpu.memref_slice %arg5[%dma_wait3A] : memref<10000xf32, #tpu.memory_space<hbm>> -> memref<10000xf32, #tpu.memory_space<hbm>>
        tpu.wait_indirect_dma semaphore(%run_scoped3A : memref<!tpu.dma_semaphore, #tpu.memory_space<semaphore_mem>>) src(%dma_wait3A_306 : memref<10000xf32, #tpu.memory_space<hbm>>) dst(%arg13 : memref<128xf32, #tpu.memory_space<vmem>>)
        tpu.yield
      }) : () -> ()
      %get3A = arith.constant 0 : index
      %get3A_61 = tpu.vector_load %arg12[%get3A] {strides = array<i32>} : memref<128xf32, #tpu.memory_space<vmem>>, vector<16xf32>,
      %get3A_62 = arith.constant 0 : index
      %get3A_63 = tpu.vector_load %arg13[%get3A_62] {strides = array<i32>} : memref<128xf32, #tpu.memory_space<vmem>>, vector<16xf32>,
      %add3A_64 = arith.addf %get3A_61, %get3A_63 : vector<16xf32>
      %ge3A = arith.constant 0.000000e+00 : f32
      %ge3A_65 = vector.broadcast %ge3A : f32 to vector<16xf32>
      %ge3A_66 = arith.cmpf oge, %add3A_64, %ge3A_65 : vector<16xf32>
      %mul3A_67 = arith.constant 0.00999999977 : f32
      %mul3A_68 = vector.broadcast %mul3A_67 : f32 to vector<16xf32>
      %mul3A_69 = arith.mulf %add3A_64, %mul3A_68 : vector<16xf32>
      %select_n3A_70 = arith.select %ge3A_66, %add3A_64, %mul3A_69 : vector<16xi1>, vector<16xf32>
      %swap3A = arith.constant 0 : index
      %swap3A_71 = tpu.vector_load %arg14[%swap3A] {strides = array<i32>} : memref<128xf32, #tpu.memory_space<vmem>>, vector<16xf32>,
      tpu.vector_store %arg14[%swap3A], %select_n3A_70 {strides = array<i32>} : memref<128xf32, #tpu.memory_space<vmem>>, vector<16xf32>,
      %get3A_72 = arith.constant 0 : index
      %get3A_73 = tpu.vector_load %arg10[%get3A_72] {strides = array<i32>} : memref<128xi32, #tpu.memory_space<vmem>>, vector<16xi32>,
      %sub3A_74 = vector.broadcast %mul3A_0 : i32 to vector<16xi32>
      %sub3A_75 = arith.subi %get3A_73, %sub3A_74 : vector<16xi32>
      %ge3A_76 = arith.constant 0 : i32
      %ge3A_77 = vector.broadcast %ge3A_76 : i32 to vector<16xi32>
      %ge3A_78 = arith.cmpi sge, %sub3A_75, %ge3A_77 : vector<16xi32>
      %lt3A_79 = arith.constant 5000 : i32
      %lt3A_80 = vector.broadcast %lt3A_79 : i32 to vector<16xi32>
      %lt3A_81 = arith.cmpi slt, %sub3A_75, %lt3A_80 : vector<16xi32>
      %and3A_82 = arith.andi %ge3A_78, %lt3A_81 : vector<16xi1>
      %jit3A_83 = arith.constant 5000 : i32
      %broadcast_in_dim3A = vector.broadcast %jit3A_83 : i32 to vector<16xi32>
      %select_n3A_84 = arith.select %and3A_82, %sub3A_75, %broadcast_in_dim3A : vector<16xi1>, vector<16xi32>
      %swap3A_85 = arith.constant 0 : index
      %swap3A_86 = tpu.vector_load %arg11[%swap3A_85] {strides = array<i32>} : memref<128xi32, #tpu.memory_space<vmem>>, vector<16xi32>,
      tpu.vector_store %arg11[%swap3A_85], %select_n3A_84 {strides = array<i32>} : memref<128xi32, #tpu.memory_space<vmem>>, vector<16xi32>,
      %get3A_87 = arith.constant 16 : index
      %get3A_88 = tpu.vector_load %arg12[%get3A_87] {strides = array<i32>} : memref<128xf32, #tpu.memory_space<vmem>>, vector<16xf32>,
      %get3A_89 = arith.constant 16 : index
      %get3A_90 = tpu.vector_load %arg13[%get3A_89] {strides = array<i32>} : memref<128xf32, #tpu.memory_space<vmem>>, vector<16xf32>,
      %add3A_91 = arith.addf %get3A_88, %get3A_90 : vector<16xf32>
      %ge3A_92 = arith.constant 0.000000e+00 : f32
      %ge3A_93 = vector.broadcast %ge3A_92 : f32 to vector<16xf32>
      %ge3A_94 = arith.cmpf oge, %add3A_91, %ge3A_93 : vector<16xf32>
      %mul3A_95 = arith.constant 0.00999999977 : f32
      %mul3A_96 = vector.broadcast %mul3A_95 : f32 to vector<16xf32>
      %mul3A_97 = arith.mulf %add3A_91, %mul3A_96 : vector<16xf32>
      %select_n3A_98 = arith.select %ge3A_94, %add3A_91, %mul3A_97 : vector<16xi1>, vector<16xf32>
      %swap3A_99 = arith.constant 16 : index
      %swap3A_100 = tpu.vector_load %arg14[%swap3A_99] {strides = array<i32>} : memref<128xf32, #tpu.memory_space<vmem>>, vector<16xf32>,
      tpu.vector_store %arg14[%swap3A_99], %select_n3A_98 {strides = array<i32>} : memref<128xf32, #tpu.memory_space<vmem>>, vector<16xf32>,
      %get3A_101 = arith.constant 16 : index
      %get3A_102 = tpu.vector_load %arg10[%get3A_101] {strides = array<i32>} : memref<128xi32, #tpu.memory_space<vmem>>, vector<16xi32>,
      %sub3A_103 = vector.broadcast %mul3A_0 : i32 to vector<16xi32>
      %sub3A_104 = arith.subi %get3A_102, %sub3A_103 : vector<16xi32>
      %ge3A_105 = arith.constant 0 : i32
      %ge3A_106 = vector.broadcast %ge3A_105 : i32 to vector<16xi32>
      %ge3A_107 = arith.cmpi sge, %sub3A_104, %ge3A_106 : vector<16xi32>
      %lt3A_108 = arith.constant 5000 : i32
      %lt3A_109 = vector.broadcast %lt3A_108 : i32 to vector<16xi32>
      %lt3A_110 = arith.cmpi slt, %sub3A_104, %lt3A_109 : vector<16xi32>
      %and3A_111 = arith.andi %ge3A_107, %lt3A_110 : vector<16xi1>
      %jit3A_112 = arith.constant 5000 : i32
      %broadcast_in_dim3A_113 = vector.broadcast %jit3A_112 : i32 to vector<16xi32>
      %select_n3A_114 = arith.select %and3A_111, %sub3A_104, %broadcast_in_dim3A_113 : vector<16xi1>, vector<16xi32>
      %swap3A_115 = arith.constant 16 : index
      %swap3A_116 = tpu.vector_load %arg11[%swap3A_115] {strides = array<i32>} : memref<128xi32, #tpu.memory_space<vmem>>, vector<16xi32>,
      tpu.vector_store %arg11[%swap3A_115], %select_n3A_114 {strides = array<i32>} : memref<128xi32, #tpu.memory_space<vmem>>, vector<16xi32>,
      %get3A_117 = arith.constant 32 : index
      %get3A_118 = tpu.vector_load %arg12[%get3A_117] {strides = array<i32>} : memref<128xf32, #tpu.memory_space<vmem>>, vector<16xf32>,
      %get3A_119 = arith.constant 32 : index
      %get3A_120 = tpu.vector_load %arg13[%get3A_119] {strides = array<i32>} : memref<128xf32, #tpu.memory_space<vmem>>, vector<16xf32>,
      %add3A_121 = arith.addf %get3A_118, %get3A_120 : vector<16xf32>
      %ge3A_122 = arith.constant 0.000000e+00 : f32
      %ge3A_123 = vector.broadcast %ge3A_122 : f32 to vector<16xf32>
      %ge3A_124 = arith.cmpf oge, %add3A_121, %ge3A_123 : vector<16xf32>
      %mul3A_125 = arith.constant 0.00999999977 : f32
      %mul3A_126 = vector.broadcast %mul3A_125 : f32 to vector<16xf32>
      %mul3A_127 = arith.mulf %add3A_121, %mul3A_126 : vector<16xf32>
      %select_n3A_128 = arith.select %ge3A_124, %add3A_121, %mul3A_127 : vector<16xi1>, vector<16xf32>
      %swap3A_129 = arith.constant 32 : index
      %swap3A_130 = tpu.vector_load %arg14[%swap3A_129] {strides = array<i32>} : memref<128xf32, #tpu.memory_space<vmem>>, vector<16xf32>,
      tpu.vector_store %arg14[%swap3A_129], %select_n3A_128 {strides = array<i32>} : memref<128xf32, #tpu.memory_space<vmem>>, vector<16xf32>,
      %get3A_131 = arith.constant 32 : index
      %get3A_132 = tpu.vector_load %arg10[%get3A_131] {strides = array<i32>} : memref<128xi32, #tpu.memory_space<vmem>>, vector<16xi32>,
      %sub3A_133 = vector.broadcast %mul3A_0 : i32 to vector<16xi32>
      %sub3A_134 = arith.subi %get3A_132, %sub3A_133 : vector<16xi32>
      %ge3A_135 = arith.constant 0 : i32
      %ge3A_136 = vector.broadcast %ge3A_135 : i32 to vector<16xi32>
      %ge3A_137 = arith.cmpi sge, %sub3A_134, %ge3A_136 : vector<16xi32>
      %lt3A_138 = arith.constant 5000 : i32
      %lt3A_139 = vector.broadcast %lt3A_138 : i32 to vector<16xi32>
      %lt3A_140 = arith.cmpi slt, %sub3A_134, %lt3A_139 : vector<16xi32>
      %and3A_141 = arith.andi %ge3A_137, %lt3A_140 : vector<16xi1>
      %jit3A_142 = arith.constant 5000 : i32
      %broadcast_in_dim3A_143 = vector.broadcast %jit3A_142 : i32 to vector<16xi32>
      %select_n3A_144 = arith.select %and3A_141, %sub3A_134, %broadcast_in_dim3A_143 : vector<16xi1>, vector<16xi32>
      %swap3A_145 = arith.constant 32 : index
      %swap3A_146 = tpu.vector_load %arg11[%swap3A_145] {strides = array<i32>} : memref<128xi32, #tpu.memory_space<vmem>>, vector<16xi32>,
      tpu.vector_store %arg11[%swap3A_145], %select_n3A_144 {strides = array<i32>} : memref<128xi32, #tpu.memory_space<vmem>>, vector<16xi32>,
      %get3A_147 = arith.constant 48 : index
      %get3A_148 = tpu.vector_load %arg12[%get3A_147] {strides = array<i32>} : memref<128xf32, #tpu.memory_space<vmem>>, vector<16xf32>,
      %get3A_149 = arith.constant 48 : index
      %get3A_150 = tpu.vector_load %arg13[%get3A_149] {strides = array<i32>} : memref<128xf32, #tpu.memory_space<vmem>>, vector<16xf32>,
      %add3A_151 = arith.addf %get3A_148, %get3A_150 : vector<16xf32>
      %ge3A_152 = arith.constant 0.000000e+00 : f32
      %ge3A_153 = vector.broadcast %ge3A_152 : f32 to vector<16xf32>
      %ge3A_154 = arith.cmpf oge, %add3A_151, %ge3A_153 : vector<16xf32>
      %mul3A_155 = arith.constant 0.00999999977 : f32
      %mul3A_156 = vector.broadcast %mul3A_155 : f32 to vector<16xf32>
      %mul3A_157 = arith.mulf %add3A_151, %mul3A_156 : vector<16xf32>
      %select_n3A_158 = arith.select %ge3A_154, %add3A_151, %mul3A_157 : vector<16xi1>, vector<16xf32>
      %swap3A_159 = arith.constant 48 : index
      %swap3A_160 = tpu.vector_load %arg14[%swap3A_159] {strides = array<i32>} : memref<128xf32, #tpu.memory_space<vmem>>, vector<16xf32>,
      tpu.vector_store %arg14[%swap3A_159], %select_n3A_158 {strides = array<i32>} : memref<128xf32, #tpu.memory_space<vmem>>, vector<16xf32>,
      %get3A_161 = arith.constant 48 : index
      %get3A_162 = tpu.vector_load %arg10[%get3A_161] {strides = array<i32>} : memref<128xi32, #tpu.memory_space<vmem>>, vector<16xi32>,
      %sub3A_163 = vector.broadcast %mul3A_0 : i32 to vector<16xi32>
      %sub3A_164 = arith.subi %get3A_162, %sub3A_163 : vector<16xi32>
      %ge3A_165 = arith.constant 0 : i32
      %ge3A_166 = vector.broadcast %ge3A_165 : i32 to vector<16xi32>
      %ge3A_167 = arith.cmpi sge, %sub3A_164, %ge3A_166 : vector<16xi32>
      %lt3A_168 = arith.constant 5000 : i32
      %lt3A_169 = vector.broadcast %lt3A_168 : i32 to vector<16xi32>
      %lt3A_170 = arith.cmpi slt, %sub3A_164, %lt3A_169 : vector<16xi32>
      %and3A_171 = arith.andi %ge3A_167, %lt3A_170 : vector<16xi1>
      %jit3A_172 = arith.constant 5000 : i32
      %broadcast_in_dim3A_173 = vector.broadcast %jit3A_172 : i32 to vector<16xi32>
      %select_n3A_174 = arith.select %and3A_171, %sub3A_164, %broadcast_in_dim3A_173 : vector<16xi1>, vector<16xi32>
      %swap3A_175 = arith.constant 48 : index
      %swap3A_176 = tpu.vector_load %arg11[%swap3A_175] {strides = array<i32>} : memref<128xi32, #tpu.memory_space<vmem>>, vector<16xi32>,
      tpu.vector_store %arg11[%swap3A_175], %select_n3A_174 {strides = array<i32>} : memref<128xi32, #tpu.memory_space<vmem>>, vector<16xi32>,
      %get3A_177 = arith.constant 64 : index
      %get3A_178 = tpu.vector_load %arg12[%get3A_177] {strides = array<i32>} : memref<128xf32, #tpu.memory_space<vmem>>, vector<16xf32>,
      %get3A_179 = arith.constant 64 : index
      %get3A_180 = tpu.vector_load %arg13[%get3A_179] {strides = array<i32>} : memref<128xf32, #tpu.memory_space<vmem>>, vector<16xf32>,
      %add3A_181 = arith.addf %get3A_178, %get3A_180 : vector<16xf32>
      %ge3A_182 = arith.constant 0.000000e+00 : f32
      %ge3A_183 = vector.broadcast %ge3A_182 : f32 to vector<16xf32>
      %ge3A_184 = arith.cmpf oge, %add3A_181, %ge3A_183 : vector<16xf32>
      %mul3A_185 = arith.constant 0.00999999977 : f32
      %mul3A_186 = vector.broadcast %mul3A_185 : f32 to vector<16xf32>
      %mul3A_187 = arith.mulf %add3A_181, %mul3A_186 : vector<16xf32>
      %select_n3A_188 = arith.select %ge3A_184, %add3A_181, %mul3A_187 : vector<16xi1>, vector<16xf32>
      %swap3A_189 = arith.constant 64 : index
      %swap3A_190 = tpu.vector_load %arg14[%swap3A_189] {strides = array<i32>} : memref<128xf32, #tpu.memory_space<vmem>>, vector<16xf32>,
      tpu.vector_store %arg14[%swap3A_189], %select_n3A_188 {strides = array<i32>} : memref<128xf32, #tpu.memory_space<vmem>>, vector<16xf32>,
      %get3A_191 = arith.constant 64 : index
      %get3A_192 = tpu.vector_load %arg10[%get3A_191] {strides = array<i32>} : memref<128xi32, #tpu.memory_space<vmem>>, vector<16xi32>,
      %sub3A_193 = vector.broadcast %mul3A_0 : i32 to vector<16xi32>
      %sub3A_194 = arith.subi %get3A_192, %sub3A_193 : vector<16xi32>
      %ge3A_195 = arith.constant 0 : i32
      %ge3A_196 = vector.broadcast %ge3A_195 : i32 to vector<16xi32>
      %ge3A_197 = arith.cmpi sge, %sub3A_194, %ge3A_196 : vector<16xi32>
      %lt3A_198 = arith.constant 5000 : i32
      %lt3A_199 = vector.broadcast %lt3A_198 : i32 to vector<16xi32>
      %lt3A_200 = arith.cmpi slt, %sub3A_194, %lt3A_199 : vector<16xi32>
      %and3A_201 = arith.andi %ge3A_197, %lt3A_200 : vector<16xi1>
      %jit3A_202 = arith.constant 5000 : i32
      %broadcast_in_dim3A_203 = vector.broadcast %jit3A_202 : i32 to vector<16xi32>
      %select_n3A_204 = arith.select %and3A_201, %sub3A_194, %broadcast_in_dim3A_203 : vector<16xi1>, vector<16xi32>
      %swap3A_205 = arith.constant 64 : index
      %swap3A_206 = tpu.vector_load %arg11[%swap3A_205] {strides = array<i32>} : memref<128xi32, #tpu.memory_space<vmem>>, vector<16xi32>,
      tpu.vector_store %arg11[%swap3A_205], %select_n3A_204 {strides = array<i32>} : memref<128xi32, #tpu.memory_space<vmem>>, vector<16xi32>,
      %get3A_207 = arith.constant 80 : index
      %get3A_208 = tpu.vector_load %arg12[%get3A_207] {strides = array<i32>} : memref<128xf32, #tpu.memory_space<vmem>>, vector<16xf32>,
      %get3A_209 = arith.constant 80 : index
      %get3A_210 = tpu.vector_load %arg13[%get3A_209] {strides = array<i32>} : memref<128xf32, #tpu.memory_space<vmem>>, vector<16xf32>,
      %add3A_211 = arith.addf %get3A_208, %get3A_210 : vector<16xf32>
      %ge3A_212 = arith.constant 0.000000e+00 : f32
      %ge3A_213 = vector.broadcast %ge3A_212 : f32 to vector<16xf32>
      %ge3A_214 = arith.cmpf oge, %add3A_211, %ge3A_213 : vector<16xf32>
      %mul3A_215 = arith.constant 0.00999999977 : f32
      %mul3A_216 = vector.broadcast %mul3A_215 : f32 to vector<16xf32>
      %mul3A_217 = arith.mulf %add3A_211, %mul3A_216 : vector<16xf32>
      %select_n3A_218 = arith.select %ge3A_214, %add3A_211, %mul3A_217 : vector<16xi1>, vector<16xf32>
      %swap3A_219 = arith.constant 80 : index
      %swap3A_220 = tpu.vector_load %arg14[%swap3A_219] {strides = array<i32>} : memref<128xf32, #tpu.memory_space<vmem>>, vector<16xf32>,
      tpu.vector_store %arg14[%swap3A_219], %select_n3A_218 {strides = array<i32>} : memref<128xf32, #tpu.memory_space<vmem>>, vector<16xf32>,
      %get3A_221 = arith.constant 80 : index
      %get3A_222 = tpu.vector_load %arg10[%get3A_221] {strides = array<i32>} : memref<128xi32, #tpu.memory_space<vmem>>, vector<16xi32>,
      %sub3A_223 = vector.broadcast %mul3A_0 : i32 to vector<16xi32>
      %sub3A_224 = arith.subi %get3A_222, %sub3A_223 : vector<16xi32>
      %ge3A_225 = arith.constant 0 : i32
      %ge3A_226 = vector.broadcast %ge3A_225 : i32 to vector<16xi32>
      %ge3A_227 = arith.cmpi sge, %sub3A_224, %ge3A_226 : vector<16xi32>
      %lt3A_228 = arith.constant 5000 : i32
      %lt3A_229 = vector.broadcast %lt3A_228 : i32 to vector<16xi32>
      %lt3A_230 = arith.cmpi slt, %sub3A_224, %lt3A_229 : vector<16xi32>
      %and3A_231 = arith.andi %ge3A_227, %lt3A_230 : vector<16xi1>
      %jit3A_232 = arith.constant 5000 : i32
      %broadcast_in_dim3A_233 = vector.broadcast %jit3A_232 : i32 to vector<16xi32>
      %select_n3A_234 = arith.select %and3A_231, %sub3A_224, %broadcast_in_dim3A_233 : vector<16xi1>, vector<16xi32>
      %swap3A_235 = arith.constant 80 : index
      %swap3A_236 = tpu.vector_load %arg11[%swap3A_235] {strides = array<i32>} : memref<128xi32, #tpu.memory_space<vmem>>, vector<16xi32>,
      tpu.vector_store %arg11[%swap3A_235], %select_n3A_234 {strides = array<i32>} : memref<128xi32, #tpu.memory_space<vmem>>, vector<16xi32>,
      %get3A_237 = arith.constant 96 : index
      %get3A_238 = tpu.vector_load %arg12[%get3A_237] {strides = array<i32>} : memref<128xf32, #tpu.memory_space<vmem>>, vector<16xf32>,
      %get3A_239 = arith.constant 96 : index
      %get3A_240 = tpu.vector_load %arg13[%get3A_239] {strides = array<i32>} : memref<128xf32, #tpu.memory_space<vmem>>, vector<16xf32>,
      %add3A_241 = arith.addf %get3A_238, %get3A_240 : vector<16xf32>
      %ge3A_242 = arith.constant 0.000000e+00 : f32
      %ge3A_243 = vector.broadcast %ge3A_242 : f32 to vector<16xf32>
      %ge3A_244 = arith.cmpf oge, %add3A_241, %ge3A_243 : vector<16xf32>
      %mul3A_245 = arith.constant 0.00999999977 : f32
      %mul3A_246 = vector.broadcast %mul3A_245 : f32 to vector<16xf32>
      %mul3A_247 = arith.mulf %add3A_241, %mul3A_246 : vector<16xf32>
      %select_n3A_248 = arith.select %ge3A_244, %add3A_241, %mul3A_247 : vector<16xi1>, vector<16xf32>
      %swap3A_249 = arith.constant 96 : index
      %swap3A_250 = tpu.vector_load %arg14[%swap3A_249] {strides = array<i32>} : memref<128xf32, #tpu.memory_space<vmem>>, vector<16xf32>,
      tpu.vector_store %arg14[%swap3A_249], %select_n3A_248 {strides = array<i32>} : memref<128xf32, #tpu.memory_space<vmem>>, vector<16xf32>,
      %get3A_251 = arith.constant 96 : index
      %get3A_252 = tpu.vector_load %arg10[%get3A_251] {strides = array<i32>} : memref<128xi32, #tpu.memory_space<vmem>>, vector<16xi32>,
      %sub3A_253 = vector.broadcast %mul3A_0 : i32 to vector<16xi32>
      %sub3A_254 = arith.subi %get3A_252, %sub3A_253 : vector<16xi32>
      %ge3A_255 = arith.constant 0 : i32
      %ge3A_256 = vector.broadcast %ge3A_255 : i32 to vector<16xi32>
      %ge3A_257 = arith.cmpi sge, %sub3A_254, %ge3A_256 : vector<16xi32>
      %lt3A_258 = arith.constant 5000 : i32
      %lt3A_259 = vector.broadcast %lt3A_258 : i32 to vector<16xi32>
      %lt3A_260 = arith.cmpi slt, %sub3A_254, %lt3A_259 : vector<16xi32>
      %and3A_261 = arith.andi %ge3A_257, %lt3A_260 : vector<16xi1>
      %jit3A_262 = arith.constant 5000 : i32
      %broadcast_in_dim3A_263 = vector.broadcast %jit3A_262 : i32 to vector<16xi32>
      %select_n3A_264 = arith.select %and3A_261, %sub3A_254, %broadcast_in_dim3A_263 : vector<16xi1>, vector<16xi32>
      %swap3A_265 = arith.constant 96 : index
      %swap3A_266 = tpu.vector_load %arg11[%swap3A_265] {strides = array<i32>} : memref<128xi32, #tpu.memory_space<vmem>>, vector<16xi32>,
      tpu.vector_store %arg11[%swap3A_265], %select_n3A_264 {strides = array<i32>} : memref<128xi32, #tpu.memory_space<vmem>>, vector<16xi32>,
      %get3A_267 = arith.constant 112 : index
      %get3A_268 = tpu.vector_load %arg12[%get3A_267] {strides = array<i32>} : memref<128xf32, #tpu.memory_space<vmem>>, vector<16xf32>,
      %get3A_269 = arith.constant 112 : index
      %get3A_270 = tpu.vector_load %arg13[%get3A_269] {strides = array<i32>} : memref<128xf32, #tpu.memory_space<vmem>>, vector<16xf32>,
      %add3A_271 = arith.addf %get3A_268, %get3A_270 : vector<16xf32>
      %ge3A_272 = arith.constant 0.000000e+00 : f32
      %ge3A_273 = vector.broadcast %ge3A_272 : f32 to vector<16xf32>
      %ge3A_274 = arith.cmpf oge, %add3A_271, %ge3A_273 : vector<16xf32>
      %mul3A_275 = arith.constant 0.00999999977 : f32
      %mul3A_276 = vector.broadcast %mul3A_275 : f32 to vector<16xf32>
      %mul3A_277 = arith.mulf %add3A_271, %mul3A_276 : vector<16xf32>
      %select_n3A_278 = arith.select %ge3A_274, %add3A_271, %mul3A_277 : vector<16xi1>, vector<16xf32>
      %swap3A_279 = arith.constant 112 : index
      %swap3A_280 = tpu.vector_load %arg14[%swap3A_279] {strides = array<i32>} : memref<128xf32, #tpu.memory_space<vmem>>, vector<16xf32>,
      tpu.vector_store %arg14[%swap3A_279], %select_n3A_278 {strides = array<i32>} : memref<128xf32, #tpu.memory_space<vmem>>, vector<16xf32>,
      %get3A_281 = arith.constant 112 : index
      %get3A_282 = tpu.vector_load %arg10[%get3A_281] {strides = array<i32>} : memref<128xi32, #tpu.memory_space<vmem>>, vector<16xi32>,
      %sub3A_283 = vector.broadcast %mul3A_0 : i32 to vector<16xi32>
      %sub3A_284 = arith.subi %get3A_282, %sub3A_283 : vector<16xi32>
      %ge3A_285 = arith.constant 0 : i32
      %ge3A_286 = vector.broadcast %ge3A_285 : i32 to vector<16xi32>
      %ge3A_287 = arith.cmpi sge, %sub3A_284, %ge3A_286 : vector<16xi32>
      %lt3A_288 = arith.constant 5000 : i32
      %lt3A_289 = vector.broadcast %lt3A_288 : i32 to vector<16xi32>
      %lt3A_290 = arith.cmpi slt, %sub3A_284, %lt3A_289 : vector<16xi32>
      %and3A_291 = arith.andi %ge3A_287, %lt3A_290 : vector<16xi1>
      %jit3A_292 = arith.constant 5000 : i32
      %broadcast_in_dim3A_293 = vector.broadcast %jit3A_292 : i32 to vector<16xi32>
      %select_n3A_294 = arith.select %and3A_291, %sub3A_284, %broadcast_in_dim3A_293 : vector<16xi1>, vector<16xi32>
      %swap3A_295 = arith.constant 112 : index
      %swap3A_296 = tpu.vector_load %arg11[%swap3A_295] {strides = array<i32>} : memref<128xi32, #tpu.memory_space<vmem>>, vector<16xi32>,
      tpu.vector_store %arg11[%swap3A_295], %select_n3A_294 {strides = array<i32>} : memref<128xi32, #tpu.memory_space<vmem>>, vector<16xi32>,
      %scan3A_297 = arith.constant 0 : i32
      %scan3A_298 = arith.constant 0 : i32
      %scan3A_299 = arith.constant 8 : i32
      %scan3A_300 = arith.addi %scan3A_298, %scan3A_299 : i32
      %scan3A_301 = arith.constant 1 : i32
      %scan3A_302 = scf.for %scan3A_305 = %scan3A_298 to %scan3A_300 step %scan3A_301 iter_args(%scan3A_306 = %scan3A_297) -> (i32)  : i32 {
        %mul3A_307 = arith.constant 16 : i32
        %mul3A_308 = arith.muli %scan3A_305, %mul3A_307 : i32
        %get3A_309 = arith.index_cast %mul3A_308 : i32 to index
        %get3A_310 = tpu.vector_load %arg14[%get3A_309] {strides = array<i32>} : memref<128xf32, #tpu.memory_space<vmem>>, vector<16xf32>,
        %mul3A_311 = arith.constant 16 : i32
        %mul3A_312 = arith.muli %scan3A_305, %mul3A_311 : i32
        %add3A_313 = arith.constant 0 : i32
        %add3A_314 = arith.addi %mul3A_312, %add3A_313 : i32
        %slice3A = vector.extract_strided_slice %get3A_310 {offsets = [0], sizes = [1], strides = [1]} : vector<16xf32> to vector<1xf32>
        %squeeze3A = vector.extract %slice3A[0] : f32 from vector<1xf32>
        %get3A_315 = arith.index_cast %add3A_314 : i32 to index
        %get3A_316 = arith.constant 0 : index
        %get3A_317 = tpu.vector_load %arg15[%get3A_315, %get3A_316] {strides = array<i32>} : memref<128x128xf32, #tpu.memory_space<vmem>>, vector<16xf32>,
        %mul3A_318 = vector.broadcast %squeeze3A : f32 to vector<16xf32>
        %mul3A_319 = arith.mulf %get3A_317, %mul3A_318 : vector<16xf32>
        %swap3A_320 = arith.index_cast %add3A_314 : i32 to index
        %swap3A_321 = arith.constant 0 : index
        %swap3A_322 = tpu.vector_load %arg15[%swap3A_320, %swap3A_321] {strides = array<i32>} : memref<128x128xf32, #tpu.memory_space<vmem>>, vector<16xf32>,
        tpu.vector_store %arg15[%swap3A_320, %swap3A_321], %mul3A_319 {strides = array<i32>} : memref<128x128xf32, #tpu.memory_space<vmem>>, vector<16xf32>,
        %abs3A = math.absf %mul3A_319 : vector<16xf32>
        %swap3A_323 = arith.index_cast %add3A_314 : i32 to index
        %swap3A_324 = arith.constant 0 : index
        %swap3A_325 = tpu.vector_load %arg16[%swap3A_323, %swap3A_324] {strides = array<i32>} : memref<128x128xf32, #tpu.memory_space<vmem>>, vector<16xf32>,
        tpu.vector_store %arg16[%swap3A_323, %swap3A_324], %abs3A {strides = array<i32>} : memref<128x128xf32, #tpu.memory_space<vmem>>, vector<16xf32>,
        %get3A_326 = arith.index_cast %add3A_314 : i32 to index
        %get3A_327 = arith.constant 16 : index
        %get3A_328 = tpu.vector_load %arg15[%get3A_326, %get3A_327] {strides = array<i32>} : memref<128x128xf32, #tpu.memory_space<vmem>>, vector<16xf32>,
        %mul3A_329 = vector.broadcast %squeeze3A : f32 to vector<16xf32>
        %mul3A_330 = arith.mulf %get3A_328, %mul3A_329 : vector<16xf32>
        %swap3A_331 = arith.index_cast %add3A_314 : i32 to index
        %swap3A_332 = arith.constant 16 : index
        %swap3A_333 = tpu.vector_load %arg15[%swap3A_331, %swap3A_332] {strides = array<i32>} : memref<128x128xf32, #tpu.memory_space<vmem>>, vector<16xf32>,
        tpu.vector_store %arg15[%swap3A_331, %swap3A_332], %mul3A_330 {strides = array<i32>} : memref<128x128xf32, #tpu.memory_space<vmem>>, vector<16xf32>,
        %abs3A_334 = math.absf %mul3A_330 : vector<16xf32>
        %swap3A_335 = arith.index_cast %add3A_314 : i32 to index
        %swap3A_336 = arith.constant 16 : index
        %swap3A_337 = tpu.vector_load %arg16[%swap3A_335, %swap3A_336] {strides = array<i32>} : memref<128x128xf32, #tpu.memory_space<vmem>>, vector<16xf32>,
        tpu.vector_store %arg16[%swap3A_335, %swap3A_336], %abs3A_334 {strides = array<i32>} : memref<128x128xf32, #tpu.memory_space<vmem>>, vector<16xf32>,
        %get3A_338 = arith.index_cast %add3A_314 : i32 to index
        %get3A_339 = arith.constant 32 : index
        %get3A_340 = tpu.vector_load %arg15[%get3A_338, %get3A_339] {strides = array<i32>} : memref<128x128xf32, #tpu.memory_space<vmem>>, vector<16xf32>,
        %mul3A_341 = vector.broadcast %squeeze3A : f32 to vector<16xf32>
        %mul3A_342 = arith.mulf %get3A_340, %mul3A_341 : vector<16xf32>
        %swap3A_343 = arith.index_cast %add3A_314 : i32 to index
        %swap3A_344 = arith.constant 32 : index
        %swap3A_345 = tpu.vector_load %arg15[%swap3A_343, %swap3A_344] {strides = array<i32>} : memref<128x128xf32, #tpu.memory_space<vmem>>, vector<16xf32>,
        tpu.vector_store %arg15[%swap3A_343, %swap3A_344], %mul3A_342 {strides = array<i32>} : memref<128x128xf32, #tpu.memory_space<vmem>>, vector<16xf32>,
        %abs3A_346 = math.absf %mul3A_342 : vector<16xf32>
        %swap3A_347 = arith.index_cast %add3A_314 : i32 to index
        %swap3A_348 = arith.constant 32 : index
        %swap3A_349 = tpu.vector_load %arg16[%swap3A_347, %swap3A_348] {strides = array<i32>} : memref<128x128xf32, #tpu.memory_space<vmem>>, vector<16xf32>,
        tpu.vector_store %arg16[%swap3A_347, %swap3A_348], %abs3A_346 {strides = array<i32>} : memref<128x128xf32, #tpu.memory_space<vmem>>, vector<16xf32>,
        %get3A_350 = arith.index_cast %add3A_314 : i32 to index
        %get3A_351 = arith.constant 48 : index
        %get3A_352 = tpu.vector_load %arg15[%get3A_350, %get3A_351] {strides = array<i32>} : memref<128x128xf32, #tpu.memory_space<vmem>>, vector<16xf32>,
        %mul3A_353 = vector.broadcast %squeeze3A : f32 to vector<16xf32>
        %mul3A_354 = arith.mulf %get3A_352, %mul3A_353 : vector<16xf32>
        %swap3A_355 = arith.index_cast %add3A_314 : i32 to index
        %swap3A_356 = arith.constant 48 : index
        %swap3A_357 = tpu.vector_load %arg15[%swap3A_355, %swap3A_356] {strides = array<i32>} : memref<128x128xf32, #tpu.memory_space<vmem>>, vector<16xf32>,
        tpu.vector_store %arg15[%swap3A_355, %swap3A_356], %mul3A_354 {strides = array<i32>} : memref<128x128xf32, #tpu.memory_space<vmem>>, vector<16xf32>,
        %abs3A_358 = math.absf %mul3A_354 : vector<16xf32>
        %swap3A_359 = arith.index_cast %add3A_314 : i32 to index
        %swap3A_360 = arith.constant 48 : index
        %swap3A_361 = tpu.vector_load %arg16[%swap3A_359, %swap3A_360] {strides = array<i32>} : memref<128x128xf32, #tpu.memory_space<vmem>>, vector<16xf32>,
        tpu.vector_store %arg16[%swap3A_359, %swap3A_360], %abs3A_358 {strides = array<i32>} : memref<128x128xf32, #tpu.memory_space<vmem>>, vector<16xf32>,
        %get3A_362 = arith.index_cast %add3A_314 : i32 to index
        %get3A_363 = arith.constant 64 : index
        %get3A_364 = tpu.vector_load %arg15[%get3A_362, %get3A_363] {strides = array<i32>} : memref<128x128xf32, #tpu.memory_space<vmem>>, vector<16xf32>,
        %mul3A_365 = vector.broadcast %squeeze3A : f32 to vector<16xf32>
        %mul3A_366 = arith.mulf %get3A_364, %mul3A_365 : vector<16xf32>
        %swap3A_367 = arith.index_cast %add3A_314 : i32 to index
        %swap3A_368 = arith.constant 64 : index
        %swap3A_369 = tpu.vector_load %arg15[%swap3A_367, %swap3A_368] {strides = array<i32>} : memref<128x128xf32, #tpu.memory_space<vmem>>, vector<16xf32>,
        tpu.vector_store %arg15[%swap3A_367, %swap3A_368], %mul3A_366 {strides = array<i32>} : memref<128x128xf32, #tpu.memory_space<vmem>>, vector<16xf32>,
        %abs3A_370 = math.absf %mul3A_366 : vector<16xf32>
        %swap3A_371 = arith.index_cast %add3A_314 : i32 to index
        %swap3A_372 = arith.constant 64 : index
        %swap3A_373 = tpu.vector_load %arg16[%swap3A_371, %swap3A_372] {strides = array<i32>} : memref<128x128xf32, #tpu.memory_space<vmem>>, vector<16xf32>,
        tpu.vector_store %arg16[%swap3A_371, %swap3A_372], %abs3A_370 {strides = array<i32>} : memref<128x128xf32, #tpu.memory_space<vmem>>, vector<16xf32>,
        %get3A_374 = arith.index_cast %add3A_314 : i32 to index
        %get3A_375 = arith.constant 80 : index
        %get3A_376 = tpu.vector_load %arg15[%get3A_374, %get3A_375] {strides = array<i32>} : memref<128x128xf32, #tpu.memory_space<vmem>>, vector<16xf32>,
        %mul3A_377 = vector.broadcast %squeeze3A : f32 to vector<16xf32>
        %mul3A_378 = arith.mulf %get3A_376, %mul3A_377 : vector<16xf32>
        %swap3A_379 = arith.index_cast %add3A_314 : i32 to index
        %swap3A_380 = arith.constant 80 : index
        %swap3A_381 = tpu.vector_load %arg15[%swap3A_379, %swap3A_380] {strides = array<i32>} : memref<128x128xf32, #tpu.memory_space<vmem>>, vector<16xf32>,
        tpu.vector_store %arg15[%swap3A_379, %swap3A_380], %mul3A_378 {strides = array<i32>} : memref<128x128xf32, #tpu.memory_space<vmem>>, vector<16xf32>,
        %abs3A_382 = math.absf %mul3A_378 : vector<16xf32>
        %swap3A_383 = arith.index_cast %add3A_314 : i32 to index
        %swap3A_384 = arith.constant 80 : index
        %swap3A_385 = tpu.vector_load %arg16[%swap3A_383, %swap3A_384] {strides = array<i32>} : memref<128x128xf32, #tpu.memory_space<vmem>>, vector<16xf32>,
        tpu.vector_store %arg16[%swap3A_383, %swap3A_384], %abs3A_382 {strides = array<i32>} : memref<128x128xf32, #tpu.memory_space<vmem>>, vector<16xf32>,
        %get3A_386 = arith.index_cast %add3A_314 : i32 to index
        %get3A_387 = arith.constant 96 : index
        %get3A_388 = tpu.vector_load %arg15[%get3A_386, %get3A_387] {strides = array<i32>} : memref<128x128xf32, #tpu.memory_space<vmem>>, vector<16xf32>,
        %mul3A_389 = vector.broadcast %squeeze3A : f32 to vector<16xf32>
        %mul3A_390 = arith.mulf %get3A_388, %mul3A_389 : vector<16xf32>
        %swap3A_391 = arith.index_cast %add3A_314 : i32 to index
        %swap3A_392 = arith.constant 96 : index
        %swap3A_393 = tpu.vector_load %arg15[%swap3A_391, %swap3A_392] {strides = array<i32>} : memref<128x128xf32, #tpu.memory_space<vmem>>, vector<16xf32>,
        tpu.vector_store %arg15[%swap3A_391, %swap3A_392], %mul3A_390 {strides = array<i32>} : memref<128x128xf32, #tpu.memory_space<vmem>>, vector<16xf32>,
        %abs3A_394 = math.absf %mul3A_390 : vector<16xf32>
        %swap3A_395 = arith.index_cast %add3A_314 : i32 to index
        %swap3A_396 = arith.constant 96 : index
        %swap3A_397 = tpu.vector_load %arg16[%swap3A_395, %swap3A_396] {strides = array<i32>} : memref<128x128xf32, #tpu.memory_space<vmem>>, vector<16xf32>,
        tpu.vector_store %arg16[%swap3A_395, %swap3A_396], %abs3A_394 {strides = array<i32>} : memref<128x128xf32, #tpu.memory_space<vmem>>, vector<16xf32>,
        %get3A_398 = arith.index_cast %add3A_314 : i32 to index
        %get3A_399 = arith.constant 112 : index
        %get3A_400 = tpu.vector_load %arg15[%get3A_398, %get3A_399] {strides = array<i32>} : memref<128x128xf32, #tpu.memory_space<vmem>>, vector<16xf32>,
        %mul3A_401 = vector.broadcast %squeeze3A : f32 to vector<16xf32>
        %mul3A_402 = arith.mulf %get3A_400, %mul3A_401 : vector<16xf32>
        %swap3A_403 = arith.index_cast %add3A_314 : i32 to index
        %swap3A_404 = arith.constant 112 : index
        %swap3A_405 = tpu.vector_load %arg15[%swap3A_403, %swap3A_404] {strides = array<i32>} : memref<128x128xf32, #tpu.memory_space<vmem>>, vector<16xf32>,
        tpu.vector_store %arg15[%swap3A_403, %swap3A_404], %mul3A_402 {strides = array<i32>} : memref<128x128xf32, #tpu.memory_space<vmem>>, vector<16xf32>,
        %abs3A_406 = math.absf %mul3A_402 : vector<16xf32>
        %swap3A_407 = arith.index_cast %add3A_314 : i32 to index
        %swap3A_408 = arith.constant 112 : index
        %swap3A_409 = tpu.vector_load %arg16[%swap3A_407, %swap3A_408] {strides = array<i32>} : memref<128x128xf32, #tpu.memory_space<vmem>>, vector<16xf32>,
        tpu.vector_store %arg16[%swap3A_407, %swap3A_408], %abs3A_406 {strides = array<i32>} : memref<128x128xf32, #tpu.memory_space<vmem>>, vector<16xf32>,
        %mul3A_410 = arith.constant 16 : i32
        %mul3A_411 = arith.muli %scan3A_305, %mul3A_410 : i32
        %add3A_412 = arith.constant 1 : i32
        %add3A_413 = arith.addi %mul3A_411, %add3A_412 : i32
        %slice3A_414 = vector.extract_strided_slice %get3A_310 {offsets = [1], sizes = [1], strides = [1]} : vector<16xf32> to vector<1xf32>
        %squeeze3A_415 = vector.extract %slice3A_414[0] : f32 from vector<1xf32>
        %get3A_416 = arith.index_cast %add3A_413 : i32 to index
        %get3A_417 = arith.constant 0 : index
        %get3A_418 = tpu.vector_load %arg15[%get3A_416, %get3A_417] {strides = array<i32>} : memref<128x128xf32, #tpu.memory_space<vmem>>, vector<16xf32>,
        %mul3A_419 = vector.broadcast %squeeze3A_415 : f32 to vector<16xf32>
        %mul3A_420 = arith.mulf %get3A_418, %mul3A_419 : vector<16xf32>
        %swap3A_421 = arith.index_cast %add3A_413 : i32 to index
        %swap3A_422 = arith.constant 0 : index
        %swap3A_423 = tpu.vector_load %arg15[%swap3A_421, %swap3A_422] {strides = array<i32>} : memref<128x128xf32, #tpu.memory_space<vmem>>, vector<16xf32>,
        tpu.vector_store %arg15[%swap3A_421, %swap3A_422], %mul3A_420 {strides = array<i32>} : memref<128x128xf32, #tpu.memory_space<vmem>>, vector<16xf32>,
        %abs3A_424 = math.absf %mul3A_420 : vector<16xf32>
        %swap3A_425 = arith.index_cast %add3A_413 : i32 to index
        %swap3A_426 = arith.constant 0 : index
        %swap3A_427 = tpu.vector_load %arg16[%swap3A_425, %swap3A_426] {strides = array<i32>} : memref<128x128xf32, #tpu.memory_space<vmem>>, vector<16xf32>,
        tpu.vector_store %arg16[%swap3A_425, %swap3A_426], %abs3A_424 {strides = array<i32>} : memref<128x128xf32, #tpu.memory_space<vmem>>, vector<16xf32>,
        %get3A_428 = arith.index_cast %add3A_413 : i32 to index
        %get3A_429 = arith.constant 16 : index
        %get3A_430 = tpu.vector_load %arg15[%get3A_428, %get3A_429] {strides = array<i32>} : memref<128x128xf32, #tpu.memory_space<vmem>>, vector<16xf32>,
        %mul3A_431 = vector.broadcast %squeeze3A_415 : f32 to vector<16xf32>
        %mul3A_432 = arith.mulf %get3A_430, %mul3A_431 : vector<16xf32>
        %swap3A_433 = arith.index_cast %add3A_413 : i32 to index
        %swap3A_434 = arith.constant 16 : index
        %swap3A_435 = tpu.vector_load %arg15[%swap3A_433, %swap3A_434] {strides = array<i32>} : memref<128x128xf32, #tpu.memory_space<vmem>>, vector<16xf32>,
        tpu.vector_store %arg15[%swap3A_433, %swap3A_434], %mul3A_432 {strides = array<i32>} : memref<128x128xf32, #tpu.memory_space<vmem>>, vector<16xf32>,
        %abs3A_436 = math.absf %mul3A_432 : vector<16xf32>
        %swap3A_437 = arith.index_cast %add3A_413 : i32 to index
        %swap3A_438 = arith.constant 16 : index
        %swap3A_439 = tpu.vector_load %arg16[%swap3A_437, %swap3A_438] {strides = array<i32>} : memref<128x128xf32, #tpu.memory_space<vmem>>, vector<16xf32>,
        tpu.vector_store %arg16[%swap3A_437, %swap3A_438], %abs3A_436 {strides = array<i32>} : memref<128x128xf32, #tpu.memory_space<vmem>>, vector<16xf32>,
        %get3A_440 = arith.index_cast %add3A_413 : i32 to index
        %get3A_441 = arith.constant 32 : index
        %get3A_442 = tpu.vector_load %arg15[%get3A_440, %get3A_441] {strides = array<i32>} : memref<128x128xf32, #tpu.memory_space<vmem>>, vector<16xf32>,
        %mul3A_443 = vector.broadcast %squeeze3A_415 : f32 to vector<16xf32>
        %mul3A_444 = arith.mulf %get3A_442, %mul3A_443 : vector<16xf32>
        %swap3A_445 = arith.index_cast %add3A_413 : i32 to index
        %swap3A_446 = arith.constant 32 : index
        %swap3A_447 = tpu.vector_load %arg15[%swap3A_445, %swap3A_446] {strides = array<i32>} : memref<128x128xf32, #tpu.memory_space<vmem>>, vector<16xf32>,
        tpu.vector_store %arg15[%swap3A_445, %swap3A_446], %mul3A_444 {strides = array<i32>} : memref<128x128xf32, #tpu.memory_space<vmem>>, vector<16xf32>,
        %abs3A_448 = math.absf %mul3A_444 : vector<16xf32>
        %swap3A_449 = arith.index_cast %add3A_413 : i32 to index
        %swap3A_450 = arith.constant 32 : index
        %swap3A_451 = tpu.vector_load %arg16[%swap3A_449, %swap3A_450] {strides = array<i32>} : memref<128x128xf32, #tpu.memory_space<vmem>>, vector<16xf32>,
        tpu.vector_store %arg16[%swap3A_449, %swap3A_450], %abs3A_448 {strides = array<i32>} : memref<128x128xf32, #tpu.memory_space<vmem>>, vector<16xf32>,
        %get3A_452 = arith.index_cast %add3A_413 : i32 to index
        %get3A_453 = arith.constant 48 : index
        %get3A_454 = tpu.vector_load %arg15[%get3A_452, %get3A_453] {strides = array<i32>} : memref<128x128xf32, #tpu.memory_space<vmem>>, vector<16xf32>,
        %mul3A_455 = vector.broadcast %squeeze3A_415 : f32 to vector<16xf32>
        %mul3A_456 = arith.mulf %get3A_454, %mul3A_455 : vector<16xf32>
        %swap3A_457 = arith.index_cast %add3A_413 : i32 to index
        %swap3A_458 = arith.constant 48 : index
        %swap3A_459 = tpu.vector_load %arg15[%swap3A_457, %swap3A_458] {strides = array<i32>} : memref<128x128xf32, #tpu.memory_space<vmem>>, vector<16xf32>,
        tpu.vector_store %arg15[%swap3A_457, %swap3A_458], %mul3A_456 {strides = array<i32>} : memref<128x128xf32, #tpu.memory_space<vmem>>, vector<16xf32>,
        %abs3A_460 = math.absf %mul3A_456 : vector<16xf32>
        %swap3A_461 = arith.index_cast %add3A_413 : i32 to index
        %swap3A_462 = arith.constant 48 : index
        %swap3A_463 = tpu.vector_load %arg16[%swap3A_461, %swap3A_462] {strides = array<i32>} : memref<128x128xf32, #tpu.memory_space<vmem>>, vector<16xf32>,
        tpu.vector_store %arg16[%swap3A_461, %swap3A_462], %abs3A_460 {strides = array<i32>} : memref<128x128xf32, #tpu.memory_space<vmem>>, vector<16xf32>,
        %get3A_464 = arith.index_cast %add3A_413 : i32 to index
        %get3A_465 = arith.constant 64 : index
        %get3A_466 = tpu.vector_load %arg15[%get3A_464, %get3A_465] {strides = array<i32>} : memref<128x128xf32, #tpu.memory_space<vmem>>, vector<16xf32>,
        %mul3A_467 = vector.broadcast %squeeze3A_415 : f32 to vector<16xf32>
        %mul3A_468 = arith.mulf %get3A_466, %mul3A_467 : vector<16xf32>
        %swap3A_469 = arith.index_cast %add3A_413 : i32 to index
        %swap3A_470 = arith.constant 64 : index
        %swap3A_471 = tpu.vector_load %arg15[%swap3A_469, %swap3A_470] {strides = array<i32>} : memref<128x128xf32, #tpu.memory_space<vmem>>, vector<16xf32>,
        tpu.vector_store %arg15[%swap3A_469, %swap3A_470], %mul3A_468 {strides = array<i32>} : memref<128x128xf32, #tpu.memory_space<vmem>>, vector<16xf32>,
        %abs3A_472 = math.absf %mul3A_468 : vector<16xf32>
        %swap3A_473 = arith.index_cast %add3A_413 : i32 to index
        %swap3A_474 = arith.constant 64 : index
        %swap3A_475 = tpu.vector_load %arg16[%swap3A_473, %swap3A_474] {strides = array<i32>} : memref<128x128xf32, #tpu.memory_space<vmem>>, vector<16xf32>,
        tpu.vector_store %arg16[%swap3A_473, %swap3A_474], %abs3A_472 {strides = array<i32>} : memref<128x128xf32, #tpu.memory_space<vmem>>, vector<16xf32>,
        %get3A_476 = arith.index_cast %add3A_413 : i32 to index
        %get3A_477 = arith.constant 80 : index
        %get3A_478 = tpu.vector_load %arg15[%get3A_476, %get3A_477] {strides = array<i32>} : memref<128x128xf32, #tpu.memory_space<vmem>>, vector<16xf32>,
        %mul3A_479 = vector.broadcast %squeeze3A_415 : f32 to vector<16xf32>
        %mul3A_480 = arith.mulf %get3A_478, %mul3A_479 : vector<16xf32>
        %swap3A_481 = arith.index_cast %add3A_413 : i32 to index
        %swap3A_482 = arith.constant 80 : index
        %swap3A_483 = tpu.vector_load %arg15[%swap3A_481, %swap3A_482] {strides = array<i32>} : memref<128x128xf32, #tpu.memory_space<vmem>>, vector<16xf32>,
        tpu.vector_store %arg15[%swap3A_481, %swap3A_482], %mul3A_480 {strides = array<i32>} : memref<128x128xf32, #tpu.memory_space<vmem>>, vector<16xf32>,
        %abs3A_484 = math.absf %mul3A_480 : vector<16xf32>
        %swap3A_485 = arith.index_cast %add3A_413 : i32 to index
        %swap3A_486 = arith.constant 80 : index
        %swap3A_487 = tpu.vector_load %arg16[%swap3A_485, %swap3A_486] {strides = array<i32>} : memref<128x128xf32, #tpu.memory_space<vmem>>, vector<16xf32>,
        tpu.vector_store %arg16[%swap3A_485, %swap3A_486], %abs3A_484 {strides = array<i32>} : memref<128x128xf32, #tpu.memory_space<vmem>>, vector<16xf32>,
        %get3A_488 = arith.index_cast %add3A_413 : i32 to index
        %get3A_489 = arith.constant 96 : index
        %get3A_490 = tpu.vector_load %arg15[%get3A_488, %get3A_489] {strides = array<i32>} : memref<128x128xf32, #tpu.memory_space<vmem>>, vector<16xf32>,
        %mul3A_491 = vector.broadcast %squeeze3A_415 : f32 to vector<16xf32>
        %mul3A_492 = arith.mulf %get3A_490, %mul3A_491 : vector<16xf32>
        %swap3A_493 = arith.index_cast %add3A_413 : i32 to index
        %swap3A_494 = arith.constant 96 : index
        %swap3A_495 = tpu.vector_load %arg15[%swap3A_493, %swap3A_494] {strides = array<i32>} : memref<128x128xf32, #tpu.memory_space<vmem>>, vector<16xf32>,
        tpu.vector_store %arg15[%swap3A_493, %swap3A_494], %mul3A_492 {strides = array<i32>} : memref<128x128xf32, #tpu.memory_space<vmem>>, vector<16xf32>,
        %abs3A_496 = math.absf %mul3A_492 : vector<16xf32>
        %swap3A_497 = arith.index_cast %add3A_413 : i32 to index
        %swap3A_498 = arith.constant 96 : index
        %swap3A_499 = tpu.vector_load %arg16[%swap3A_497, %swap3A_498] {strides = array<i32>} : memref<128x128xf32, #tpu.memory_space<vmem>>, vector<16xf32>,
        tpu.vector_store %arg16[%swap3A_497, %swap3A_498], %abs3A_496 {strides = array<i32>} : memref<128x128xf32, #tpu.memory_space<vmem>>, vector<16xf32>,
        %get3A_500 = arith.index_cast %add3A_413 : i32 to index
        %get3A_501 = arith.constant 112 : index
        %get3A_502 = tpu.vector_load %arg15[%get3A_500, %get3A_501] {strides = array<i32>} : memref<128x128xf32, #tpu.memory_space<vmem>>, vector<16xf32>,
        %mul3A_503 = vector.broadcast %squeeze3A_415 : f32 to vector<16xf32>
        %mul3A_504 = arith.mulf %get3A_502, %mul3A_503 : vector<16xf32>
        %swap3A_505 = arith.index_cast %add3A_413 : i32 to index
        %swap3A_506 = arith.constant 112 : index
        %swap3A_507 = tpu.vector_load %arg15[%swap3A_505, %swap3A_506] {strides = array<i32>} : memref<128x128xf32, #tpu.memory_space<vmem>>, vector<16xf32>,
        tpu.vector_store %arg15[%swap3A_505, %swap3A_506], %mul3A_504 {strides = array<i32>} : memref<128x128xf32, #tpu.memory_space<vmem>>, vector<16xf32>,
        %abs3A_508 = math.absf %mul3A_504 : vector<16xf32>
        %swap3A_509 = arith.index_cast %add3A_413 : i32 to index
        %swap3A_510 = arith.constant 112 : index
        %swap3A_511 = tpu.vector_load %arg16[%swap3A_509, %swap3A_510] {strides = array<i32>} : memref<128x128xf32, #tpu.memory_space<vmem>>, vector<16xf32>,
        tpu.vector_store %arg16[%swap3A_509, %swap3A_510], %abs3A_508 {strides = array<i32>} : memref<128x128xf32, #tpu.memory_space<vmem>>, vector<16xf32>,
        %mul3A_512 = arith.constant 16 : i32
        %mul3A_513 = arith.muli %scan3A_305, %mul3A_512 : i32
        %add3A_514 = arith.constant 2 : i32
        %add3A_515 = arith.addi %mul3A_513, %add3A_514 : i32
        %slice3A_516 = vector.extract_strided_slice %get3A_310 {offsets = [2], sizes = [1], strides = [1]} : vector<16xf32> to vector<1xf32>
        %squeeze3A_517 = vector.extract %slice3A_516[0] : f32 from vector<1xf32>
        %get3A_518 = arith.index_cast %add3A_515 : i32 to index
        %get3A_519 = arith.constant 0 : index
        %get3A_520 = tpu.vector_load %arg15[%get3A_518, %get3A_519] {strides = array<i32>} : memref<128x128xf32, #tpu.memory_space<vmem>>, vector<16xf32>,
        %mul3A_521 = vector.broadcast %squeeze3A_517 : f32 to vector<16xf32>
        %mul3A_522 = arith.mulf %get3A_520, %mul3A_521 : vector<16xf32>
        %swap3A_523 = arith.index_cast %add3A_515 : i32 to index
        %swap3A_524 = arith.constant 0 : index
        %swap3A_525 = tpu.vector_load %arg15[%swap3A_523, %swap3A_524] {strides = array<i32>} : memref<128x128xf32, #tpu.memory_space<vmem>>, vector<16xf32>,
        tpu.vector_store %arg15[%swap3A_523, %swap3A_524], %mul3A_522 {strides = array<i32>} : memref<128x128xf32, #tpu.memory_space<vmem>>, vector<16xf32>,
        %abs3A_526 = math.absf %mul3A_522 : vector<16xf32>
        %swap3A_527 = arith.index_cast %add3A_515 : i32 to index
        %swap3A_528 = arith.constant 0 : index
        %swap3A_529 = tpu.vector_load %arg16[%swap3A_527, %swap3A_528] {strides = array<i32>} : memref<128x128xf32, #tpu.memory_space<vmem>>, vector<16xf32>,
        tpu.vector_store %arg16[%swap3A_527, %swap3A_528], %abs3A_526 {strides = array<i32>} : memref<128x128xf32, #tpu.memory_space<vmem>>, vector<16xf32>,
        %get3A_530 = arith.index_cast %add3A_515 : i32 to index
        %get3A_531 = arith.constant 16 : index
        %get3A_532 = tpu.vector_load %arg15[%get3A_530, %get3A_531] {strides = array<i32>} : memref<128x128xf32, #tpu.memory_space<vmem>>, vector<16xf32>,
        %mul3A_533 = vector.broadcast %squeeze3A_517 : f32 to vector<16xf32>
        %mul3A_534 = arith.mulf %get3A_532, %mul3A_533 : vector<16xf32>
        %swap3A_535 = arith.index_cast %add3A_515 : i32 to index
        %swap3A_536 = arith.constant 16 : index
        %swap3A_537 = tpu.vector_load %arg15[%swap3A_535, %swap3A_536] {strides = array<i32>} : memref<128x128xf32, #tpu.memory_space<vmem>>, vector<16xf32>,
        tpu.vector_store %arg15[%swap3A_535, %swap3A_536], %mul3A_534 {strides = array<i32>} : memref<128x128xf32, #tpu.memory_space<vmem>>, vector<16xf32>,
        %abs3A_538 = math.absf %mul3A_534 : vector<16xf32>
        %swap3A_539 = arith.index_cast %add3A_515 : i32 to index
        %swap3A_540 = arith.constant 16 : index
        %swap3A_541 = tpu.vector_load %arg16[%swap3A_539, %swap3A_540] {strides = array<i32>} : memref<128x128xf32, #tpu.memory_space<vmem>>, vector<16xf32>,
        tpu.vector_store %arg16[%swap3A_539, %swap3A_540], %abs3A_538 {strides = array<i32>} : memref<128x128xf32, #tpu.memory_space<vmem>>, vector<16xf32>,
        %get3A_542 = arith.index_cast %add3A_515 : i32 to index
        %get3A_543 = arith.constant 32 : index
        %get3A_544 = tpu.vector_load %arg15[%get3A_542, %get3A_543] {strides = array<i32>} : memref<128x128xf32, #tpu.memory_space<vmem>>, vector<16xf32>,
        %mul3A_545 = vector.broadcast %squeeze3A_517 : f32 to vector<16xf32>
        %mul3A_546 = arith.mulf %get3A_544, %mul3A_545 : vector<16xf32>
        %swap3A_547 = arith.index_cast %add3A_515 : i32 to index
        %swap3A_548 = arith.constant 32 : index
        %swap3A_549 = tpu.vector_load %arg15[%swap3A_547, %swap3A_548] {strides = array<i32>} : memref<128x128xf32, #tpu.memory_space<vmem>>, vector<16xf32>,
        tpu.vector_store %arg15[%swap3A_547, %swap3A_548], %mul3A_546 {strides = array<i32>} : memref<128x128xf32, #tpu.memory_space<vmem>>, vector<16xf32>,
        %abs3A_550 = math.absf %mul3A_546 : vector<16xf32>
        %swap3A_551 = arith.index_cast %add3A_515 : i32 to index
        %swap3A_552 = arith.constant 32 : index
        %swap3A_553 = tpu.vector_load %arg16[%swap3A_551, %swap3A_552] {strides = array<i32>} : memref<128x128xf32, #tpu.memory_space<vmem>>, vector<16xf32>,
        tpu.vector_store %arg16[%swap3A_551, %swap3A_552], %abs3A_550 {strides = array<i32>} : memref<128x128xf32, #tpu.memory_space<vmem>>, vector<16xf32>,
        %get3A_554 = arith.index_cast %add3A_515 : i32 to index
        %get3A_555 = arith.constant 48 : index
        %get3A_556 = tpu.vector_load %arg15[%get3A_554, %get3A_555] {strides = array<i32>} : memref<128x128xf32, #tpu.memory_space<vmem>>, vector<16xf32>,
        %mul3A_557 = vector.broadcast %squeeze3A_517 : f32 to vector<16xf32>
        %mul3A_558 = arith.mulf %get3A_556, %mul3A_557 : vector<16xf32>
        %swap3A_559 = arith.index_cast %add3A_515 : i32 to index
        %swap3A_560 = arith.constant 48 : index
        %swap3A_561 = tpu.vector_load %arg15[%swap3A_559, %swap3A_560] {strides = array<i32>} : memref<128x128xf32, #tpu.memory_space<vmem>>, vector<16xf32>,
        tpu.vector_store %arg15[%swap3A_559, %swap3A_560], %mul3A_558 {strides = array<i32>} : memref<128x128xf32, #tpu.memory_space<vmem>>, vector<16xf32>,
        %abs3A_562 = math.absf %mul3A_558 : vector<16xf32>
        %swap3A_563 = arith.index_cast %add3A_515 : i32 to index
        %swap3A_564 = arith.constant 48 : index
        %swap3A_565 = tpu.vector_load %arg16[%swap3A_563, %swap3A_564] {strides = array<i32>} : memref<128x128xf32, #tpu.memory_space<vmem>>, vector<16xf32>,
        tpu.vector_store %arg16[%swap3A_563, %swap3A_564], %abs3A_562 {strides = array<i32>} : memref<128x128xf32, #tpu.memory_space<vmem>>, vector<16xf32>,
        %get3A_566 = arith.index_cast %add3A_515 : i32 to index
        %get3A_567 = arith.constant 64 : index
        %get3A_568 = tpu.vector_load %arg15[%get3A_566, %get3A_567] {strides = array<i32>} : memref<128x128xf32, #tpu.memory_space<vmem>>, vector<16xf32>,
        %mul3A_569 = vector.broadcast %squeeze3A_517 : f32 to vector<16xf32>
        %mul3A_570 = arith.mulf %get3A_568, %mul3A_569 : vector<16xf32>
        %swap3A_571 = arith.index_cast %add3A_515 : i32 to index
        %swap3A_572 = arith.constant 64 : index
        %swap3A_573 = tpu.vector_load %arg15[%swap3A_571, %swap3A_572] {strides = array<i32>} : memref<128x128xf32, #tpu.memory_space<vmem>>, vector<16xf32>,
        tpu.vector_store %arg15[%swap3A_571, %swap3A_572], %mul3A_570 {strides = array<i32>} : memref<128x128xf32, #tpu.memory_space<vmem>>, vector<16xf32>,
        %abs3A_574 = math.absf %mul3A_570 : vector<16xf32>
        %swap3A_575 = arith.index_cast %add3A_515 : i32 to index
        %swap3A_576 = arith.constant 64 : index
        %swap3A_577 = tpu.vector_load %arg16[%swap3A_575, %swap3A_576] {strides = array<i32>} : memref<128x128xf32, #tpu.memory_space<vmem>>, vector<16xf32>,
        tpu.vector_store %arg16[%swap3A_575, %swap3A_576], %abs3A_574 {strides = array<i32>} : memref<128x128xf32, #tpu.memory_space<vmem>>, vector<16xf32>,
        %get3A_578 = arith.index_cast %add3A_515 : i32 to index
        %get3A_579 = arith.constant 80 : index
        %get3A_580 = tpu.vector_load %arg15[%get3A_578, %get3A_579] {strides = array<i32>} : memref<128x128xf32, #tpu.memory_space<vmem>>, vector<16xf32>,
        %mul3A_581 = vector.broadcast %squeeze3A_517 : f32 to vector<16xf32>
        %mul3A_582 = arith.mulf %get3A_580, %mul3A_581 : vector<16xf32>
        %swap3A_583 = arith.index_cast %add3A_515 : i32 to index
        %swap3A_584 = arith.constant 80 : index
        %swap3A_585 = tpu.vector_load %arg15[%swap3A_583, %swap3A_584] {strides = array<i32>} : memref<128x128xf32, #tpu.memory_space<vmem>>, vector<16xf32>,
        tpu.vector_store %arg15[%swap3A_583, %swap3A_584], %mul3A_582 {strides = array<i32>} : memref<128x128xf32, #tpu.memory_space<vmem>>, vector<16xf32>,
        %abs3A_586 = math.absf %mul3A_582 : vector<16xf32>
        %swap3A_587 = arith.index_cast %add3A_515 : i32 to index
        %swap3A_588 = arith.constant 80 : index
        %swap3A_589 = tpu.vector_load %arg16[%swap3A_587, %swap3A_588] {strides = array<i32>} : memref<128x128xf32, #tpu.memory_space<vmem>>, vector<16xf32>,
        tpu.vector_store %arg16[%swap3A_587, %swap3A_588], %abs3A_586 {strides = array<i32>} : memref<128x128xf32, #tpu.memory_space<vmem>>, vector<16xf32>,
        %get3A_590 = arith.index_cast %add3A_515 : i32 to index
        %get3A_591 = arith.constant 96 : index
        %get3A_592 = tpu.vector_load %arg15[%get3A_590, %get3A_591] {strides = array<i32>} : memref<128x128xf32, #tpu.memory_space<vmem>>, vector<16xf32>,
        %mul3A_593 = vector.broadcast %squeeze3A_517 : f32 to vector<16xf32>
        %mul3A_594 = arith.mulf %get3A_592, %mul3A_593 : vector<16xf32>
        %swap3A_595 = arith.index_cast %add3A_515 : i32 to index
        %swap3A_596 = arith.constant 96 : index
        %swap3A_597 = tpu.vector_load %arg15[%swap3A_595, %swap3A_596] {strides = array<i32>} : memref<128x128xf32, #tpu.memory_space<vmem>>, vector<16xf32>,
        tpu.vector_store %arg15[%swap3A_595, %swap3A_596], %mul3A_594 {strides = array<i32>} : memref<128x128xf32, #tpu.memory_space<vmem>>, vector<16xf32>,
        %abs3A_598 = math.absf %mul3A_594 : vector<16xf32>
        %swap3A_599 = arith.index_cast %add3A_515 : i32 to index
        %swap3A_600 = arith.constant 96 : index
        %swap3A_601 = tpu.vector_load %arg16[%swap3A_599, %swap3A_600] {strides = array<i32>} : memref<128x128xf32, #tpu.memory_space<vmem>>, vector<16xf32>,
        tpu.vector_store %arg16[%swap3A_599, %swap3A_600], %abs3A_598 {strides = array<i32>} : memref<128x128xf32, #tpu.memory_space<vmem>>, vector<16xf32>,
        %get3A_602 = arith.index_cast %add3A_515 : i32 to index
        %get3A_603 = arith.constant 112 : index
        %get3A_604 = tpu.vector_load %arg15[%get3A_602, %get3A_603] {strides = array<i32>} : memref<128x128xf32, #tpu.memory_space<vmem>>, vector<16xf32>,
        %mul3A_605 = vector.broadcast %squeeze3A_517 : f32 to vector<16xf32>
        %mul3A_606 = arith.mulf %get3A_604, %mul3A_605 : vector<16xf32>
        %swap3A_607 = arith.index_cast %add3A_515 : i32 to index
        %swap3A_608 = arith.constant 112 : index
        %swap3A_609 = tpu.vector_load %arg15[%swap3A_607, %swap3A_608] {strides = array<i32>} : memref<128x128xf32, #tpu.memory_space<vmem>>, vector<16xf32>,
        tpu.vector_store %arg15[%swap3A_607, %swap3A_608], %mul3A_606 {strides = array<i32>} : memref<128x128xf32, #tpu.memory_space<vmem>>, vector<16xf32>,
        %abs3A_610 = math.absf %mul3A_606 : vector<16xf32>
        %swap3A_611 = arith.index_cast %add3A_515 : i32 to index
        %swap3A_612 = arith.constant 112 : index
        %swap3A_613 = tpu.vector_load %arg16[%swap3A_611, %swap3A_612] {strides = array<i32>} : memref<128x128xf32, #tpu.memory_space<vmem>>, vector<16xf32>,
        tpu.vector_store %arg16[%swap3A_611, %swap3A_612], %abs3A_610 {strides = array<i32>} : memref<128x128xf32, #tpu.memory_space<vmem>>, vector<16xf32>,
        %mul3A_614 = arith.constant 16 : i32
        %mul3A_615 = arith.muli %scan3A_305, %mul3A_614 : i32
        %add3A_616 = arith.constant 3 : i32
        %add3A_617 = arith.addi %mul3A_615, %add3A_616 : i32
        %slice3A_618 = vector.extract_strided_slice %get3A_310 {offsets = [3], sizes = [1], strides = [1]} : vector<16xf32> to vector<1xf32>
        %squeeze3A_619 = vector.extract %slice3A_618[0] : f32 from vector<1xf32>
        %get3A_620 = arith.index_cast %add3A_617 : i32 to index
        %get3A_621 = arith.constant 0 : index
        %get3A_622 = tpu.vector_load %arg15[%get3A_620, %get3A_621] {strides = array<i32>} : memref<128x128xf32, #tpu.memory_space<vmem>>, vector<16xf32>,
        %mul3A_623 = vector.broadcast %squeeze3A_619 : f32 to vector<16xf32>
        %mul3A_624 = arith.mulf %get3A_622, %mul3A_623 : vector<16xf32>
        %swap3A_625 = arith.index_cast %add3A_617 : i32 to index
        %swap3A_626 = arith.constant 0 : index
        %swap3A_627 = tpu.vector_load %arg15[%swap3A_625, %swap3A_626] {strides = array<i32>} : memref<128x128xf32, #tpu.memory_space<vmem>>, vector<16xf32>,
        tpu.vector_store %arg15[%swap3A_625, %swap3A_626], %mul3A_624 {strides = array<i32>} : memref<128x128xf32, #tpu.memory_space<vmem>>, vector<16xf32>,
        %abs3A_628 = math.absf %mul3A_624 : vector<16xf32>
        %swap3A_629 = arith.index_cast %add3A_617 : i32 to index
        %swap3A_630 = arith.constant 0 : index
        %swap3A_631 = tpu.vector_load %arg16[%swap3A_629, %swap3A_630] {strides = array<i32>} : memref<128x128xf32, #tpu.memory_space<vmem>>, vector<16xf32>,
        tpu.vector_store %arg16[%swap3A_629, %swap3A_630], %abs3A_628 {strides = array<i32>} : memref<128x128xf32, #tpu.memory_space<vmem>>, vector<16xf32>,
        %get3A_632 = arith.index_cast %add3A_617 : i32 to index
        %get3A_633 = arith.constant 16 : index
        %get3A_634 = tpu.vector_load %arg15[%get3A_632, %get3A_633] {strides = array<i32>} : memref<128x128xf32, #tpu.memory_space<vmem>>, vector<16xf32>,
        %mul3A_635 = vector.broadcast %squeeze3A_619 : f32 to vector<16xf32>
        %mul3A_636 = arith.mulf %get3A_634, %mul3A_635 : vector<16xf32>
        %swap3A_637 = arith.index_cast %add3A_617 : i32 to index
        %swap3A_638 = arith.constant 16 : index
        %swap3A_639 = tpu.vector_load %arg15[%swap3A_637, %swap3A_638] {strides = array<i32>} : memref<128x128xf32, #tpu.memory_space<vmem>>, vector<16xf32>,
        tpu.vector_store %arg15[%swap3A_637, %swap3A_638], %mul3A_636 {strides = array<i32>} : memref<128x128xf32, #tpu.memory_space<vmem>>, vector<16xf32>,
        %abs3A_640 = math.absf %mul3A_636 : vector<16xf32>
        %swap3A_641 = arith.index_cast %add3A_617 : i32 to index
        %swap3A_642 = arith.constant 16 : index
        %swap3A_643 = tpu.vector_load %arg16[%swap3A_641, %swap3A_642] {strides = array<i32>} : memref<128x128xf32, #tpu.memory_space<vmem>>, vector<16xf32>,
        tpu.vector_store %arg16[%swap3A_641, %swap3A_642], %abs3A_640 {strides = array<i32>} : memref<128x128xf32, #tpu.memory_space<vmem>>, vector<16xf32>,
        %get3A_644 = arith.index_cast %add3A_617 : i32 to index
        %get3A_645 = arith.constant 32 : index
        %get3A_646 = tpu.vector_load %arg15[%get3A_644, %get3A_645] {strides = array<i32>} : memref<128x128xf32, #tpu.memory_space<vmem>>, vector<16xf32>,
        %mul3A_647 = vector.broadcast %squeeze3A_619 : f32 to vector<16xf32>
        %mul3A_648 = arith.mulf %get3A_646, %mul3A_647 : vector<16xf32>
        %swap3A_649 = arith.index_cast %add3A_617 : i32 to index
        %swap3A_650 = arith.constant 32 : index
        %swap3A_651 = tpu.vector_load %arg15[%swap3A_649, %swap3A_650] {strides = array<i32>} : memref<128x128xf32, #tpu.memory_space<vmem>>, vector<16xf32>,
        tpu.vector_store %arg15[%swap3A_649, %swap3A_650], %mul3A_648 {strides = array<i32>} : memref<128x128xf32, #tpu.memory_space<vmem>>, vector<16xf32>,
        %abs3A_652 = math.absf %mul3A_648 : vector<16xf32>
        %swap3A_653 = arith.index_cast %add3A_617 : i32 to index
        %swap3A_654 = arith.constant 32 : index
        %swap3A_655 = tpu.vector_load %arg16[%swap3A_653, %swap3A_654] {strides = array<i32>} : memref<128x128xf32, #tpu.memory_space<vmem>>, vector<16xf32>,
        tpu.vector_store %arg16[%swap3A_653, %swap3A_654], %abs3A_652 {strides = array<i32>} : memref<128x128xf32, #tpu.memory_space<vmem>>, vector<16xf32>,
        %get3A_656 = arith.index_cast %add3A_617 : i32 to index
        %get3A_657 = arith.constant 48 : index
        %get3A_658 = tpu.vector_load %arg15[%get3A_656, %get3A_657] {strides = array<i32>} : memref<128x128xf32, #tpu.memory_space<vmem>>, vector<16xf32>,
        %mul3A_659 = vector.broadcast %squeeze3A_619 : f32 to vector<16xf32>
        %mul3A_660 = arith.mulf %get3A_658, %mul3A_659 : vector<16xf32>
        %swap3A_661 = arith.index_cast %add3A_617 : i32 to index
        %swap3A_662 = arith.constant 48 : index
        %swap3A_663 = tpu.vector_load %arg15[%swap3A_661, %swap3A_662] {strides = array<i32>} : memref<128x128xf32, #tpu.memory_space<vmem>>, vector<16xf32>,
        tpu.vector_store %arg15[%swap3A_661, %swap3A_662], %mul3A_660 {strides = array<i32>} : memref<128x128xf32, #tpu.memory_space<vmem>>, vector<16xf32>,
        %abs3A_664 = math.absf %mul3A_660 : vector<16xf32>
        %swap3A_665 = arith.index_cast %add3A_617 : i32 to index
        %swap3A_666 = arith.constant 48 : index
        %swap3A_667 = tpu.vector_load %arg16[%swap3A_665, %swap3A_666] {strides = array<i32>} : memref<128x128xf32, #tpu.memory_space<vmem>>, vector<16xf32>,
        tpu.vector_store %arg16[%swap3A_665, %swap3A_666], %abs3A_664 {strides = array<i32>} : memref<128x128xf32, #tpu.memory_space<vmem>>, vector<16xf32>,
        %get3A_668 = arith.index_cast %add3A_617 : i32 to index
        %get3A_669 = arith.constant 64 : index
        %get3A_670 = tpu.vector_load %arg15[%get3A_668, %get3A_669] {strides = array<i32>} : memref<128x128xf32, #tpu.memory_space<vmem>>, vector<16xf32>,
        %mul3A_671 = vector.broadcast %squeeze3A_619 : f32 to vector<16xf32>
        %mul3A_672 = arith.mulf %get3A_670, %mul3A_671 : vector<16xf32>
        %swap3A_673 = arith.index_cast %add3A_617 : i32 to index
        %swap3A_674 = arith.constant 64 : index
        %swap3A_675 = tpu.vector_load %arg15[%swap3A_673, %swap3A_674] {strides = array<i32>} : memref<128x128xf32, #tpu.memory_space<vmem>>, vector<16xf32>,
        tpu.vector_store %arg15[%swap3A_673, %swap3A_674], %mul3A_672 {strides = array<i32>} : memref<128x128xf32, #tpu.memory_space<vmem>>, vector<16xf32>,
        %abs3A_676 = math.absf %mul3A_672 : vector<16xf32>
        %swap3A_677 = arith.index_cast %add3A_617 : i32 to index
        %swap3A_678 = arith.constant 64 : index
        %swap3A_679 = tpu.vector_load %arg16[%swap3A_677, %swap3A_678] {strides = array<i32>} : memref<128x128xf32, #tpu.memory_space<vmem>>, vector<16xf32>,
        tpu.vector_store %arg16[%swap3A_677, %swap3A_678], %abs3A_676 {strides = array<i32>} : memref<128x128xf32, #tpu.memory_space<vmem>>, vector<16xf32>,
        %get3A_680 = arith.index_cast %add3A_617 : i32 to index
        %get3A_681 = arith.constant 80 : index
        %get3A_682 = tpu.vector_load %arg15[%get3A_680, %get3A_681] {strides = array<i32>} : memref<128x128xf32, #tpu.memory_space<vmem>>, vector<16xf32>,
        %mul3A_683 = vector.broadcast %squeeze3A_619 : f32 to vector<16xf32>
        %mul3A_684 = arith.mulf %get3A_682, %mul3A_683 : vector<16xf32>
        %swap3A_685 = arith.index_cast %add3A_617 : i32 to index
        %swap3A_686 = arith.constant 80 : index
        %swap3A_687 = tpu.vector_load %arg15[%swap3A_685, %swap3A_686] {strides = array<i32>} : memref<128x128xf32, #tpu.memory_space<vmem>>, vector<16xf32>,
        tpu.vector_store %arg15[%swap3A_685, %swap3A_686], %mul3A_684 {strides = array<i32>} : memref<128x128xf32, #tpu.memory_space<vmem>>, vector<16xf32>,
        %abs3A_688 = math.absf %mul3A_684 : vector<16xf32>
        %swap3A_689 = arith.index_cast %add3A_617 : i32 to index
        %swap3A_690 = arith.constant 80 : index
        %swap3A_691 = tpu.vector_load %arg16[%swap3A_689, %swap3A_690] {strides = array<i32>} : memref<128x128xf32, #tpu.memory_space<vmem>>, vector<16xf32>,
        tpu.vector_store %arg16[%swap3A_689, %swap3A_690], %abs3A_688 {strides = array<i32>} : memref<128x128xf32, #tpu.memory_space<vmem>>, vector<16xf32>,
        %get3A_692 = arith.index_cast %add3A_617 : i32 to index
        %get3A_693 = arith.constant 96 : index
        %get3A_694 = tpu.vector_load %arg15[%get3A_692, %get3A_693] {strides = array<i32>} : memref<128x128xf32, #tpu.memory_space<vmem>>, vector<16xf32>,
        %mul3A_695 = vector.broadcast %squeeze3A_619 : f32 to vector<16xf32>
        %mul3A_696 = arith.mulf %get3A_694, %mul3A_695 : vector<16xf32>
        %swap3A_697 = arith.index_cast %add3A_617 : i32 to index
        %swap3A_698 = arith.constant 96 : index
        %swap3A_699 = tpu.vector_load %arg15[%swap3A_697, %swap3A_698] {strides = array<i32>} : memref<128x128xf32, #tpu.memory_space<vmem>>, vector<16xf32>,
        tpu.vector_store %arg15[%swap3A_697, %swap3A_698], %mul3A_696 {strides = array<i32>} : memref<128x128xf32, #tpu.memory_space<vmem>>, vector<16xf32>,
        %abs3A_700 = math.absf %mul3A_696 : vector<16xf32>
        %swap3A_701 = arith.index_cast %add3A_617 : i32 to index
        %swap3A_702 = arith.constant 96 : index
        %swap3A_703 = tpu.vector_load %arg16[%swap3A_701, %swap3A_702] {strides = array<i32>} : memref<128x128xf32, #tpu.memory_space<vmem>>, vector<16xf32>,
        tpu.vector_store %arg16[%swap3A_701, %swap3A_702], %abs3A_700 {strides = array<i32>} : memref<128x128xf32, #tpu.memory_space<vmem>>, vector<16xf32>,
        %get3A_704 = arith.index_cast %add3A_617 : i32 to index
        %get3A_705 = arith.constant 112 : index
        %get3A_706 = tpu.vector_load %arg15[%get3A_704, %get3A_705] {strides = array<i32>} : memref<128x128xf32, #tpu.memory_space<vmem>>, vector<16xf32>,
        %mul3A_707 = vector.broadcast %squeeze3A_619 : f32 to vector<16xf32>
        %mul3A_708 = arith.mulf %get3A_706, %mul3A_707 : vector<16xf32>
        %swap3A_709 = arith.index_cast %add3A_617 : i32 to index
        %swap3A_710 = arith.constant 112 : index
        %swap3A_711 = tpu.vector_load %arg15[%swap3A_709, %swap3A_710] {strides = array<i32>} : memref<128x128xf32, #tpu.memory_space<vmem>>, vector<16xf32>,
        tpu.vector_store %arg15[%swap3A_709, %swap3A_710], %mul3A_708 {strides = array<i32>} : memref<128x128xf32, #tpu.memory_space<vmem>>, vector<16xf32>,
        %abs3A_712 = math.absf %mul3A_708 : vector<16xf32>
        %swap3A_713 = arith.index_cast %add3A_617 : i32 to index
        %swap3A_714 = arith.constant 112 : index
        %swap3A_715 = tpu.vector_load %arg16[%swap3A_713, %swap3A_714] {strides = array<i32>} : memref<128x128xf32, #tpu.memory_space<vmem>>, vector<16xf32>,
        tpu.vector_store %arg16[%swap3A_713, %swap3A_714], %abs3A_712 {strides = array<i32>} : memref<128x128xf32, #tpu.memory_space<vmem>>, vector<16xf32>,
        %mul3A_716 = arith.constant 16 : i32
        %mul3A_717 = arith.muli %scan3A_305, %mul3A_716 : i32
        %add3A_718 = arith.constant 4 : i32
        %add3A_719 = arith.addi %mul3A_717, %add3A_718 : i32
        %slice3A_720 = vector.extract_strided_slice %get3A_310 {offsets = [4], sizes = [1], strides = [1]} : vector<16xf32> to vector<1xf32>
        %squeeze3A_721 = vector.extract %slice3A_720[0] : f32 from vector<1xf32>
        %get3A_722 = arith.index_cast %add3A_719 : i32 to index
        %get3A_723 = arith.constant 0 : index
        %get3A_724 = tpu.vector_load %arg15[%get3A_722, %get3A_723] {strides = array<i32>} : memref<128x128xf32, #tpu.memory_space<vmem>>, vector<16xf32>,
        %mul3A_725 = vector.broadcast %squeeze3A_721 : f32 to vector<16xf32>
        %mul3A_726 = arith.mulf %get3A_724, %mul3A_725 : vector<16xf32>
        %swap3A_727 = arith.index_cast %add3A_719 : i32 to index
        %swap3A_728 = arith.constant 0 : index
        %swap3A_729 = tpu.vector_load %arg15[%swap3A_727, %swap3A_728] {strides = array<i32>} : memref<128x128xf32, #tpu.memory_space<vmem>>, vector<16xf32>,
        tpu.vector_store %arg15[%swap3A_727, %swap3A_728], %mul3A_726 {strides = array<i32>} : memref<128x128xf32, #tpu.memory_space<vmem>>, vector<16xf32>,
        %abs3A_730 = math.absf %mul3A_726 : vector<16xf32>
        %swap3A_731 = arith.index_cast %add3A_719 : i32 to index
        %swap3A_732 = arith.constant 0 : index
        %swap3A_733 = tpu.vector_load %arg16[%swap3A_731, %swap3A_732] {strides = array<i32>} : memref<128x128xf32, #tpu.memory_space<vmem>>, vector<16xf32>,
        tpu.vector_store %arg16[%swap3A_731, %swap3A_732], %abs3A_730 {strides = array<i32>} : memref<128x128xf32, #tpu.memory_space<vmem>>, vector<16xf32>,
        %get3A_734 = arith.index_cast %add3A_719 : i32 to index
        %get3A_735 = arith.constant 16 : index
        %get3A_736 = tpu.vector_load %arg15[%get3A_734, %get3A_735] {strides = array<i32>} : memref<128x128xf32, #tpu.memory_space<vmem>>, vector<16xf32>,
        %mul3A_737 = vector.broadcast %squeeze3A_721 : f32 to vector<16xf32>
        %mul3A_738 = arith.mulf %get3A_736, %mul3A_737 : vector<16xf32>
        %swap3A_739 = arith.index_cast %add3A_719 : i32 to index
        %swap3A_740 = arith.constant 16 : index
        %swap3A_741 = tpu.vector_load %arg15[%swap3A_739, %swap3A_740] {strides = array<i32>} : memref<128x128xf32, #tpu.memory_space<vmem>>, vector<16xf32>,
        tpu.vector_store %arg15[%swap3A_739, %swap3A_740], %mul3A_738 {strides = array<i32>} : memref<128x128xf32, #tpu.memory_space<vmem>>, vector<16xf32>,
        %abs3A_742 = math.absf %mul3A_738 : vector<16xf32>
        %swap3A_743 = arith.index_cast %add3A_719 : i32 to index
        %swap3A_744 = arith.constant 16 : index
        %swap3A_745 = tpu.vector_load %arg16[%swap3A_743, %swap3A_744] {strides = array<i32>} : memref<128x128xf32, #tpu.memory_space<vmem>>, vector<16xf32>,
        tpu.vector_store %arg16[%swap3A_743, %swap3A_744], %abs3A_742 {strides = array<i32>} : memref<128x128xf32, #tpu.memory_space<vmem>>, vector<16xf32>,
        %get3A_746 = arith.index_cast %add3A_719 : i32 to index
        %get3A_747 = arith.constant 32 : index
        %get3A_748 = tpu.vector_load %arg15[%get3A_746, %get3A_747] {strides = array<i32>} : memref<128x128xf32, #tpu.memory_space<vmem>>, vector<16xf32>,
        %mul3A_749 = vector.broadcast %squeeze3A_721 : f32 to vector<16xf32>
        %mul3A_750 = arith.mulf %get3A_748, %mul3A_749 : vector<16xf32>
        %swap3A_751 = arith.index_cast %add3A_719 : i32 to index
        %swap3A_752 = arith.constant 32 : index
        %swap3A_753 = tpu.vector_load %arg15[%swap3A_751, %swap3A_752] {strides = array<i32>} : memref<128x128xf32, #tpu.memory_space<vmem>>, vector<16xf32>,
        tpu.vector_store %arg15[%swap3A_751, %swap3A_752], %mul3A_750 {strides = array<i32>} : memref<128x128xf32, #tpu.memory_space<vmem>>, vector<16xf32>,
        %abs3A_754 = math.absf %mul3A_750 : vector<16xf32>
        %swap3A_755 = arith.index_cast %add3A_719 : i32 to index
        %swap3A_756 = arith.constant 32 : index
        %swap3A_757 = tpu.vector_load %arg16[%swap3A_755, %swap3A_756] {strides = array<i32>} : memref<128x128xf32, #tpu.memory_space<vmem>>, vector<16xf32>,
        tpu.vector_store %arg16[%swap3A_755, %swap3A_756], %abs3A_754 {strides = array<i32>} : memref<128x128xf32, #tpu.memory_space<vmem>>, vector<16xf32>,
        %get3A_758 = arith.index_cast %add3A_719 : i32 to index
        %get3A_759 = arith.constant 48 : index
        %get3A_760 = tpu.vector_load %arg15[%get3A_758, %get3A_759] {strides = array<i32>} : memref<128x128xf32, #tpu.memory_space<vmem>>, vector<16xf32>,
        %mul3A_761 = vector.broadcast %squeeze3A_721 : f32 to vector<16xf32>
        %mul3A_762 = arith.mulf %get3A_760, %mul3A_761 : vector<16xf32>
        %swap3A_763 = arith.index_cast %add3A_719 : i32 to index
        %swap3A_764 = arith.constant 48 : index
        %swap3A_765 = tpu.vector_load %arg15[%swap3A_763, %swap3A_764] {strides = array<i32>} : memref<128x128xf32, #tpu.memory_space<vmem>>, vector<16xf32>,
        tpu.vector_store %arg15[%swap3A_763, %swap3A_764], %mul3A_762 {strides = array<i32>} : memref<128x128xf32, #tpu.memory_space<vmem>>, vector<16xf32>,
        %abs3A_766 = math.absf %mul3A_762 : vector<16xf32>
        %swap3A_767 = arith.index_cast %add3A_719 : i32 to index
        %swap3A_768 = arith.constant 48 : index
        %swap3A_769 = tpu.vector_load %arg16[%swap3A_767, %swap3A_768] {strides = array<i32>} : memref<128x128xf32, #tpu.memory_space<vmem>>, vector<16xf32>,
        tpu.vector_store %arg16[%swap3A_767, %swap3A_768], %abs3A_766 {strides = array<i32>} : memref<128x128xf32, #tpu.memory_space<vmem>>, vector<16xf32>,
        %get3A_770 = arith.index_cast %add3A_719 : i32 to index
        %get3A_771 = arith.constant 64 : index
        %get3A_772 = tpu.vector_load %arg15[%get3A_770, %get3A_771] {strides = array<i32>} : memref<128x128xf32, #tpu.memory_space<vmem>>, vector<16xf32>,
        %mul3A_773 = vector.broadcast %squeeze3A_721 : f32 to vector<16xf32>
        %mul3A_774 = arith.mulf %get3A_772, %mul3A_773 : vector<16xf32>
        %swap3A_775 = arith.index_cast %add3A_719 : i32 to index
        %swap3A_776 = arith.constant 64 : index
        %swap3A_777 = tpu.vector_load %arg15[%swap3A_775, %swap3A_776] {strides = array<i32>} : memref<128x128xf32, #tpu.memory_space<vmem>>, vector<16xf32>,
        tpu.vector_store %arg15[%swap3A_775, %swap3A_776], %mul3A_774 {strides = array<i32>} : memref<128x128xf32, #tpu.memory_space<vmem>>, vector<16xf32>,
        %abs3A_778 = math.absf %mul3A_774 : vector<16xf32>
        %swap3A_779 = arith.index_cast %add3A_719 : i32 to index
        %swap3A_780 = arith.constant 64 : index
        %swap3A_781 = tpu.vector_load %arg16[%swap3A_779, %swap3A_780] {strides = array<i32>} : memref<128x128xf32, #tpu.memory_space<vmem>>, vector<16xf32>,
        tpu.vector_store %arg16[%swap3A_779, %swap3A_780], %abs3A_778 {strides = array<i32>} : memref<128x128xf32, #tpu.memory_space<vmem>>, vector<16xf32>,
        %get3A_782 = arith.index_cast %add3A_719 : i32 to index
        %get3A_783 = arith.constant 80 : index
        %get3A_784 = tpu.vector_load %arg15[%get3A_782, %get3A_783] {strides = array<i32>} : memref<128x128xf32, #tpu.memory_space<vmem>>, vector<16xf32>,
        %mul3A_785 = vector.broadcast %squeeze3A_721 : f32 to vector<16xf32>
        %mul3A_786 = arith.mulf %get3A_784, %mul3A_785 : vector<16xf32>
        %swap3A_787 = arith.index_cast %add3A_719 : i32 to index
        %swap3A_788 = arith.constant 80 : index
        %swap3A_789 = tpu.vector_load %arg15[%swap3A_787, %swap3A_788] {strides = array<i32>} : memref<128x128xf32, #tpu.memory_space<vmem>>, vector<16xf32>,
        tpu.vector_store %arg15[%swap3A_787, %swap3A_788], %mul3A_786 {strides = array<i32>} : memref<128x128xf32, #tpu.memory_space<vmem>>, vector<16xf32>,
        %abs3A_790 = math.absf %mul3A_786 : vector<16xf32>
        %swap3A_791 = arith.index_cast %add3A_719 : i32 to index
        %swap3A_792 = arith.constant 80 : index
        %swap3A_793 = tpu.vector_load %arg16[%swap3A_791, %swap3A_792] {strides = array<i32>} : memref<128x128xf32, #tpu.memory_space<vmem>>, vector<16xf32>,
        tpu.vector_store %arg16[%swap3A_791, %swap3A_792], %abs3A_790 {strides = array<i32>} : memref<128x128xf32, #tpu.memory_space<vmem>>, vector<16xf32>,
        %get3A_794 = arith.index_cast %add3A_719 : i32 to index
        %get3A_795 = arith.constant 96 : index
        %get3A_796 = tpu.vector_load %arg15[%get3A_794, %get3A_795] {strides = array<i32>} : memref<128x128xf32, #tpu.memory_space<vmem>>, vector<16xf32>,
        %mul3A_797 = vector.broadcast %squeeze3A_721 : f32 to vector<16xf32>
        %mul3A_798 = arith.mulf %get3A_796, %mul3A_797 : vector<16xf32>
        %swap3A_799 = arith.index_cast %add3A_719 : i32 to index
        %swap3A_800 = arith.constant 96 : index
        %swap3A_801 = tpu.vector_load %arg15[%swap3A_799, %swap3A_800] {strides = array<i32>} : memref<128x128xf32, #tpu.memory_space<vmem>>, vector<16xf32>,
        tpu.vector_store %arg15[%swap3A_799, %swap3A_800], %mul3A_798 {strides = array<i32>} : memref<128x128xf32, #tpu.memory_space<vmem>>, vector<16xf32>,
        %abs3A_802 = math.absf %mul3A_798 : vector<16xf32>
        %swap3A_803 = arith.index_cast %add3A_719 : i32 to index
        %swap3A_804 = arith.constant 96 : index
        %swap3A_805 = tpu.vector_load %arg16[%swap3A_803, %swap3A_804] {strides = array<i32>} : memref<128x128xf32, #tpu.memory_space<vmem>>, vector<16xf32>,
        tpu.vector_store %arg16[%swap3A_803, %swap3A_804], %abs3A_802 {strides = array<i32>} : memref<128x128xf32, #tpu.memory_space<vmem>>, vector<16xf32>,
        %get3A_806 = arith.index_cast %add3A_719 : i32 to index
        %get3A_807 = arith.constant 112 : index
        %get3A_808 = tpu.vector_load %arg15[%get3A_806, %get3A_807] {strides = array<i32>} : memref<128x128xf32, #tpu.memory_space<vmem>>, vector<16xf32>,
        %mul3A_809 = vector.broadcast %squeeze3A_721 : f32 to vector<16xf32>
        %mul3A_810 = arith.mulf %get3A_808, %mul3A_809 : vector<16xf32>
        %swap3A_811 = arith.index_cast %add3A_719 : i32 to index
        %swap3A_812 = arith.constant 112 : index
        %swap3A_813 = tpu.vector_load %arg15[%swap3A_811, %swap3A_812] {strides = array<i32>} : memref<128x128xf32, #tpu.memory_space<vmem>>, vector<16xf32>,
        tpu.vector_store %arg15[%swap3A_811, %swap3A_812], %mul3A_810 {strides = array<i32>} : memref<128x128xf32, #tpu.memory_space<vmem>>, vector<16xf32>,
        %abs3A_814 = math.absf %mul3A_810 : vector<16xf32>
        %swap3A_815 = arith.index_cast %add3A_719 : i32 to index
        %swap3A_816 = arith.constant 112 : index
        %swap3A_817 = tpu.vector_load %arg16[%swap3A_815, %swap3A_816] {strides = array<i32>} : memref<128x128xf32, #tpu.memory_space<vmem>>, vector<16xf32>,
        tpu.vector_store %arg16[%swap3A_815, %swap3A_816], %abs3A_814 {strides = array<i32>} : memref<128x128xf32, #tpu.memory_space<vmem>>, vector<16xf32>,
        %mul3A_818 = arith.constant 16 : i32
        %mul3A_819 = arith.muli %scan3A_305, %mul3A_818 : i32
        %add3A_820 = arith.constant 5 : i32
        %add3A_821 = arith.addi %mul3A_819, %add3A_820 : i32
        %slice3A_822 = vector.extract_strided_slice %get3A_310 {offsets = [5], sizes = [1], strides = [1]} : vector<16xf32> to vector<1xf32>
        %squeeze3A_823 = vector.extract %slice3A_822[0] : f32 from vector<1xf32>
        %get3A_824 = arith.index_cast %add3A_821 : i32 to index
        %get3A_825 = arith.constant 0 : index
        %get3A_826 = tpu.vector_load %arg15[%get3A_824, %get3A_825] {strides = array<i32>} : memref<128x128xf32, #tpu.memory_space<vmem>>, vector<16xf32>,
        %mul3A_827 = vector.broadcast %squeeze3A_823 : f32 to vector<16xf32>
        %mul3A_828 = arith.mulf %get3A_826, %mul3A_827 : vector<16xf32>
        %swap3A_829 = arith.index_cast %add3A_821 : i32 to index
        %swap3A_830 = arith.constant 0 : index
        %swap3A_831 = tpu.vector_load %arg15[%swap3A_829, %swap3A_830] {strides = array<i32>} : memref<128x128xf32, #tpu.memory_space<vmem>>, vector<16xf32>,
        tpu.vector_store %arg15[%swap3A_829, %swap3A_830], %mul3A_828 {strides = array<i32>} : memref<128x128xf32, #tpu.memory_space<vmem>>, vector<16xf32>,
        %abs3A_832 = math.absf %mul3A_828 : vector<16xf32>
        %swap3A_833 = arith.index_cast %add3A_821 : i32 to index
        %swap3A_834 = arith.constant 0 : index
        %swap3A_835 = tpu.vector_load %arg16[%swap3A_833, %swap3A_834] {strides = array<i32>} : memref<128x128xf32, #tpu.memory_space<vmem>>, vector<16xf32>,
        tpu.vector_store %arg16[%swap3A_833, %swap3A_834], %abs3A_832 {strides = array<i32>} : memref<128x128xf32, #tpu.memory_space<vmem>>, vector<16xf32>,
        %get3A_836 = arith.index_cast %add3A_821 : i32 to index
        %get3A_837 = arith.constant 16 : index
        %get3A_838 = tpu.vector_load %arg15[%get3A_836, %get3A_837] {strides = array<i32>} : memref<128x128xf32, #tpu.memory_space<vmem>>, vector<16xf32>,
        %mul3A_839 = vector.broadcast %squeeze3A_823 : f32 to vector<16xf32>
        %mul3A_840 = arith.mulf %get3A_838, %mul3A_839 : vector<16xf32>
        %swap3A_841 = arith.index_cast %add3A_821 : i32 to index
        %swap3A_842 = arith.constant 16 : index
        %swap3A_843 = tpu.vector_load %arg15[%swap3A_841, %swap3A_842] {strides = array<i32>} : memref<128x128xf32, #tpu.memory_space<vmem>>, vector<16xf32>,
        tpu.vector_store %arg15[%swap3A_841, %swap3A_842], %mul3A_840 {strides = array<i32>} : memref<128x128xf32, #tpu.memory_space<vmem>>, vector<16xf32>,
        %abs3A_844 = math.absf %mul3A_840 : vector<16xf32>
        %swap3A_845 = arith.index_cast %add3A_821 : i32 to index
        %swap3A_846 = arith.constant 16 : index
        %swap3A_847 = tpu.vector_load %arg16[%swap3A_845, %swap3A_846] {strides = array<i32>} : memref<128x128xf32, #tpu.memory_space<vmem>>, vector<16xf32>,
        tpu.vector_store %arg16[%swap3A_845, %swap3A_846], %abs3A_844 {strides = array<i32>} : memref<128x128xf32, #tpu.memory_space<vmem>>, vector<16xf32>,
        %get3A_848 = arith.index_cast %add3A_821 : i32 to index
        %get3A_849 = arith.constant 32 : index
        %get3A_850 = tpu.vector_load %arg15[%get3A_848, %get3A_849] {strides = array<i32>} : memref<128x128xf32, #tpu.memory_space<vmem>>, vector<16xf32>,
        %mul3A_851 = vector.broadcast %squeeze3A_823 : f32 to vector<16xf32>
        %mul3A_852 = arith.mulf %get3A_850, %mul3A_851 : vector<16xf32>
        %swap3A_853 = arith.index_cast %add3A_821 : i32 to index
        %swap3A_854 = arith.constant 32 : index
        %swap3A_855 = tpu.vector_load %arg15[%swap3A_853, %swap3A_854] {strides = array<i32>} : memref<128x128xf32, #tpu.memory_space<vmem>>, vector<16xf32>,
        tpu.vector_store %arg15[%swap3A_853, %swap3A_854], %mul3A_852 {strides = array<i32>} : memref<128x128xf32, #tpu.memory_space<vmem>>, vector<16xf32>,
        %abs3A_856 = math.absf %mul3A_852 : vector<16xf32>
        %swap3A_857 = arith.index_cast %add3A_821 : i32 to index
        %swap3A_858 = arith.constant 32 : index
        %swap3A_859 = tpu.vector_load %arg16[%swap3A_857, %swap3A_858] {strides = array<i32>} : memref<128x128xf32, #tpu.memory_space<vmem>>, vector<16xf32>,
        tpu.vector_store %arg16[%swap3A_857, %swap3A_858], %abs3A_856 {strides = array<i32>} : memref<128x128xf32, #tpu.memory_space<vmem>>, vector<16xf32>,
        %get3A_860 = arith.index_cast %add3A_821 : i32 to index
        %get3A_861 = arith.constant 48 : index
        %get3A_862 = tpu.vector_load %arg15[%get3A_860, %get3A_861] {strides = array<i32>} : memref<128x128xf32, #tpu.memory_space<vmem>>, vector<16xf32>,
        %mul3A_863 = vector.broadcast %squeeze3A_823 : f32 to vector<16xf32>
        %mul3A_864 = arith.mulf %get3A_862, %mul3A_863 : vector<16xf32>
        %swap3A_865 = arith.index_cast %add3A_821 : i32 to index
        %swap3A_866 = arith.constant 48 : index
        %swap3A_867 = tpu.vector_load %arg15[%swap3A_865, %swap3A_866] {strides = array<i32>} : memref<128x128xf32, #tpu.memory_space<vmem>>, vector<16xf32>,
        tpu.vector_store %arg15[%swap3A_865, %swap3A_866], %mul3A_864 {strides = array<i32>} : memref<128x128xf32, #tpu.memory_space<vmem>>, vector<16xf32>,
        %abs3A_868 = math.absf %mul3A_864 : vector<16xf32>
        %swap3A_869 = arith.index_cast %add3A_821 : i32 to index
        %swap3A_870 = arith.constant 48 : index
        %swap3A_871 = tpu.vector_load %arg16[%swap3A_869, %swap3A_870] {strides = array<i32>} : memref<128x128xf32, #tpu.memory_space<vmem>>, vector<16xf32>,
        tpu.vector_store %arg16[%swap3A_869, %swap3A_870], %abs3A_868 {strides = array<i32>} : memref<128x128xf32, #tpu.memory_space<vmem>>, vector<16xf32>,
        %get3A_872 = arith.index_cast %add3A_821 : i32 to index
        %get3A_873 = arith.constant 64 : index
        %get3A_874 = tpu.vector_load %arg15[%get3A_872, %get3A_873] {strides = array<i32>} : memref<128x128xf32, #tpu.memory_space<vmem>>, vector<16xf32>,
        %mul3A_875 = vector.broadcast %squeeze3A_823 : f32 to vector<16xf32>
        %mul3A_876 = arith.mulf %get3A_874, %mul3A_875 : vector<16xf32>
        %swap3A_877 = arith.index_cast %add3A_821 : i32 to index
        %swap3A_878 = arith.constant 64 : index
        %swap3A_879 = tpu.vector_load %arg15[%swap3A_877, %swap3A_878] {strides = array<i32>} : memref<128x128xf32, #tpu.memory_space<vmem>>, vector<16xf32>,
        tpu.vector_store %arg15[%swap3A_877, %swap3A_878], %mul3A_876 {strides = array<i32>} : memref<128x128xf32, #tpu.memory_space<vmem>>, vector<16xf32>,
        %abs3A_880 = math.absf %mul3A_876 : vector<16xf32>
        %swap3A_881 = arith.index_cast %add3A_821 : i32 to index
        %swap3A_882 = arith.constant 64 : index
        %swap3A_883 = tpu.vector_load %arg16[%swap3A_881, %swap3A_882] {strides = array<i32>} : memref<128x128xf32, #tpu.memory_space<vmem>>, vector<16xf32>,
        tpu.vector_store %arg16[%swap3A_881, %swap3A_882], %abs3A_880 {strides = array<i32>} : memref<128x128xf32, #tpu.memory_space<vmem>>, vector<16xf32>,
        %get3A_884 = arith.index_cast %add3A_821 : i32 to index
        %get3A_885 = arith.constant 80 : index
        %get3A_886 = tpu.vector_load %arg15[%get3A_884, %get3A_885] {strides = array<i32>} : memref<128x128xf32, #tpu.memory_space<vmem>>, vector<16xf32>,
        %mul3A_887 = vector.broadcast %squeeze3A_823 : f32 to vector<16xf32>
        %mul3A_888 = arith.mulf %get3A_886, %mul3A_887 : vector<16xf32>
        %swap3A_889 = arith.index_cast %add3A_821 : i32 to index
        %swap3A_890 = arith.constant 80 : index
        %swap3A_891 = tpu.vector_load %arg15[%swap3A_889, %swap3A_890] {strides = array<i32>} : memref<128x128xf32, #tpu.memory_space<vmem>>, vector<16xf32>,
        tpu.vector_store %arg15[%swap3A_889, %swap3A_890], %mul3A_888 {strides = array<i32>} : memref<128x128xf32, #tpu.memory_space<vmem>>, vector<16xf32>,
        %abs3A_892 = math.absf %mul3A_888 : vector<16xf32>
        %swap3A_893 = arith.index_cast %add3A_821 : i32 to index
        %swap3A_894 = arith.constant 80 : index
        %swap3A_895 = tpu.vector_load %arg16[%swap3A_893, %swap3A_894] {strides = array<i32>} : memref<128x128xf32, #tpu.memory_space<vmem>>, vector<16xf32>,
        tpu.vector_store %arg16[%swap3A_893, %swap3A_894], %abs3A_892 {strides = array<i32>} : memref<128x128xf32, #tpu.memory_space<vmem>>, vector<16xf32>,
        %get3A_896 = arith.index_cast %add3A_821 : i32 to index
        %get3A_897 = arith.constant 96 : index
        %get3A_898 = tpu.vector_load %arg15[%get3A_896, %get3A_897] {strides = array<i32>} : memref<128x128xf32, #tpu.memory_space<vmem>>, vector<16xf32>,
        %mul3A_899 = vector.broadcast %squeeze3A_823 : f32 to vector<16xf32>
        %mul3A_900 = arith.mulf %get3A_898, %mul3A_899 : vector<16xf32>
        %swap3A_901 = arith.index_cast %add3A_821 : i32 to index
        %swap3A_902 = arith.constant 96 : index
        %swap3A_903 = tpu.vector_load %arg15[%swap3A_901, %swap3A_902] {strides = array<i32>} : memref<128x128xf32, #tpu.memory_space<vmem>>, vector<16xf32>,
        tpu.vector_store %arg15[%swap3A_901, %swap3A_902], %mul3A_900 {strides = array<i32>} : memref<128x128xf32, #tpu.memory_space<vmem>>, vector<16xf32>,
        %abs3A_904 = math.absf %mul3A_900 : vector<16xf32>
        %swap3A_905 = arith.index_cast %add3A_821 : i32 to index
        %swap3A_906 = arith.constant 96 : index
        %swap3A_907 = tpu.vector_load %arg16[%swap3A_905, %swap3A_906] {strides = array<i32>} : memref<128x128xf32, #tpu.memory_space<vmem>>, vector<16xf32>,
        tpu.vector_store %arg16[%swap3A_905, %swap3A_906], %abs3A_904 {strides = array<i32>} : memref<128x128xf32, #tpu.memory_space<vmem>>, vector<16xf32>,
        %get3A_908 = arith.index_cast %add3A_821 : i32 to index
        %get3A_909 = arith.constant 112 : index
        %get3A_910 = tpu.vector_load %arg15[%get3A_908, %get3A_909] {strides = array<i32>} : memref<128x128xf32, #tpu.memory_space<vmem>>, vector<16xf32>,
        %mul3A_911 = vector.broadcast %squeeze3A_823 : f32 to vector<16xf32>
        %mul3A_912 = arith.mulf %get3A_910, %mul3A_911 : vector<16xf32>
        %swap3A_913 = arith.index_cast %add3A_821 : i32 to index
        %swap3A_914 = arith.constant 112 : index
        %swap3A_915 = tpu.vector_load %arg15[%swap3A_913, %swap3A_914] {strides = array<i32>} : memref<128x128xf32, #tpu.memory_space<vmem>>, vector<16xf32>,
        tpu.vector_store %arg15[%swap3A_913, %swap3A_914], %mul3A_912 {strides = array<i32>} : memref<128x128xf32, #tpu.memory_space<vmem>>, vector<16xf32>,
        %abs3A_916 = math.absf %mul3A_912 : vector<16xf32>
        %swap3A_917 = arith.index_cast %add3A_821 : i32 to index
        %swap3A_918 = arith.constant 112 : index
        %swap3A_919 = tpu.vector_load %arg16[%swap3A_917, %swap3A_918] {strides = array<i32>} : memref<128x128xf32, #tpu.memory_space<vmem>>, vector<16xf32>,
        tpu.vector_store %arg16[%swap3A_917, %swap3A_918], %abs3A_916 {strides = array<i32>} : memref<128x128xf32, #tpu.memory_space<vmem>>, vector<16xf32>,
        %mul3A_920 = arith.constant 16 : i32
        %mul3A_921 = arith.muli %scan3A_305, %mul3A_920 : i32
        %add3A_922 = arith.constant 6 : i32
        %add3A_923 = arith.addi %mul3A_921, %add3A_922 : i32
        %slice3A_924 = vector.extract_strided_slice %get3A_310 {offsets = [6], sizes = [1], strides = [1]} : vector<16xf32> to vector<1xf32>
        %squeeze3A_925 = vector.extract %slice3A_924[0] : f32 from vector<1xf32>
        %get3A_926 = arith.index_cast %add3A_923 : i32 to index
        %get3A_927 = arith.constant 0 : index
        %get3A_928 = tpu.vector_load %arg15[%get3A_926, %get3A_927] {strides = array<i32>} : memref<128x128xf32, #tpu.memory_space<vmem>>, vector<16xf32>,
        %mul3A_929 = vector.broadcast %squeeze3A_925 : f32 to vector<16xf32>
        %mul3A_930 = arith.mulf %get3A_928, %mul3A_929 : vector<16xf32>
        %swap3A_931 = arith.index_cast %add3A_923 : i32 to index
        %swap3A_932 = arith.constant 0 : index
        %swap3A_933 = tpu.vector_load %arg15[%swap3A_931, %swap3A_932] {strides = array<i32>} : memref<128x128xf32, #tpu.memory_space<vmem>>, vector<16xf32>,
        tpu.vector_store %arg15[%swap3A_931, %swap3A_932], %mul3A_930 {strides = array<i32>} : memref<128x128xf32, #tpu.memory_space<vmem>>, vector<16xf32>,
        %abs3A_934 = math.absf %mul3A_930 : vector<16xf32>
        %swap3A_935 = arith.index_cast %add3A_923 : i32 to index
        %swap3A_936 = arith.constant 0 : index
        %swap3A_937 = tpu.vector_load %arg16[%swap3A_935, %swap3A_936] {strides = array<i32>} : memref<128x128xf32, #tpu.memory_space<vmem>>, vector<16xf32>,
        tpu.vector_store %arg16[%swap3A_935, %swap3A_936], %abs3A_934 {strides = array<i32>} : memref<128x128xf32, #tpu.memory_space<vmem>>, vector<16xf32>,
        %get3A_938 = arith.index_cast %add3A_923 : i32 to index
        %get3A_939 = arith.constant 16 : index
        %get3A_940 = tpu.vector_load %arg15[%get3A_938, %get3A_939] {strides = array<i32>} : memref<128x128xf32, #tpu.memory_space<vmem>>, vector<16xf32>,
        %mul3A_941 = vector.broadcast %squeeze3A_925 : f32 to vector<16xf32>
        %mul3A_942 = arith.mulf %get3A_940, %mul3A_941 : vector<16xf32>
        %swap3A_943 = arith.index_cast %add3A_923 : i32 to index
        %swap3A_944 = arith.constant 16 : index
        %swap3A_945 = tpu.vector_load %arg15[%swap3A_943, %swap3A_944] {strides = array<i32>} : memref<128x128xf32, #tpu.memory_space<vmem>>, vector<16xf32>,
        tpu.vector_store %arg15[%swap3A_943, %swap3A_944], %mul3A_942 {strides = array<i32>} : memref<128x128xf32, #tpu.memory_space<vmem>>, vector<16xf32>,
        %abs3A_946 = math.absf %mul3A_942 : vector<16xf32>
        %swap3A_947 = arith.index_cast %add3A_923 : i32 to index
        %swap3A_948 = arith.constant 16 : index
        %swap3A_949 = tpu.vector_load %arg16[%swap3A_947, %swap3A_948] {strides = array<i32>} : memref<128x128xf32, #tpu.memory_space<vmem>>, vector<16xf32>,
        tpu.vector_store %arg16[%swap3A_947, %swap3A_948], %abs3A_946 {strides = array<i32>} : memref<128x128xf32, #tpu.memory_space<vmem>>, vector<16xf32>,
        %get3A_950 = arith.index_cast %add3A_923 : i32 to index
        %get3A_951 = arith.constant 32 : index
        %get3A_952 = tpu.vector_load %arg15[%get3A_950, %get3A_951] {strides = array<i32>} : memref<128x128xf32, #tpu.memory_space<vmem>>, vector<16xf32>,
        %mul3A_953 = vector.broadcast %squeeze3A_925 : f32 to vector<16xf32>
        %mul3A_954 = arith.mulf %get3A_952, %mul3A_953 : vector<16xf32>
        %swap3A_955 = arith.index_cast %add3A_923 : i32 to index
        %swap3A_956 = arith.constant 32 : index
        %swap3A_957 = tpu.vector_load %arg15[%swap3A_955, %swap3A_956] {strides = array<i32>} : memref<128x128xf32, #tpu.memory_space<vmem>>, vector<16xf32>,
        tpu.vector_store %arg15[%swap3A_955, %swap3A_956], %mul3A_954 {strides = array<i32>} : memref<128x128xf32, #tpu.memory_space<vmem>>, vector<16xf32>,
        %abs3A_958 = math.absf %mul3A_954 : vector<16xf32>
        %swap3A_959 = arith.index_cast %add3A_923 : i32 to index
        %swap3A_960 = arith.constant 32 : index
        %swap3A_961 = tpu.vector_load %arg16[%swap3A_959, %swap3A_960] {strides = array<i32>} : memref<128x128xf32, #tpu.memory_space<vmem>>, vector<16xf32>,
        tpu.vector_store %arg16[%swap3A_959, %swap3A_960], %abs3A_958 {strides = array<i32>} : memref<128x128xf32, #tpu.memory_space<vmem>>, vector<16xf32>,
        %get3A_962 = arith.index_cast %add3A_923 : i32 to index
        %get3A_963 = arith.constant 48 : index
        %get3A_964 = tpu.vector_load %arg15[%get3A_962, %get3A_963] {strides = array<i32>} : memref<128x128xf32, #tpu.memory_space<vmem>>, vector<16xf32>,
        %mul3A_965 = vector.broadcast %squeeze3A_925 : f32 to vector<16xf32>
        %mul3A_966 = arith.mulf %get3A_964, %mul3A_965 : vector<16xf32>
        %swap3A_967 = arith.index_cast %add3A_923 : i32 to index
        %swap3A_968 = arith.constant 48 : index
        %swap3A_969 = tpu.vector_load %arg15[%swap3A_967, %swap3A_968] {strides = array<i32>} : memref<128x128xf32, #tpu.memory_space<vmem>>, vector<16xf32>,
        tpu.vector_store %arg15[%swap3A_967, %swap3A_968], %mul3A_966 {strides = array<i32>} : memref<128x128xf32, #tpu.memory_space<vmem>>, vector<16xf32>,
        %abs3A_970 = math.absf %mul3A_966 : vector<16xf32>
        %swap3A_971 = arith.index_cast %add3A_923 : i32 to index
        %swap3A_972 = arith.constant 48 : index
        %swap3A_973 = tpu.vector_load %arg16[%swap3A_971, %swap3A_972] {strides = array<i32>} : memref<128x128xf32, #tpu.memory_space<vmem>>, vector<16xf32>,
        tpu.vector_store %arg16[%swap3A_971, %swap3A_972], %abs3A_970 {strides = array<i32>} : memref<128x128xf32, #tpu.memory_space<vmem>>, vector<16xf32>,
        %get3A_974 = arith.index_cast %add3A_923 : i32 to index
        %get3A_975 = arith.constant 64 : index
        %get3A_976 = tpu.vector_load %arg15[%get3A_974, %get3A_975] {strides = array<i32>} : memref<128x128xf32, #tpu.memory_space<vmem>>, vector<16xf32>,
        %mul3A_977 = vector.broadcast %squeeze3A_925 : f32 to vector<16xf32>
        %mul3A_978 = arith.mulf %get3A_976, %mul3A_977 : vector<16xf32>
        %swap3A_979 = arith.index_cast %add3A_923 : i32 to index
        %swap3A_980 = arith.constant 64 : index
        %swap3A_981 = tpu.vector_load %arg15[%swap3A_979, %swap3A_980] {strides = array<i32>} : memref<128x128xf32, #tpu.memory_space<vmem>>, vector<16xf32>,
        tpu.vector_store %arg15[%swap3A_979, %swap3A_980], %mul3A_978 {strides = array<i32>} : memref<128x128xf32, #tpu.memory_space<vmem>>, vector<16xf32>,
        %abs3A_982 = math.absf %mul3A_978 : vector<16xf32>
        %swap3A_983 = arith.index_cast %add3A_923 : i32 to index
        %swap3A_984 = arith.constant 64 : index
        %swap3A_985 = tpu.vector_load %arg16[%swap3A_983, %swap3A_984] {strides = array<i32>} : memref<128x128xf32, #tpu.memory_space<vmem>>, vector<16xf32>,
        tpu.vector_store %arg16[%swap3A_983, %swap3A_984], %abs3A_982 {strides = array<i32>} : memref<128x128xf32, #tpu.memory_space<vmem>>, vector<16xf32>,
        %get3A_986 = arith.index_cast %add3A_923 : i32 to index
        %get3A_987 = arith.constant 80 : index
        %get3A_988 = tpu.vector_load %arg15[%get3A_986, %get3A_987] {strides = array<i32>} : memref<128x128xf32, #tpu.memory_space<vmem>>, vector<16xf32>,
        %mul3A_989 = vector.broadcast %squeeze3A_925 : f32 to vector<16xf32>
        %mul3A_990 = arith.mulf %get3A_988, %mul3A_989 : vector<16xf32>
        %swap3A_991 = arith.index_cast %add3A_923 : i32 to index
        %swap3A_992 = arith.constant 80 : index
        %swap3A_993 = tpu.vector_load %arg15[%swap3A_991, %swap3A_992] {strides = array<i32>} : memref<128x128xf32, #tpu.memory_space<vmem>>, vector<16xf32>,
        tpu.vector_store %arg15[%swap3A_991, %swap3A_992], %mul3A_990 {strides = array<i32>} : memref<128x128xf32, #tpu.memory_space<vmem>>, vector<16xf32>,
        %abs3A_994 = math.absf %mul3A_990 : vector<16xf32>
        %swap3A_995 = arith.index_cast %add3A_923 : i32 to index
        %swap3A_996 = arith.constant 80 : index
        %swap3A_997 = tpu.vector_load %arg16[%swap3A_995, %swap3A_996] {strides = array<i32>} : memref<128x128xf32, #tpu.memory_space<vmem>>, vector<16xf32>,
        tpu.vector_store %arg16[%swap3A_995, %swap3A_996], %abs3A_994 {strides = array<i32>} : memref<128x128xf32, #tpu.memory_space<vmem>>, vector<16xf32>,
        %get3A_998 = arith.index_cast %add3A_923 : i32 to index
        %get3A_999 = arith.constant 96 : index
        %get3A_1000 = tpu.vector_load %arg15[%get3A_998, %get3A_999] {strides = array<i32>} : memref<128x128xf32, #tpu.memory_space<vmem>>, vector<16xf32>,
        %mul3A_1001 = vector.broadcast %squeeze3A_925 : f32 to vector<16xf32>
        %mul3A_1002 = arith.mulf %get3A_1000, %mul3A_1001 : vector<16xf32>
        %swap3A_1003 = arith.index_cast %add3A_923 : i32 to index
        %swap3A_1004 = arith.constant 96 : index
        %swap3A_1005 = tpu.vector_load %arg15[%swap3A_1003, %swap3A_1004] {strides = array<i32>} : memref<128x128xf32, #tpu.memory_space<vmem>>, vector<16xf32>,
        tpu.vector_store %arg15[%swap3A_1003, %swap3A_1004], %mul3A_1002 {strides = array<i32>} : memref<128x128xf32, #tpu.memory_space<vmem>>, vector<16xf32>,
        %abs3A_1006 = math.absf %mul3A_1002 : vector<16xf32>
        %swap3A_1007 = arith.index_cast %add3A_923 : i32 to index
        %swap3A_1008 = arith.constant 96 : index
        %swap3A_1009 = tpu.vector_load %arg16[%swap3A_1007, %swap3A_1008] {strides = array<i32>} : memref<128x128xf32, #tpu.memory_space<vmem>>, vector<16xf32>,
        tpu.vector_store %arg16[%swap3A_1007, %swap3A_1008], %abs3A_1006 {strides = array<i32>} : memref<128x128xf32, #tpu.memory_space<vmem>>, vector<16xf32>,
        %get3A_1010 = arith.index_cast %add3A_923 : i32 to index
        %get3A_1011 = arith.constant 112 : index
        %get3A_1012 = tpu.vector_load %arg15[%get3A_1010, %get3A_1011] {strides = array<i32>} : memref<128x128xf32, #tpu.memory_space<vmem>>, vector<16xf32>,
        %mul3A_1013 = vector.broadcast %squeeze3A_925 : f32 to vector<16xf32>
        %mul3A_1014 = arith.mulf %get3A_1012, %mul3A_1013 : vector<16xf32>
        %swap3A_1015 = arith.index_cast %add3A_923 : i32 to index
        %swap3A_1016 = arith.constant 112 : index
        %swap3A_1017 = tpu.vector_load %arg15[%swap3A_1015, %swap3A_1016] {strides = array<i32>} : memref<128x128xf32, #tpu.memory_space<vmem>>, vector<16xf32>,
        tpu.vector_store %arg15[%swap3A_1015, %swap3A_1016], %mul3A_1014 {strides = array<i32>} : memref<128x128xf32, #tpu.memory_space<vmem>>, vector<16xf32>,
        %abs3A_1018 = math.absf %mul3A_1014 : vector<16xf32>
        %swap3A_1019 = arith.index_cast %add3A_923 : i32 to index
        %swap3A_1020 = arith.constant 112 : index
        %swap3A_1021 = tpu.vector_load %arg16[%swap3A_1019, %swap3A_1020] {strides = array<i32>} : memref<128x128xf32, #tpu.memory_space<vmem>>, vector<16xf32>,
        tpu.vector_store %arg16[%swap3A_1019, %swap3A_1020], %abs3A_1018 {strides = array<i32>} : memref<128x128xf32, #tpu.memory_space<vmem>>, vector<16xf32>,
        %mul3A_1022 = arith.constant 16 : i32
        %mul3A_1023 = arith.muli %scan3A_305, %mul3A_1022 : i32
        %add3A_1024 = arith.constant 7 : i32
        %add3A_1025 = arith.addi %mul3A_1023, %add3A_1024 : i32
        %slice3A_1026 = vector.extract_strided_slice %get3A_310 {offsets = [7], sizes = [1], strides = [1]} : vector<16xf32> to vector<1xf32>
        %squeeze3A_1027 = vector.extract %slice3A_1026[0] : f32 from vector<1xf32>
        %get3A_1028 = arith.index_cast %add3A_1025 : i32 to index
        %get3A_1029 = arith.constant 0 : index
        %get3A_1030 = tpu.vector_load %arg15[%get3A_1028, %get3A_1029] {strides = array<i32>} : memref<128x128xf32, #tpu.memory_space<vmem>>, vector<16xf32>,
        %mul3A_1031 = vector.broadcast %squeeze3A_1027 : f32 to vector<16xf32>
        %mul3A_1032 = arith.mulf %get3A_1030, %mul3A_1031 : vector<16xf32>
        %swap3A_1033 = arith.index_cast %add3A_1025 : i32 to index
        %swap3A_1034 = arith.constant 0 : index
        %swap3A_1035 = tpu.vector_load %arg15[%swap3A_1033, %swap3A_1034] {strides = array<i32>} : memref<128x128xf32, #tpu.memory_space<vmem>>, vector<16xf32>,
        tpu.vector_store %arg15[%swap3A_1033, %swap3A_1034], %mul3A_1032 {strides = array<i32>} : memref<128x128xf32, #tpu.memory_space<vmem>>, vector<16xf32>,
        %abs3A_1036 = math.absf %mul3A_1032 : vector<16xf32>
        %swap3A_1037 = arith.index_cast %add3A_1025 : i32 to index
        %swap3A_1038 = arith.constant 0 : index
        %swap3A_1039 = tpu.vector_load %arg16[%swap3A_1037, %swap3A_1038] {strides = array<i32>} : memref<128x128xf32, #tpu.memory_space<vmem>>, vector<16xf32>,
        tpu.vector_store %arg16[%swap3A_1037, %swap3A_1038], %abs3A_1036 {strides = array<i32>} : memref<128x128xf32, #tpu.memory_space<vmem>>, vector<16xf32>,
        %get3A_1040 = arith.index_cast %add3A_1025 : i32 to index
        %get3A_1041 = arith.constant 16 : index
        %get3A_1042 = tpu.vector_load %arg15[%get3A_1040, %get3A_1041] {strides = array<i32>} : memref<128x128xf32, #tpu.memory_space<vmem>>, vector<16xf32>,
        %mul3A_1043 = vector.broadcast %squeeze3A_1027 : f32 to vector<16xf32>
        %mul3A_1044 = arith.mulf %get3A_1042, %mul3A_1043 : vector<16xf32>
        %swap3A_1045 = arith.index_cast %add3A_1025 : i32 to index
        %swap3A_1046 = arith.constant 16 : index
        %swap3A_1047 = tpu.vector_load %arg15[%swap3A_1045, %swap3A_1046] {strides = array<i32>} : memref<128x128xf32, #tpu.memory_space<vmem>>, vector<16xf32>,
        tpu.vector_store %arg15[%swap3A_1045, %swap3A_1046], %mul3A_1044 {strides = array<i32>} : memref<128x128xf32, #tpu.memory_space<vmem>>, vector<16xf32>,
        %abs3A_1048 = math.absf %mul3A_1044 : vector<16xf32>
        %swap3A_1049 = arith.index_cast %add3A_1025 : i32 to index
        %swap3A_1050 = arith.constant 16 : index
        %swap3A_1051 = tpu.vector_load %arg16[%swap3A_1049, %swap3A_1050] {strides = array<i32>} : memref<128x128xf32, #tpu.memory_space<vmem>>, vector<16xf32>,
        tpu.vector_store %arg16[%swap3A_1049, %swap3A_1050], %abs3A_1048 {strides = array<i32>} : memref<128x128xf32, #tpu.memory_space<vmem>>, vector<16xf32>,
        %get3A_1052 = arith.index_cast %add3A_1025 : i32 to index
        %get3A_1053 = arith.constant 32 : index
        %get3A_1054 = tpu.vector_load %arg15[%get3A_1052, %get3A_1053] {strides = array<i32>} : memref<128x128xf32, #tpu.memory_space<vmem>>, vector<16xf32>,
        %mul3A_1055 = vector.broadcast %squeeze3A_1027 : f32 to vector<16xf32>
        %mul3A_1056 = arith.mulf %get3A_1054, %mul3A_1055 : vector<16xf32>
        %swap3A_1057 = arith.index_cast %add3A_1025 : i32 to index
        %swap3A_1058 = arith.constant 32 : index
        %swap3A_1059 = tpu.vector_load %arg15[%swap3A_1057, %swap3A_1058] {strides = array<i32>} : memref<128x128xf32, #tpu.memory_space<vmem>>, vector<16xf32>,
        tpu.vector_store %arg15[%swap3A_1057, %swap3A_1058], %mul3A_1056 {strides = array<i32>} : memref<128x128xf32, #tpu.memory_space<vmem>>, vector<16xf32>,
        %abs3A_1060 = math.absf %mul3A_1056 : vector<16xf32>
        %swap3A_1061 = arith.index_cast %add3A_1025 : i32 to index
        %swap3A_1062 = arith.constant 32 : index
        %swap3A_1063 = tpu.vector_load %arg16[%swap3A_1061, %swap3A_1062] {strides = array<i32>} : memref<128x128xf32, #tpu.memory_space<vmem>>, vector<16xf32>,
        tpu.vector_store %arg16[%swap3A_1061, %swap3A_1062], %abs3A_1060 {strides = array<i32>} : memref<128x128xf32, #tpu.memory_space<vmem>>, vector<16xf32>,
        %get3A_1064 = arith.index_cast %add3A_1025 : i32 to index
        %get3A_1065 = arith.constant 48 : index
        %get3A_1066 = tpu.vector_load %arg15[%get3A_1064, %get3A_1065] {strides = array<i32>} : memref<128x128xf32, #tpu.memory_space<vmem>>, vector<16xf32>,
        %mul3A_1067 = vector.broadcast %squeeze3A_1027 : f32 to vector<16xf32>
        %mul3A_1068 = arith.mulf %get3A_1066, %mul3A_1067 : vector<16xf32>
        %swap3A_1069 = arith.index_cast %add3A_1025 : i32 to index
        %swap3A_1070 = arith.constant 48 : index
        %swap3A_1071 = tpu.vector_load %arg15[%swap3A_1069, %swap3A_1070] {strides = array<i32>} : memref<128x128xf32, #tpu.memory_space<vmem>>, vector<16xf32>,
        tpu.vector_store %arg15[%swap3A_1069, %swap3A_1070], %mul3A_1068 {strides = array<i32>} : memref<128x128xf32, #tpu.memory_space<vmem>>, vector<16xf32>,
        %abs3A_1072 = math.absf %mul3A_1068 : vector<16xf32>
        %swap3A_1073 = arith.index_cast %add3A_1025 : i32 to index
        %swap3A_1074 = arith.constant 48 : index
        %swap3A_1075 = tpu.vector_load %arg16[%swap3A_1073, %swap3A_1074] {strides = array<i32>} : memref<128x128xf32, #tpu.memory_space<vmem>>, vector<16xf32>,
        tpu.vector_store %arg16[%swap3A_1073, %swap3A_1074], %abs3A_1072 {strides = array<i32>} : memref<128x128xf32, #tpu.memory_space<vmem>>, vector<16xf32>,
        %get3A_1076 = arith.index_cast %add3A_1025 : i32 to index
        %get3A_1077 = arith.constant 64 : index
        %get3A_1078 = tpu.vector_load %arg15[%get3A_1076, %get3A_1077] {strides = array<i32>} : memref<128x128xf32, #tpu.memory_space<vmem>>, vector<16xf32>,
        %mul3A_1079 = vector.broadcast %squeeze3A_1027 : f32 to vector<16xf32>
        %mul3A_1080 = arith.mulf %get3A_1078, %mul3A_1079 : vector<16xf32>
        %swap3A_1081 = arith.index_cast %add3A_1025 : i32 to index
        %swap3A_1082 = arith.constant 64 : index
        %swap3A_1083 = tpu.vector_load %arg15[%swap3A_1081, %swap3A_1082] {strides = array<i32>} : memref<128x128xf32, #tpu.memory_space<vmem>>, vector<16xf32>,
        tpu.vector_store %arg15[%swap3A_1081, %swap3A_1082], %mul3A_1080 {strides = array<i32>} : memref<128x128xf32, #tpu.memory_space<vmem>>, vector<16xf32>,
        %abs3A_1084 = math.absf %mul3A_1080 : vector<16xf32>
        %swap3A_1085 = arith.index_cast %add3A_1025 : i32 to index
        %swap3A_1086 = arith.constant 64 : index
        %swap3A_1087 = tpu.vector_load %arg16[%swap3A_1085, %swap3A_1086] {strides = array<i32>} : memref<128x128xf32, #tpu.memory_space<vmem>>, vector<16xf32>,
        tpu.vector_store %arg16[%swap3A_1085, %swap3A_1086], %abs3A_1084 {strides = array<i32>} : memref<128x128xf32, #tpu.memory_space<vmem>>, vector<16xf32>,
        %get3A_1088 = arith.index_cast %add3A_1025 : i32 to index
        %get3A_1089 = arith.constant 80 : index
        %get3A_1090 = tpu.vector_load %arg15[%get3A_1088, %get3A_1089] {strides = array<i32>} : memref<128x128xf32, #tpu.memory_space<vmem>>, vector<16xf32>,
        %mul3A_1091 = vector.broadcast %squeeze3A_1027 : f32 to vector<16xf32>
        %mul3A_1092 = arith.mulf %get3A_1090, %mul3A_1091 : vector<16xf32>
        %swap3A_1093 = arith.index_cast %add3A_1025 : i32 to index
        %swap3A_1094 = arith.constant 80 : index
        %swap3A_1095 = tpu.vector_load %arg15[%swap3A_1093, %swap3A_1094] {strides = array<i32>} : memref<128x128xf32, #tpu.memory_space<vmem>>, vector<16xf32>,
        tpu.vector_store %arg15[%swap3A_1093, %swap3A_1094], %mul3A_1092 {strides = array<i32>} : memref<128x128xf32, #tpu.memory_space<vmem>>, vector<16xf32>,
        %abs3A_1096 = math.absf %mul3A_1092 : vector<16xf32>
        %swap3A_1097 = arith.index_cast %add3A_1025 : i32 to index
        %swap3A_1098 = arith.constant 80 : index
        %swap3A_1099 = tpu.vector_load %arg16[%swap3A_1097, %swap3A_1098] {strides = array<i32>} : memref<128x128xf32, #tpu.memory_space<vmem>>, vector<16xf32>,
        tpu.vector_store %arg16[%swap3A_1097, %swap3A_1098], %abs3A_1096 {strides = array<i32>} : memref<128x128xf32, #tpu.memory_space<vmem>>, vector<16xf32>,
        %get3A_1100 = arith.index_cast %add3A_1025 : i32 to index
        %get3A_1101 = arith.constant 96 : index
        %get3A_1102 = tpu.vector_load %arg15[%get3A_1100, %get3A_1101] {strides = array<i32>} : memref<128x128xf32, #tpu.memory_space<vmem>>, vector<16xf32>,
        %mul3A_1103 = vector.broadcast %squeeze3A_1027 : f32 to vector<16xf32>
        %mul3A_1104 = arith.mulf %get3A_1102, %mul3A_1103 : vector<16xf32>
        %swap3A_1105 = arith.index_cast %add3A_1025 : i32 to index
        %swap3A_1106 = arith.constant 96 : index
        %swap3A_1107 = tpu.vector_load %arg15[%swap3A_1105, %swap3A_1106] {strides = array<i32>} : memref<128x128xf32, #tpu.memory_space<vmem>>, vector<16xf32>,
        tpu.vector_store %arg15[%swap3A_1105, %swap3A_1106], %mul3A_1104 {strides = array<i32>} : memref<128x128xf32, #tpu.memory_space<vmem>>, vector<16xf32>,
        %abs3A_1108 = math.absf %mul3A_1104 : vector<16xf32>
        %swap3A_1109 = arith.index_cast %add3A_1025 : i32 to index
        %swap3A_1110 = arith.constant 96 : index
        %swap3A_1111 = tpu.vector_load %arg16[%swap3A_1109, %swap3A_1110] {strides = array<i32>} : memref<128x128xf32, #tpu.memory_space<vmem>>, vector<16xf32>,
        tpu.vector_store %arg16[%swap3A_1109, %swap3A_1110], %abs3A_1108 {strides = array<i32>} : memref<128x128xf32, #tpu.memory_space<vmem>>, vector<16xf32>,
        %get3A_1112 = arith.index_cast %add3A_1025 : i32 to index
        %get3A_1113 = arith.constant 112 : index
        %get3A_1114 = tpu.vector_load %arg15[%get3A_1112, %get3A_1113] {strides = array<i32>} : memref<128x128xf32, #tpu.memory_space<vmem>>, vector<16xf32>,
        %mul3A_1115 = vector.broadcast %squeeze3A_1027 : f32 to vector<16xf32>
        %mul3A_1116 = arith.mulf %get3A_1114, %mul3A_1115 : vector<16xf32>
        %swap3A_1117 = arith.index_cast %add3A_1025 : i32 to index
        %swap3A_1118 = arith.constant 112 : index
        %swap3A_1119 = tpu.vector_load %arg15[%swap3A_1117, %swap3A_1118] {strides = array<i32>} : memref<128x128xf32, #tpu.memory_space<vmem>>, vector<16xf32>,
        tpu.vector_store %arg15[%swap3A_1117, %swap3A_1118], %mul3A_1116 {strides = array<i32>} : memref<128x128xf32, #tpu.memory_space<vmem>>, vector<16xf32>,
        %abs3A_1120 = math.absf %mul3A_1116 : vector<16xf32>
        %swap3A_1121 = arith.index_cast %add3A_1025 : i32 to index
        %swap3A_1122 = arith.constant 112 : index
        %swap3A_1123 = tpu.vector_load %arg16[%swap3A_1121, %swap3A_1122] {strides = array<i32>} : memref<128x128xf32, #tpu.memory_space<vmem>>, vector<16xf32>,
        tpu.vector_store %arg16[%swap3A_1121, %swap3A_1122], %abs3A_1120 {strides = array<i32>} : memref<128x128xf32, #tpu.memory_space<vmem>>, vector<16xf32>,
        %mul3A_1124 = arith.constant 16 : i32
        %mul3A_1125 = arith.muli %scan3A_305, %mul3A_1124 : i32
        %add3A_1126 = arith.constant 8 : i32
        %add3A_1127 = arith.addi %mul3A_1125, %add3A_1126 : i32
        %slice3A_1128 = vector.extract_strided_slice %get3A_310 {offsets = [8], sizes = [1], strides = [1]} : vector<16xf32> to vector<1xf32>
        %squeeze3A_1129 = vector.extract %slice3A_1128[0] : f32 from vector<1xf32>
        %get3A_1130 = arith.index_cast %add3A_1127 : i32 to index
        %get3A_1131 = arith.constant 0 : index
        %get3A_1132 = tpu.vector_load %arg15[%get3A_1130, %get3A_1131] {strides = array<i32>} : memref<128x128xf32, #tpu.memory_space<vmem>>, vector<16xf32>,
        %mul3A_1133 = vector.broadcast %squeeze3A_1129 : f32 to vector<16xf32>
        %mul3A_1134 = arith.mulf %get3A_1132, %mul3A_1133 : vector<16xf32>
        %swap3A_1135 = arith.index_cast %add3A_1127 : i32 to index
        %swap3A_1136 = arith.constant 0 : index
        %swap3A_1137 = tpu.vector_load %arg15[%swap3A_1135, %swap3A_1136] {strides = array<i32>} : memref<128x128xf32, #tpu.memory_space<vmem>>, vector<16xf32>,
        tpu.vector_store %arg15[%swap3A_1135, %swap3A_1136], %mul3A_1134 {strides = array<i32>} : memref<128x128xf32, #tpu.memory_space<vmem>>, vector<16xf32>,
        %abs3A_1138 = math.absf %mul3A_1134 : vector<16xf32>
        %swap3A_1139 = arith.index_cast %add3A_1127 : i32 to index
        %swap3A_1140 = arith.constant 0 : index
        %swap3A_1141 = tpu.vector_load %arg16[%swap3A_1139, %swap3A_1140] {strides = array<i32>} : memref<128x128xf32, #tpu.memory_space<vmem>>, vector<16xf32>,
        tpu.vector_store %arg16[%swap3A_1139, %swap3A_1140], %abs3A_1138 {strides = array<i32>} : memref<128x128xf32, #tpu.memory_space<vmem>>, vector<16xf32>,
        %get3A_1142 = arith.index_cast %add3A_1127 : i32 to index
        %get3A_1143 = arith.constant 16 : index
        %get3A_1144 = tpu.vector_load %arg15[%get3A_1142, %get3A_1143] {strides = array<i32>} : memref<128x128xf32, #tpu.memory_space<vmem>>, vector<16xf32>,
        %mul3A_1145 = vector.broadcast %squeeze3A_1129 : f32 to vector<16xf32>
        %mul3A_1146 = arith.mulf %get3A_1144, %mul3A_1145 : vector<16xf32>
        %swap3A_1147 = arith.index_cast %add3A_1127 : i32 to index
        %swap3A_1148 = arith.constant 16 : index
        %swap3A_1149 = tpu.vector_load %arg15[%swap3A_1147, %swap3A_1148] {strides = array<i32>} : memref<128x128xf32, #tpu.memory_space<vmem>>, vector<16xf32>,
        tpu.vector_store %arg15[%swap3A_1147, %swap3A_1148], %mul3A_1146 {strides = array<i32>} : memref<128x128xf32, #tpu.memory_space<vmem>>, vector<16xf32>,
        %abs3A_1150 = math.absf %mul3A_1146 : vector<16xf32>
        %swap3A_1151 = arith.index_cast %add3A_1127 : i32 to index
        %swap3A_1152 = arith.constant 16 : index
        %swap3A_1153 = tpu.vector_load %arg16[%swap3A_1151, %swap3A_1152] {strides = array<i32>} : memref<128x128xf32, #tpu.memory_space<vmem>>, vector<16xf32>,
        tpu.vector_store %arg16[%swap3A_1151, %swap3A_1152], %abs3A_1150 {strides = array<i32>} : memref<128x128xf32, #tpu.memory_space<vmem>>, vector<16xf32>,
        %get3A_1154 = arith.index_cast %add3A_1127 : i32 to index
        %get3A_1155 = arith.constant 32 : index
        %get3A_1156 = tpu.vector_load %arg15[%get3A_1154, %get3A_1155] {strides = array<i32>} : memref<128x128xf32, #tpu.memory_space<vmem>>, vector<16xf32>,
        %mul3A_1157 = vector.broadcast %squeeze3A_1129 : f32 to vector<16xf32>
        %mul3A_1158 = arith.mulf %get3A_1156, %mul3A_1157 : vector<16xf32>
        %swap3A_1159 = arith.index_cast %add3A_1127 : i32 to index
        %swap3A_1160 = arith.constant 32 : index
        %swap3A_1161 = tpu.vector_load %arg15[%swap3A_1159, %swap3A_1160] {strides = array<i32>} : memref<128x128xf32, #tpu.memory_space<vmem>>, vector<16xf32>,
        tpu.vector_store %arg15[%swap3A_1159, %swap3A_1160], %mul3A_1158 {strides = array<i32>} : memref<128x128xf32, #tpu.memory_space<vmem>>, vector<16xf32>,
        %abs3A_1162 = math.absf %mul3A_1158 : vector<16xf32>
        %swap3A_1163 = arith.index_cast %add3A_1127 : i32 to index
        %swap3A_1164 = arith.constant 32 : index
        %swap3A_1165 = tpu.vector_load %arg16[%swap3A_1163, %swap3A_1164] {strides = array<i32>} : memref<128x128xf32, #tpu.memory_space<vmem>>, vector<16xf32>,
        tpu.vector_store %arg16[%swap3A_1163, %swap3A_1164], %abs3A_1162 {strides = array<i32>} : memref<128x128xf32, #tpu.memory_space<vmem>>, vector<16xf32>,
        %get3A_1166 = arith.index_cast %add3A_1127 : i32 to index
        %get3A_1167 = arith.constant 48 : index
        %get3A_1168 = tpu.vector_load %arg15[%get3A_1166, %get3A_1167] {strides = array<i32>} : memref<128x128xf32, #tpu.memory_space<vmem>>, vector<16xf32>,
        %mul3A_1169 = vector.broadcast %squeeze3A_1129 : f32 to vector<16xf32>
        %mul3A_1170 = arith.mulf %get3A_1168, %mul3A_1169 : vector<16xf32>
        %swap3A_1171 = arith.index_cast %add3A_1127 : i32 to index
        %swap3A_1172 = arith.constant 48 : index
        %swap3A_1173 = tpu.vector_load %arg15[%swap3A_1171, %swap3A_1172] {strides = array<i32>} : memref<128x128xf32, #tpu.memory_space<vmem>>, vector<16xf32>,
        tpu.vector_store %arg15[%swap3A_1171, %swap3A_1172], %mul3A_1170 {strides = array<i32>} : memref<128x128xf32, #tpu.memory_space<vmem>>, vector<16xf32>,
        %abs3A_1174 = math.absf %mul3A_1170 : vector<16xf32>
        %swap3A_1175 = arith.index_cast %add3A_1127 : i32 to index
        %swap3A_1176 = arith.constant 48 : index
        %swap3A_1177 = tpu.vector_load %arg16[%swap3A_1175, %swap3A_1176] {strides = array<i32>} : memref<128x128xf32, #tpu.memory_space<vmem>>, vector<16xf32>,
        tpu.vector_store %arg16[%swap3A_1175, %swap3A_1176], %abs3A_1174 {strides = array<i32>} : memref<128x128xf32, #tpu.memory_space<vmem>>, vector<16xf32>,
        %get3A_1178 = arith.index_cast %add3A_1127 : i32 to index
        %get3A_1179 = arith.constant 64 : index
        %get3A_1180 = tpu.vector_load %arg15[%get3A_1178, %get3A_1179] {strides = array<i32>} : memref<128x128xf32, #tpu.memory_space<vmem>>, vector<16xf32>,
        %mul3A_1181 = vector.broadcast %squeeze3A_1129 : f32 to vector<16xf32>
        %mul3A_1182 = arith.mulf %get3A_1180, %mul3A_1181 : vector<16xf32>
        %swap3A_1183 = arith.index_cast %add3A_1127 : i32 to index
        %swap3A_1184 = arith.constant 64 : index
        %swap3A_1185 = tpu.vector_load %arg15[%swap3A_1183, %swap3A_1184] {strides = array<i32>} : memref<128x128xf32, #tpu.memory_space<vmem>>, vector<16xf32>,
        tpu.vector_store %arg15[%swap3A_1183, %swap3A_1184], %mul3A_1182 {strides = array<i32>} : memref<128x128xf32, #tpu.memory_space<vmem>>, vector<16xf32>,
        %abs3A_1186 = math.absf %mul3A_1182 : vector<16xf32>
        %swap3A_1187 = arith.index_cast %add3A_1127 : i32 to index
        %swap3A_1188 = arith.constant 64 : index
        %swap3A_1189 = tpu.vector_load %arg16[%swap3A_1187, %swap3A_1188] {strides = array<i32>} : memref<128x128xf32, #tpu.memory_space<vmem>>, vector<16xf32>,
        tpu.vector_store %arg16[%swap3A_1187, %swap3A_1188], %abs3A_1186 {strides = array<i32>} : memref<128x128xf32, #tpu.memory_space<vmem>>, vector<16xf32>,
        %get3A_1190 = arith.index_cast %add3A_1127 : i32 to index
        %get3A_1191 = arith.constant 80 : index
        %get3A_1192 = tpu.vector_load %arg15[%get3A_1190, %get3A_1191] {strides = array<i32>} : memref<128x128xf32, #tpu.memory_space<vmem>>, vector<16xf32>,
        %mul3A_1193 = vector.broadcast %squeeze3A_1129 : f32 to vector<16xf32>
        %mul3A_1194 = arith.mulf %get3A_1192, %mul3A_1193 : vector<16xf32>
        %swap3A_1195 = arith.index_cast %add3A_1127 : i32 to index
        %swap3A_1196 = arith.constant 80 : index
        %swap3A_1197 = tpu.vector_load %arg15[%swap3A_1195, %swap3A_1196] {strides = array<i32>} : memref<128x128xf32, #tpu.memory_space<vmem>>, vector<16xf32>,
        tpu.vector_store %arg15[%swap3A_1195, %swap3A_1196], %mul3A_1194 {strides = array<i32>} : memref<128x128xf32, #tpu.memory_space<vmem>>, vector<16xf32>,
        %abs3A_1198 = math.absf %mul3A_1194 : vector<16xf32>
        %swap3A_1199 = arith.index_cast %add3A_1127 : i32 to index
        %swap3A_1200 = arith.constant 80 : index
        %swap3A_1201 = tpu.vector_load %arg16[%swap3A_1199, %swap3A_1200] {strides = array<i32>} : memref<128x128xf32, #tpu.memory_space<vmem>>, vector<16xf32>,
        tpu.vector_store %arg16[%swap3A_1199, %swap3A_1200], %abs3A_1198 {strides = array<i32>} : memref<128x128xf32, #tpu.memory_space<vmem>>, vector<16xf32>,
        %get3A_1202 = arith.index_cast %add3A_1127 : i32 to index
        %get3A_1203 = arith.constant 96 : index
        %get3A_1204 = tpu.vector_load %arg15[%get3A_1202, %get3A_1203] {strides = array<i32>} : memref<128x128xf32, #tpu.memory_space<vmem>>, vector<16xf32>,
        %mul3A_1205 = vector.broadcast %squeeze3A_1129 : f32 to vector<16xf32>
        %mul3A_1206 = arith.mulf %get3A_1204, %mul3A_1205 : vector<16xf32>
        %swap3A_1207 = arith.index_cast %add3A_1127 : i32 to index
        %swap3A_1208 = arith.constant 96 : index
        %swap3A_1209 = tpu.vector_load %arg15[%swap3A_1207, %swap3A_1208] {strides = array<i32>} : memref<128x128xf32, #tpu.memory_space<vmem>>, vector<16xf32>,
        tpu.vector_store %arg15[%swap3A_1207, %swap3A_1208], %mul3A_1206 {strides = array<i32>} : memref<128x128xf32, #tpu.memory_space<vmem>>, vector<16xf32>,
        %abs3A_1210 = math.absf %mul3A_1206 : vector<16xf32>
        %swap3A_1211 = arith.index_cast %add3A_1127 : i32 to index
        %swap3A_1212 = arith.constant 96 : index
        %swap3A_1213 = tpu.vector_load %arg16[%swap3A_1211, %swap3A_1212] {strides = array<i32>} : memref<128x128xf32, #tpu.memory_space<vmem>>, vector<16xf32>,
        tpu.vector_store %arg16[%swap3A_1211, %swap3A_1212], %abs3A_1210 {strides = array<i32>} : memref<128x128xf32, #tpu.memory_space<vmem>>, vector<16xf32>,
        %get3A_1214 = arith.index_cast %add3A_1127 : i32 to index
        %get3A_1215 = arith.constant 112 : index
        %get3A_1216 = tpu.vector_load %arg15[%get3A_1214, %get3A_1215] {strides = array<i32>} : memref<128x128xf32, #tpu.memory_space<vmem>>, vector<16xf32>,
        %mul3A_1217 = vector.broadcast %squeeze3A_1129 : f32 to vector<16xf32>
        %mul3A_1218 = arith.mulf %get3A_1216, %mul3A_1217 : vector<16xf32>
        %swap3A_1219 = arith.index_cast %add3A_1127 : i32 to index
        %swap3A_1220 = arith.constant 112 : index
        %swap3A_1221 = tpu.vector_load %arg15[%swap3A_1219, %swap3A_1220] {strides = array<i32>} : memref<128x128xf32, #tpu.memory_space<vmem>>, vector<16xf32>,
        tpu.vector_store %arg15[%swap3A_1219, %swap3A_1220], %mul3A_1218 {strides = array<i32>} : memref<128x128xf32, #tpu.memory_space<vmem>>, vector<16xf32>,
        %abs3A_1222 = math.absf %mul3A_1218 : vector<16xf32>
        %swap3A_1223 = arith.index_cast %add3A_1127 : i32 to index
        %swap3A_1224 = arith.constant 112 : index
        %swap3A_1225 = tpu.vector_load %arg16[%swap3A_1223, %swap3A_1224] {strides = array<i32>} : memref<128x128xf32, #tpu.memory_space<vmem>>, vector<16xf32>,
        tpu.vector_store %arg16[%swap3A_1223, %swap3A_1224], %abs3A_1222 {strides = array<i32>} : memref<128x128xf32, #tpu.memory_space<vmem>>, vector<16xf32>,
        %mul3A_1226 = arith.constant 16 : i32
        %mul3A_1227 = arith.muli %scan3A_305, %mul3A_1226 : i32
        %add3A_1228 = arith.constant 9 : i32
        %add3A_1229 = arith.addi %mul3A_1227, %add3A_1228 : i32
        %slice3A_1230 = vector.extract_strided_slice %get3A_310 {offsets = [9], sizes = [1], strides = [1]} : vector<16xf32> to vector<1xf32>
        %squeeze3A_1231 = vector.extract %slice3A_1230[0] : f32 from vector<1xf32>
        %get3A_1232 = arith.index_cast %add3A_1229 : i32 to index
        %get3A_1233 = arith.constant 0 : index
        %get3A_1234 = tpu.vector_load %arg15[%get3A_1232, %get3A_1233] {strides = array<i32>} : memref<128x128xf32, #tpu.memory_space<vmem>>, vector<16xf32>,
        %mul3A_1235 = vector.broadcast %squeeze3A_1231 : f32 to vector<16xf32>
        %mul3A_1236 = arith.mulf %get3A_1234, %mul3A_1235 : vector<16xf32>
        %swap3A_1237 = arith.index_cast %add3A_1229 : i32 to index
        %swap3A_1238 = arith.constant 0 : index
        %swap3A_1239 = tpu.vector_load %arg15[%swap3A_1237, %swap3A_1238] {strides = array<i32>} : memref<128x128xf32, #tpu.memory_space<vmem>>, vector<16xf32>,
        tpu.vector_store %arg15[%swap3A_1237, %swap3A_1238], %mul3A_1236 {strides = array<i32>} : memref<128x128xf32, #tpu.memory_space<vmem>>, vector<16xf32>,
        %abs3A_1240 = math.absf %mul3A_1236 : vector<16xf32>
        %swap3A_1241 = arith.index_cast %add3A_1229 : i32 to index
        %swap3A_1242 = arith.constant 0 : index
        %swap3A_1243 = tpu.vector_load %arg16[%swap3A_1241, %swap3A_1242] {strides = array<i32>} : memref<128x128xf32, #tpu.memory_space<vmem>>, vector<16xf32>,
        tpu.vector_store %arg16[%swap3A_1241, %swap3A_1242], %abs3A_1240 {strides = array<i32>} : memref<128x128xf32, #tpu.memory_space<vmem>>, vector<16xf32>,
        %get3A_1244 = arith.index_cast %add3A_1229 : i32 to index
        %get3A_1245 = arith.constant 16 : index
        %get3A_1246 = tpu.vector_load %arg15[%get3A_1244, %get3A_1245] {strides = array<i32>} : memref<128x128xf32, #tpu.memory_space<vmem>>, vector<16xf32>,
        %mul3A_1247 = vector.broadcast %squeeze3A_1231 : f32 to vector<16xf32>
        %mul3A_1248 = arith.mulf %get3A_1246, %mul3A_1247 : vector<16xf32>
        %swap3A_1249 = arith.index_cast %add3A_1229 : i32 to index
        %swap3A_1250 = arith.constant 16 : index
        %swap3A_1251 = tpu.vector_load %arg15[%swap3A_1249, %swap3A_1250] {strides = array<i32>} : memref<128x128xf32, #tpu.memory_space<vmem>>, vector<16xf32>,
        tpu.vector_store %arg15[%swap3A_1249, %swap3A_1250], %mul3A_1248 {strides = array<i32>} : memref<128x128xf32, #tpu.memory_space<vmem>>, vector<16xf32>,
        %abs3A_1252 = math.absf %mul3A_1248 : vector<16xf32>
        %swap3A_1253 = arith.index_cast %add3A_1229 : i32 to index
        %swap3A_1254 = arith.constant 16 : index
        %swap3A_1255 = tpu.vector_load %arg16[%swap3A_1253, %swap3A_1254] {strides = array<i32>} : memref<128x128xf32, #tpu.memory_space<vmem>>, vector<16xf32>,
        tpu.vector_store %arg16[%swap3A_1253, %swap3A_1254], %abs3A_1252 {strides = array<i32>} : memref<128x128xf32, #tpu.memory_space<vmem>>, vector<16xf32>,
        %get3A_1256 = arith.index_cast %add3A_1229 : i32 to index
        %get3A_1257 = arith.constant 32 : index
        %get3A_1258 = tpu.vector_load %arg15[%get3A_1256, %get3A_1257] {strides = array<i32>} : memref<128x128xf32, #tpu.memory_space<vmem>>, vector<16xf32>,
        %mul3A_1259 = vector.broadcast %squeeze3A_1231 : f32 to vector<16xf32>
        %mul3A_1260 = arith.mulf %get3A_1258, %mul3A_1259 : vector<16xf32>
        %swap3A_1261 = arith.index_cast %add3A_1229 : i32 to index
        %swap3A_1262 = arith.constant 32 : index
        %swap3A_1263 = tpu.vector_load %arg15[%swap3A_1261, %swap3A_1262] {strides = array<i32>} : memref<128x128xf32, #tpu.memory_space<vmem>>, vector<16xf32>,
        tpu.vector_store %arg15[%swap3A_1261, %swap3A_1262], %mul3A_1260 {strides = array<i32>} : memref<128x128xf32, #tpu.memory_space<vmem>>, vector<16xf32>,
        %abs3A_1264 = math.absf %mul3A_1260 : vector<16xf32>
        %swap3A_1265 = arith.index_cast %add3A_1229 : i32 to index
        %swap3A_1266 = arith.constant 32 : index
        %swap3A_1267 = tpu.vector_load %arg16[%swap3A_1265, %swap3A_1266] {strides = array<i32>} : memref<128x128xf32, #tpu.memory_space<vmem>>, vector<16xf32>,
        tpu.vector_store %arg16[%swap3A_1265, %swap3A_1266], %abs3A_1264 {strides = array<i32>} : memref<128x128xf32, #tpu.memory_space<vmem>>, vector<16xf32>,
        %get3A_1268 = arith.index_cast %add3A_1229 : i32 to index
        %get3A_1269 = arith.constant 48 : index
        %get3A_1270 = tpu.vector_load %arg15[%get3A_1268, %get3A_1269] {strides = array<i32>} : memref<128x128xf32, #tpu.memory_space<vmem>>, vector<16xf32>,
        %mul3A_1271 = vector.broadcast %squeeze3A_1231 : f32 to vector<16xf32>
        %mul3A_1272 = arith.mulf %get3A_1270, %mul3A_1271 : vector<16xf32>
        %swap3A_1273 = arith.index_cast %add3A_1229 : i32 to index
        %swap3A_1274 = arith.constant 48 : index
        %swap3A_1275 = tpu.vector_load %arg15[%swap3A_1273, %swap3A_1274] {strides = array<i32>} : memref<128x128xf32, #tpu.memory_space<vmem>>, vector<16xf32>,
        tpu.vector_store %arg15[%swap3A_1273, %swap3A_1274], %mul3A_1272 {strides = array<i32>} : memref<128x128xf32, #tpu.memory_space<vmem>>, vector<16xf32>,
        %abs3A_1276 = math.absf %mul3A_1272 : vector<16xf32>
        %swap3A_1277 = arith.index_cast %add3A_1229 : i32 to index
        %swap3A_1278 = arith.constant 48 : index
        %swap3A_1279 = tpu.vector_load %arg16[%swap3A_1277, %swap3A_1278] {strides = array<i32>} : memref<128x128xf32, #tpu.memory_space<vmem>>, vector<16xf32>,
        tpu.vector_store %arg16[%swap3A_1277, %swap3A_1278], %abs3A_1276 {strides = array<i32>} : memref<128x128xf32, #tpu.memory_space<vmem>>, vector<16xf32>,
        %get3A_1280 = arith.index_cast %add3A_1229 : i32 to index
        %get3A_1281 = arith.constant 64 : index
        %get3A_1282 = tpu.vector_load %arg15[%get3A_1280, %get3A_1281] {strides = array<i32>} : memref<128x128xf32, #tpu.memory_space<vmem>>, vector<16xf32>,
        %mul3A_1283 = vector.broadcast %squeeze3A_1231 : f32 to vector<16xf32>
        %mul3A_1284 = arith.mulf %get3A_1282, %mul3A_1283 : vector<16xf32>
        %swap3A_1285 = arith.index_cast %add3A_1229 : i32 to index
        %swap3A_1286 = arith.constant 64 : index
        %swap3A_1287 = tpu.vector_load %arg15[%swap3A_1285, %swap3A_1286] {strides = array<i32>} : memref<128x128xf32, #tpu.memory_space<vmem>>, vector<16xf32>,
        tpu.vector_store %arg15[%swap3A_1285, %swap3A_1286], %mul3A_1284 {strides = array<i32>} : memref<128x128xf32, #tpu.memory_space<vmem>>, vector<16xf32>,
        %abs3A_1288 = math.absf %mul3A_1284 : vector<16xf32>
        %swap3A_1289 = arith.index_cast %add3A_1229 : i32 to index
        %swap3A_1290 = arith.constant 64 : index
        %swap3A_1291 = tpu.vector_load %arg16[%swap3A_1289, %swap3A_1290] {strides = array<i32>} : memref<128x128xf32, #tpu.memory_space<vmem>>, vector<16xf32>,
        tpu.vector_store %arg16[%swap3A_1289, %swap3A_1290], %abs3A_1288 {strides = array<i32>} : memref<128x128xf32, #tpu.memory_space<vmem>>, vector<16xf32>,
        %get3A_1292 = arith.index_cast %add3A_1229 : i32 to index
        %get3A_1293 = arith.constant 80 : index
        %get3A_1294 = tpu.vector_load %arg15[%get3A_1292, %get3A_1293] {strides = array<i32>} : memref<128x128xf32, #tpu.memory_space<vmem>>, vector<16xf32>,
        %mul3A_1295 = vector.broadcast %squeeze3A_1231 : f32 to vector<16xf32>
        %mul3A_1296 = arith.mulf %get3A_1294, %mul3A_1295 : vector<16xf32>
        %swap3A_1297 = arith.index_cast %add3A_1229 : i32 to index
        %swap3A_1298 = arith.constant 80 : index
        %swap3A_1299 = tpu.vector_load %arg15[%swap3A_1297, %swap3A_1298] {strides = array<i32>} : memref<128x128xf32, #tpu.memory_space<vmem>>, vector<16xf32>,
        tpu.vector_store %arg15[%swap3A_1297, %swap3A_1298], %mul3A_1296 {strides = array<i32>} : memref<128x128xf32, #tpu.memory_space<vmem>>, vector<16xf32>,
        %abs3A_1300 = math.absf %mul3A_1296 : vector<16xf32>
        %swap3A_1301 = arith.index_cast %add3A_1229 : i32 to index
        %swap3A_1302 = arith.constant 80 : index
        %swap3A_1303 = tpu.vector_load %arg16[%swap3A_1301, %swap3A_1302] {strides = array<i32>} : memref<128x128xf32, #tpu.memory_space<vmem>>, vector<16xf32>,
        tpu.vector_store %arg16[%swap3A_1301, %swap3A_1302], %abs3A_1300 {strides = array<i32>} : memref<128x128xf32, #tpu.memory_space<vmem>>, vector<16xf32>,
        %get3A_1304 = arith.index_cast %add3A_1229 : i32 to index
        %get3A_1305 = arith.constant 96 : index
        %get3A_1306 = tpu.vector_load %arg15[%get3A_1304, %get3A_1305] {strides = array<i32>} : memref<128x128xf32, #tpu.memory_space<vmem>>, vector<16xf32>,
        %mul3A_1307 = vector.broadcast %squeeze3A_1231 : f32 to vector<16xf32>
        %mul3A_1308 = arith.mulf %get3A_1306, %mul3A_1307 : vector<16xf32>
        %swap3A_1309 = arith.index_cast %add3A_1229 : i32 to index
        %swap3A_1310 = arith.constant 96 : index
        %swap3A_1311 = tpu.vector_load %arg15[%swap3A_1309, %swap3A_1310] {strides = array<i32>} : memref<128x128xf32, #tpu.memory_space<vmem>>, vector<16xf32>,
        tpu.vector_store %arg15[%swap3A_1309, %swap3A_1310], %mul3A_1308 {strides = array<i32>} : memref<128x128xf32, #tpu.memory_space<vmem>>, vector<16xf32>,
        %abs3A_1312 = math.absf %mul3A_1308 : vector<16xf32>
        %swap3A_1313 = arith.index_cast %add3A_1229 : i32 to index
        %swap3A_1314 = arith.constant 96 : index
        %swap3A_1315 = tpu.vector_load %arg16[%swap3A_1313, %swap3A_1314] {strides = array<i32>} : memref<128x128xf32, #tpu.memory_space<vmem>>, vector<16xf32>,
        tpu.vector_store %arg16[%swap3A_1313, %swap3A_1314], %abs3A_1312 {strides = array<i32>} : memref<128x128xf32, #tpu.memory_space<vmem>>, vector<16xf32>,
        %get3A_1316 = arith.index_cast %add3A_1229 : i32 to index
        %get3A_1317 = arith.constant 112 : index
        %get3A_1318 = tpu.vector_load %arg15[%get3A_1316, %get3A_1317] {strides = array<i32>} : memref<128x128xf32, #tpu.memory_space<vmem>>, vector<16xf32>,
        %mul3A_1319 = vector.broadcast %squeeze3A_1231 : f32 to vector<16xf32>
        %mul3A_1320 = arith.mulf %get3A_1318, %mul3A_1319 : vector<16xf32>
        %swap3A_1321 = arith.index_cast %add3A_1229 : i32 to index
        %swap3A_1322 = arith.constant 112 : index
        %swap3A_1323 = tpu.vector_load %arg15[%swap3A_1321, %swap3A_1322] {strides = array<i32>} : memref<128x128xf32, #tpu.memory_space<vmem>>, vector<16xf32>,
        tpu.vector_store %arg15[%swap3A_1321, %swap3A_1322], %mul3A_1320 {strides = array<i32>} : memref<128x128xf32, #tpu.memory_space<vmem>>, vector<16xf32>,
        %abs3A_1324 = math.absf %mul3A_1320 : vector<16xf32>
        %swap3A_1325 = arith.index_cast %add3A_1229 : i32 to index
        %swap3A_1326 = arith.constant 112 : index
        %swap3A_1327 = tpu.vector_load %arg16[%swap3A_1325, %swap3A_1326] {strides = array<i32>} : memref<128x128xf32, #tpu.memory_space<vmem>>, vector<16xf32>,
        tpu.vector_store %arg16[%swap3A_1325, %swap3A_1326], %abs3A_1324 {strides = array<i32>} : memref<128x128xf32, #tpu.memory_space<vmem>>, vector<16xf32>,
        %mul3A_1328 = arith.constant 16 : i32
        %mul3A_1329 = arith.muli %scan3A_305, %mul3A_1328 : i32
        %add3A_1330 = arith.constant 10 : i32
        %add3A_1331 = arith.addi %mul3A_1329, %add3A_1330 : i32
        %slice3A_1332 = vector.extract_strided_slice %get3A_310 {offsets = [10], sizes = [1], strides = [1]} : vector<16xf32> to vector<1xf32>
        %squeeze3A_1333 = vector.extract %slice3A_1332[0] : f32 from vector<1xf32>
        %get3A_1334 = arith.index_cast %add3A_1331 : i32 to index
        %get3A_1335 = arith.constant 0 : index
        %get3A_1336 = tpu.vector_load %arg15[%get3A_1334, %get3A_1335] {strides = array<i32>} : memref<128x128xf32, #tpu.memory_space<vmem>>, vector<16xf32>,
        %mul3A_1337 = vector.broadcast %squeeze3A_1333 : f32 to vector<16xf32>
        %mul3A_1338 = arith.mulf %get3A_1336, %mul3A_1337 : vector<16xf32>
        %swap3A_1339 = arith.index_cast %add3A_1331 : i32 to index
        %swap3A_1340 = arith.constant 0 : index
        %swap3A_1341 = tpu.vector_load %arg15[%swap3A_1339, %swap3A_1340] {strides = array<i32>} : memref<128x128xf32, #tpu.memory_space<vmem>>, vector<16xf32>,
        tpu.vector_store %arg15[%swap3A_1339, %swap3A_1340], %mul3A_1338 {strides = array<i32>} : memref<128x128xf32, #tpu.memory_space<vmem>>, vector<16xf32>,
        %abs3A_1342 = math.absf %mul3A_1338 : vector<16xf32>
        %swap3A_1343 = arith.index_cast %add3A_1331 : i32 to index
        %swap3A_1344 = arith.constant 0 : index
        %swap3A_1345 = tpu.vector_load %arg16[%swap3A_1343, %swap3A_1344] {strides = array<i32>} : memref<128x128xf32, #tpu.memory_space<vmem>>, vector<16xf32>,
        tpu.vector_store %arg16[%swap3A_1343, %swap3A_1344], %abs3A_1342 {strides = array<i32>} : memref<128x128xf32, #tpu.memory_space<vmem>>, vector<16xf32>,
        %get3A_1346 = arith.index_cast %add3A_1331 : i32 to index
        %get3A_1347 = arith.constant 16 : index
        %get3A_1348 = tpu.vector_load %arg15[%get3A_1346, %get3A_1347] {strides = array<i32>} : memref<128x128xf32, #tpu.memory_space<vmem>>, vector<16xf32>,
        %mul3A_1349 = vector.broadcast %squeeze3A_1333 : f32 to vector<16xf32>
        %mul3A_1350 = arith.mulf %get3A_1348, %mul3A_1349 : vector<16xf32>
        %swap3A_1351 = arith.index_cast %add3A_1331 : i32 to index
        %swap3A_1352 = arith.constant 16 : index
        %swap3A_1353 = tpu.vector_load %arg15[%swap3A_1351, %swap3A_1352] {strides = array<i32>} : memref<128x128xf32, #tpu.memory_space<vmem>>, vector<16xf32>,
        tpu.vector_store %arg15[%swap3A_1351, %swap3A_1352], %mul3A_1350 {strides = array<i32>} : memref<128x128xf32, #tpu.memory_space<vmem>>, vector<16xf32>,
        %abs3A_1354 = math.absf %mul3A_1350 : vector<16xf32>
        %swap3A_1355 = arith.index_cast %add3A_1331 : i32 to index
        %swap3A_1356 = arith.constant 16 : index
        %swap3A_1357 = tpu.vector_load %arg16[%swap3A_1355, %swap3A_1356] {strides = array<i32>} : memref<128x128xf32, #tpu.memory_space<vmem>>, vector<16xf32>,
        tpu.vector_store %arg16[%swap3A_1355, %swap3A_1356], %abs3A_1354 {strides = array<i32>} : memref<128x128xf32, #tpu.memory_space<vmem>>, vector<16xf32>,
        %get3A_1358 = arith.index_cast %add3A_1331 : i32 to index
        %get3A_1359 = arith.constant 32 : index
        %get3A_1360 = tpu.vector_load %arg15[%get3A_1358, %get3A_1359] {strides = array<i32>} : memref<128x128xf32, #tpu.memory_space<vmem>>, vector<16xf32>,
        %mul3A_1361 = vector.broadcast %squeeze3A_1333 : f32 to vector<16xf32>
        %mul3A_1362 = arith.mulf %get3A_1360, %mul3A_1361 : vector<16xf32>
        %swap3A_1363 = arith.index_cast %add3A_1331 : i32 to index
        %swap3A_1364 = arith.constant 32 : index
        %swap3A_1365 = tpu.vector_load %arg15[%swap3A_1363, %swap3A_1364] {strides = array<i32>} : memref<128x128xf32, #tpu.memory_space<vmem>>, vector<16xf32>,
        tpu.vector_store %arg15[%swap3A_1363, %swap3A_1364], %mul3A_1362 {strides = array<i32>} : memref<128x128xf32, #tpu.memory_space<vmem>>, vector<16xf32>,
        %abs3A_1366 = math.absf %mul3A_1362 : vector<16xf32>
        %swap3A_1367 = arith.index_cast %add3A_1331 : i32 to index
        %swap3A_1368 = arith.constant 32 : index
        %swap3A_1369 = tpu.vector_load %arg16[%swap3A_1367, %swap3A_1368] {strides = array<i32>} : memref<128x128xf32, #tpu.memory_space<vmem>>, vector<16xf32>,
        tpu.vector_store %arg16[%swap3A_1367, %swap3A_1368], %abs3A_1366 {strides = array<i32>} : memref<128x128xf32, #tpu.memory_space<vmem>>, vector<16xf32>,
        %get3A_1370 = arith.index_cast %add3A_1331 : i32 to index
        %get3A_1371 = arith.constant 48 : index
        %get3A_1372 = tpu.vector_load %arg15[%get3A_1370, %get3A_1371] {strides = array<i32>} : memref<128x128xf32, #tpu.memory_space<vmem>>, vector<16xf32>,
        %mul3A_1373 = vector.broadcast %squeeze3A_1333 : f32 to vector<16xf32>
        %mul3A_1374 = arith.mulf %get3A_1372, %mul3A_1373 : vector<16xf32>
        %swap3A_1375 = arith.index_cast %add3A_1331 : i32 to index
        %swap3A_1376 = arith.constant 48 : index
        %swap3A_1377 = tpu.vector_load %arg15[%swap3A_1375, %swap3A_1376] {strides = array<i32>} : memref<128x128xf32, #tpu.memory_space<vmem>>, vector<16xf32>,
        tpu.vector_store %arg15[%swap3A_1375, %swap3A_1376], %mul3A_1374 {strides = array<i32>} : memref<128x128xf32, #tpu.memory_space<vmem>>, vector<16xf32>,
        %abs3A_1378 = math.absf %mul3A_1374 : vector<16xf32>
        %swap3A_1379 = arith.index_cast %add3A_1331 : i32 to index
        %swap3A_1380 = arith.constant 48 : index
        %swap3A_1381 = tpu.vector_load %arg16[%swap3A_1379, %swap3A_1380] {strides = array<i32>} : memref<128x128xf32, #tpu.memory_space<vmem>>, vector<16xf32>,
        tpu.vector_store %arg16[%swap3A_1379, %swap3A_1380], %abs3A_1378 {strides = array<i32>} : memref<128x128xf32, #tpu.memory_space<vmem>>, vector<16xf32>,
        %get3A_1382 = arith.index_cast %add3A_1331 : i32 to index
        %get3A_1383 = arith.constant 64 : index
        %get3A_1384 = tpu.vector_load %arg15[%get3A_1382, %get3A_1383] {strides = array<i32>} : memref<128x128xf32, #tpu.memory_space<vmem>>, vector<16xf32>,
        %mul3A_1385 = vector.broadcast %squeeze3A_1333 : f32 to vector<16xf32>
        %mul3A_1386 = arith.mulf %get3A_1384, %mul3A_1385 : vector<16xf32>
        %swap3A_1387 = arith.index_cast %add3A_1331 : i32 to index
        %swap3A_1388 = arith.constant 64 : index
        %swap3A_1389 = tpu.vector_load %arg15[%swap3A_1387, %swap3A_1388] {strides = array<i32>} : memref<128x128xf32, #tpu.memory_space<vmem>>, vector<16xf32>,
        tpu.vector_store %arg15[%swap3A_1387, %swap3A_1388], %mul3A_1386 {strides = array<i32>} : memref<128x128xf32, #tpu.memory_space<vmem>>, vector<16xf32>,
        %abs3A_1390 = math.absf %mul3A_1386 : vector<16xf32>
        %swap3A_1391 = arith.index_cast %add3A_1331 : i32 to index
        %swap3A_1392 = arith.constant 64 : index
        %swap3A_1393 = tpu.vector_load %arg16[%swap3A_1391, %swap3A_1392] {strides = array<i32>} : memref<128x128xf32, #tpu.memory_space<vmem>>, vector<16xf32>,
        tpu.vector_store %arg16[%swap3A_1391, %swap3A_1392], %abs3A_1390 {strides = array<i32>} : memref<128x128xf32, #tpu.memory_space<vmem>>, vector<16xf32>,
        %get3A_1394 = arith.index_cast %add3A_1331 : i32 to index
        %get3A_1395 = arith.constant 80 : index
        %get3A_1396 = tpu.vector_load %arg15[%get3A_1394, %get3A_1395] {strides = array<i32>} : memref<128x128xf32, #tpu.memory_space<vmem>>, vector<16xf32>,
        %mul3A_1397 = vector.broadcast %squeeze3A_1333 : f32 to vector<16xf32>
        %mul3A_1398 = arith.mulf %get3A_1396, %mul3A_1397 : vector<16xf32>
        %swap3A_1399 = arith.index_cast %add3A_1331 : i32 to index
        %swap3A_1400 = arith.constant 80 : index
        %swap3A_1401 = tpu.vector_load %arg15[%swap3A_1399, %swap3A_1400] {strides = array<i32>} : memref<128x128xf32, #tpu.memory_space<vmem>>, vector<16xf32>,
        tpu.vector_store %arg15[%swap3A_1399, %swap3A_1400], %mul3A_1398 {strides = array<i32>} : memref<128x128xf32, #tpu.memory_space<vmem>>, vector<16xf32>,
        %abs3A_1402 = math.absf %mul3A_1398 : vector<16xf32>
        %swap3A_1403 = arith.index_cast %add3A_1331 : i32 to index
        %swap3A_1404 = arith.constant 80 : index
        %swap3A_1405 = tpu.vector_load %arg16[%swap3A_1403, %swap3A_1404] {strides = array<i32>} : memref<128x128xf32, #tpu.memory_space<vmem>>, vector<16xf32>,
        tpu.vector_store %arg16[%swap3A_1403, %swap3A_1404], %abs3A_1402 {strides = array<i32>} : memref<128x128xf32, #tpu.memory_space<vmem>>, vector<16xf32>,
        %get3A_1406 = arith.index_cast %add3A_1331 : i32 to index
        %get3A_1407 = arith.constant 96 : index
        %get3A_1408 = tpu.vector_load %arg15[%get3A_1406, %get3A_1407] {strides = array<i32>} : memref<128x128xf32, #tpu.memory_space<vmem>>, vector<16xf32>,
        %mul3A_1409 = vector.broadcast %squeeze3A_1333 : f32 to vector<16xf32>
        %mul3A_1410 = arith.mulf %get3A_1408, %mul3A_1409 : vector<16xf32>
        %swap3A_1411 = arith.index_cast %add3A_1331 : i32 to index
        %swap3A_1412 = arith.constant 96 : index
        %swap3A_1413 = tpu.vector_load %arg15[%swap3A_1411, %swap3A_1412] {strides = array<i32>} : memref<128x128xf32, #tpu.memory_space<vmem>>, vector<16xf32>,
        tpu.vector_store %arg15[%swap3A_1411, %swap3A_1412], %mul3A_1410 {strides = array<i32>} : memref<128x128xf32, #tpu.memory_space<vmem>>, vector<16xf32>,
        %abs3A_1414 = math.absf %mul3A_1410 : vector<16xf32>
        %swap3A_1415 = arith.index_cast %add3A_1331 : i32 to index
        %swap3A_1416 = arith.constant 96 : index
        %swap3A_1417 = tpu.vector_load %arg16[%swap3A_1415, %swap3A_1416] {strides = array<i32>} : memref<128x128xf32, #tpu.memory_space<vmem>>, vector<16xf32>,
        tpu.vector_store %arg16[%swap3A_1415, %swap3A_1416], %abs3A_1414 {strides = array<i32>} : memref<128x128xf32, #tpu.memory_space<vmem>>, vector<16xf32>,
        %get3A_1418 = arith.index_cast %add3A_1331 : i32 to index
        %get3A_1419 = arith.constant 112 : index
        %get3A_1420 = tpu.vector_load %arg15[%get3A_1418, %get3A_1419] {strides = array<i32>} : memref<128x128xf32, #tpu.memory_space<vmem>>, vector<16xf32>,
        %mul3A_1421 = vector.broadcast %squeeze3A_1333 : f32 to vector<16xf32>
        %mul3A_1422 = arith.mulf %get3A_1420, %mul3A_1421 : vector<16xf32>
        %swap3A_1423 = arith.index_cast %add3A_1331 : i32 to index
        %swap3A_1424 = arith.constant 112 : index
        %swap3A_1425 = tpu.vector_load %arg15[%swap3A_1423, %swap3A_1424] {strides = array<i32>} : memref<128x128xf32, #tpu.memory_space<vmem>>, vector<16xf32>,
        tpu.vector_store %arg15[%swap3A_1423, %swap3A_1424], %mul3A_1422 {strides = array<i32>} : memref<128x128xf32, #tpu.memory_space<vmem>>, vector<16xf32>,
        %abs3A_1426 = math.absf %mul3A_1422 : vector<16xf32>
        %swap3A_1427 = arith.index_cast %add3A_1331 : i32 to index
        %swap3A_1428 = arith.constant 112 : index
        %swap3A_1429 = tpu.vector_load %arg16[%swap3A_1427, %swap3A_1428] {strides = array<i32>} : memref<128x128xf32, #tpu.memory_space<vmem>>, vector<16xf32>,
        tpu.vector_store %arg16[%swap3A_1427, %swap3A_1428], %abs3A_1426 {strides = array<i32>} : memref<128x128xf32, #tpu.memory_space<vmem>>, vector<16xf32>,
        %mul3A_1430 = arith.constant 16 : i32
        %mul3A_1431 = arith.muli %scan3A_305, %mul3A_1430 : i32
        %add3A_1432 = arith.constant 11 : i32
        %add3A_1433 = arith.addi %mul3A_1431, %add3A_1432 : i32
        %slice3A_1434 = vector.extract_strided_slice %get3A_310 {offsets = [11], sizes = [1], strides = [1]} : vector<16xf32> to vector<1xf32>
        %squeeze3A_1435 = vector.extract %slice3A_1434[0] : f32 from vector<1xf32>
        %get3A_1436 = arith.index_cast %add3A_1433 : i32 to index
        %get3A_1437 = arith.constant 0 : index
        %get3A_1438 = tpu.vector_load %arg15[%get3A_1436, %get3A_1437] {strides = array<i32>} : memref<128x128xf32, #tpu.memory_space<vmem>>, vector<16xf32>,
        %mul3A_1439 = vector.broadcast %squeeze3A_1435 : f32 to vector<16xf32>
        %mul3A_1440 = arith.mulf %get3A_1438, %mul3A_1439 : vector<16xf32>
        %swap3A_1441 = arith.index_cast %add3A_1433 : i32 to index
        %swap3A_1442 = arith.constant 0 : index
        %swap3A_1443 = tpu.vector_load %arg15[%swap3A_1441, %swap3A_1442] {strides = array<i32>} : memref<128x128xf32, #tpu.memory_space<vmem>>, vector<16xf32>,
        tpu.vector_store %arg15[%swap3A_1441, %swap3A_1442], %mul3A_1440 {strides = array<i32>} : memref<128x128xf32, #tpu.memory_space<vmem>>, vector<16xf32>,
        %abs3A_1444 = math.absf %mul3A_1440 : vector<16xf32>
        %swap3A_1445 = arith.index_cast %add3A_1433 : i32 to index
        %swap3A_1446 = arith.constant 0 : index
        %swap3A_1447 = tpu.vector_load %arg16[%swap3A_1445, %swap3A_1446] {strides = array<i32>} : memref<128x128xf32, #tpu.memory_space<vmem>>, vector<16xf32>,
        tpu.vector_store %arg16[%swap3A_1445, %swap3A_1446], %abs3A_1444 {strides = array<i32>} : memref<128x128xf32, #tpu.memory_space<vmem>>, vector<16xf32>,
        %get3A_1448 = arith.index_cast %add3A_1433 : i32 to index
        %get3A_1449 = arith.constant 16 : index
        %get3A_1450 = tpu.vector_load %arg15[%get3A_1448, %get3A_1449] {strides = array<i32>} : memref<128x128xf32, #tpu.memory_space<vmem>>, vector<16xf32>,
        %mul3A_1451 = vector.broadcast %squeeze3A_1435 : f32 to vector<16xf32>
        %mul3A_1452 = arith.mulf %get3A_1450, %mul3A_1451 : vector<16xf32>
        %swap3A_1453 = arith.index_cast %add3A_1433 : i32 to index
        %swap3A_1454 = arith.constant 16 : index
        %swap3A_1455 = tpu.vector_load %arg15[%swap3A_1453, %swap3A_1454] {strides = array<i32>} : memref<128x128xf32, #tpu.memory_space<vmem>>, vector<16xf32>,
        tpu.vector_store %arg15[%swap3A_1453, %swap3A_1454], %mul3A_1452 {strides = array<i32>} : memref<128x128xf32, #tpu.memory_space<vmem>>, vector<16xf32>,
        %abs3A_1456 = math.absf %mul3A_1452 : vector<16xf32>
        %swap3A_1457 = arith.index_cast %add3A_1433 : i32 to index
        %swap3A_1458 = arith.constant 16 : index
        %swap3A_1459 = tpu.vector_load %arg16[%swap3A_1457, %swap3A_1458] {strides = array<i32>} : memref<128x128xf32, #tpu.memory_space<vmem>>, vector<16xf32>,
        tpu.vector_store %arg16[%swap3A_1457, %swap3A_1458], %abs3A_1456 {strides = array<i32>} : memref<128x128xf32, #tpu.memory_space<vmem>>, vector<16xf32>,
        %get3A_1460 = arith.index_cast %add3A_1433 : i32 to index
        %get3A_1461 = arith.constant 32 : index
        %get3A_1462 = tpu.vector_load %arg15[%get3A_1460, %get3A_1461] {strides = array<i32>} : memref<128x128xf32, #tpu.memory_space<vmem>>, vector<16xf32>,
        %mul3A_1463 = vector.broadcast %squeeze3A_1435 : f32 to vector<16xf32>
        %mul3A_1464 = arith.mulf %get3A_1462, %mul3A_1463 : vector<16xf32>
        %swap3A_1465 = arith.index_cast %add3A_1433 : i32 to index
        %swap3A_1466 = arith.constant 32 : index
        %swap3A_1467 = tpu.vector_load %arg15[%swap3A_1465, %swap3A_1466] {strides = array<i32>} : memref<128x128xf32, #tpu.memory_space<vmem>>, vector<16xf32>,
        tpu.vector_store %arg15[%swap3A_1465, %swap3A_1466], %mul3A_1464 {strides = array<i32>} : memref<128x128xf32, #tpu.memory_space<vmem>>, vector<16xf32>,
        %abs3A_1468 = math.absf %mul3A_1464 : vector<16xf32>
        %swap3A_1469 = arith.index_cast %add3A_1433 : i32 to index
        %swap3A_1470 = arith.constant 32 : index
        %swap3A_1471 = tpu.vector_load %arg16[%swap3A_1469, %swap3A_1470] {strides = array<i32>} : memref<128x128xf32, #tpu.memory_space<vmem>>, vector<16xf32>,
        tpu.vector_store %arg16[%swap3A_1469, %swap3A_1470], %abs3A_1468 {strides = array<i32>} : memref<128x128xf32, #tpu.memory_space<vmem>>, vector<16xf32>,
        %get3A_1472 = arith.index_cast %add3A_1433 : i32 to index
        %get3A_1473 = arith.constant 48 : index
        %get3A_1474 = tpu.vector_load %arg15[%get3A_1472, %get3A_1473] {strides = array<i32>} : memref<128x128xf32, #tpu.memory_space<vmem>>, vector<16xf32>,
        %mul3A_1475 = vector.broadcast %squeeze3A_1435 : f32 to vector<16xf32>
        %mul3A_1476 = arith.mulf %get3A_1474, %mul3A_1475 : vector<16xf32>
        %swap3A_1477 = arith.index_cast %add3A_1433 : i32 to index
        %swap3A_1478 = arith.constant 48 : index
        %swap3A_1479 = tpu.vector_load %arg15[%swap3A_1477, %swap3A_1478] {strides = array<i32>} : memref<128x128xf32, #tpu.memory_space<vmem>>, vector<16xf32>,
        tpu.vector_store %arg15[%swap3A_1477, %swap3A_1478], %mul3A_1476 {strides = array<i32>} : memref<128x128xf32, #tpu.memory_space<vmem>>, vector<16xf32>,
        %abs3A_1480 = math.absf %mul3A_1476 : vector<16xf32>
        %swap3A_1481 = arith.index_cast %add3A_1433 : i32 to index
        %swap3A_1482 = arith.constant 48 : index
        %swap3A_1483 = tpu.vector_load %arg16[%swap3A_1481, %swap3A_1482] {strides = array<i32>} : memref<128x128xf32, #tpu.memory_space<vmem>>, vector<16xf32>,
        tpu.vector_store %arg16[%swap3A_1481, %swap3A_1482], %abs3A_1480 {strides = array<i32>} : memref<128x128xf32, #tpu.memory_space<vmem>>, vector<16xf32>,
        %get3A_1484 = arith.index_cast %add3A_1433 : i32 to index
        %get3A_1485 = arith.constant 64 : index
        %get3A_1486 = tpu.vector_load %arg15[%get3A_1484, %get3A_1485] {strides = array<i32>} : memref<128x128xf32, #tpu.memory_space<vmem>>, vector<16xf32>,
        %mul3A_1487 = vector.broadcast %squeeze3A_1435 : f32 to vector<16xf32>
        %mul3A_1488 = arith.mulf %get3A_1486, %mul3A_1487 : vector<16xf32>
        %swap3A_1489 = arith.index_cast %add3A_1433 : i32 to index
        %swap3A_1490 = arith.constant 64 : index
        %swap3A_1491 = tpu.vector_load %arg15[%swap3A_1489, %swap3A_1490] {strides = array<i32>} : memref<128x128xf32, #tpu.memory_space<vmem>>, vector<16xf32>,
        tpu.vector_store %arg15[%swap3A_1489, %swap3A_1490], %mul3A_1488 {strides = array<i32>} : memref<128x128xf32, #tpu.memory_space<vmem>>, vector<16xf32>,
        %abs3A_1492 = math.absf %mul3A_1488 : vector<16xf32>
        %swap3A_1493 = arith.index_cast %add3A_1433 : i32 to index
        %swap3A_1494 = arith.constant 64 : index
        %swap3A_1495 = tpu.vector_load %arg16[%swap3A_1493, %swap3A_1494] {strides = array<i32>} : memref<128x128xf32, #tpu.memory_space<vmem>>, vector<16xf32>,
        tpu.vector_store %arg16[%swap3A_1493, %swap3A_1494], %abs3A_1492 {strides = array<i32>} : memref<128x128xf32, #tpu.memory_space<vmem>>, vector<16xf32>,
        %get3A_1496 = arith.index_cast %add3A_1433 : i32 to index
        %get3A_1497 = arith.constant 80 : index
        %get3A_1498 = tpu.vector_load %arg15[%get3A_1496, %get3A_1497] {strides = array<i32>} : memref<128x128xf32, #tpu.memory_space<vmem>>, vector<16xf32>,
        %mul3A_1499 = vector.broadcast %squeeze3A_1435 : f32 to vector<16xf32>
        %mul3A_1500 = arith.mulf %get3A_1498, %mul3A_1499 : vector<16xf32>
        %swap3A_1501 = arith.index_cast %add3A_1433 : i32 to index
        %swap3A_1502 = arith.constant 80 : index
        %swap3A_1503 = tpu.vector_load %arg15[%swap3A_1501, %swap3A_1502] {strides = array<i32>} : memref<128x128xf32, #tpu.memory_space<vmem>>, vector<16xf32>,
        tpu.vector_store %arg15[%swap3A_1501, %swap3A_1502], %mul3A_1500 {strides = array<i32>} : memref<128x128xf32, #tpu.memory_space<vmem>>, vector<16xf32>,
        %abs3A_1504 = math.absf %mul3A_1500 : vector<16xf32>
        %swap3A_1505 = arith.index_cast %add3A_1433 : i32 to index
        %swap3A_1506 = arith.constant 80 : index
        %swap3A_1507 = tpu.vector_load %arg16[%swap3A_1505, %swap3A_1506] {strides = array<i32>} : memref<128x128xf32, #tpu.memory_space<vmem>>, vector<16xf32>,
        tpu.vector_store %arg16[%swap3A_1505, %swap3A_1506], %abs3A_1504 {strides = array<i32>} : memref<128x128xf32, #tpu.memory_space<vmem>>, vector<16xf32>,
        %get3A_1508 = arith.index_cast %add3A_1433 : i32 to index
        %get3A_1509 = arith.constant 96 : index
        %get3A_1510 = tpu.vector_load %arg15[%get3A_1508, %get3A_1509] {strides = array<i32>} : memref<128x128xf32, #tpu.memory_space<vmem>>, vector<16xf32>,
        %mul3A_1511 = vector.broadcast %squeeze3A_1435 : f32 to vector<16xf32>
        %mul3A_1512 = arith.mulf %get3A_1510, %mul3A_1511 : vector<16xf32>
        %swap3A_1513 = arith.index_cast %add3A_1433 : i32 to index
        %swap3A_1514 = arith.constant 96 : index
        %swap3A_1515 = tpu.vector_load %arg15[%swap3A_1513, %swap3A_1514] {strides = array<i32>} : memref<128x128xf32, #tpu.memory_space<vmem>>, vector<16xf32>,
        tpu.vector_store %arg15[%swap3A_1513, %swap3A_1514], %mul3A_1512 {strides = array<i32>} : memref<128x128xf32, #tpu.memory_space<vmem>>, vector<16xf32>,
        %abs3A_1516 = math.absf %mul3A_1512 : vector<16xf32>
        %swap3A_1517 = arith.index_cast %add3A_1433 : i32 to index
        %swap3A_1518 = arith.constant 96 : index
        %swap3A_1519 = tpu.vector_load %arg16[%swap3A_1517, %swap3A_1518] {strides = array<i32>} : memref<128x128xf32, #tpu.memory_space<vmem>>, vector<16xf32>,
        tpu.vector_store %arg16[%swap3A_1517, %swap3A_1518], %abs3A_1516 {strides = array<i32>} : memref<128x128xf32, #tpu.memory_space<vmem>>, vector<16xf32>,
        %get3A_1520 = arith.index_cast %add3A_1433 : i32 to index
        %get3A_1521 = arith.constant 112 : index
        %get3A_1522 = tpu.vector_load %arg15[%get3A_1520, %get3A_1521] {strides = array<i32>} : memref<128x128xf32, #tpu.memory_space<vmem>>, vector<16xf32>,
        %mul3A_1523 = vector.broadcast %squeeze3A_1435 : f32 to vector<16xf32>
        %mul3A_1524 = arith.mulf %get3A_1522, %mul3A_1523 : vector<16xf32>
        %swap3A_1525 = arith.index_cast %add3A_1433 : i32 to index
        %swap3A_1526 = arith.constant 112 : index
        %swap3A_1527 = tpu.vector_load %arg15[%swap3A_1525, %swap3A_1526] {strides = array<i32>} : memref<128x128xf32, #tpu.memory_space<vmem>>, vector<16xf32>,
        tpu.vector_store %arg15[%swap3A_1525, %swap3A_1526], %mul3A_1524 {strides = array<i32>} : memref<128x128xf32, #tpu.memory_space<vmem>>, vector<16xf32>,
        %abs3A_1528 = math.absf %mul3A_1524 : vector<16xf32>
        %swap3A_1529 = arith.index_cast %add3A_1433 : i32 to index
        %swap3A_1530 = arith.constant 112 : index
        %swap3A_1531 = tpu.vector_load %arg16[%swap3A_1529, %swap3A_1530] {strides = array<i32>} : memref<128x128xf32, #tpu.memory_space<vmem>>, vector<16xf32>,
        tpu.vector_store %arg16[%swap3A_1529, %swap3A_1530], %abs3A_1528 {strides = array<i32>} : memref<128x128xf32, #tpu.memory_space<vmem>>, vector<16xf32>,
        %mul3A_1532 = arith.constant 16 : i32
        %mul3A_1533 = arith.muli %scan3A_305, %mul3A_1532 : i32
        %add3A_1534 = arith.constant 12 : i32
        %add3A_1535 = arith.addi %mul3A_1533, %add3A_1534 : i32
        %slice3A_1536 = vector.extract_strided_slice %get3A_310 {offsets = [12], sizes = [1], strides = [1]} : vector<16xf32> to vector<1xf32>
        %squeeze3A_1537 = vector.extract %slice3A_1536[0] : f32 from vector<1xf32>
        %get3A_1538 = arith.index_cast %add3A_1535 : i32 to index
        %get3A_1539 = arith.constant 0 : index
        %get3A_1540 = tpu.vector_load %arg15[%get3A_1538, %get3A_1539] {strides = array<i32>} : memref<128x128xf32, #tpu.memory_space<vmem>>, vector<16xf32>,
        %mul3A_1541 = vector.broadcast %squeeze3A_1537 : f32 to vector<16xf32>
        %mul3A_1542 = arith.mulf %get3A_1540, %mul3A_1541 : vector<16xf32>
        %swap3A_1543 = arith.index_cast %add3A_1535 : i32 to index
        %swap3A_1544 = arith.constant 0 : index
        %swap3A_1545 = tpu.vector_load %arg15[%swap3A_1543, %swap3A_1544] {strides = array<i32>} : memref<128x128xf32, #tpu.memory_space<vmem>>, vector<16xf32>,
        tpu.vector_store %arg15[%swap3A_1543, %swap3A_1544], %mul3A_1542 {strides = array<i32>} : memref<128x128xf32, #tpu.memory_space<vmem>>, vector<16xf32>,
        %abs3A_1546 = math.absf %mul3A_1542 : vector<16xf32>
        %swap3A_1547 = arith.index_cast %add3A_1535 : i32 to index
        %swap3A_1548 = arith.constant 0 : index
        %swap3A_1549 = tpu.vector_load %arg16[%swap3A_1547, %swap3A_1548] {strides = array<i32>} : memref<128x128xf32, #tpu.memory_space<vmem>>, vector<16xf32>,
        tpu.vector_store %arg16[%swap3A_1547, %swap3A_1548], %abs3A_1546 {strides = array<i32>} : memref<128x128xf32, #tpu.memory_space<vmem>>, vector<16xf32>,
        %get3A_1550 = arith.index_cast %add3A_1535 : i32 to index
        %get3A_1551 = arith.constant 16 : index
        %get3A_1552 = tpu.vector_load %arg15[%get3A_1550, %get3A_1551] {strides = array<i32>} : memref<128x128xf32, #tpu.memory_space<vmem>>, vector<16xf32>,
        %mul3A_1553 = vector.broadcast %squeeze3A_1537 : f32 to vector<16xf32>
        %mul3A_1554 = arith.mulf %get3A_1552, %mul3A_1553 : vector<16xf32>
        %swap3A_1555 = arith.index_cast %add3A_1535 : i32 to index
        %swap3A_1556 = arith.constant 16 : index
        %swap3A_1557 = tpu.vector_load %arg15[%swap3A_1555, %swap3A_1556] {strides = array<i32>} : memref<128x128xf32, #tpu.memory_space<vmem>>, vector<16xf32>,
        tpu.vector_store %arg15[%swap3A_1555, %swap3A_1556], %mul3A_1554 {strides = array<i32>} : memref<128x128xf32, #tpu.memory_space<vmem>>, vector<16xf32>,
        %abs3A_1558 = math.absf %mul3A_1554 : vector<16xf32>
        %swap3A_1559 = arith.index_cast %add3A_1535 : i32 to index
        %swap3A_1560 = arith.constant 16 : index
        %swap3A_1561 = tpu.vector_load %arg16[%swap3A_1559, %swap3A_1560] {strides = array<i32>} : memref<128x128xf32, #tpu.memory_space<vmem>>, vector<16xf32>,
        tpu.vector_store %arg16[%swap3A_1559, %swap3A_1560], %abs3A_1558 {strides = array<i32>} : memref<128x128xf32, #tpu.memory_space<vmem>>, vector<16xf32>,
        %get3A_1562 = arith.index_cast %add3A_1535 : i32 to index
        %get3A_1563 = arith.constant 32 : index
        %get3A_1564 = tpu.vector_load %arg15[%get3A_1562, %get3A_1563] {strides = array<i32>} : memref<128x128xf32, #tpu.memory_space<vmem>>, vector<16xf32>,
        %mul3A_1565 = vector.broadcast %squeeze3A_1537 : f32 to vector<16xf32>
        %mul3A_1566 = arith.mulf %get3A_1564, %mul3A_1565 : vector<16xf32>
        %swap3A_1567 = arith.index_cast %add3A_1535 : i32 to index
        %swap3A_1568 = arith.constant 32 : index
        %swap3A_1569 = tpu.vector_load %arg15[%swap3A_1567, %swap3A_1568] {strides = array<i32>} : memref<128x128xf32, #tpu.memory_space<vmem>>, vector<16xf32>,
        tpu.vector_store %arg15[%swap3A_1567, %swap3A_1568], %mul3A_1566 {strides = array<i32>} : memref<128x128xf32, #tpu.memory_space<vmem>>, vector<16xf32>,
        %abs3A_1570 = math.absf %mul3A_1566 : vector<16xf32>
        %swap3A_1571 = arith.index_cast %add3A_1535 : i32 to index
        %swap3A_1572 = arith.constant 32 : index
        %swap3A_1573 = tpu.vector_load %arg16[%swap3A_1571, %swap3A_1572] {strides = array<i32>} : memref<128x128xf32, #tpu.memory_space<vmem>>, vector<16xf32>,
        tpu.vector_store %arg16[%swap3A_1571, %swap3A_1572], %abs3A_1570 {strides = array<i32>} : memref<128x128xf32, #tpu.memory_space<vmem>>, vector<16xf32>,
        %get3A_1574 = arith.index_cast %add3A_1535 : i32 to index
        %get3A_1575 = arith.constant 48 : index
        %get3A_1576 = tpu.vector_load %arg15[%get3A_1574, %get3A_1575] {strides = array<i32>} : memref<128x128xf32, #tpu.memory_space<vmem>>, vector<16xf32>,
        %mul3A_1577 = vector.broadcast %squeeze3A_1537 : f32 to vector<16xf32>
        %mul3A_1578 = arith.mulf %get3A_1576, %mul3A_1577 : vector<16xf32>
        %swap3A_1579 = arith.index_cast %add3A_1535 : i32 to index
        %swap3A_1580 = arith.constant 48 : index
        %swap3A_1581 = tpu.vector_load %arg15[%swap3A_1579, %swap3A_1580] {strides = array<i32>} : memref<128x128xf32, #tpu.memory_space<vmem>>, vector<16xf32>,
        tpu.vector_store %arg15[%swap3A_1579, %swap3A_1580], %mul3A_1578 {strides = array<i32>} : memref<128x128xf32, #tpu.memory_space<vmem>>, vector<16xf32>,
        %abs3A_1582 = math.absf %mul3A_1578 : vector<16xf32>
        %swap3A_1583 = arith.index_cast %add3A_1535 : i32 to index
        %swap3A_1584 = arith.constant 48 : index
        %swap3A_1585 = tpu.vector_load %arg16[%swap3A_1583, %swap3A_1584] {strides = array<i32>} : memref<128x128xf32, #tpu.memory_space<vmem>>, vector<16xf32>,
        tpu.vector_store %arg16[%swap3A_1583, %swap3A_1584], %abs3A_1582 {strides = array<i32>} : memref<128x128xf32, #tpu.memory_space<vmem>>, vector<16xf32>,
        %get3A_1586 = arith.index_cast %add3A_1535 : i32 to index
        %get3A_1587 = arith.constant 64 : index
        %get3A_1588 = tpu.vector_load %arg15[%get3A_1586, %get3A_1587] {strides = array<i32>} : memref<128x128xf32, #tpu.memory_space<vmem>>, vector<16xf32>,
        %mul3A_1589 = vector.broadcast %squeeze3A_1537 : f32 to vector<16xf32>
        %mul3A_1590 = arith.mulf %get3A_1588, %mul3A_1589 : vector<16xf32>
        %swap3A_1591 = arith.index_cast %add3A_1535 : i32 to index
        %swap3A_1592 = arith.constant 64 : index
        %swap3A_1593 = tpu.vector_load %arg15[%swap3A_1591, %swap3A_1592] {strides = array<i32>} : memref<128x128xf32, #tpu.memory_space<vmem>>, vector<16xf32>,
        tpu.vector_store %arg15[%swap3A_1591, %swap3A_1592], %mul3A_1590 {strides = array<i32>} : memref<128x128xf32, #tpu.memory_space<vmem>>, vector<16xf32>,
        %abs3A_1594 = math.absf %mul3A_1590 : vector<16xf32>
        %swap3A_1595 = arith.index_cast %add3A_1535 : i32 to index
        %swap3A_1596 = arith.constant 64 : index
        %swap3A_1597 = tpu.vector_load %arg16[%swap3A_1595, %swap3A_1596] {strides = array<i32>} : memref<128x128xf32, #tpu.memory_space<vmem>>, vector<16xf32>,
        tpu.vector_store %arg16[%swap3A_1595, %swap3A_1596], %abs3A_1594 {strides = array<i32>} : memref<128x128xf32, #tpu.memory_space<vmem>>, vector<16xf32>,
        %get3A_1598 = arith.index_cast %add3A_1535 : i32 to index
        %get3A_1599 = arith.constant 80 : index
        %get3A_1600 = tpu.vector_load %arg15[%get3A_1598, %get3A_1599] {strides = array<i32>} : memref<128x128xf32, #tpu.memory_space<vmem>>, vector<16xf32>,
        %mul3A_1601 = vector.broadcast %squeeze3A_1537 : f32 to vector<16xf32>
        %mul3A_1602 = arith.mulf %get3A_1600, %mul3A_1601 : vector<16xf32>
        %swap3A_1603 = arith.index_cast %add3A_1535 : i32 to index
        %swap3A_1604 = arith.constant 80 : index
        %swap3A_1605 = tpu.vector_load %arg15[%swap3A_1603, %swap3A_1604] {strides = array<i32>} : memref<128x128xf32, #tpu.memory_space<vmem>>, vector<16xf32>,
        tpu.vector_store %arg15[%swap3A_1603, %swap3A_1604], %mul3A_1602 {strides = array<i32>} : memref<128x128xf32, #tpu.memory_space<vmem>>, vector<16xf32>,
        %abs3A_1606 = math.absf %mul3A_1602 : vector<16xf32>
        %swap3A_1607 = arith.index_cast %add3A_1535 : i32 to index
        %swap3A_1608 = arith.constant 80 : index
        %swap3A_1609 = tpu.vector_load %arg16[%swap3A_1607, %swap3A_1608] {strides = array<i32>} : memref<128x128xf32, #tpu.memory_space<vmem>>, vector<16xf32>,
        tpu.vector_store %arg16[%swap3A_1607, %swap3A_1608], %abs3A_1606 {strides = array<i32>} : memref<128x128xf32, #tpu.memory_space<vmem>>, vector<16xf32>,
        %get3A_1610 = arith.index_cast %add3A_1535 : i32 to index
        %get3A_1611 = arith.constant 96 : index
        %get3A_1612 = tpu.vector_load %arg15[%get3A_1610, %get3A_1611] {strides = array<i32>} : memref<128x128xf32, #tpu.memory_space<vmem>>, vector<16xf32>,
        %mul3A_1613 = vector.broadcast %squeeze3A_1537 : f32 to vector<16xf32>
        %mul3A_1614 = arith.mulf %get3A_1612, %mul3A_1613 : vector<16xf32>
        %swap3A_1615 = arith.index_cast %add3A_1535 : i32 to index
        %swap3A_1616 = arith.constant 96 : index
        %swap3A_1617 = tpu.vector_load %arg15[%swap3A_1615, %swap3A_1616] {strides = array<i32>} : memref<128x128xf32, #tpu.memory_space<vmem>>, vector<16xf32>,
        tpu.vector_store %arg15[%swap3A_1615, %swap3A_1616], %mul3A_1614 {strides = array<i32>} : memref<128x128xf32, #tpu.memory_space<vmem>>, vector<16xf32>,
        %abs3A_1618 = math.absf %mul3A_1614 : vector<16xf32>
        %swap3A_1619 = arith.index_cast %add3A_1535 : i32 to index
        %swap3A_1620 = arith.constant 96 : index
        %swap3A_1621 = tpu.vector_load %arg16[%swap3A_1619, %swap3A_1620] {strides = array<i32>} : memref<128x128xf32, #tpu.memory_space<vmem>>, vector<16xf32>,
        tpu.vector_store %arg16[%swap3A_1619, %swap3A_1620], %abs3A_1618 {strides = array<i32>} : memref<128x128xf32, #tpu.memory_space<vmem>>, vector<16xf32>,
        %get3A_1622 = arith.index_cast %add3A_1535 : i32 to index
        %get3A_1623 = arith.constant 112 : index
        %get3A_1624 = tpu.vector_load %arg15[%get3A_1622, %get3A_1623] {strides = array<i32>} : memref<128x128xf32, #tpu.memory_space<vmem>>, vector<16xf32>,
        %mul3A_1625 = vector.broadcast %squeeze3A_1537 : f32 to vector<16xf32>
        %mul3A_1626 = arith.mulf %get3A_1624, %mul3A_1625 : vector<16xf32>
        %swap3A_1627 = arith.index_cast %add3A_1535 : i32 to index
        %swap3A_1628 = arith.constant 112 : index
        %swap3A_1629 = tpu.vector_load %arg15[%swap3A_1627, %swap3A_1628] {strides = array<i32>} : memref<128x128xf32, #tpu.memory_space<vmem>>, vector<16xf32>,
        tpu.vector_store %arg15[%swap3A_1627, %swap3A_1628], %mul3A_1626 {strides = array<i32>} : memref<128x128xf32, #tpu.memory_space<vmem>>, vector<16xf32>,
        %abs3A_1630 = math.absf %mul3A_1626 : vector<16xf32>
        %swap3A_1631 = arith.index_cast %add3A_1535 : i32 to index
        %swap3A_1632 = arith.constant 112 : index
        %swap3A_1633 = tpu.vector_load %arg16[%swap3A_1631, %swap3A_1632] {strides = array<i32>} : memref<128x128xf32, #tpu.memory_space<vmem>>, vector<16xf32>,
        tpu.vector_store %arg16[%swap3A_1631, %swap3A_1632], %abs3A_1630 {strides = array<i32>} : memref<128x128xf32, #tpu.memory_space<vmem>>, vector<16xf32>,
        %mul3A_1634 = arith.constant 16 : i32
        %mul3A_1635 = arith.muli %scan3A_305, %mul3A_1634 : i32
        %add3A_1636 = arith.constant 13 : i32
        %add3A_1637 = arith.addi %mul3A_1635, %add3A_1636 : i32
        %slice3A_1638 = vector.extract_strided_slice %get3A_310 {offsets = [13], sizes = [1], strides = [1]} : vector<16xf32> to vector<1xf32>
        %squeeze3A_1639 = vector.extract %slice3A_1638[0] : f32 from vector<1xf32>
        %get3A_1640 = arith.index_cast %add3A_1637 : i32 to index
        %get3A_1641 = arith.constant 0 : index
        %get3A_1642 = tpu.vector_load %arg15[%get3A_1640, %get3A_1641] {strides = array<i32>} : memref<128x128xf32, #tpu.memory_space<vmem>>, vector<16xf32>,
        %mul3A_1643 = vector.broadcast %squeeze3A_1639 : f32 to vector<16xf32>
        %mul3A_1644 = arith.mulf %get3A_1642, %mul3A_1643 : vector<16xf32>
        %swap3A_1645 = arith.index_cast %add3A_1637 : i32 to index
        %swap3A_1646 = arith.constant 0 : index
        %swap3A_1647 = tpu.vector_load %arg15[%swap3A_1645, %swap3A_1646] {strides = array<i32>} : memref<128x128xf32, #tpu.memory_space<vmem>>, vector<16xf32>,
        tpu.vector_store %arg15[%swap3A_1645, %swap3A_1646], %mul3A_1644 {strides = array<i32>} : memref<128x128xf32, #tpu.memory_space<vmem>>, vector<16xf32>,
        %abs3A_1648 = math.absf %mul3A_1644 : vector<16xf32>
        %swap3A_1649 = arith.index_cast %add3A_1637 : i32 to index
        %swap3A_1650 = arith.constant 0 : index
        %swap3A_1651 = tpu.vector_load %arg16[%swap3A_1649, %swap3A_1650] {strides = array<i32>} : memref<128x128xf32, #tpu.memory_space<vmem>>, vector<16xf32>,
        tpu.vector_store %arg16[%swap3A_1649, %swap3A_1650], %abs3A_1648 {strides = array<i32>} : memref<128x128xf32, #tpu.memory_space<vmem>>, vector<16xf32>,
        %get3A_1652 = arith.index_cast %add3A_1637 : i32 to index
        %get3A_1653 = arith.constant 16 : index
        %get3A_1654 = tpu.vector_load %arg15[%get3A_1652, %get3A_1653] {strides = array<i32>} : memref<128x128xf32, #tpu.memory_space<vmem>>, vector<16xf32>,
        %mul3A_1655 = vector.broadcast %squeeze3A_1639 : f32 to vector<16xf32>
        %mul3A_1656 = arith.mulf %get3A_1654, %mul3A_1655 : vector<16xf32>
        %swap3A_1657 = arith.index_cast %add3A_1637 : i32 to index
        %swap3A_1658 = arith.constant 16 : index
        %swap3A_1659 = tpu.vector_load %arg15[%swap3A_1657, %swap3A_1658] {strides = array<i32>} : memref<128x128xf32, #tpu.memory_space<vmem>>, vector<16xf32>,
        tpu.vector_store %arg15[%swap3A_1657, %swap3A_1658], %mul3A_1656 {strides = array<i32>} : memref<128x128xf32, #tpu.memory_space<vmem>>, vector<16xf32>,
        %abs3A_1660 = math.absf %mul3A_1656 : vector<16xf32>
        %swap3A_1661 = arith.index_cast %add3A_1637 : i32 to index
        %swap3A_1662 = arith.constant 16 : index
        %swap3A_1663 = tpu.vector_load %arg16[%swap3A_1661, %swap3A_1662] {strides = array<i32>} : memref<128x128xf32, #tpu.memory_space<vmem>>, vector<16xf32>,
        tpu.vector_store %arg16[%swap3A_1661, %swap3A_1662], %abs3A_1660 {strides = array<i32>} : memref<128x128xf32, #tpu.memory_space<vmem>>, vector<16xf32>,
        %get3A_1664 = arith.index_cast %add3A_1637 : i32 to index
        %get3A_1665 = arith.constant 32 : index
        %get3A_1666 = tpu.vector_load %arg15[%get3A_1664, %get3A_1665] {strides = array<i32>} : memref<128x128xf32, #tpu.memory_space<vmem>>, vector<16xf32>,
        %mul3A_1667 = vector.broadcast %squeeze3A_1639 : f32 to vector<16xf32>
        %mul3A_1668 = arith.mulf %get3A_1666, %mul3A_1667 : vector<16xf32>
        %swap3A_1669 = arith.index_cast %add3A_1637 : i32 to index
        %swap3A_1670 = arith.constant 32 : index
        %swap3A_1671 = tpu.vector_load %arg15[%swap3A_1669, %swap3A_1670] {strides = array<i32>} : memref<128x128xf32, #tpu.memory_space<vmem>>, vector<16xf32>,
        tpu.vector_store %arg15[%swap3A_1669, %swap3A_1670], %mul3A_1668 {strides = array<i32>} : memref<128x128xf32, #tpu.memory_space<vmem>>, vector<16xf32>,
        %abs3A_1672 = math.absf %mul3A_1668 : vector<16xf32>
        %swap3A_1673 = arith.index_cast %add3A_1637 : i32 to index
        %swap3A_1674 = arith.constant 32 : index
        %swap3A_1675 = tpu.vector_load %arg16[%swap3A_1673, %swap3A_1674] {strides = array<i32>} : memref<128x128xf32, #tpu.memory_space<vmem>>, vector<16xf32>,
        tpu.vector_store %arg16[%swap3A_1673, %swap3A_1674], %abs3A_1672 {strides = array<i32>} : memref<128x128xf32, #tpu.memory_space<vmem>>, vector<16xf32>,
        %get3A_1676 = arith.index_cast %add3A_1637 : i32 to index
        %get3A_1677 = arith.constant 48 : index
        %get3A_1678 = tpu.vector_load %arg15[%get3A_1676, %get3A_1677] {strides = array<i32>} : memref<128x128xf32, #tpu.memory_space<vmem>>, vector<16xf32>,
        %mul3A_1679 = vector.broadcast %squeeze3A_1639 : f32 to vector<16xf32>
        %mul3A_1680 = arith.mulf %get3A_1678, %mul3A_1679 : vector<16xf32>
        %swap3A_1681 = arith.index_cast %add3A_1637 : i32 to index
        %swap3A_1682 = arith.constant 48 : index
        %swap3A_1683 = tpu.vector_load %arg15[%swap3A_1681, %swap3A_1682] {strides = array<i32>} : memref<128x128xf32, #tpu.memory_space<vmem>>, vector<16xf32>,
        tpu.vector_store %arg15[%swap3A_1681, %swap3A_1682], %mul3A_1680 {strides = array<i32>} : memref<128x128xf32, #tpu.memory_space<vmem>>, vector<16xf32>,
        %abs3A_1684 = math.absf %mul3A_1680 : vector<16xf32>
        %swap3A_1685 = arith.index_cast %add3A_1637 : i32 to index
        %swap3A_1686 = arith.constant 48 : index
        %swap3A_1687 = tpu.vector_load %arg16[%swap3A_1685, %swap3A_1686] {strides = array<i32>} : memref<128x128xf32, #tpu.memory_space<vmem>>, vector<16xf32>,
        tpu.vector_store %arg16[%swap3A_1685, %swap3A_1686], %abs3A_1684 {strides = array<i32>} : memref<128x128xf32, #tpu.memory_space<vmem>>, vector<16xf32>,
        %get3A_1688 = arith.index_cast %add3A_1637 : i32 to index
        %get3A_1689 = arith.constant 64 : index
        %get3A_1690 = tpu.vector_load %arg15[%get3A_1688, %get3A_1689] {strides = array<i32>} : memref<128x128xf32, #tpu.memory_space<vmem>>, vector<16xf32>,
        %mul3A_1691 = vector.broadcast %squeeze3A_1639 : f32 to vector<16xf32>
        %mul3A_1692 = arith.mulf %get3A_1690, %mul3A_1691 : vector<16xf32>
        %swap3A_1693 = arith.index_cast %add3A_1637 : i32 to index
        %swap3A_1694 = arith.constant 64 : index
        %swap3A_1695 = tpu.vector_load %arg15[%swap3A_1693, %swap3A_1694] {strides = array<i32>} : memref<128x128xf32, #tpu.memory_space<vmem>>, vector<16xf32>,
        tpu.vector_store %arg15[%swap3A_1693, %swap3A_1694], %mul3A_1692 {strides = array<i32>} : memref<128x128xf32, #tpu.memory_space<vmem>>, vector<16xf32>,
        %abs3A_1696 = math.absf %mul3A_1692 : vector<16xf32>
        %swap3A_1697 = arith.index_cast %add3A_1637 : i32 to index
        %swap3A_1698 = arith.constant 64 : index
        %swap3A_1699 = tpu.vector_load %arg16[%swap3A_1697, %swap3A_1698] {strides = array<i32>} : memref<128x128xf32, #tpu.memory_space<vmem>>, vector<16xf32>,
        tpu.vector_store %arg16[%swap3A_1697, %swap3A_1698], %abs3A_1696 {strides = array<i32>} : memref<128x128xf32, #tpu.memory_space<vmem>>, vector<16xf32>,
        %get3A_1700 = arith.index_cast %add3A_1637 : i32 to index
        %get3A_1701 = arith.constant 80 : index
        %get3A_1702 = tpu.vector_load %arg15[%get3A_1700, %get3A_1701] {strides = array<i32>} : memref<128x128xf32, #tpu.memory_space<vmem>>, vector<16xf32>,
        %mul3A_1703 = vector.broadcast %squeeze3A_1639 : f32 to vector<16xf32>
        %mul3A_1704 = arith.mulf %get3A_1702, %mul3A_1703 : vector<16xf32>
        %swap3A_1705 = arith.index_cast %add3A_1637 : i32 to index
        %swap3A_1706 = arith.constant 80 : index
        %swap3A_1707 = tpu.vector_load %arg15[%swap3A_1705, %swap3A_1706] {strides = array<i32>} : memref<128x128xf32, #tpu.memory_space<vmem>>, vector<16xf32>,
        tpu.vector_store %arg15[%swap3A_1705, %swap3A_1706], %mul3A_1704 {strides = array<i32>} : memref<128x128xf32, #tpu.memory_space<vmem>>, vector<16xf32>,
        %abs3A_1708 = math.absf %mul3A_1704 : vector<16xf32>
        %swap3A_1709 = arith.index_cast %add3A_1637 : i32 to index
        %swap3A_1710 = arith.constant 80 : index
        %swap3A_1711 = tpu.vector_load %arg16[%swap3A_1709, %swap3A_1710] {strides = array<i32>} : memref<128x128xf32, #tpu.memory_space<vmem>>, vector<16xf32>,
        tpu.vector_store %arg16[%swap3A_1709, %swap3A_1710], %abs3A_1708 {strides = array<i32>} : memref<128x128xf32, #tpu.memory_space<vmem>>, vector<16xf32>,
        %get3A_1712 = arith.index_cast %add3A_1637 : i32 to index
        %get3A_1713 = arith.constant 96 : index
        %get3A_1714 = tpu.vector_load %arg15[%get3A_1712, %get3A_1713] {strides = array<i32>} : memref<128x128xf32, #tpu.memory_space<vmem>>, vector<16xf32>,
        %mul3A_1715 = vector.broadcast %squeeze3A_1639 : f32 to vector<16xf32>
        %mul3A_1716 = arith.mulf %get3A_1714, %mul3A_1715 : vector<16xf32>
        %swap3A_1717 = arith.index_cast %add3A_1637 : i32 to index
        %swap3A_1718 = arith.constant 96 : index
        %swap3A_1719 = tpu.vector_load %arg15[%swap3A_1717, %swap3A_1718] {strides = array<i32>} : memref<128x128xf32, #tpu.memory_space<vmem>>, vector<16xf32>,
        tpu.vector_store %arg15[%swap3A_1717, %swap3A_1718], %mul3A_1716 {strides = array<i32>} : memref<128x128xf32, #tpu.memory_space<vmem>>, vector<16xf32>,
        %abs3A_1720 = math.absf %mul3A_1716 : vector<16xf32>
        %swap3A_1721 = arith.index_cast %add3A_1637 : i32 to index
        %swap3A_1722 = arith.constant 96 : index
        %swap3A_1723 = tpu.vector_load %arg16[%swap3A_1721, %swap3A_1722] {strides = array<i32>} : memref<128x128xf32, #tpu.memory_space<vmem>>, vector<16xf32>,
        tpu.vector_store %arg16[%swap3A_1721, %swap3A_1722], %abs3A_1720 {strides = array<i32>} : memref<128x128xf32, #tpu.memory_space<vmem>>, vector<16xf32>,
        %get3A_1724 = arith.index_cast %add3A_1637 : i32 to index
        %get3A_1725 = arith.constant 112 : index
        %get3A_1726 = tpu.vector_load %arg15[%get3A_1724, %get3A_1725] {strides = array<i32>} : memref<128x128xf32, #tpu.memory_space<vmem>>, vector<16xf32>,
        %mul3A_1727 = vector.broadcast %squeeze3A_1639 : f32 to vector<16xf32>
        %mul3A_1728 = arith.mulf %get3A_1726, %mul3A_1727 : vector<16xf32>
        %swap3A_1729 = arith.index_cast %add3A_1637 : i32 to index
        %swap3A_1730 = arith.constant 112 : index
        %swap3A_1731 = tpu.vector_load %arg15[%swap3A_1729, %swap3A_1730] {strides = array<i32>} : memref<128x128xf32, #tpu.memory_space<vmem>>, vector<16xf32>,
        tpu.vector_store %arg15[%swap3A_1729, %swap3A_1730], %mul3A_1728 {strides = array<i32>} : memref<128x128xf32, #tpu.memory_space<vmem>>, vector<16xf32>,
        %abs3A_1732 = math.absf %mul3A_1728 : vector<16xf32>
        %swap3A_1733 = arith.index_cast %add3A_1637 : i32 to index
        %swap3A_1734 = arith.constant 112 : index
        %swap3A_1735 = tpu.vector_load %arg16[%swap3A_1733, %swap3A_1734] {strides = array<i32>} : memref<128x128xf32, #tpu.memory_space<vmem>>, vector<16xf32>,
        tpu.vector_store %arg16[%swap3A_1733, %swap3A_1734], %abs3A_1732 {strides = array<i32>} : memref<128x128xf32, #tpu.memory_space<vmem>>, vector<16xf32>,
        %mul3A_1736 = arith.constant 16 : i32
        %mul3A_1737 = arith.muli %scan3A_305, %mul3A_1736 : i32
        %add3A_1738 = arith.constant 14 : i32
        %add3A_1739 = arith.addi %mul3A_1737, %add3A_1738 : i32
        %slice3A_1740 = vector.extract_strided_slice %get3A_310 {offsets = [14], sizes = [1], strides = [1]} : vector<16xf32> to vector<1xf32>
        %squeeze3A_1741 = vector.extract %slice3A_1740[0] : f32 from vector<1xf32>
        %get3A_1742 = arith.index_cast %add3A_1739 : i32 to index
        %get3A_1743 = arith.constant 0 : index
        %get3A_1744 = tpu.vector_load %arg15[%get3A_1742, %get3A_1743] {strides = array<i32>} : memref<128x128xf32, #tpu.memory_space<vmem>>, vector<16xf32>,
        %mul3A_1745 = vector.broadcast %squeeze3A_1741 : f32 to vector<16xf32>
        %mul3A_1746 = arith.mulf %get3A_1744, %mul3A_1745 : vector<16xf32>
        %swap3A_1747 = arith.index_cast %add3A_1739 : i32 to index
        %swap3A_1748 = arith.constant 0 : index
        %swap3A_1749 = tpu.vector_load %arg15[%swap3A_1747, %swap3A_1748] {strides = array<i32>} : memref<128x128xf32, #tpu.memory_space<vmem>>, vector<16xf32>,
        tpu.vector_store %arg15[%swap3A_1747, %swap3A_1748], %mul3A_1746 {strides = array<i32>} : memref<128x128xf32, #tpu.memory_space<vmem>>, vector<16xf32>,
        %abs3A_1750 = math.absf %mul3A_1746 : vector<16xf32>
        %swap3A_1751 = arith.index_cast %add3A_1739 : i32 to index
        %swap3A_1752 = arith.constant 0 : index
        %swap3A_1753 = tpu.vector_load %arg16[%swap3A_1751, %swap3A_1752] {strides = array<i32>} : memref<128x128xf32, #tpu.memory_space<vmem>>, vector<16xf32>,
        tpu.vector_store %arg16[%swap3A_1751, %swap3A_1752], %abs3A_1750 {strides = array<i32>} : memref<128x128xf32, #tpu.memory_space<vmem>>, vector<16xf32>,
        %get3A_1754 = arith.index_cast %add3A_1739 : i32 to index
        %get3A_1755 = arith.constant 16 : index
        %get3A_1756 = tpu.vector_load %arg15[%get3A_1754, %get3A_1755] {strides = array<i32>} : memref<128x128xf32, #tpu.memory_space<vmem>>, vector<16xf32>,
        %mul3A_1757 = vector.broadcast %squeeze3A_1741 : f32 to vector<16xf32>
        %mul3A_1758 = arith.mulf %get3A_1756, %mul3A_1757 : vector<16xf32>
        %swap3A_1759 = arith.index_cast %add3A_1739 : i32 to index
        %swap3A_1760 = arith.constant 16 : index
        %swap3A_1761 = tpu.vector_load %arg15[%swap3A_1759, %swap3A_1760] {strides = array<i32>} : memref<128x128xf32, #tpu.memory_space<vmem>>, vector<16xf32>,
        tpu.vector_store %arg15[%swap3A_1759, %swap3A_1760], %mul3A_1758 {strides = array<i32>} : memref<128x128xf32, #tpu.memory_space<vmem>>, vector<16xf32>,
        %abs3A_1762 = math.absf %mul3A_1758 : vector<16xf32>
        %swap3A_1763 = arith.index_cast %add3A_1739 : i32 to index
        %swap3A_1764 = arith.constant 16 : index
        %swap3A_1765 = tpu.vector_load %arg16[%swap3A_1763, %swap3A_1764] {strides = array<i32>} : memref<128x128xf32, #tpu.memory_space<vmem>>, vector<16xf32>,
        tpu.vector_store %arg16[%swap3A_1763, %swap3A_1764], %abs3A_1762 {strides = array<i32>} : memref<128x128xf32, #tpu.memory_space<vmem>>, vector<16xf32>,
        %get3A_1766 = arith.index_cast %add3A_1739 : i32 to index
        %get3A_1767 = arith.constant 32 : index
        %get3A_1768 = tpu.vector_load %arg15[%get3A_1766, %get3A_1767] {strides = array<i32>} : memref<128x128xf32, #tpu.memory_space<vmem>>, vector<16xf32>,
        %mul3A_1769 = vector.broadcast %squeeze3A_1741 : f32 to vector<16xf32>
        %mul3A_1770 = arith.mulf %get3A_1768, %mul3A_1769 : vector<16xf32>
        %swap3A_1771 = arith.index_cast %add3A_1739 : i32 to index
        %swap3A_1772 = arith.constant 32 : index
        %swap3A_1773 = tpu.vector_load %arg15[%swap3A_1771, %swap3A_1772] {strides = array<i32>} : memref<128x128xf32, #tpu.memory_space<vmem>>, vector<16xf32>,
        tpu.vector_store %arg15[%swap3A_1771, %swap3A_1772], %mul3A_1770 {strides = array<i32>} : memref<128x128xf32, #tpu.memory_space<vmem>>, vector<16xf32>,
        %abs3A_1774 = math.absf %mul3A_1770 : vector<16xf32>
        %swap3A_1775 = arith.index_cast %add3A_1739 : i32 to index
        %swap3A_1776 = arith.constant 32 : index
        %swap3A_1777 = tpu.vector_load %arg16[%swap3A_1775, %swap3A_1776] {strides = array<i32>} : memref<128x128xf32, #tpu.memory_space<vmem>>, vector<16xf32>,
        tpu.vector_store %arg16[%swap3A_1775, %swap3A_1776], %abs3A_1774 {strides = array<i32>} : memref<128x128xf32, #tpu.memory_space<vmem>>, vector<16xf32>,
        %get3A_1778 = arith.index_cast %add3A_1739 : i32 to index
        %get3A_1779 = arith.constant 48 : index
        %get3A_1780 = tpu.vector_load %arg15[%get3A_1778, %get3A_1779] {strides = array<i32>} : memref<128x128xf32, #tpu.memory_space<vmem>>, vector<16xf32>,
        %mul3A_1781 = vector.broadcast %squeeze3A_1741 : f32 to vector<16xf32>
        %mul3A_1782 = arith.mulf %get3A_1780, %mul3A_1781 : vector<16xf32>
        %swap3A_1783 = arith.index_cast %add3A_1739 : i32 to index
        %swap3A_1784 = arith.constant 48 : index
        %swap3A_1785 = tpu.vector_load %arg15[%swap3A_1783, %swap3A_1784] {strides = array<i32>} : memref<128x128xf32, #tpu.memory_space<vmem>>, vector<16xf32>,
        tpu.vector_store %arg15[%swap3A_1783, %swap3A_1784], %mul3A_1782 {strides = array<i32>} : memref<128x128xf32, #tpu.memory_space<vmem>>, vector<16xf32>,
        %abs3A_1786 = math.absf %mul3A_1782 : vector<16xf32>
        %swap3A_1787 = arith.index_cast %add3A_1739 : i32 to index
        %swap3A_1788 = arith.constant 48 : index
        %swap3A_1789 = tpu.vector_load %arg16[%swap3A_1787, %swap3A_1788] {strides = array<i32>} : memref<128x128xf32, #tpu.memory_space<vmem>>, vector<16xf32>,
        tpu.vector_store %arg16[%swap3A_1787, %swap3A_1788], %abs3A_1786 {strides = array<i32>} : memref<128x128xf32, #tpu.memory_space<vmem>>, vector<16xf32>,
        %get3A_1790 = arith.index_cast %add3A_1739 : i32 to index
        %get3A_1791 = arith.constant 64 : index
        %get3A_1792 = tpu.vector_load %arg15[%get3A_1790, %get3A_1791] {strides = array<i32>} : memref<128x128xf32, #tpu.memory_space<vmem>>, vector<16xf32>,
        %mul3A_1793 = vector.broadcast %squeeze3A_1741 : f32 to vector<16xf32>
        %mul3A_1794 = arith.mulf %get3A_1792, %mul3A_1793 : vector<16xf32>
        %swap3A_1795 = arith.index_cast %add3A_1739 : i32 to index
        %swap3A_1796 = arith.constant 64 : index
        %swap3A_1797 = tpu.vector_load %arg15[%swap3A_1795, %swap3A_1796] {strides = array<i32>} : memref<128x128xf32, #tpu.memory_space<vmem>>, vector<16xf32>,
        tpu.vector_store %arg15[%swap3A_1795, %swap3A_1796], %mul3A_1794 {strides = array<i32>} : memref<128x128xf32, #tpu.memory_space<vmem>>, vector<16xf32>,
        %abs3A_1798 = math.absf %mul3A_1794 : vector<16xf32>
        %swap3A_1799 = arith.index_cast %add3A_1739 : i32 to index
        %swap3A_1800 = arith.constant 64 : index
        %swap3A_1801 = tpu.vector_load %arg16[%swap3A_1799, %swap3A_1800] {strides = array<i32>} : memref<128x128xf32, #tpu.memory_space<vmem>>, vector<16xf32>,
        tpu.vector_store %arg16[%swap3A_1799, %swap3A_1800], %abs3A_1798 {strides = array<i32>} : memref<128x128xf32, #tpu.memory_space<vmem>>, vector<16xf32>,
        %get3A_1802 = arith.index_cast %add3A_1739 : i32 to index
        %get3A_1803 = arith.constant 80 : index
        %get3A_1804 = tpu.vector_load %arg15[%get3A_1802, %get3A_1803] {strides = array<i32>} : memref<128x128xf32, #tpu.memory_space<vmem>>, vector<16xf32>,
        %mul3A_1805 = vector.broadcast %squeeze3A_1741 : f32 to vector<16xf32>
        %mul3A_1806 = arith.mulf %get3A_1804, %mul3A_1805 : vector<16xf32>
        %swap3A_1807 = arith.index_cast %add3A_1739 : i32 to index
        %swap3A_1808 = arith.constant 80 : index
        %swap3A_1809 = tpu.vector_load %arg15[%swap3A_1807, %swap3A_1808] {strides = array<i32>} : memref<128x128xf32, #tpu.memory_space<vmem>>, vector<16xf32>,
        tpu.vector_store %arg15[%swap3A_1807, %swap3A_1808], %mul3A_1806 {strides = array<i32>} : memref<128x128xf32, #tpu.memory_space<vmem>>, vector<16xf32>,
        %abs3A_1810 = math.absf %mul3A_1806 : vector<16xf32>
        %swap3A_1811 = arith.index_cast %add3A_1739 : i32 to index
        %swap3A_1812 = arith.constant 80 : index
        %swap3A_1813 = tpu.vector_load %arg16[%swap3A_1811, %swap3A_1812] {strides = array<i32>} : memref<128x128xf32, #tpu.memory_space<vmem>>, vector<16xf32>,
        tpu.vector_store %arg16[%swap3A_1811, %swap3A_1812], %abs3A_1810 {strides = array<i32>} : memref<128x128xf32, #tpu.memory_space<vmem>>, vector<16xf32>,
        %get3A_1814 = arith.index_cast %add3A_1739 : i32 to index
        %get3A_1815 = arith.constant 96 : index
        %get3A_1816 = tpu.vector_load %arg15[%get3A_1814, %get3A_1815] {strides = array<i32>} : memref<128x128xf32, #tpu.memory_space<vmem>>, vector<16xf32>,
        %mul3A_1817 = vector.broadcast %squeeze3A_1741 : f32 to vector<16xf32>
        %mul3A_1818 = arith.mulf %get3A_1816, %mul3A_1817 : vector<16xf32>
        %swap3A_1819 = arith.index_cast %add3A_1739 : i32 to index
        %swap3A_1820 = arith.constant 96 : index
        %swap3A_1821 = tpu.vector_load %arg15[%swap3A_1819, %swap3A_1820] {strides = array<i32>} : memref<128x128xf32, #tpu.memory_space<vmem>>, vector<16xf32>,
        tpu.vector_store %arg15[%swap3A_1819, %swap3A_1820], %mul3A_1818 {strides = array<i32>} : memref<128x128xf32, #tpu.memory_space<vmem>>, vector<16xf32>,
        %abs3A_1822 = math.absf %mul3A_1818 : vector<16xf32>
        %swap3A_1823 = arith.index_cast %add3A_1739 : i32 to index
        %swap3A_1824 = arith.constant 96 : index
        %swap3A_1825 = tpu.vector_load %arg16[%swap3A_1823, %swap3A_1824] {strides = array<i32>} : memref<128x128xf32, #tpu.memory_space<vmem>>, vector<16xf32>,
        tpu.vector_store %arg16[%swap3A_1823, %swap3A_1824], %abs3A_1822 {strides = array<i32>} : memref<128x128xf32, #tpu.memory_space<vmem>>, vector<16xf32>,
        %get3A_1826 = arith.index_cast %add3A_1739 : i32 to index
        %get3A_1827 = arith.constant 112 : index
        %get3A_1828 = tpu.vector_load %arg15[%get3A_1826, %get3A_1827] {strides = array<i32>} : memref<128x128xf32, #tpu.memory_space<vmem>>, vector<16xf32>,
        %mul3A_1829 = vector.broadcast %squeeze3A_1741 : f32 to vector<16xf32>
        %mul3A_1830 = arith.mulf %get3A_1828, %mul3A_1829 : vector<16xf32>
        %swap3A_1831 = arith.index_cast %add3A_1739 : i32 to index
        %swap3A_1832 = arith.constant 112 : index
        %swap3A_1833 = tpu.vector_load %arg15[%swap3A_1831, %swap3A_1832] {strides = array<i32>} : memref<128x128xf32, #tpu.memory_space<vmem>>, vector<16xf32>,
        tpu.vector_store %arg15[%swap3A_1831, %swap3A_1832], %mul3A_1830 {strides = array<i32>} : memref<128x128xf32, #tpu.memory_space<vmem>>, vector<16xf32>,
        %abs3A_1834 = math.absf %mul3A_1830 : vector<16xf32>
        %swap3A_1835 = arith.index_cast %add3A_1739 : i32 to index
        %swap3A_1836 = arith.constant 112 : index
        %swap3A_1837 = tpu.vector_load %arg16[%swap3A_1835, %swap3A_1836] {strides = array<i32>} : memref<128x128xf32, #tpu.memory_space<vmem>>, vector<16xf32>,
        tpu.vector_store %arg16[%swap3A_1835, %swap3A_1836], %abs3A_1834 {strides = array<i32>} : memref<128x128xf32, #tpu.memory_space<vmem>>, vector<16xf32>,
        %mul3A_1838 = arith.constant 16 : i32
        %mul3A_1839 = arith.muli %scan3A_305, %mul3A_1838 : i32
        %add3A_1840 = arith.constant 15 : i32
        %add3A_1841 = arith.addi %mul3A_1839, %add3A_1840 : i32
        %slice3A_1842 = vector.extract_strided_slice %get3A_310 {offsets = [15], sizes = [1], strides = [1]} : vector<16xf32> to vector<1xf32>
        %squeeze3A_1843 = vector.extract %slice3A_1842[0] : f32 from vector<1xf32>
        %get3A_1844 = arith.index_cast %add3A_1841 : i32 to index
        %get3A_1845 = arith.constant 0 : index
        %get3A_1846 = tpu.vector_load %arg15[%get3A_1844, %get3A_1845] {strides = array<i32>} : memref<128x128xf32, #tpu.memory_space<vmem>>, vector<16xf32>,
        %mul3A_1847 = vector.broadcast %squeeze3A_1843 : f32 to vector<16xf32>
        %mul3A_1848 = arith.mulf %get3A_1846, %mul3A_1847 : vector<16xf32>
        %swap3A_1849 = arith.index_cast %add3A_1841 : i32 to index
        %swap3A_1850 = arith.constant 0 : index
        %swap3A_1851 = tpu.vector_load %arg15[%swap3A_1849, %swap3A_1850] {strides = array<i32>} : memref<128x128xf32, #tpu.memory_space<vmem>>, vector<16xf32>,
        tpu.vector_store %arg15[%swap3A_1849, %swap3A_1850], %mul3A_1848 {strides = array<i32>} : memref<128x128xf32, #tpu.memory_space<vmem>>, vector<16xf32>,
        %abs3A_1852 = math.absf %mul3A_1848 : vector<16xf32>
        %swap3A_1853 = arith.index_cast %add3A_1841 : i32 to index
        %swap3A_1854 = arith.constant 0 : index
        %swap3A_1855 = tpu.vector_load %arg16[%swap3A_1853, %swap3A_1854] {strides = array<i32>} : memref<128x128xf32, #tpu.memory_space<vmem>>, vector<16xf32>,
        tpu.vector_store %arg16[%swap3A_1853, %swap3A_1854], %abs3A_1852 {strides = array<i32>} : memref<128x128xf32, #tpu.memory_space<vmem>>, vector<16xf32>,
        %get3A_1856 = arith.index_cast %add3A_1841 : i32 to index
        %get3A_1857 = arith.constant 16 : index
        %get3A_1858 = tpu.vector_load %arg15[%get3A_1856, %get3A_1857] {strides = array<i32>} : memref<128x128xf32, #tpu.memory_space<vmem>>, vector<16xf32>,
        %mul3A_1859 = vector.broadcast %squeeze3A_1843 : f32 to vector<16xf32>
        %mul3A_1860 = arith.mulf %get3A_1858, %mul3A_1859 : vector<16xf32>
        %swap3A_1861 = arith.index_cast %add3A_1841 : i32 to index
        %swap3A_1862 = arith.constant 16 : index
        %swap3A_1863 = tpu.vector_load %arg15[%swap3A_1861, %swap3A_1862] {strides = array<i32>} : memref<128x128xf32, #tpu.memory_space<vmem>>, vector<16xf32>,
        tpu.vector_store %arg15[%swap3A_1861, %swap3A_1862], %mul3A_1860 {strides = array<i32>} : memref<128x128xf32, #tpu.memory_space<vmem>>, vector<16xf32>,
        %abs3A_1864 = math.absf %mul3A_1860 : vector<16xf32>
        %swap3A_1865 = arith.index_cast %add3A_1841 : i32 to index
        %swap3A_1866 = arith.constant 16 : index
        %swap3A_1867 = tpu.vector_load %arg16[%swap3A_1865, %swap3A_1866] {strides = array<i32>} : memref<128x128xf32, #tpu.memory_space<vmem>>, vector<16xf32>,
        tpu.vector_store %arg16[%swap3A_1865, %swap3A_1866], %abs3A_1864 {strides = array<i32>} : memref<128x128xf32, #tpu.memory_space<vmem>>, vector<16xf32>,
        %get3A_1868 = arith.index_cast %add3A_1841 : i32 to index
        %get3A_1869 = arith.constant 32 : index
        %get3A_1870 = tpu.vector_load %arg15[%get3A_1868, %get3A_1869] {strides = array<i32>} : memref<128x128xf32, #tpu.memory_space<vmem>>, vector<16xf32>,
        %mul3A_1871 = vector.broadcast %squeeze3A_1843 : f32 to vector<16xf32>
        %mul3A_1872 = arith.mulf %get3A_1870, %mul3A_1871 : vector<16xf32>
        %swap3A_1873 = arith.index_cast %add3A_1841 : i32 to index
        %swap3A_1874 = arith.constant 32 : index
        %swap3A_1875 = tpu.vector_load %arg15[%swap3A_1873, %swap3A_1874] {strides = array<i32>} : memref<128x128xf32, #tpu.memory_space<vmem>>, vector<16xf32>,
        tpu.vector_store %arg15[%swap3A_1873, %swap3A_1874], %mul3A_1872 {strides = array<i32>} : memref<128x128xf32, #tpu.memory_space<vmem>>, vector<16xf32>,
        %abs3A_1876 = math.absf %mul3A_1872 : vector<16xf32>
        %swap3A_1877 = arith.index_cast %add3A_1841 : i32 to index
        %swap3A_1878 = arith.constant 32 : index
        %swap3A_1879 = tpu.vector_load %arg16[%swap3A_1877, %swap3A_1878] {strides = array<i32>} : memref<128x128xf32, #tpu.memory_space<vmem>>, vector<16xf32>,
        tpu.vector_store %arg16[%swap3A_1877, %swap3A_1878], %abs3A_1876 {strides = array<i32>} : memref<128x128xf32, #tpu.memory_space<vmem>>, vector<16xf32>,
        %get3A_1880 = arith.index_cast %add3A_1841 : i32 to index
        %get3A_1881 = arith.constant 48 : index
        %get3A_1882 = tpu.vector_load %arg15[%get3A_1880, %get3A_1881] {strides = array<i32>} : memref<128x128xf32, #tpu.memory_space<vmem>>, vector<16xf32>,
        %mul3A_1883 = vector.broadcast %squeeze3A_1843 : f32 to vector<16xf32>
        %mul3A_1884 = arith.mulf %get3A_1882, %mul3A_1883 : vector<16xf32>
        %swap3A_1885 = arith.index_cast %add3A_1841 : i32 to index
        %swap3A_1886 = arith.constant 48 : index
        %swap3A_1887 = tpu.vector_load %arg15[%swap3A_1885, %swap3A_1886] {strides = array<i32>} : memref<128x128xf32, #tpu.memory_space<vmem>>, vector<16xf32>,
        tpu.vector_store %arg15[%swap3A_1885, %swap3A_1886], %mul3A_1884 {strides = array<i32>} : memref<128x128xf32, #tpu.memory_space<vmem>>, vector<16xf32>,
        %abs3A_1888 = math.absf %mul3A_1884 : vector<16xf32>
        %swap3A_1889 = arith.index_cast %add3A_1841 : i32 to index
        %swap3A_1890 = arith.constant 48 : index
        %swap3A_1891 = tpu.vector_load %arg16[%swap3A_1889, %swap3A_1890] {strides = array<i32>} : memref<128x128xf32, #tpu.memory_space<vmem>>, vector<16xf32>,
        tpu.vector_store %arg16[%swap3A_1889, %swap3A_1890], %abs3A_1888 {strides = array<i32>} : memref<128x128xf32, #tpu.memory_space<vmem>>, vector<16xf32>,
        %get3A_1892 = arith.index_cast %add3A_1841 : i32 to index
        %get3A_1893 = arith.constant 64 : index
        %get3A_1894 = tpu.vector_load %arg15[%get3A_1892, %get3A_1893] {strides = array<i32>} : memref<128x128xf32, #tpu.memory_space<vmem>>, vector<16xf32>,
        %mul3A_1895 = vector.broadcast %squeeze3A_1843 : f32 to vector<16xf32>
        %mul3A_1896 = arith.mulf %get3A_1894, %mul3A_1895 : vector<16xf32>
        %swap3A_1897 = arith.index_cast %add3A_1841 : i32 to index
        %swap3A_1898 = arith.constant 64 : index
        %swap3A_1899 = tpu.vector_load %arg15[%swap3A_1897, %swap3A_1898] {strides = array<i32>} : memref<128x128xf32, #tpu.memory_space<vmem>>, vector<16xf32>,
        tpu.vector_store %arg15[%swap3A_1897, %swap3A_1898], %mul3A_1896 {strides = array<i32>} : memref<128x128xf32, #tpu.memory_space<vmem>>, vector<16xf32>,
        %abs3A_1900 = math.absf %mul3A_1896 : vector<16xf32>
        %swap3A_1901 = arith.index_cast %add3A_1841 : i32 to index
        %swap3A_1902 = arith.constant 64 : index
        %swap3A_1903 = tpu.vector_load %arg16[%swap3A_1901, %swap3A_1902] {strides = array<i32>} : memref<128x128xf32, #tpu.memory_space<vmem>>, vector<16xf32>,
        tpu.vector_store %arg16[%swap3A_1901, %swap3A_1902], %abs3A_1900 {strides = array<i32>} : memref<128x128xf32, #tpu.memory_space<vmem>>, vector<16xf32>,
        %get3A_1904 = arith.index_cast %add3A_1841 : i32 to index
        %get3A_1905 = arith.constant 80 : index
        %get3A_1906 = tpu.vector_load %arg15[%get3A_1904, %get3A_1905] {strides = array<i32>} : memref<128x128xf32, #tpu.memory_space<vmem>>, vector<16xf32>,
        %mul3A_1907 = vector.broadcast %squeeze3A_1843 : f32 to vector<16xf32>
        %mul3A_1908 = arith.mulf %get3A_1906, %mul3A_1907 : vector<16xf32>
        %swap3A_1909 = arith.index_cast %add3A_1841 : i32 to index
        %swap3A_1910 = arith.constant 80 : index
        %swap3A_1911 = tpu.vector_load %arg15[%swap3A_1909, %swap3A_1910] {strides = array<i32>} : memref<128x128xf32, #tpu.memory_space<vmem>>, vector<16xf32>,
        tpu.vector_store %arg15[%swap3A_1909, %swap3A_1910], %mul3A_1908 {strides = array<i32>} : memref<128x128xf32, #tpu.memory_space<vmem>>, vector<16xf32>,
        %abs3A_1912 = math.absf %mul3A_1908 : vector<16xf32>
        %swap3A_1913 = arith.index_cast %add3A_1841 : i32 to index
        %swap3A_1914 = arith.constant 80 : index
        %swap3A_1915 = tpu.vector_load %arg16[%swap3A_1913, %swap3A_1914] {strides = array<i32>} : memref<128x128xf32, #tpu.memory_space<vmem>>, vector<16xf32>,
        tpu.vector_store %arg16[%swap3A_1913, %swap3A_1914], %abs3A_1912 {strides = array<i32>} : memref<128x128xf32, #tpu.memory_space<vmem>>, vector<16xf32>,
        %get3A_1916 = arith.index_cast %add3A_1841 : i32 to index
        %get3A_1917 = arith.constant 96 : index
        %get3A_1918 = tpu.vector_load %arg15[%get3A_1916, %get3A_1917] {strides = array<i32>} : memref<128x128xf32, #tpu.memory_space<vmem>>, vector<16xf32>,
        %mul3A_1919 = vector.broadcast %squeeze3A_1843 : f32 to vector<16xf32>
        %mul3A_1920 = arith.mulf %get3A_1918, %mul3A_1919 : vector<16xf32>
        %swap3A_1921 = arith.index_cast %add3A_1841 : i32 to index
        %swap3A_1922 = arith.constant 96 : index
        %swap3A_1923 = tpu.vector_load %arg15[%swap3A_1921, %swap3A_1922] {strides = array<i32>} : memref<128x128xf32, #tpu.memory_space<vmem>>, vector<16xf32>,
        tpu.vector_store %arg15[%swap3A_1921, %swap3A_1922], %mul3A_1920 {strides = array<i32>} : memref<128x128xf32, #tpu.memory_space<vmem>>, vector<16xf32>,
        %abs3A_1924 = math.absf %mul3A_1920 : vector<16xf32>
        %swap3A_1925 = arith.index_cast %add3A_1841 : i32 to index
        %swap3A_1926 = arith.constant 96 : index
        %swap3A_1927 = tpu.vector_load %arg16[%swap3A_1925, %swap3A_1926] {strides = array<i32>} : memref<128x128xf32, #tpu.memory_space<vmem>>, vector<16xf32>,
        tpu.vector_store %arg16[%swap3A_1925, %swap3A_1926], %abs3A_1924 {strides = array<i32>} : memref<128x128xf32, #tpu.memory_space<vmem>>, vector<16xf32>,
        %get3A_1928 = arith.index_cast %add3A_1841 : i32 to index
        %get3A_1929 = arith.constant 112 : index
        %get3A_1930 = tpu.vector_load %arg15[%get3A_1928, %get3A_1929] {strides = array<i32>} : memref<128x128xf32, #tpu.memory_space<vmem>>, vector<16xf32>,
        %mul3A_1931 = vector.broadcast %squeeze3A_1843 : f32 to vector<16xf32>
        %mul3A_1932 = arith.mulf %get3A_1930, %mul3A_1931 : vector<16xf32>
        %swap3A_1933 = arith.index_cast %add3A_1841 : i32 to index
        %swap3A_1934 = arith.constant 112 : index
        %swap3A_1935 = tpu.vector_load %arg15[%swap3A_1933, %swap3A_1934] {strides = array<i32>} : memref<128x128xf32, #tpu.memory_space<vmem>>, vector<16xf32>,
        tpu.vector_store %arg15[%swap3A_1933, %swap3A_1934], %mul3A_1932 {strides = array<i32>} : memref<128x128xf32, #tpu.memory_space<vmem>>, vector<16xf32>,
        %abs3A_1936 = math.absf %mul3A_1932 : vector<16xf32>
        %swap3A_1937 = arith.index_cast %add3A_1841 : i32 to index
        %swap3A_1938 = arith.constant 112 : index
        %swap3A_1939 = tpu.vector_load %arg16[%swap3A_1937, %swap3A_1938] {strides = array<i32>} : memref<128x128xf32, #tpu.memory_space<vmem>>, vector<16xf32>,
        tpu.vector_store %arg16[%swap3A_1937, %swap3A_1938], %abs3A_1936 {strides = array<i32>} : memref<128x128xf32, #tpu.memory_space<vmem>>, vector<16xf32>,
        %scan3A_1940 = arith.constant 0 : i32
        scf.yield %scan3A_1940 : i32
      }
      %scan3A_303 = arith.constant 8 : i32
      "tpu.region"() ({
        %run_scoped3A = tpu.sem_alloc : memref<!tpu.dma_semaphore, #tpu.memory_space<semaphore_mem>>
        %dma_start3A = arith.constant 0 : i32
        %dma_start3A_305 = arith.constant 0 : i32
        %dma_start3A_306 = tpu.memref_slice %arg17[%dma_start3A, %dma_start3A_305] : memref<5120x128xf32, #tpu.memory_space<vmem_shared>> -> memref<5120x128xf32, #tpu.memory_space<vmem_shared>>
        tpu.enqueue_indirect_dma source(%arg15 : memref<128x128xf32, #tpu.memory_space<vmem>>) target(%dma_start3A_306 : memref<5120x128xf32, #tpu.memory_space<vmem_shared>>) offsets(%arg11 : memref<128xi32, #tpu.memory_space<vmem>>) semaphore(%run_scoped3A : memref<!tpu.dma_semaphore, #tpu.memory_space<semaphore_mem>>) {add = true}
        %dma_wait3A = arith.constant 0 : i32
        %dma_wait3A_307 = arith.constant 0 : i32
        %dma_wait3A_308 = tpu.memref_slice %arg17[%dma_wait3A, %dma_wait3A_307] : memref<5120x128xf32, #tpu.memory_space<vmem_shared>> -> memref<5120x128xf32, #tpu.memory_space<vmem_shared>>
        tpu.wait_indirect_dma semaphore(%run_scoped3A : memref<!tpu.dma_semaphore, #tpu.memory_space<semaphore_mem>>) src(%arg15 : memref<128x128xf32, #tpu.memory_space<vmem>>) dst(%dma_wait3A_308 : memref<5120x128xf32, #tpu.memory_space<vmem_shared>>)
        tpu.yield
      }) : () -> ()
      "tpu.region"() ({
        %run_scoped3A = tpu.sem_alloc : memref<!tpu.dma_semaphore, #tpu.memory_space<semaphore_mem>>
        %dma_start3A = arith.constant 0 : i32
        %dma_start3A_305 = arith.constant 0 : i32
        %dma_start3A_306 = tpu.memref_slice %arg18[%dma_start3A, %dma_start3A_305] : memref<5120x128xf32, #tpu.memory_space<vmem_shared>> -> memref<5120x128xf32, #tpu.memory_space<vmem_shared>>
        tpu.enqueue_indirect_dma source(%arg16 : memref<128x128xf32, #tpu.memory_space<vmem>>) target(%dma_start3A_306 : memref<5120x128xf32, #tpu.memory_space<vmem_shared>>) offsets(%arg11 : memref<128xi32, #tpu.memory_space<vmem>>) semaphore(%run_scoped3A : memref<!tpu.dma_semaphore, #tpu.memory_space<semaphore_mem>>) {add = true}
        %dma_wait3A = arith.constant 0 : i32
        %dma_wait3A_307 = arith.constant 0 : i32
        %dma_wait3A_308 = tpu.memref_slice %arg18[%dma_wait3A, %dma_wait3A_307] : memref<5120x128xf32, #tpu.memory_space<vmem_shared>> -> memref<5120x128xf32, #tpu.memory_space<vmem_shared>>
        tpu.wait_indirect_dma semaphore(%run_scoped3A : memref<!tpu.dma_semaphore, #tpu.memory_space<semaphore_mem>>) src(%arg16 : memref<128x128xf32, #tpu.memory_space<vmem>>) dst(%dma_wait3A_308 : memref<5120x128xf32, #tpu.memory_space<vmem_shared>>)
        tpu.yield
      }) : () -> ()
      %while3A_304 = arith.constant 0 : i32
      scf.yield %while3A_304 : i32
    }
    %while3A_45 = arith.constant 1 : i32
    %while3A_46 = scf.for %while3A_54 = %while3A_42 to %while3A_38 step %while3A_45 iter_args(%while3A_55 = %while3A_44) -> (i32)  : i32 {
      %mul3A_56 = arith.constant 16 : i32
      %mul3A_57 = arith.muli %while3A_54, %mul3A_56 : i32
      %add3A_58 = arith.addi %arg1, %mul3A_57 : i32
      %mul3A_59 = arith.constant 128 : i32
      %mul3A_60 = arith.muli %add3A_58, %mul3A_59 : i32
      "tpu.region"() ({
        %run_scoped3A = tpu.sem_alloc : memref<!tpu.dma_semaphore, #tpu.memory_space<semaphore_mem>>
        %dma_start3A = tpu.memref_slice %arg2[%mul3A_60] : memref<320000xi32, #tpu.memory_space<hbm>> -> memref<128xi32, #tpu.memory_space<hbm>>
        %dma_start3A_305 = tpu.memref_slice %arg2[%mul3A_60] : memref<320000xi32, #tpu.memory_space<hbm>> -> memref<128xi32, #tpu.memory_space<hbm>>
        tpu.enqueue_dma source(%dma_start3A_305 : memref<128xi32, #tpu.memory_space<hbm>>) target(%arg9 : memref<128xi32, #tpu.memory_space<vmem>>) target_semaphore(%run_scoped3A : memref<!tpu.dma_semaphore, #tpu.memory_space<semaphore_mem>>)
        %dma_wait3A = tpu.memref_slice %arg2[%mul3A_60] : memref<320000xi32, #tpu.memory_space<hbm>> -> memref<128xi32, #tpu.memory_space<hbm>>
        %dma_wait3A_306 = tpu.memref_slice %arg2[%mul3A_60] : memref<320000xi32, #tpu.memory_space<hbm>> -> memref<128xi32, #tpu.memory_space<hbm>>
        tpu.wait_dma2 semaphore(%run_scoped3A : memref<!tpu.dma_semaphore, #tpu.memory_space<semaphore_mem>>) src(%dma_wait3A_306 : memref<128xi32, #tpu.memory_space<hbm>>) dst(%arg9 : memref<128xi32, #tpu.memory_space<vmem>>)
        tpu.yield
      }) : () -> ()
      "tpu.region"() ({
        %run_scoped3A = tpu.sem_alloc : memref<!tpu.dma_semaphore, #tpu.memory_space<semaphore_mem>>
        %dma_start3A = tpu.memref_slice %arg3[%mul3A_60] : memref<320000xi32, #tpu.memory_space<hbm>> -> memref<128xi32, #tpu.memory_space<hbm>>
        %dma_start3A_305 = tpu.memref_slice %arg3[%mul3A_60] : memref<320000xi32, #tpu.memory_space<hbm>> -> memref<128xi32, #tpu.memory_space<hbm>>
        tpu.enqueue_dma source(%dma_start3A_305 : memref<128xi32, #tpu.memory_space<hbm>>) target(%arg10 : memref<128xi32, #tpu.memory_space<vmem>>) target_semaphore(%run_scoped3A : memref<!tpu.dma_semaphore, #tpu.memory_space<semaphore_mem>>)
        %dma_wait3A = tpu.memref_slice %arg3[%mul3A_60] : memref<320000xi32, #tpu.memory_space<hbm>> -> memref<128xi32, #tpu.memory_space<hbm>>
        %dma_wait3A_306 = tpu.memref_slice %arg3[%mul3A_60] : memref<320000xi32, #tpu.memory_space<hbm>> -> memref<128xi32, #tpu.memory_space<hbm>>
        tpu.wait_dma2 semaphore(%run_scoped3A : memref<!tpu.dma_semaphore, #tpu.memory_space<semaphore_mem>>) src(%dma_wait3A_306 : memref<128xi32, #tpu.memory_space<hbm>>) dst(%arg10 : memref<128xi32, #tpu.memory_space<vmem>>)
        tpu.yield
      }) : () -> ()
      "tpu.region"() ({
        %run_scoped3A = tpu.sem_alloc : memref<!tpu.dma_semaphore, #tpu.memory_space<semaphore_mem>>
        %dma_start3A = arith.constant 0 : i32
        %dma_start3A_305 = arith.constant 0 : i32
        %dma_start3A_306 = tpu.memref_slice %arg6[%dma_start3A, %dma_start3A_305] : memref<10000x128xf32, #tpu.memory_space<hbm>> -> memref<10000x128xf32, #tpu.memory_space<hbm>>
        tpu.enqueue_indirect_dma source(%dma_start3A_306 : memref<10000x128xf32, #tpu.memory_space<hbm>>) target(%arg15 : memref<128x128xf32, #tpu.memory_space<vmem>>) offsets(%arg9 : memref<128xi32, #tpu.memory_space<vmem>>) semaphore(%run_scoped3A : memref<!tpu.dma_semaphore, #tpu.memory_space<semaphore_mem>>)
        %dma_wait3A = arith.constant 0 : i32
        %dma_wait3A_307 = arith.constant 0 : i32
        %dma_wait3A_308 = tpu.memref_slice %arg6[%dma_wait3A, %dma_wait3A_307] : memref<10000x128xf32, #tpu.memory_space<hbm>> -> memref<10000x128xf32, #tpu.memory_space<hbm>>
        tpu.wait_indirect_dma semaphore(%run_scoped3A : memref<!tpu.dma_semaphore, #tpu.memory_space<semaphore_mem>>) src(%dma_wait3A_308 : memref<10000x128xf32, #tpu.memory_space<hbm>>) dst(%arg15 : memref<128x128xf32, #tpu.memory_space<vmem>>)
        tpu.yield
      }) : () -> ()
      "tpu.region"() ({
        %run_scoped3A = tpu.sem_alloc : memref<!tpu.dma_semaphore, #tpu.memory_space<semaphore_mem>>
        %dma_start3A = arith.constant 0 : i32
        %dma_start3A_305 = tpu.memref_slice %arg4[%dma_start3A] : memref<10000xf32, #tpu.memory_space<hbm>> -> memref<10000xf32, #tpu.memory_space<hbm>>
        tpu.enqueue_indirect_dma source(%dma_start3A_305 : memref<10000xf32, #tpu.memory_space<hbm>>) target(%arg12 : memref<128xf32, #tpu.memory_space<vmem>>) offsets(%arg9 : memref<128xi32, #tpu.memory_space<vmem>>) semaphore(%run_scoped3A : memref<!tpu.dma_semaphore, #tpu.memory_space<semaphore_mem>>)
        %dma_wait3A = arith.constant 0 : i32
        %dma_wait3A_306 = tpu.memref_slice %arg4[%dma_wait3A] : memref<10000xf32, #tpu.memory_space<hbm>> -> memref<10000xf32, #tpu.memory_space<hbm>>
        tpu.wait_indirect_dma semaphore(%run_scoped3A : memref<!tpu.dma_semaphore, #tpu.memory_space<semaphore_mem>>) src(%dma_wait3A_306 : memref<10000xf32, #tpu.memory_space<hbm>>) dst(%arg12 : memref<128xf32, #tpu.memory_space<vmem>>)
        tpu.yield
      }) : () -> ()
      "tpu.region"() ({
        %run_scoped3A = tpu.sem_alloc : memref<!tpu.dma_semaphore, #tpu.memory_space<semaphore_mem>>
        %dma_start3A = arith.constant 0 : i32
        %dma_start3A_305 = tpu.memref_slice %arg5[%dma_start3A] : memref<10000xf32, #tpu.memory_space<hbm>> -> memref<10000xf32, #tpu.memory_space<hbm>>
        tpu.enqueue_indirect_dma source(%dma_start3A_305 : memref<10000xf32, #tpu.memory_space<hbm>>) target(%arg13 : memref<128xf32, #tpu.memory_space<vmem>>) offsets(%arg10 : memref<128xi32, #tpu.memory_space<vmem>>) semaphore(%run_scoped3A : memref<!tpu.dma_semaphore, #tpu.memory_space<semaphore_mem>>)
        %dma_wait3A = arith.constant 0 : i32
        %dma_wait3A_306 = tpu.memref_slice %arg5[%dma_wait3A] : memref<10000xf32, #tpu.memory_space<hbm>> -> memref<10000xf32, #tpu.memory_space<hbm>>
        tpu.wait_indirect_dma semaphore(%run_scoped3A : memref<!tpu.dma_semaphore, #tpu.memory_space<semaphore_mem>>) src(%dma_wait3A_306 : memref<10000xf32, #tpu.memory_space<hbm>>) dst(%arg13 : memref<128xf32, #tpu.memory_space<vmem>>)
        tpu.yield
      }) : () -> ()
      %get3A = arith.constant 0 : index
      %get3A_61 = tpu.vector_load %arg12[%get3A] {strides = array<i32>} : memref<128xf32, #tpu.memory_space<vmem>>, vector<16xf32>,
      %get3A_62 = arith.constant 0 : index
      %get3A_63 = tpu.vector_load %arg13[%get3A_62] {strides = array<i32>} : memref<128xf32, #tpu.memory_space<vmem>>, vector<16xf32>,
      %add3A_64 = arith.addf %get3A_61, %get3A_63 : vector<16xf32>
      %ge3A = arith.constant 0.000000e+00 : f32
      %ge3A_65 = vector.broadcast %ge3A : f32 to vector<16xf32>
      %ge3A_66 = arith.cmpf oge, %add3A_64, %ge3A_65 : vector<16xf32>
      %mul3A_67 = arith.constant 0.00999999977 : f32
      %mul3A_68 = vector.broadcast %mul3A_67 : f32 to vector<16xf32>
      %mul3A_69 = arith.mulf %add3A_64, %mul3A_68 : vector<16xf32>
      %select_n3A_70 = arith.select %ge3A_66, %add3A_64, %mul3A_69 : vector<16xi1>, vector<16xf32>
      %swap3A = arith.constant 0 : index
      %swap3A_71 = tpu.vector_load %arg14[%swap3A] {strides = array<i32>} : memref<128xf32, #tpu.memory_space<vmem>>, vector<16xf32>,
      tpu.vector_store %arg14[%swap3A], %select_n3A_70 {strides = array<i32>} : memref<128xf32, #tpu.memory_space<vmem>>, vector<16xf32>,
      %get3A_72 = arith.constant 0 : index
      %get3A_73 = tpu.vector_load %arg10[%get3A_72] {strides = array<i32>} : memref<128xi32, #tpu.memory_space<vmem>>, vector<16xi32>,
      %sub3A_74 = vector.broadcast %mul3A_0 : i32 to vector<16xi32>
      %sub3A_75 = arith.subi %get3A_73, %sub3A_74 : vector<16xi32>
      %ge3A_76 = arith.constant 0 : i32
      %ge3A_77 = vector.broadcast %ge3A_76 : i32 to vector<16xi32>
      %ge3A_78 = arith.cmpi sge, %sub3A_75, %ge3A_77 : vector<16xi32>
      %lt3A_79 = arith.constant 5000 : i32
      %lt3A_80 = vector.broadcast %lt3A_79 : i32 to vector<16xi32>
      %lt3A_81 = arith.cmpi slt, %sub3A_75, %lt3A_80 : vector<16xi32>
      %and3A_82 = arith.andi %ge3A_78, %lt3A_81 : vector<16xi1>
      %jit3A_83 = arith.constant 5000 : i32
      %broadcast_in_dim3A = vector.broadcast %jit3A_83 : i32 to vector<16xi32>
      %select_n3A_84 = arith.select %and3A_82, %sub3A_75, %broadcast_in_dim3A : vector<16xi1>, vector<16xi32>
      %swap3A_85 = arith.constant 0 : index
      %swap3A_86 = tpu.vector_load %arg11[%swap3A_85] {strides = array<i32>} : memref<128xi32, #tpu.memory_space<vmem>>, vector<16xi32>,
      tpu.vector_store %arg11[%swap3A_85], %select_n3A_84 {strides = array<i32>} : memref<128xi32, #tpu.memory_space<vmem>>, vector<16xi32>,
      %get3A_87 = arith.constant 16 : index
      %get3A_88 = tpu.vector_load %arg12[%get3A_87] {strides = array<i32>} : memref<128xf32, #tpu.memory_space<vmem>>, vector<16xf32>,
      %get3A_89 = arith.constant 16 : index
      %get3A_90 = tpu.vector_load %arg13[%get3A_89] {strides = array<i32>} : memref<128xf32, #tpu.memory_space<vmem>>, vector<16xf32>,
      %add3A_91 = arith.addf %get3A_88, %get3A_90 : vector<16xf32>
      %ge3A_92 = arith.constant 0.000000e+00 : f32
      %ge3A_93 = vector.broadcast %ge3A_92 : f32 to vector<16xf32>
      %ge3A_94 = arith.cmpf oge, %add3A_91, %ge3A_93 : vector<16xf32>
      %mul3A_95 = arith.constant 0.00999999977 : f32
      %mul3A_96 = vector.broadcast %mul3A_95 : f32 to vector<16xf32>
      %mul3A_97 = arith.mulf %add3A_91, %mul3A_96 : vector<16xf32>
      %select_n3A_98 = arith.select %ge3A_94, %add3A_91, %mul3A_97 : vector<16xi1>, vector<16xf32>
      %swap3A_99 = arith.constant 16 : index
      %swap3A_100 = tpu.vector_load %arg14[%swap3A_99] {strides = array<i32>} : memref<128xf32, #tpu.memory_space<vmem>>, vector<16xf32>,
      tpu.vector_store %arg14[%swap3A_99], %select_n3A_98 {strides = array<i32>} : memref<128xf32, #tpu.memory_space<vmem>>, vector<16xf32>,
      %get3A_101 = arith.constant 16 : index
      %get3A_102 = tpu.vector_load %arg10[%get3A_101] {strides = array<i32>} : memref<128xi32, #tpu.memory_space<vmem>>, vector<16xi32>,
      %sub3A_103 = vector.broadcast %mul3A_0 : i32 to vector<16xi32>
      %sub3A_104 = arith.subi %get3A_102, %sub3A_103 : vector<16xi32>
      %ge3A_105 = arith.constant 0 : i32
      %ge3A_106 = vector.broadcast %ge3A_105 : i32 to vector<16xi32>
      %ge3A_107 = arith.cmpi sge, %sub3A_104, %ge3A_106 : vector<16xi32>
      %lt3A_108 = arith.constant 5000 : i32
      %lt3A_109 = vector.broadcast %lt3A_108 : i32 to vector<16xi32>
      %lt3A_110 = arith.cmpi slt, %sub3A_104, %lt3A_109 : vector<16xi32>
      %and3A_111 = arith.andi %ge3A_107, %lt3A_110 : vector<16xi1>
      %jit3A_112 = arith.constant 5000 : i32
      %broadcast_in_dim3A_113 = vector.broadcast %jit3A_112 : i32 to vector<16xi32>
      %select_n3A_114 = arith.select %and3A_111, %sub3A_104, %broadcast_in_dim3A_113 : vector<16xi1>, vector<16xi32>
      %swap3A_115 = arith.constant 16 : index
      %swap3A_116 = tpu.vector_load %arg11[%swap3A_115] {strides = array<i32>} : memref<128xi32, #tpu.memory_space<vmem>>, vector<16xi32>,
      tpu.vector_store %arg11[%swap3A_115], %select_n3A_114 {strides = array<i32>} : memref<128xi32, #tpu.memory_space<vmem>>, vector<16xi32>,
      %get3A_117 = arith.constant 32 : index
      %get3A_118 = tpu.vector_load %arg12[%get3A_117] {strides = array<i32>} : memref<128xf32, #tpu.memory_space<vmem>>, vector<16xf32>,
      %get3A_119 = arith.constant 32 : index
      %get3A_120 = tpu.vector_load %arg13[%get3A_119] {strides = array<i32>} : memref<128xf32, #tpu.memory_space<vmem>>, vector<16xf32>,
      %add3A_121 = arith.addf %get3A_118, %get3A_120 : vector<16xf32>
      %ge3A_122 = arith.constant 0.000000e+00 : f32
      %ge3A_123 = vector.broadcast %ge3A_122 : f32 to vector<16xf32>
      %ge3A_124 = arith.cmpf oge, %add3A_121, %ge3A_123 : vector<16xf32>
      %mul3A_125 = arith.constant 0.00999999977 : f32
      %mul3A_126 = vector.broadcast %mul3A_125 : f32 to vector<16xf32>
      %mul3A_127 = arith.mulf %add3A_121, %mul3A_126 : vector<16xf32>
      %select_n3A_128 = arith.select %ge3A_124, %add3A_121, %mul3A_127 : vector<16xi1>, vector<16xf32>
      %swap3A_129 = arith.constant 32 : index
      %swap3A_130 = tpu.vector_load %arg14[%swap3A_129] {strides = array<i32>} : memref<128xf32, #tpu.memory_space<vmem>>, vector<16xf32>,
      tpu.vector_store %arg14[%swap3A_129], %select_n3A_128 {strides = array<i32>} : memref<128xf32, #tpu.memory_space<vmem>>, vector<16xf32>,
      %get3A_131 = arith.constant 32 : index
      %get3A_132 = tpu.vector_load %arg10[%get3A_131] {strides = array<i32>} : memref<128xi32, #tpu.memory_space<vmem>>, vector<16xi32>,
      %sub3A_133 = vector.broadcast %mul3A_0 : i32 to vector<16xi32>
      %sub3A_134 = arith.subi %get3A_132, %sub3A_133 : vector<16xi32>
      %ge3A_135 = arith.constant 0 : i32
      %ge3A_136 = vector.broadcast %ge3A_135 : i32 to vector<16xi32>
      %ge3A_137 = arith.cmpi sge, %sub3A_134, %ge3A_136 : vector<16xi32>
      %lt3A_138 = arith.constant 5000 : i32
      %lt3A_139 = vector.broadcast %lt3A_138 : i32 to vector<16xi32>
      %lt3A_140 = arith.cmpi slt, %sub3A_134, %lt3A_139 : vector<16xi32>
      %and3A_141 = arith.andi %ge3A_137, %lt3A_140 : vector<16xi1>
      %jit3A_142 = arith.constant 5000 : i32
      %broadcast_in_dim3A_143 = vector.broadcast %jit3A_142 : i32 to vector<16xi32>
      %select_n3A_144 = arith.select %and3A_141, %sub3A_134, %broadcast_in_dim3A_143 : vector<16xi1>, vector<16xi32>
      %swap3A_145 = arith.constant 32 : index
      %swap3A_146 = tpu.vector_load %arg11[%swap3A_145] {strides = array<i32>} : memref<128xi32, #tpu.memory_space<vmem>>, vector<16xi32>,
      tpu.vector_store %arg11[%swap3A_145], %select_n3A_144 {strides = array<i32>} : memref<128xi32, #tpu.memory_space<vmem>>, vector<16xi32>,
      %get3A_147 = arith.constant 48 : index
      %get3A_148 = tpu.vector_load %arg12[%get3A_147] {strides = array<i32>} : memref<128xf32, #tpu.memory_space<vmem>>, vector<16xf32>,
      %get3A_149 = arith.constant 48 : index
      %get3A_150 = tpu.vector_load %arg13[%get3A_149] {strides = array<i32>} : memref<128xf32, #tpu.memory_space<vmem>>, vector<16xf32>,
      %add3A_151 = arith.addf %get3A_148, %get3A_150 : vector<16xf32>
      %ge3A_152 = arith.constant 0.000000e+00 : f32
      %ge3A_153 = vector.broadcast %ge3A_152 : f32 to vector<16xf32>
      %ge3A_154 = arith.cmpf oge, %add3A_151, %ge3A_153 : vector<16xf32>
      %mul3A_155 = arith.constant 0.00999999977 : f32
      %mul3A_156 = vector.broadcast %mul3A_155 : f32 to vector<16xf32>
      %mul3A_157 = arith.mulf %add3A_151, %mul3A_156 : vector<16xf32>
      %select_n3A_158 = arith.select %ge3A_154, %add3A_151, %mul3A_157 : vector<16xi1>, vector<16xf32>
      %swap3A_159 = arith.constant 48 : index
      %swap3A_160 = tpu.vector_load %arg14[%swap3A_159] {strides = array<i32>} : memref<128xf32, #tpu.memory_space<vmem>>, vector<16xf32>,
      tpu.vector_store %arg14[%swap3A_159], %select_n3A_158 {strides = array<i32>} : memref<128xf32, #tpu.memory_space<vmem>>, vector<16xf32>,
      %get3A_161 = arith.constant 48 : index
      %get3A_162 = tpu.vector_load %arg10[%get3A_161] {strides = array<i32>} : memref<128xi32, #tpu.memory_space<vmem>>, vector<16xi32>,
      %sub3A_163 = vector.broadcast %mul3A_0 : i32 to vector<16xi32>
      %sub3A_164 = arith.subi %get3A_162, %sub3A_163 : vector<16xi32>
      %ge3A_165 = arith.constant 0 : i32
      %ge3A_166 = vector.broadcast %ge3A_165 : i32 to vector<16xi32>
      %ge3A_167 = arith.cmpi sge, %sub3A_164, %ge3A_166 : vector<16xi32>
      %lt3A_168 = arith.constant 5000 : i32
      %lt3A_169 = vector.broadcast %lt3A_168 : i32 to vector<16xi32>
      %lt3A_170 = arith.cmpi slt, %sub3A_164, %lt3A_169 : vector<16xi32>
      %and3A_171 = arith.andi %ge3A_167, %lt3A_170 : vector<16xi1>
      %jit3A_172 = arith.constant 5000 : i32
      %broadcast_in_dim3A_173 = vector.broadcast %jit3A_172 : i32 to vector<16xi32>
      %select_n3A_174 = arith.select %and3A_171, %sub3A_164, %broadcast_in_dim3A_173 : vector<16xi1>, vector<16xi32>
      %swap3A_175 = arith.constant 48 : index
      %swap3A_176 = tpu.vector_load %arg11[%swap3A_175] {strides = array<i32>} : memref<128xi32, #tpu.memory_space<vmem>>, vector<16xi32>,
      tpu.vector_store %arg11[%swap3A_175], %select_n3A_174 {strides = array<i32>} : memref<128xi32, #tpu.memory_space<vmem>>, vector<16xi32>,
      %get3A_177 = arith.constant 64 : index
      %get3A_178 = tpu.vector_load %arg12[%get3A_177] {strides = array<i32>} : memref<128xf32, #tpu.memory_space<vmem>>, vector<16xf32>,
      %get3A_179 = arith.constant 64 : index
      %get3A_180 = tpu.vector_load %arg13[%get3A_179] {strides = array<i32>} : memref<128xf32, #tpu.memory_space<vmem>>, vector<16xf32>,
      %add3A_181 = arith.addf %get3A_178, %get3A_180 : vector<16xf32>
      %ge3A_182 = arith.constant 0.000000e+00 : f32
      %ge3A_183 = vector.broadcast %ge3A_182 : f32 to vector<16xf32>
      %ge3A_184 = arith.cmpf oge, %add3A_181, %ge3A_183 : vector<16xf32>
      %mul3A_185 = arith.constant 0.00999999977 : f32
      %mul3A_186 = vector.broadcast %mul3A_185 : f32 to vector<16xf32>
      %mul3A_187 = arith.mulf %add3A_181, %mul3A_186 : vector<16xf32>
      %select_n3A_188 = arith.select %ge3A_184, %add3A_181, %mul3A_187 : vector<16xi1>, vector<16xf32>
      %swap3A_189 = arith.constant 64 : index
      %swap3A_190 = tpu.vector_load %arg14[%swap3A_189] {strides = array<i32>} : memref<128xf32, #tpu.memory_space<vmem>>, vector<16xf32>,
      tpu.vector_store %arg14[%swap3A_189], %select_n3A_188 {strides = array<i32>} : memref<128xf32, #tpu.memory_space<vmem>>, vector<16xf32>,
      %get3A_191 = arith.constant 64 : index
      %get3A_192 = tpu.vector_load %arg10[%get3A_191] {strides = array<i32>} : memref<128xi32, #tpu.memory_space<vmem>>, vector<16xi32>,
      %sub3A_193 = vector.broadcast %mul3A_0 : i32 to vector<16xi32>
      %sub3A_194 = arith.subi %get3A_192, %sub3A_193 : vector<16xi32>
      %ge3A_195 = arith.constant 0 : i32
      %ge3A_196 = vector.broadcast %ge3A_195 : i32 to vector<16xi32>
      %ge3A_197 = arith.cmpi sge, %sub3A_194, %ge3A_196 : vector<16xi32>
      %lt3A_198 = arith.constant 5000 : i32
      %lt3A_199 = vector.broadcast %lt3A_198 : i32 to vector<16xi32>
      %lt3A_200 = arith.cmpi slt, %sub3A_194, %lt3A_199 : vector<16xi32>
      %and3A_201 = arith.andi %ge3A_197, %lt3A_200 : vector<16xi1>
      %jit3A_202 = arith.constant 5000 : i32
      %broadcast_in_dim3A_203 = vector.broadcast %jit3A_202 : i32 to vector<16xi32>
      %select_n3A_204 = arith.select %and3A_201, %sub3A_194, %broadcast_in_dim3A_203 : vector<16xi1>, vector<16xi32>
      %swap3A_205 = arith.constant 64 : index
      %swap3A_206 = tpu.vector_load %arg11[%swap3A_205] {strides = array<i32>} : memref<128xi32, #tpu.memory_space<vmem>>, vector<16xi32>,
      tpu.vector_store %arg11[%swap3A_205], %select_n3A_204 {strides = array<i32>} : memref<128xi32, #tpu.memory_space<vmem>>, vector<16xi32>,
      %get3A_207 = arith.constant 80 : index
      %get3A_208 = tpu.vector_load %arg12[%get3A_207] {strides = array<i32>} : memref<128xf32, #tpu.memory_space<vmem>>, vector<16xf32>,
      %get3A_209 = arith.constant 80 : index
      %get3A_210 = tpu.vector_load %arg13[%get3A_209] {strides = array<i32>} : memref<128xf32, #tpu.memory_space<vmem>>, vector<16xf32>,
      %add3A_211 = arith.addf %get3A_208, %get3A_210 : vector<16xf32>
      %ge3A_212 = arith.constant 0.000000e+00 : f32
      %ge3A_213 = vector.broadcast %ge3A_212 : f32 to vector<16xf32>
      %ge3A_214 = arith.cmpf oge, %add3A_211, %ge3A_213 : vector<16xf32>
      %mul3A_215 = arith.constant 0.00999999977 : f32
      %mul3A_216 = vector.broadcast %mul3A_215 : f32 to vector<16xf32>
      %mul3A_217 = arith.mulf %add3A_211, %mul3A_216 : vector<16xf32>
      %select_n3A_218 = arith.select %ge3A_214, %add3A_211, %mul3A_217 : vector<16xi1>, vector<16xf32>
      %swap3A_219 = arith.constant 80 : index
      %swap3A_220 = tpu.vector_load %arg14[%swap3A_219] {strides = array<i32>} : memref<128xf32, #tpu.memory_space<vmem>>, vector<16xf32>,
      tpu.vector_store %arg14[%swap3A_219], %select_n3A_218 {strides = array<i32>} : memref<128xf32, #tpu.memory_space<vmem>>, vector<16xf32>,
      %get3A_221 = arith.constant 80 : index
      %get3A_222 = tpu.vector_load %arg10[%get3A_221] {strides = array<i32>} : memref<128xi32, #tpu.memory_space<vmem>>, vector<16xi32>,
      %sub3A_223 = vector.broadcast %mul3A_0 : i32 to vector<16xi32>
      %sub3A_224 = arith.subi %get3A_222, %sub3A_223 : vector<16xi32>
      %ge3A_225 = arith.constant 0 : i32
      %ge3A_226 = vector.broadcast %ge3A_225 : i32 to vector<16xi32>
      %ge3A_227 = arith.cmpi sge, %sub3A_224, %ge3A_226 : vector<16xi32>
      %lt3A_228 = arith.constant 5000 : i32
      %lt3A_229 = vector.broadcast %lt3A_228 : i32 to vector<16xi32>
      %lt3A_230 = arith.cmpi slt, %sub3A_224, %lt3A_229 : vector<16xi32>
      %and3A_231 = arith.andi %ge3A_227, %lt3A_230 : vector<16xi1>
      %jit3A_232 = arith.constant 5000 : i32
      %broadcast_in_dim3A_233 = vector.broadcast %jit3A_232 : i32 to vector<16xi32>
      %select_n3A_234 = arith.select %and3A_231, %sub3A_224, %broadcast_in_dim3A_233 : vector<16xi1>, vector<16xi32>
      %swap3A_235 = arith.constant 80 : index
      %swap3A_236 = tpu.vector_load %arg11[%swap3A_235] {strides = array<i32>} : memref<128xi32, #tpu.memory_space<vmem>>, vector<16xi32>,
      tpu.vector_store %arg11[%swap3A_235], %select_n3A_234 {strides = array<i32>} : memref<128xi32, #tpu.memory_space<vmem>>, vector<16xi32>,
      %get3A_237 = arith.constant 96 : index
      %get3A_238 = tpu.vector_load %arg12[%get3A_237] {strides = array<i32>} : memref<128xf32, #tpu.memory_space<vmem>>, vector<16xf32>,
      %get3A_239 = arith.constant 96 : index
      %get3A_240 = tpu.vector_load %arg13[%get3A_239] {strides = array<i32>} : memref<128xf32, #tpu.memory_space<vmem>>, vector<16xf32>,
      %add3A_241 = arith.addf %get3A_238, %get3A_240 : vector<16xf32>
      %ge3A_242 = arith.constant 0.000000e+00 : f32
      %ge3A_243 = vector.broadcast %ge3A_242 : f32 to vector<16xf32>
      %ge3A_244 = arith.cmpf oge, %add3A_241, %ge3A_243 : vector<16xf32>
      %mul3A_245 = arith.constant 0.00999999977 : f32
      %mul3A_246 = vector.broadcast %mul3A_245 : f32 to vector<16xf32>
      %mul3A_247 = arith.mulf %add3A_241, %mul3A_246 : vector<16xf32>
      %select_n3A_248 = arith.select %ge3A_244, %add3A_241, %mul3A_247 : vector<16xi1>, vector<16xf32>
      %swap3A_249 = arith.constant 96 : index
      %swap3A_250 = tpu.vector_load %arg14[%swap3A_249] {strides = array<i32>} : memref<128xf32, #tpu.memory_space<vmem>>, vector<16xf32>,
      tpu.vector_store %arg14[%swap3A_249], %select_n3A_248 {strides = array<i32>} : memref<128xf32, #tpu.memory_space<vmem>>, vector<16xf32>,
      %get3A_251 = arith.constant 96 : index
      %get3A_252 = tpu.vector_load %arg10[%get3A_251] {strides = array<i32>} : memref<128xi32, #tpu.memory_space<vmem>>, vector<16xi32>,
      %sub3A_253 = vector.broadcast %mul3A_0 : i32 to vector<16xi32>
      %sub3A_254 = arith.subi %get3A_252, %sub3A_253 : vector<16xi32>
      %ge3A_255 = arith.constant 0 : i32
      %ge3A_256 = vector.broadcast %ge3A_255 : i32 to vector<16xi32>
      %ge3A_257 = arith.cmpi sge, %sub3A_254, %ge3A_256 : vector<16xi32>
      %lt3A_258 = arith.constant 5000 : i32
      %lt3A_259 = vector.broadcast %lt3A_258 : i32 to vector<16xi32>
      %lt3A_260 = arith.cmpi slt, %sub3A_254, %lt3A_259 : vector<16xi32>
      %and3A_261 = arith.andi %ge3A_257, %lt3A_260 : vector<16xi1>
      %jit3A_262 = arith.constant 5000 : i32
      %broadcast_in_dim3A_263 = vector.broadcast %jit3A_262 : i32 to vector<16xi32>
      %select_n3A_264 = arith.select %and3A_261, %sub3A_254, %broadcast_in_dim3A_263 : vector<16xi1>, vector<16xi32>
      %swap3A_265 = arith.constant 96 : index
      %swap3A_266 = tpu.vector_load %arg11[%swap3A_265] {strides = array<i32>} : memref<128xi32, #tpu.memory_space<vmem>>, vector<16xi32>,
      tpu.vector_store %arg11[%swap3A_265], %select_n3A_264 {strides = array<i32>} : memref<128xi32, #tpu.memory_space<vmem>>, vector<16xi32>,
      %get3A_267 = arith.constant 112 : index
      %get3A_268 = tpu.vector_load %arg12[%get3A_267] {strides = array<i32>} : memref<128xf32, #tpu.memory_space<vmem>>, vector<16xf32>,
      %get3A_269 = arith.constant 112 : index
      %get3A_270 = tpu.vector_load %arg13[%get3A_269] {strides = array<i32>} : memref<128xf32, #tpu.memory_space<vmem>>, vector<16xf32>,
      %add3A_271 = arith.addf %get3A_268, %get3A_270 : vector<16xf32>
      %ge3A_272 = arith.constant 0.000000e+00 : f32
      %ge3A_273 = vector.broadcast %ge3A_272 : f32 to vector<16xf32>
      %ge3A_274 = arith.cmpf oge, %add3A_271, %ge3A_273 : vector<16xf32>
      %mul3A_275 = arith.constant 0.00999999977 : f32
      %mul3A_276 = vector.broadcast %mul3A_275 : f32 to vector<16xf32>
      %mul3A_277 = arith.mulf %add3A_271, %mul3A_276 : vector<16xf32>
      %select_n3A_278 = arith.select %ge3A_274, %add3A_271, %mul3A_277 : vector<16xi1>, vector<16xf32>
      %swap3A_279 = arith.constant 112 : index
      %swap3A_280 = tpu.vector_load %arg14[%swap3A_279] {strides = array<i32>} : memref<128xf32, #tpu.memory_space<vmem>>, vector<16xf32>,
      tpu.vector_store %arg14[%swap3A_279], %select_n3A_278 {strides = array<i32>} : memref<128xf32, #tpu.memory_space<vmem>>, vector<16xf32>,
      %get3A_281 = arith.constant 112 : index
      %get3A_282 = tpu.vector_load %arg10[%get3A_281] {strides = array<i32>} : memref<128xi32, #tpu.memory_space<vmem>>, vector<16xi32>,
      %sub3A_283 = vector.broadcast %mul3A_0 : i32 to vector<16xi32>
      %sub3A_284 = arith.subi %get3A_282, %sub3A_283 : vector<16xi32>
      %ge3A_285 = arith.constant 0 : i32
      %ge3A_286 = vector.broadcast %ge3A_285 : i32 to vector<16xi32>
      %ge3A_287 = arith.cmpi sge, %sub3A_284, %ge3A_286 : vector<16xi32>
      %lt3A_288 = arith.constant 5000 : i32
      %lt3A_289 = vector.broadcast %lt3A_288 : i32 to vector<16xi32>
      %lt3A_290 = arith.cmpi slt, %sub3A_284, %lt3A_289 : vector<16xi32>
      %and3A_291 = arith.andi %ge3A_287, %lt3A_290 : vector<16xi1>
      %jit3A_292 = arith.constant 5000 : i32
      %broadcast_in_dim3A_293 = vector.broadcast %jit3A_292 : i32 to vector<16xi32>
      %select_n3A_294 = arith.select %and3A_291, %sub3A_284, %broadcast_in_dim3A_293 : vector<16xi1>, vector<16xi32>
      %swap3A_295 = arith.constant 112 : index
      %swap3A_296 = tpu.vector_load %arg11[%swap3A_295] {strides = array<i32>} : memref<128xi32, #tpu.memory_space<vmem>>, vector<16xi32>,
      tpu.vector_store %arg11[%swap3A_295], %select_n3A_294 {strides = array<i32>} : memref<128xi32, #tpu.memory_space<vmem>>, vector<16xi32>,
      %scan3A_297 = arith.constant 0 : i32
      %scan3A_298 = arith.constant 0 : i32
      %scan3A_299 = arith.constant 8 : i32
      %scan3A_300 = arith.addi %scan3A_298, %scan3A_299 : i32
      %scan3A_301 = arith.constant 1 : i32
      %scan3A_302 = scf.for %scan3A_305 = %scan3A_298 to %scan3A_300 step %scan3A_301 iter_args(%scan3A_306 = %scan3A_297) -> (i32)  : i32 {
        %mul3A_307 = arith.constant 16 : i32
        %mul3A_308 = arith.muli %scan3A_305, %mul3A_307 : i32
        %get3A_309 = arith.index_cast %mul3A_308 : i32 to index
        %get3A_310 = tpu.vector_load %arg14[%get3A_309] {strides = array<i32>} : memref<128xf32, #tpu.memory_space<vmem>>, vector<16xf32>,
        %mul3A_311 = arith.constant 16 : i32
        %mul3A_312 = arith.muli %scan3A_305, %mul3A_311 : i32
        %add3A_313 = arith.constant 0 : i32
        %add3A_314 = arith.addi %mul3A_312, %add3A_313 : i32
        %slice3A = vector.extract_strided_slice %get3A_310 {offsets = [0], sizes = [1], strides = [1]} : vector<16xf32> to vector<1xf32>
        %squeeze3A = vector.extract %slice3A[0] : f32 from vector<1xf32>
        %get3A_315 = arith.index_cast %add3A_314 : i32 to index
        %get3A_316 = arith.constant 0 : index
        %get3A_317 = tpu.vector_load %arg15[%get3A_315, %get3A_316] {strides = array<i32>} : memref<128x128xf32, #tpu.memory_space<vmem>>, vector<16xf32>,
        %mul3A_318 = vector.broadcast %squeeze3A : f32 to vector<16xf32>
        %mul3A_319 = arith.mulf %get3A_317, %mul3A_318 : vector<16xf32>
        %swap3A_320 = arith.index_cast %add3A_314 : i32 to index
        %swap3A_321 = arith.constant 0 : index
        %swap3A_322 = tpu.vector_load %arg15[%swap3A_320, %swap3A_321] {strides = array<i32>} : memref<128x128xf32, #tpu.memory_space<vmem>>, vector<16xf32>,
        tpu.vector_store %arg15[%swap3A_320, %swap3A_321], %mul3A_319 {strides = array<i32>} : memref<128x128xf32, #tpu.memory_space<vmem>>, vector<16xf32>,
        %abs3A = math.absf %mul3A_319 : vector<16xf32>
        %swap3A_323 = arith.index_cast %add3A_314 : i32 to index
        %swap3A_324 = arith.constant 0 : index
        %swap3A_325 = tpu.vector_load %arg16[%swap3A_323, %swap3A_324] {strides = array<i32>} : memref<128x128xf32, #tpu.memory_space<vmem>>, vector<16xf32>,
        tpu.vector_store %arg16[%swap3A_323, %swap3A_324], %abs3A {strides = array<i32>} : memref<128x128xf32, #tpu.memory_space<vmem>>, vector<16xf32>,
        %get3A_326 = arith.index_cast %add3A_314 : i32 to index
        %get3A_327 = arith.constant 16 : index
        %get3A_328 = tpu.vector_load %arg15[%get3A_326, %get3A_327] {strides = array<i32>} : memref<128x128xf32, #tpu.memory_space<vmem>>, vector<16xf32>,
        %mul3A_329 = vector.broadcast %squeeze3A : f32 to vector<16xf32>
        %mul3A_330 = arith.mulf %get3A_328, %mul3A_329 : vector<16xf32>
        %swap3A_331 = arith.index_cast %add3A_314 : i32 to index
        %swap3A_332 = arith.constant 16 : index
        %swap3A_333 = tpu.vector_load %arg15[%swap3A_331, %swap3A_332] {strides = array<i32>} : memref<128x128xf32, #tpu.memory_space<vmem>>, vector<16xf32>,
        tpu.vector_store %arg15[%swap3A_331, %swap3A_332], %mul3A_330 {strides = array<i32>} : memref<128x128xf32, #tpu.memory_space<vmem>>, vector<16xf32>,
        %abs3A_334 = math.absf %mul3A_330 : vector<16xf32>
        %swap3A_335 = arith.index_cast %add3A_314 : i32 to index
        %swap3A_336 = arith.constant 16 : index
        %swap3A_337 = tpu.vector_load %arg16[%swap3A_335, %swap3A_336] {strides = array<i32>} : memref<128x128xf32, #tpu.memory_space<vmem>>, vector<16xf32>,
        tpu.vector_store %arg16[%swap3A_335, %swap3A_336], %abs3A_334 {strides = array<i32>} : memref<128x128xf32, #tpu.memory_space<vmem>>, vector<16xf32>,
        %get3A_338 = arith.index_cast %add3A_314 : i32 to index
        %get3A_339 = arith.constant 32 : index
        %get3A_340 = tpu.vector_load %arg15[%get3A_338, %get3A_339] {strides = array<i32>} : memref<128x128xf32, #tpu.memory_space<vmem>>, vector<16xf32>,
        %mul3A_341 = vector.broadcast %squeeze3A : f32 to vector<16xf32>
        %mul3A_342 = arith.mulf %get3A_340, %mul3A_341 : vector<16xf32>
        %swap3A_343 = arith.index_cast %add3A_314 : i32 to index
        %swap3A_344 = arith.constant 32 : index
        %swap3A_345 = tpu.vector_load %arg15[%swap3A_343, %swap3A_344] {strides = array<i32>} : memref<128x128xf32, #tpu.memory_space<vmem>>, vector<16xf32>,
        tpu.vector_store %arg15[%swap3A_343, %swap3A_344], %mul3A_342 {strides = array<i32>} : memref<128x128xf32, #tpu.memory_space<vmem>>, vector<16xf32>,
        %abs3A_346 = math.absf %mul3A_342 : vector<16xf32>
        %swap3A_347 = arith.index_cast %add3A_314 : i32 to index
        %swap3A_348 = arith.constant 32 : index
        %swap3A_349 = tpu.vector_load %arg16[%swap3A_347, %swap3A_348] {strides = array<i32>} : memref<128x128xf32, #tpu.memory_space<vmem>>, vector<16xf32>,
        tpu.vector_store %arg16[%swap3A_347, %swap3A_348], %abs3A_346 {strides = array<i32>} : memref<128x128xf32, #tpu.memory_space<vmem>>, vector<16xf32>,
        %get3A_350 = arith.index_cast %add3A_314 : i32 to index
        %get3A_351 = arith.constant 48 : index
        %get3A_352 = tpu.vector_load %arg15[%get3A_350, %get3A_351] {strides = array<i32>} : memref<128x128xf32, #tpu.memory_space<vmem>>, vector<16xf32>,
        %mul3A_353 = vector.broadcast %squeeze3A : f32 to vector<16xf32>
        %mul3A_354 = arith.mulf %get3A_352, %mul3A_353 : vector<16xf32>
        %swap3A_355 = arith.index_cast %add3A_314 : i32 to index
        %swap3A_356 = arith.constant 48 : index
        %swap3A_357 = tpu.vector_load %arg15[%swap3A_355, %swap3A_356] {strides = array<i32>} : memref<128x128xf32, #tpu.memory_space<vmem>>, vector<16xf32>,
        tpu.vector_store %arg15[%swap3A_355, %swap3A_356], %mul3A_354 {strides = array<i32>} : memref<128x128xf32, #tpu.memory_space<vmem>>, vector<16xf32>,
        %abs3A_358 = math.absf %mul3A_354 : vector<16xf32>
        %swap3A_359 = arith.index_cast %add3A_314 : i32 to index
        %swap3A_360 = arith.constant 48 : index
        %swap3A_361 = tpu.vector_load %arg16[%swap3A_359, %swap3A_360] {strides = array<i32>} : memref<128x128xf32, #tpu.memory_space<vmem>>, vector<16xf32>,
        tpu.vector_store %arg16[%swap3A_359, %swap3A_360], %abs3A_358 {strides = array<i32>} : memref<128x128xf32, #tpu.memory_space<vmem>>, vector<16xf32>,
        %get3A_362 = arith.index_cast %add3A_314 : i32 to index
        %get3A_363 = arith.constant 64 : index
        %get3A_364 = tpu.vector_load %arg15[%get3A_362, %get3A_363] {strides = array<i32>} : memref<128x128xf32, #tpu.memory_space<vmem>>, vector<16xf32>,
        %mul3A_365 = vector.broadcast %squeeze3A : f32 to vector<16xf32>
        %mul3A_366 = arith.mulf %get3A_364, %mul3A_365 : vector<16xf32>
        %swap3A_367 = arith.index_cast %add3A_314 : i32 to index
        %swap3A_368 = arith.constant 64 : index
        %swap3A_369 = tpu.vector_load %arg15[%swap3A_367, %swap3A_368] {strides = array<i32>} : memref<128x128xf32, #tpu.memory_space<vmem>>, vector<16xf32>,
        tpu.vector_store %arg15[%swap3A_367, %swap3A_368], %mul3A_366 {strides = array<i32>} : memref<128x128xf32, #tpu.memory_space<vmem>>, vector<16xf32>,
        %abs3A_370 = math.absf %mul3A_366 : vector<16xf32>
        %swap3A_371 = arith.index_cast %add3A_314 : i32 to index
        %swap3A_372 = arith.constant 64 : index
        %swap3A_373 = tpu.vector_load %arg16[%swap3A_371, %swap3A_372] {strides = array<i32>} : memref<128x128xf32, #tpu.memory_space<vmem>>, vector<16xf32>,
        tpu.vector_store %arg16[%swap3A_371, %swap3A_372], %abs3A_370 {strides = array<i32>} : memref<128x128xf32, #tpu.memory_space<vmem>>, vector<16xf32>,
        %get3A_374 = arith.index_cast %add3A_314 : i32 to index
        %get3A_375 = arith.constant 80 : index
        %get3A_376 = tpu.vector_load %arg15[%get3A_374, %get3A_375] {strides = array<i32>} : memref<128x128xf32, #tpu.memory_space<vmem>>, vector<16xf32>,
        %mul3A_377 = vector.broadcast %squeeze3A : f32 to vector<16xf32>
        %mul3A_378 = arith.mulf %get3A_376, %mul3A_377 : vector<16xf32>
        %swap3A_379 = arith.index_cast %add3A_314 : i32 to index
        %swap3A_380 = arith.constant 80 : index
        %swap3A_381 = tpu.vector_load %arg15[%swap3A_379, %swap3A_380] {strides = array<i32>} : memref<128x128xf32, #tpu.memory_space<vmem>>, vector<16xf32>,
        tpu.vector_store %arg15[%swap3A_379, %swap3A_380], %mul3A_378 {strides = array<i32>} : memref<128x128xf32, #tpu.memory_space<vmem>>, vector<16xf32>,
        %abs3A_382 = math.absf %mul3A_378 : vector<16xf32>
        %swap3A_383 = arith.index_cast %add3A_314 : i32 to index
        %swap3A_384 = arith.constant 80 : index
        %swap3A_385 = tpu.vector_load %arg16[%swap3A_383, %swap3A_384] {strides = array<i32>} : memref<128x128xf32, #tpu.memory_space<vmem>>, vector<16xf32>,
        tpu.vector_store %arg16[%swap3A_383, %swap3A_384], %abs3A_382 {strides = array<i32>} : memref<128x128xf32, #tpu.memory_space<vmem>>, vector<16xf32>,
        %get3A_386 = arith.index_cast %add3A_314 : i32 to index
        %get3A_387 = arith.constant 96 : index
        %get3A_388 = tpu.vector_load %arg15[%get3A_386, %get3A_387] {strides = array<i32>} : memref<128x128xf32, #tpu.memory_space<vmem>>, vector<16xf32>,
        %mul3A_389 = vector.broadcast %squeeze3A : f32 to vector<16xf32>
        %mul3A_390 = arith.mulf %get3A_388, %mul3A_389 : vector<16xf32>
        %swap3A_391 = arith.index_cast %add3A_314 : i32 to index
        %swap3A_392 = arith.constant 96 : index
        %swap3A_393 = tpu.vector_load %arg15[%swap3A_391, %swap3A_392] {strides = array<i32>} : memref<128x128xf32, #tpu.memory_space<vmem>>, vector<16xf32>,
        tpu.vector_store %arg15[%swap3A_391, %swap3A_392], %mul3A_390 {strides = array<i32>} : memref<128x128xf32, #tpu.memory_space<vmem>>, vector<16xf32>,
        %abs3A_394 = math.absf %mul3A_390 : vector<16xf32>
        %swap3A_395 = arith.index_cast %add3A_314 : i32 to index
        %swap3A_396 = arith.constant 96 : index
        %swap3A_397 = tpu.vector_load %arg16[%swap3A_395, %swap3A_396] {strides = array<i32>} : memref<128x128xf32, #tpu.memory_space<vmem>>, vector<16xf32>,
        tpu.vector_store %arg16[%swap3A_395, %swap3A_396], %abs3A_394 {strides = array<i32>} : memref<128x128xf32, #tpu.memory_space<vmem>>, vector<16xf32>,
        %get3A_398 = arith.index_cast %add3A_314 : i32 to index
        %get3A_399 = arith.constant 112 : index
        %get3A_400 = tpu.vector_load %arg15[%get3A_398, %get3A_399] {strides = array<i32>} : memref<128x128xf32, #tpu.memory_space<vmem>>, vector<16xf32>,
        %mul3A_401 = vector.broadcast %squeeze3A : f32 to vector<16xf32>
        %mul3A_402 = arith.mulf %get3A_400, %mul3A_401 : vector<16xf32>
        %swap3A_403 = arith.index_cast %add3A_314 : i32 to index
        %swap3A_404 = arith.constant 112 : index
        %swap3A_405 = tpu.vector_load %arg15[%swap3A_403, %swap3A_404] {strides = array<i32>} : memref<128x128xf32, #tpu.memory_space<vmem>>, vector<16xf32>,
        tpu.vector_store %arg15[%swap3A_403, %swap3A_404], %mul3A_402 {strides = array<i32>} : memref<128x128xf32, #tpu.memory_space<vmem>>, vector<16xf32>,
        %abs3A_406 = math.absf %mul3A_402 : vector<16xf32>
        %swap3A_407 = arith.index_cast %add3A_314 : i32 to index
        %swap3A_408 = arith.constant 112 : index
        %swap3A_409 = tpu.vector_load %arg16[%swap3A_407, %swap3A_408] {strides = array<i32>} : memref<128x128xf32, #tpu.memory_space<vmem>>, vector<16xf32>,
        tpu.vector_store %arg16[%swap3A_407, %swap3A_408], %abs3A_406 {strides = array<i32>} : memref<128x128xf32, #tpu.memory_space<vmem>>, vector<16xf32>,
        %mul3A_410 = arith.constant 16 : i32
        %mul3A_411 = arith.muli %scan3A_305, %mul3A_410 : i32
        %add3A_412 = arith.constant 1 : i32
        %add3A_413 = arith.addi %mul3A_411, %add3A_412 : i32
        %slice3A_414 = vector.extract_strided_slice %get3A_310 {offsets = [1], sizes = [1], strides = [1]} : vector<16xf32> to vector<1xf32>
        %squeeze3A_415 = vector.extract %slice3A_414[0] : f32 from vector<1xf32>
        %get3A_416 = arith.index_cast %add3A_413 : i32 to index
        %get3A_417 = arith.constant 0 : index
        %get3A_418 = tpu.vector_load %arg15[%get3A_416, %get3A_417] {strides = array<i32>} : memref<128x128xf32, #tpu.memory_space<vmem>>, vector<16xf32>,
        %mul3A_419 = vector.broadcast %squeeze3A_415 : f32 to vector<16xf32>
        %mul3A_420 = arith.mulf %get3A_418, %mul3A_419 : vector<16xf32>
        %swap3A_421 = arith.index_cast %add3A_413 : i32 to index
        %swap3A_422 = arith.constant 0 : index
        %swap3A_423 = tpu.vector_load %arg15[%swap3A_421, %swap3A_422] {strides = array<i32>} : memref<128x128xf32, #tpu.memory_space<vmem>>, vector<16xf32>,
        tpu.vector_store %arg15[%swap3A_421, %swap3A_422], %mul3A_420 {strides = array<i32>} : memref<128x128xf32, #tpu.memory_space<vmem>>, vector<16xf32>,
        %abs3A_424 = math.absf %mul3A_420 : vector<16xf32>
        %swap3A_425 = arith.index_cast %add3A_413 : i32 to index
        %swap3A_426 = arith.constant 0 : index
        %swap3A_427 = tpu.vector_load %arg16[%swap3A_425, %swap3A_426] {strides = array<i32>} : memref<128x128xf32, #tpu.memory_space<vmem>>, vector<16xf32>,
        tpu.vector_store %arg16[%swap3A_425, %swap3A_426], %abs3A_424 {strides = array<i32>} : memref<128x128xf32, #tpu.memory_space<vmem>>, vector<16xf32>,
        %get3A_428 = arith.index_cast %add3A_413 : i32 to index
        %get3A_429 = arith.constant 16 : index
        %get3A_430 = tpu.vector_load %arg15[%get3A_428, %get3A_429] {strides = array<i32>} : memref<128x128xf32, #tpu.memory_space<vmem>>, vector<16xf32>,
        %mul3A_431 = vector.broadcast %squeeze3A_415 : f32 to vector<16xf32>
        %mul3A_432 = arith.mulf %get3A_430, %mul3A_431 : vector<16xf32>
        %swap3A_433 = arith.index_cast %add3A_413 : i32 to index
        %swap3A_434 = arith.constant 16 : index
        %swap3A_435 = tpu.vector_load %arg15[%swap3A_433, %swap3A_434] {strides = array<i32>} : memref<128x128xf32, #tpu.memory_space<vmem>>, vector<16xf32>,
        tpu.vector_store %arg15[%swap3A_433, %swap3A_434], %mul3A_432 {strides = array<i32>} : memref<128x128xf32, #tpu.memory_space<vmem>>, vector<16xf32>,
        %abs3A_436 = math.absf %mul3A_432 : vector<16xf32>
        %swap3A_437 = arith.index_cast %add3A_413 : i32 to index
        %swap3A_438 = arith.constant 16 : index
        %swap3A_439 = tpu.vector_load %arg16[%swap3A_437, %swap3A_438] {strides = array<i32>} : memref<128x128xf32, #tpu.memory_space<vmem>>, vector<16xf32>,
        tpu.vector_store %arg16[%swap3A_437, %swap3A_438], %abs3A_436 {strides = array<i32>} : memref<128x128xf32, #tpu.memory_space<vmem>>, vector<16xf32>,
        %get3A_440 = arith.index_cast %add3A_413 : i32 to index
        %get3A_441 = arith.constant 32 : index
        %get3A_442 = tpu.vector_load %arg15[%get3A_440, %get3A_441] {strides = array<i32>} : memref<128x128xf32, #tpu.memory_space<vmem>>, vector<16xf32>,
        %mul3A_443 = vector.broadcast %squeeze3A_415 : f32 to vector<16xf32>
        %mul3A_444 = arith.mulf %get3A_442, %mul3A_443 : vector<16xf32>
        %swap3A_445 = arith.index_cast %add3A_413 : i32 to index
        %swap3A_446 = arith.constant 32 : index
        %swap3A_447 = tpu.vector_load %arg15[%swap3A_445, %swap3A_446] {strides = array<i32>} : memref<128x128xf32, #tpu.memory_space<vmem>>, vector<16xf32>,
        tpu.vector_store %arg15[%swap3A_445, %swap3A_446], %mul3A_444 {strides = array<i32>} : memref<128x128xf32, #tpu.memory_space<vmem>>, vector<16xf32>,
        %abs3A_448 = math.absf %mul3A_444 : vector<16xf32>
        %swap3A_449 = arith.index_cast %add3A_413 : i32 to index
        %swap3A_450 = arith.constant 32 : index
        %swap3A_451 = tpu.vector_load %arg16[%swap3A_449, %swap3A_450] {strides = array<i32>} : memref<128x128xf32, #tpu.memory_space<vmem>>, vector<16xf32>,
        tpu.vector_store %arg16[%swap3A_449, %swap3A_450], %abs3A_448 {strides = array<i32>} : memref<128x128xf32, #tpu.memory_space<vmem>>, vector<16xf32>,
        %get3A_452 = arith.index_cast %add3A_413 : i32 to index
        %get3A_453 = arith.constant 48 : index
        %get3A_454 = tpu.vector_load %arg15[%get3A_452, %get3A_453] {strides = array<i32>} : memref<128x128xf32, #tpu.memory_space<vmem>>, vector<16xf32>,
        %mul3A_455 = vector.broadcast %squeeze3A_415 : f32 to vector<16xf32>
        %mul3A_456 = arith.mulf %get3A_454, %mul3A_455 : vector<16xf32>
        %swap3A_457 = arith.index_cast %add3A_413 : i32 to index
        %swap3A_458 = arith.constant 48 : index
        %swap3A_459 = tpu.vector_load %arg15[%swap3A_457, %swap3A_458] {strides = array<i32>} : memref<128x128xf32, #tpu.memory_space<vmem>>, vector<16xf32>,
        tpu.vector_store %arg15[%swap3A_457, %swap3A_458], %mul3A_456 {strides = array<i32>} : memref<128x128xf32, #tpu.memory_space<vmem>>, vector<16xf32>,
        %abs3A_460 = math.absf %mul3A_456 : vector<16xf32>
        %swap3A_461 = arith.index_cast %add3A_413 : i32 to index
        %swap3A_462 = arith.constant 48 : index
        %swap3A_463 = tpu.vector_load %arg16[%swap3A_461, %swap3A_462] {strides = array<i32>} : memref<128x128xf32, #tpu.memory_space<vmem>>, vector<16xf32>,
        tpu.vector_store %arg16[%swap3A_461, %swap3A_462], %abs3A_460 {strides = array<i32>} : memref<128x128xf32, #tpu.memory_space<vmem>>, vector<16xf32>,
        %get3A_464 = arith.index_cast %add3A_413 : i32 to index
        %get3A_465 = arith.constant 64 : index
        %get3A_466 = tpu.vector_load %arg15[%get3A_464, %get3A_465] {strides = array<i32>} : memref<128x128xf32, #tpu.memory_space<vmem>>, vector<16xf32>,
        %mul3A_467 = vector.broadcast %squeeze3A_415 : f32 to vector<16xf32>
        %mul3A_468 = arith.mulf %get3A_466, %mul3A_467 : vector<16xf32>
        %swap3A_469 = arith.index_cast %add3A_413 : i32 to index
        %swap3A_470 = arith.constant 64 : index
        %swap3A_471 = tpu.vector_load %arg15[%swap3A_469, %swap3A_470] {strides = array<i32>} : memref<128x128xf32, #tpu.memory_space<vmem>>, vector<16xf32>,
        tpu.vector_store %arg15[%swap3A_469, %swap3A_470], %mul3A_468 {strides = array<i32>} : memref<128x128xf32, #tpu.memory_space<vmem>>, vector<16xf32>,
        %abs3A_472 = math.absf %mul3A_468 : vector<16xf32>
        %swap3A_473 = arith.index_cast %add3A_413 : i32 to index
        %swap3A_474 = arith.constant 64 : index
        %swap3A_475 = tpu.vector_load %arg16[%swap3A_473, %swap3A_474] {strides = array<i32>} : memref<128x128xf32, #tpu.memory_space<vmem>>, vector<16xf32>,
        tpu.vector_store %arg16[%swap3A_473, %swap3A_474], %abs3A_472 {strides = array<i32>} : memref<128x128xf32, #tpu.memory_space<vmem>>, vector<16xf32>,
        %get3A_476 = arith.index_cast %add3A_413 : i32 to index
        %get3A_477 = arith.constant 80 : index
        %get3A_478 = tpu.vector_load %arg15[%get3A_476, %get3A_477] {strides = array<i32>} : memref<128x128xf32, #tpu.memory_space<vmem>>, vector<16xf32>,
        %mul3A_479 = vector.broadcast %squeeze3A_415 : f32 to vector<16xf32>
        %mul3A_480 = arith.mulf %get3A_478, %mul3A_479 : vector<16xf32>
        %swap3A_481 = arith.index_cast %add3A_413 : i32 to index
        %swap3A_482 = arith.constant 80 : index
        %swap3A_483 = tpu.vector_load %arg15[%swap3A_481, %swap3A_482] {strides = array<i32>} : memref<128x128xf32, #tpu.memory_space<vmem>>, vector<16xf32>,
        tpu.vector_store %arg15[%swap3A_481, %swap3A_482], %mul3A_480 {strides = array<i32>} : memref<128x128xf32, #tpu.memory_space<vmem>>, vector<16xf32>,
        %abs3A_484 = math.absf %mul3A_480 : vector<16xf32>
        %swap3A_485 = arith.index_cast %add3A_413 : i32 to index
        %swap3A_486 = arith.constant 80 : index
        %swap3A_487 = tpu.vector_load %arg16[%swap3A_485, %swap3A_486] {strides = array<i32>} : memref<128x128xf32, #tpu.memory_space<vmem>>, vector<16xf32>,
        tpu.vector_store %arg16[%swap3A_485, %swap3A_486], %abs3A_484 {strides = array<i32>} : memref<128x128xf32, #tpu.memory_space<vmem>>, vector<16xf32>,
        %get3A_488 = arith.index_cast %add3A_413 : i32 to index
        %get3A_489 = arith.constant 96 : index
        %get3A_490 = tpu.vector_load %arg15[%get3A_488, %get3A_489] {strides = array<i32>} : memref<128x128xf32, #tpu.memory_space<vmem>>, vector<16xf32>,
        %mul3A_491 = vector.broadcast %squeeze3A_415 : f32 to vector<16xf32>
        %mul3A_492 = arith.mulf %get3A_490, %mul3A_491 : vector<16xf32>
        %swap3A_493 = arith.index_cast %add3A_413 : i32 to index
        %swap3A_494 = arith.constant 96 : index
        %swap3A_495 = tpu.vector_load %arg15[%swap3A_493, %swap3A_494] {strides = array<i32>} : memref<128x128xf32, #tpu.memory_space<vmem>>, vector<16xf32>,
        tpu.vector_store %arg15[%swap3A_493, %swap3A_494], %mul3A_492 {strides = array<i32>} : memref<128x128xf32, #tpu.memory_space<vmem>>, vector<16xf32>,
        %abs3A_496 = math.absf %mul3A_492 : vector<16xf32>
        %swap3A_497 = arith.index_cast %add3A_413 : i32 to index
        %swap3A_498 = arith.constant 96 : index
        %swap3A_499 = tpu.vector_load %arg16[%swap3A_497, %swap3A_498] {strides = array<i32>} : memref<128x128xf32, #tpu.memory_space<vmem>>, vector<16xf32>,
        tpu.vector_store %arg16[%swap3A_497, %swap3A_498], %abs3A_496 {strides = array<i32>} : memref<128x128xf32, #tpu.memory_space<vmem>>, vector<16xf32>,
        %get3A_500 = arith.index_cast %add3A_413 : i32 to index
        %get3A_501 = arith.constant 112 : index
        %get3A_502 = tpu.vector_load %arg15[%get3A_500, %get3A_501] {strides = array<i32>} : memref<128x128xf32, #tpu.memory_space<vmem>>, vector<16xf32>,
        %mul3A_503 = vector.broadcast %squeeze3A_415 : f32 to vector<16xf32>
        %mul3A_504 = arith.mulf %get3A_502, %mul3A_503 : vector<16xf32>
        %swap3A_505 = arith.index_cast %add3A_413 : i32 to index
        %swap3A_506 = arith.constant 112 : index
        %swap3A_507 = tpu.vector_load %arg15[%swap3A_505, %swap3A_506] {strides = array<i32>} : memref<128x128xf32, #tpu.memory_space<vmem>>, vector<16xf32>,
        tpu.vector_store %arg15[%swap3A_505, %swap3A_506], %mul3A_504 {strides = array<i32>} : memref<128x128xf32, #tpu.memory_space<vmem>>, vector<16xf32>,
        %abs3A_508 = math.absf %mul3A_504 : vector<16xf32>
        %swap3A_509 = arith.index_cast %add3A_413 : i32 to index
        %swap3A_510 = arith.constant 112 : index
        %swap3A_511 = tpu.vector_load %arg16[%swap3A_509, %swap3A_510] {strides = array<i32>} : memref<128x128xf32, #tpu.memory_space<vmem>>, vector<16xf32>,
        tpu.vector_store %arg16[%swap3A_509, %swap3A_510], %abs3A_508 {strides = array<i32>} : memref<128x128xf32, #tpu.memory_space<vmem>>, vector<16xf32>,
        %mul3A_512 = arith.constant 16 : i32
        %mul3A_513 = arith.muli %scan3A_305, %mul3A_512 : i32
        %add3A_514 = arith.constant 2 : i32
        %add3A_515 = arith.addi %mul3A_513, %add3A_514 : i32
        %slice3A_516 = vector.extract_strided_slice %get3A_310 {offsets = [2], sizes = [1], strides = [1]} : vector<16xf32> to vector<1xf32>
        %squeeze3A_517 = vector.extract %slice3A_516[0] : f32 from vector<1xf32>
        %get3A_518 = arith.index_cast %add3A_515 : i32 to index
        %get3A_519 = arith.constant 0 : index
        %get3A_520 = tpu.vector_load %arg15[%get3A_518, %get3A_519] {strides = array<i32>} : memref<128x128xf32, #tpu.memory_space<vmem>>, vector<16xf32>,
        %mul3A_521 = vector.broadcast %squeeze3A_517 : f32 to vector<16xf32>
        %mul3A_522 = arith.mulf %get3A_520, %mul3A_521 : vector<16xf32>
        %swap3A_523 = arith.index_cast %add3A_515 : i32 to index
        %swap3A_524 = arith.constant 0 : index
        %swap3A_525 = tpu.vector_load %arg15[%swap3A_523, %swap3A_524] {strides = array<i32>} : memref<128x128xf32, #tpu.memory_space<vmem>>, vector<16xf32>,
        tpu.vector_store %arg15[%swap3A_523, %swap3A_524], %mul3A_522 {strides = array<i32>} : memref<128x128xf32, #tpu.memory_space<vmem>>, vector<16xf32>,
        %abs3A_526 = math.absf %mul3A_522 : vector<16xf32>
        %swap3A_527 = arith.index_cast %add3A_515 : i32 to index
        %swap3A_528 = arith.constant 0 : index
        %swap3A_529 = tpu.vector_load %arg16[%swap3A_527, %swap3A_528] {strides = array<i32>} : memref<128x128xf32, #tpu.memory_space<vmem>>, vector<16xf32>,
        tpu.vector_store %arg16[%swap3A_527, %swap3A_528], %abs3A_526 {strides = array<i32>} : memref<128x128xf32, #tpu.memory_space<vmem>>, vector<16xf32>,
        %get3A_530 = arith.index_cast %add3A_515 : i32 to index
        %get3A_531 = arith.constant 16 : index
        %get3A_532 = tpu.vector_load %arg15[%get3A_530, %get3A_531] {strides = array<i32>} : memref<128x128xf32, #tpu.memory_space<vmem>>, vector<16xf32>,
        %mul3A_533 = vector.broadcast %squeeze3A_517 : f32 to vector<16xf32>
        %mul3A_534 = arith.mulf %get3A_532, %mul3A_533 : vector<16xf32>
        %swap3A_535 = arith.index_cast %add3A_515 : i32 to index
        %swap3A_536 = arith.constant 16 : index
        %swap3A_537 = tpu.vector_load %arg15[%swap3A_535, %swap3A_536] {strides = array<i32>} : memref<128x128xf32, #tpu.memory_space<vmem>>, vector<16xf32>,
        tpu.vector_store %arg15[%swap3A_535, %swap3A_536], %mul3A_534 {strides = array<i32>} : memref<128x128xf32, #tpu.memory_space<vmem>>, vector<16xf32>,
        %abs3A_538 = math.absf %mul3A_534 : vector<16xf32>
        %swap3A_539 = arith.index_cast %add3A_515 : i32 to index
        %swap3A_540 = arith.constant 16 : index
        %swap3A_541 = tpu.vector_load %arg16[%swap3A_539, %swap3A_540] {strides = array<i32>} : memref<128x128xf32, #tpu.memory_space<vmem>>, vector<16xf32>,
        tpu.vector_store %arg16[%swap3A_539, %swap3A_540], %abs3A_538 {strides = array<i32>} : memref<128x128xf32, #tpu.memory_space<vmem>>, vector<16xf32>,
        %get3A_542 = arith.index_cast %add3A_515 : i32 to index
        %get3A_543 = arith.constant 32 : index
        %get3A_544 = tpu.vector_load %arg15[%get3A_542, %get3A_543] {strides = array<i32>} : memref<128x128xf32, #tpu.memory_space<vmem>>, vector<16xf32>,
        %mul3A_545 = vector.broadcast %squeeze3A_517 : f32 to vector<16xf32>
        %mul3A_546 = arith.mulf %get3A_544, %mul3A_545 : vector<16xf32>
        %swap3A_547 = arith.index_cast %add3A_515 : i32 to index
        %swap3A_548 = arith.constant 32 : index
        %swap3A_549 = tpu.vector_load %arg15[%swap3A_547, %swap3A_548] {strides = array<i32>} : memref<128x128xf32, #tpu.memory_space<vmem>>, vector<16xf32>,
        tpu.vector_store %arg15[%swap3A_547, %swap3A_548], %mul3A_546 {strides = array<i32>} : memref<128x128xf32, #tpu.memory_space<vmem>>, vector<16xf32>,
        %abs3A_550 = math.absf %mul3A_546 : vector<16xf32>
        %swap3A_551 = arith.index_cast %add3A_515 : i32 to index
        %swap3A_552 = arith.constant 32 : index
        %swap3A_553 = tpu.vector_load %arg16[%swap3A_551, %swap3A_552] {strides = array<i32>} : memref<128x128xf32, #tpu.memory_space<vmem>>, vector<16xf32>,
        tpu.vector_store %arg16[%swap3A_551, %swap3A_552], %abs3A_550 {strides = array<i32>} : memref<128x128xf32, #tpu.memory_space<vmem>>, vector<16xf32>,
        %get3A_554 = arith.index_cast %add3A_515 : i32 to index
        %get3A_555 = arith.constant 48 : index
        %get3A_556 = tpu.vector_load %arg15[%get3A_554, %get3A_555] {strides = array<i32>} : memref<128x128xf32, #tpu.memory_space<vmem>>, vector<16xf32>,
        %mul3A_557 = vector.broadcast %squeeze3A_517 : f32 to vector<16xf32>
        %mul3A_558 = arith.mulf %get3A_556, %mul3A_557 : vector<16xf32>
        %swap3A_559 = arith.index_cast %add3A_515 : i32 to index
        %swap3A_560 = arith.constant 48 : index
        %swap3A_561 = tpu.vector_load %arg15[%swap3A_559, %swap3A_560] {strides = array<i32>} : memref<128x128xf32, #tpu.memory_space<vmem>>, vector<16xf32>,
        tpu.vector_store %arg15[%swap3A_559, %swap3A_560], %mul3A_558 {strides = array<i32>} : memref<128x128xf32, #tpu.memory_space<vmem>>, vector<16xf32>,
        %abs3A_562 = math.absf %mul3A_558 : vector<16xf32>
        %swap3A_563 = arith.index_cast %add3A_515 : i32 to index
        %swap3A_564 = arith.constant 48 : index
        %swap3A_565 = tpu.vector_load %arg16[%swap3A_563, %swap3A_564] {strides = array<i32>} : memref<128x128xf32, #tpu.memory_space<vmem>>, vector<16xf32>,
        tpu.vector_store %arg16[%swap3A_563, %swap3A_564], %abs3A_562 {strides = array<i32>} : memref<128x128xf32, #tpu.memory_space<vmem>>, vector<16xf32>,
        %get3A_566 = arith.index_cast %add3A_515 : i32 to index
        %get3A_567 = arith.constant 64 : index
        %get3A_568 = tpu.vector_load %arg15[%get3A_566, %get3A_567] {strides = array<i32>} : memref<128x128xf32, #tpu.memory_space<vmem>>, vector<16xf32>,
        %mul3A_569 = vector.broadcast %squeeze3A_517 : f32 to vector<16xf32>
        %mul3A_570 = arith.mulf %get3A_568, %mul3A_569 : vector<16xf32>
        %swap3A_571 = arith.index_cast %add3A_515 : i32 to index
        %swap3A_572 = arith.constant 64 : index
        %swap3A_573 = tpu.vector_load %arg15[%swap3A_571, %swap3A_572] {strides = array<i32>} : memref<128x128xf32, #tpu.memory_space<vmem>>, vector<16xf32>,
        tpu.vector_store %arg15[%swap3A_571, %swap3A_572], %mul3A_570 {strides = array<i32>} : memref<128x128xf32, #tpu.memory_space<vmem>>, vector<16xf32>,
        %abs3A_574 = math.absf %mul3A_570 : vector<16xf32>
        %swap3A_575 = arith.index_cast %add3A_515 : i32 to index
        %swap3A_576 = arith.constant 64 : index
        %swap3A_577 = tpu.vector_load %arg16[%swap3A_575, %swap3A_576] {strides = array<i32>} : memref<128x128xf32, #tpu.memory_space<vmem>>, vector<16xf32>,
        tpu.vector_store %arg16[%swap3A_575, %swap3A_576], %abs3A_574 {strides = array<i32>} : memref<128x128xf32, #tpu.memory_space<vmem>>, vector<16xf32>,
        %get3A_578 = arith.index_cast %add3A_515 : i32 to index
        %get3A_579 = arith.constant 80 : index
        %get3A_580 = tpu.vector_load %arg15[%get3A_578, %get3A_579] {strides = array<i32>} : memref<128x128xf32, #tpu.memory_space<vmem>>, vector<16xf32>,
        %mul3A_581 = vector.broadcast %squeeze3A_517 : f32 to vector<16xf32>
        %mul3A_582 = arith.mulf %get3A_580, %mul3A_581 : vector<16xf32>
        %swap3A_583 = arith.index_cast %add3A_515 : i32 to index
        %swap3A_584 = arith.constant 80 : index
        %swap3A_585 = tpu.vector_load %arg15[%swap3A_583, %swap3A_584] {strides = array<i32>} : memref<128x128xf32, #tpu.memory_space<vmem>>, vector<16xf32>,
        tpu.vector_store %arg15[%swap3A_583, %swap3A_584], %mul3A_582 {strides = array<i32>} : memref<128x128xf32, #tpu.memory_space<vmem>>, vector<16xf32>,
        %abs3A_586 = math.absf %mul3A_582 : vector<16xf32>
        %swap3A_587 = arith.index_cast %add3A_515 : i32 to index
        %swap3A_588 = arith.constant 80 : index
        %swap3A_589 = tpu.vector_load %arg16[%swap3A_587, %swap3A_588] {strides = array<i32>} : memref<128x128xf32, #tpu.memory_space<vmem>>, vector<16xf32>,
        tpu.vector_store %arg16[%swap3A_587, %swap3A_588], %abs3A_586 {strides = array<i32>} : memref<128x128xf32, #tpu.memory_space<vmem>>, vector<16xf32>,
        %get3A_590 = arith.index_cast %add3A_515 : i32 to index
        %get3A_591 = arith.constant 96 : index
        %get3A_592 = tpu.vector_load %arg15[%get3A_590, %get3A_591] {strides = array<i32>} : memref<128x128xf32, #tpu.memory_space<vmem>>, vector<16xf32>,
        %mul3A_593 = vector.broadcast %squeeze3A_517 : f32 to vector<16xf32>
        %mul3A_594 = arith.mulf %get3A_592, %mul3A_593 : vector<16xf32>
        %swap3A_595 = arith.index_cast %add3A_515 : i32 to index
        %swap3A_596 = arith.constant 96 : index
        %swap3A_597 = tpu.vector_load %arg15[%swap3A_595, %swap3A_596] {strides = array<i32>} : memref<128x128xf32, #tpu.memory_space<vmem>>, vector<16xf32>,
        tpu.vector_store %arg15[%swap3A_595, %swap3A_596], %mul3A_594 {strides = array<i32>} : memref<128x128xf32, #tpu.memory_space<vmem>>, vector<16xf32>,
        %abs3A_598 = math.absf %mul3A_594 : vector<16xf32>
        %swap3A_599 = arith.index_cast %add3A_515 : i32 to index
        %swap3A_600 = arith.constant 96 : index
        %swap3A_601 = tpu.vector_load %arg16[%swap3A_599, %swap3A_600] {strides = array<i32>} : memref<128x128xf32, #tpu.memory_space<vmem>>, vector<16xf32>,
        tpu.vector_store %arg16[%swap3A_599, %swap3A_600], %abs3A_598 {strides = array<i32>} : memref<128x128xf32, #tpu.memory_space<vmem>>, vector<16xf32>,
        %get3A_602 = arith.index_cast %add3A_515 : i32 to index
        %get3A_603 = arith.constant 112 : index
        %get3A_604 = tpu.vector_load %arg15[%get3A_602, %get3A_603] {strides = array<i32>} : memref<128x128xf32, #tpu.memory_space<vmem>>, vector<16xf32>,
        %mul3A_605 = vector.broadcast %squeeze3A_517 : f32 to vector<16xf32>
        %mul3A_606 = arith.mulf %get3A_604, %mul3A_605 : vector<16xf32>
        %swap3A_607 = arith.index_cast %add3A_515 : i32 to index
        %swap3A_608 = arith.constant 112 : index
        %swap3A_609 = tpu.vector_load %arg15[%swap3A_607, %swap3A_608] {strides = array<i32>} : memref<128x128xf32, #tpu.memory_space<vmem>>, vector<16xf32>,
        tpu.vector_store %arg15[%swap3A_607, %swap3A_608], %mul3A_606 {strides = array<i32>} : memref<128x128xf32, #tpu.memory_space<vmem>>, vector<16xf32>,
        %abs3A_610 = math.absf %mul3A_606 : vector<16xf32>
        %swap3A_611 = arith.index_cast %add3A_515 : i32 to index
        %swap3A_612 = arith.constant 112 : index
        %swap3A_613 = tpu.vector_load %arg16[%swap3A_611, %swap3A_612] {strides = array<i32>} : memref<128x128xf32, #tpu.memory_space<vmem>>, vector<16xf32>,
        tpu.vector_store %arg16[%swap3A_611, %swap3A_612], %abs3A_610 {strides = array<i32>} : memref<128x128xf32, #tpu.memory_space<vmem>>, vector<16xf32>,
        %mul3A_614 = arith.constant 16 : i32
        %mul3A_615 = arith.muli %scan3A_305, %mul3A_614 : i32
        %add3A_616 = arith.constant 3 : i32
        %add3A_617 = arith.addi %mul3A_615, %add3A_616 : i32
        %slice3A_618 = vector.extract_strided_slice %get3A_310 {offsets = [3], sizes = [1], strides = [1]} : vector<16xf32> to vector<1xf32>
        %squeeze3A_619 = vector.extract %slice3A_618[0] : f32 from vector<1xf32>
        %get3A_620 = arith.index_cast %add3A_617 : i32 to index
        %get3A_621 = arith.constant 0 : index
        %get3A_622 = tpu.vector_load %arg15[%get3A_620, %get3A_621] {strides = array<i32>} : memref<128x128xf32, #tpu.memory_space<vmem>>, vector<16xf32>,
        %mul3A_623 = vector.broadcast %squeeze3A_619 : f32 to vector<16xf32>
        %mul3A_624 = arith.mulf %get3A_622, %mul3A_623 : vector<16xf32>
        %swap3A_625 = arith.index_cast %add3A_617 : i32 to index
        %swap3A_626 = arith.constant 0 : index
        %swap3A_627 = tpu.vector_load %arg15[%swap3A_625, %swap3A_626] {strides = array<i32>} : memref<128x128xf32, #tpu.memory_space<vmem>>, vector<16xf32>,
        tpu.vector_store %arg15[%swap3A_625, %swap3A_626], %mul3A_624 {strides = array<i32>} : memref<128x128xf32, #tpu.memory_space<vmem>>, vector<16xf32>,
        %abs3A_628 = math.absf %mul3A_624 : vector<16xf32>
        %swap3A_629 = arith.index_cast %add3A_617 : i32 to index
        %swap3A_630 = arith.constant 0 : index
        %swap3A_631 = tpu.vector_load %arg16[%swap3A_629, %swap3A_630] {strides = array<i32>} : memref<128x128xf32, #tpu.memory_space<vmem>>, vector<16xf32>,
        tpu.vector_store %arg16[%swap3A_629, %swap3A_630], %abs3A_628 {strides = array<i32>} : memref<128x128xf32, #tpu.memory_space<vmem>>, vector<16xf32>,
        %get3A_632 = arith.index_cast %add3A_617 : i32 to index
        %get3A_633 = arith.constant 16 : index
        %get3A_634 = tpu.vector_load %arg15[%get3A_632, %get3A_633] {strides = array<i32>} : memref<128x128xf32, #tpu.memory_space<vmem>>, vector<16xf32>,
        %mul3A_635 = vector.broadcast %squeeze3A_619 : f32 to vector<16xf32>
        %mul3A_636 = arith.mulf %get3A_634, %mul3A_635 : vector<16xf32>
        %swap3A_637 = arith.index_cast %add3A_617 : i32 to index
        %swap3A_638 = arith.constant 16 : index
        %swap3A_639 = tpu.vector_load %arg15[%swap3A_637, %swap3A_638] {strides = array<i32>} : memref<128x128xf32, #tpu.memory_space<vmem>>, vector<16xf32>,
        tpu.vector_store %arg15[%swap3A_637, %swap3A_638], %mul3A_636 {strides = array<i32>} : memref<128x128xf32, #tpu.memory_space<vmem>>, vector<16xf32>,
        %abs3A_640 = math.absf %mul3A_636 : vector<16xf32>
        %swap3A_641 = arith.index_cast %add3A_617 : i32 to index
        %swap3A_642 = arith.constant 16 : index
        %swap3A_643 = tpu.vector_load %arg16[%swap3A_641, %swap3A_642] {strides = array<i32>} : memref<128x128xf32, #tpu.memory_space<vmem>>, vector<16xf32>,
        tpu.vector_store %arg16[%swap3A_641, %swap3A_642], %abs3A_640 {strides = array<i32>} : memref<128x128xf32, #tpu.memory_space<vmem>>, vector<16xf32>,
        %get3A_644 = arith.index_cast %add3A_617 : i32 to index
        %get3A_645 = arith.constant 32 : index
        %get3A_646 = tpu.vector_load %arg15[%get3A_644, %get3A_645] {strides = array<i32>} : memref<128x128xf32, #tpu.memory_space<vmem>>, vector<16xf32>,
        %mul3A_647 = vector.broadcast %squeeze3A_619 : f32 to vector<16xf32>
        %mul3A_648 = arith.mulf %get3A_646, %mul3A_647 : vector<16xf32>
        %swap3A_649 = arith.index_cast %add3A_617 : i32 to index
        %swap3A_650 = arith.constant 32 : index
        %swap3A_651 = tpu.vector_load %arg15[%swap3A_649, %swap3A_650] {strides = array<i32>} : memref<128x128xf32, #tpu.memory_space<vmem>>, vector<16xf32>,
        tpu.vector_store %arg15[%swap3A_649, %swap3A_650], %mul3A_648 {strides = array<i32>} : memref<128x128xf32, #tpu.memory_space<vmem>>, vector<16xf32>,
        %abs3A_652 = math.absf %mul3A_648 : vector<16xf32>
        %swap3A_653 = arith.index_cast %add3A_617 : i32 to index
        %swap3A_654 = arith.constant 32 : index
        %swap3A_655 = tpu.vector_load %arg16[%swap3A_653, %swap3A_654] {strides = array<i32>} : memref<128x128xf32, #tpu.memory_space<vmem>>, vector<16xf32>,
        tpu.vector_store %arg16[%swap3A_653, %swap3A_654], %abs3A_652 {strides = array<i32>} : memref<128x128xf32, #tpu.memory_space<vmem>>, vector<16xf32>,
        %get3A_656 = arith.index_cast %add3A_617 : i32 to index
        %get3A_657 = arith.constant 48 : index
        %get3A_658 = tpu.vector_load %arg15[%get3A_656, %get3A_657] {strides = array<i32>} : memref<128x128xf32, #tpu.memory_space<vmem>>, vector<16xf32>,
        %mul3A_659 = vector.broadcast %squeeze3A_619 : f32 to vector<16xf32>
        %mul3A_660 = arith.mulf %get3A_658, %mul3A_659 : vector<16xf32>
        %swap3A_661 = arith.index_cast %add3A_617 : i32 to index
        %swap3A_662 = arith.constant 48 : index
        %swap3A_663 = tpu.vector_load %arg15[%swap3A_661, %swap3A_662] {strides = array<i32>} : memref<128x128xf32, #tpu.memory_space<vmem>>, vector<16xf32>,
        tpu.vector_store %arg15[%swap3A_661, %swap3A_662], %mul3A_660 {strides = array<i32>} : memref<128x128xf32, #tpu.memory_space<vmem>>, vector<16xf32>,
        %abs3A_664 = math.absf %mul3A_660 : vector<16xf32>
        %swap3A_665 = arith.index_cast %add3A_617 : i32 to index
        %swap3A_666 = arith.constant 48 : index
        %swap3A_667 = tpu.vector_load %arg16[%swap3A_665, %swap3A_666] {strides = array<i32>} : memref<128x128xf32, #tpu.memory_space<vmem>>, vector<16xf32>,
        tpu.vector_store %arg16[%swap3A_665, %swap3A_666], %abs3A_664 {strides = array<i32>} : memref<128x128xf32, #tpu.memory_space<vmem>>, vector<16xf32>,
        %get3A_668 = arith.index_cast %add3A_617 : i32 to index
        %get3A_669 = arith.constant 64 : index
        %get3A_670 = tpu.vector_load %arg15[%get3A_668, %get3A_669] {strides = array<i32>} : memref<128x128xf32, #tpu.memory_space<vmem>>, vector<16xf32>,
        %mul3A_671 = vector.broadcast %squeeze3A_619 : f32 to vector<16xf32>
        %mul3A_672 = arith.mulf %get3A_670, %mul3A_671 : vector<16xf32>
        %swap3A_673 = arith.index_cast %add3A_617 : i32 to index
        %swap3A_674 = arith.constant 64 : index
        %swap3A_675 = tpu.vector_load %arg15[%swap3A_673, %swap3A_674] {strides = array<i32>} : memref<128x128xf32, #tpu.memory_space<vmem>>, vector<16xf32>,
        tpu.vector_store %arg15[%swap3A_673, %swap3A_674], %mul3A_672 {strides = array<i32>} : memref<128x128xf32, #tpu.memory_space<vmem>>, vector<16xf32>,
        %abs3A_676 = math.absf %mul3A_672 : vector<16xf32>
        %swap3A_677 = arith.index_cast %add3A_617 : i32 to index
        %swap3A_678 = arith.constant 64 : index
        %swap3A_679 = tpu.vector_load %arg16[%swap3A_677, %swap3A_678] {strides = array<i32>} : memref<128x128xf32, #tpu.memory_space<vmem>>, vector<16xf32>,
        tpu.vector_store %arg16[%swap3A_677, %swap3A_678], %abs3A_676 {strides = array<i32>} : memref<128x128xf32, #tpu.memory_space<vmem>>, vector<16xf32>,
        %get3A_680 = arith.index_cast %add3A_617 : i32 to index
        %get3A_681 = arith.constant 80 : index
        %get3A_682 = tpu.vector_load %arg15[%get3A_680, %get3A_681] {strides = array<i32>} : memref<128x128xf32, #tpu.memory_space<vmem>>, vector<16xf32>,
        %mul3A_683 = vector.broadcast %squeeze3A_619 : f32 to vector<16xf32>
        %mul3A_684 = arith.mulf %get3A_682, %mul3A_683 : vector<16xf32>
        %swap3A_685 = arith.index_cast %add3A_617 : i32 to index
        %swap3A_686 = arith.constant 80 : index
        %swap3A_687 = tpu.vector_load %arg15[%swap3A_685, %swap3A_686] {strides = array<i32>} : memref<128x128xf32, #tpu.memory_space<vmem>>, vector<16xf32>,
        tpu.vector_store %arg15[%swap3A_685, %swap3A_686], %mul3A_684 {strides = array<i32>} : memref<128x128xf32, #tpu.memory_space<vmem>>, vector<16xf32>,
        %abs3A_688 = math.absf %mul3A_684 : vector<16xf32>
        %swap3A_689 = arith.index_cast %add3A_617 : i32 to index
        %swap3A_690 = arith.constant 80 : index
        %swap3A_691 = tpu.vector_load %arg16[%swap3A_689, %swap3A_690] {strides = array<i32>} : memref<128x128xf32, #tpu.memory_space<vmem>>, vector<16xf32>,
        tpu.vector_store %arg16[%swap3A_689, %swap3A_690], %abs3A_688 {strides = array<i32>} : memref<128x128xf32, #tpu.memory_space<vmem>>, vector<16xf32>,
        %get3A_692 = arith.index_cast %add3A_617 : i32 to index
        %get3A_693 = arith.constant 96 : index
        %get3A_694 = tpu.vector_load %arg15[%get3A_692, %get3A_693] {strides = array<i32>} : memref<128x128xf32, #tpu.memory_space<vmem>>, vector<16xf32>,
        %mul3A_695 = vector.broadcast %squeeze3A_619 : f32 to vector<16xf32>
        %mul3A_696 = arith.mulf %get3A_694, %mul3A_695 : vector<16xf32>
        %swap3A_697 = arith.index_cast %add3A_617 : i32 to index
        %swap3A_698 = arith.constant 96 : index
        %swap3A_699 = tpu.vector_load %arg15[%swap3A_697, %swap3A_698] {strides = array<i32>} : memref<128x128xf32, #tpu.memory_space<vmem>>, vector<16xf32>,
        tpu.vector_store %arg15[%swap3A_697, %swap3A_698], %mul3A_696 {strides = array<i32>} : memref<128x128xf32, #tpu.memory_space<vmem>>, vector<16xf32>,
        %abs3A_700 = math.absf %mul3A_696 : vector<16xf32>
        %swap3A_701 = arith.index_cast %add3A_617 : i32 to index
        %swap3A_702 = arith.constant 96 : index
        %swap3A_703 = tpu.vector_load %arg16[%swap3A_701, %swap3A_702] {strides = array<i32>} : memref<128x128xf32, #tpu.memory_space<vmem>>, vector<16xf32>,
        tpu.vector_store %arg16[%swap3A_701, %swap3A_702], %abs3A_700 {strides = array<i32>} : memref<128x128xf32, #tpu.memory_space<vmem>>, vector<16xf32>,
        %get3A_704 = arith.index_cast %add3A_617 : i32 to index
        %get3A_705 = arith.constant 112 : index
        %get3A_706 = tpu.vector_load %arg15[%get3A_704, %get3A_705] {strides = array<i32>} : memref<128x128xf32, #tpu.memory_space<vmem>>, vector<16xf32>,
        %mul3A_707 = vector.broadcast %squeeze3A_619 : f32 to vector<16xf32>
        %mul3A_708 = arith.mulf %get3A_706, %mul3A_707 : vector<16xf32>
        %swap3A_709 = arith.index_cast %add3A_617 : i32 to index
        %swap3A_710 = arith.constant 112 : index
        %swap3A_711 = tpu.vector_load %arg15[%swap3A_709, %swap3A_710] {strides = array<i32>} : memref<128x128xf32, #tpu.memory_space<vmem>>, vector<16xf32>,
        tpu.vector_store %arg15[%swap3A_709, %swap3A_710], %mul3A_708 {strides = array<i32>} : memref<128x128xf32, #tpu.memory_space<vmem>>, vector<16xf32>,
        %abs3A_712 = math.absf %mul3A_708 : vector<16xf32>
        %swap3A_713 = arith.index_cast %add3A_617 : i32 to index
        %swap3A_714 = arith.constant 112 : index
        %swap3A_715 = tpu.vector_load %arg16[%swap3A_713, %swap3A_714] {strides = array<i32>} : memref<128x128xf32, #tpu.memory_space<vmem>>, vector<16xf32>,
        tpu.vector_store %arg16[%swap3A_713, %swap3A_714], %abs3A_712 {strides = array<i32>} : memref<128x128xf32, #tpu.memory_space<vmem>>, vector<16xf32>,
        %mul3A_716 = arith.constant 16 : i32
        %mul3A_717 = arith.muli %scan3A_305, %mul3A_716 : i32
        %add3A_718 = arith.constant 4 : i32
        %add3A_719 = arith.addi %mul3A_717, %add3A_718 : i32
        %slice3A_720 = vector.extract_strided_slice %get3A_310 {offsets = [4], sizes = [1], strides = [1]} : vector<16xf32> to vector<1xf32>
        %squeeze3A_721 = vector.extract %slice3A_720[0] : f32 from vector<1xf32>
        %get3A_722 = arith.index_cast %add3A_719 : i32 to index
        %get3A_723 = arith.constant 0 : index
        %get3A_724 = tpu.vector_load %arg15[%get3A_722, %get3A_723] {strides = array<i32>} : memref<128x128xf32, #tpu.memory_space<vmem>>, vector<16xf32>,
        %mul3A_725 = vector.broadcast %squeeze3A_721 : f32 to vector<16xf32>
        %mul3A_726 = arith.mulf %get3A_724, %mul3A_725 : vector<16xf32>
        %swap3A_727 = arith.index_cast %add3A_719 : i32 to index
        %swap3A_728 = arith.constant 0 : index
        %swap3A_729 = tpu.vector_load %arg15[%swap3A_727, %swap3A_728] {strides = array<i32>} : memref<128x128xf32, #tpu.memory_space<vmem>>, vector<16xf32>,
        tpu.vector_store %arg15[%swap3A_727, %swap3A_728], %mul3A_726 {strides = array<i32>} : memref<128x128xf32, #tpu.memory_space<vmem>>, vector<16xf32>,
        %abs3A_730 = math.absf %mul3A_726 : vector<16xf32>
        %swap3A_731 = arith.index_cast %add3A_719 : i32 to index
        %swap3A_732 = arith.constant 0 : index
        %swap3A_733 = tpu.vector_load %arg16[%swap3A_731, %swap3A_732] {strides = array<i32>} : memref<128x128xf32, #tpu.memory_space<vmem>>, vector<16xf32>,
        tpu.vector_store %arg16[%swap3A_731, %swap3A_732], %abs3A_730 {strides = array<i32>} : memref<128x128xf32, #tpu.memory_space<vmem>>, vector<16xf32>,
        %get3A_734 = arith.index_cast %add3A_719 : i32 to index
        %get3A_735 = arith.constant 16 : index
        %get3A_736 = tpu.vector_load %arg15[%get3A_734, %get3A_735] {strides = array<i32>} : memref<128x128xf32, #tpu.memory_space<vmem>>, vector<16xf32>,
        %mul3A_737 = vector.broadcast %squeeze3A_721 : f32 to vector<16xf32>
        %mul3A_738 = arith.mulf %get3A_736, %mul3A_737 : vector<16xf32>
        %swap3A_739 = arith.index_cast %add3A_719 : i32 to index
        %swap3A_740 = arith.constant 16 : index
        %swap3A_741 = tpu.vector_load %arg15[%swap3A_739, %swap3A_740] {strides = array<i32>} : memref<128x128xf32, #tpu.memory_space<vmem>>, vector<16xf32>,
        tpu.vector_store %arg15[%swap3A_739, %swap3A_740], %mul3A_738 {strides = array<i32>} : memref<128x128xf32, #tpu.memory_space<vmem>>, vector<16xf32>,
        %abs3A_742 = math.absf %mul3A_738 : vector<16xf32>
        %swap3A_743 = arith.index_cast %add3A_719 : i32 to index
        %swap3A_744 = arith.constant 16 : index
        %swap3A_745 = tpu.vector_load %arg16[%swap3A_743, %swap3A_744] {strides = array<i32>} : memref<128x128xf32, #tpu.memory_space<vmem>>, vector<16xf32>,
        tpu.vector_store %arg16[%swap3A_743, %swap3A_744], %abs3A_742 {strides = array<i32>} : memref<128x128xf32, #tpu.memory_space<vmem>>, vector<16xf32>,
        %get3A_746 = arith.index_cast %add3A_719 : i32 to index
        %get3A_747 = arith.constant 32 : index
        %get3A_748 = tpu.vector_load %arg15[%get3A_746, %get3A_747] {strides = array<i32>} : memref<128x128xf32, #tpu.memory_space<vmem>>, vector<16xf32>,
        %mul3A_749 = vector.broadcast %squeeze3A_721 : f32 to vector<16xf32>
        %mul3A_750 = arith.mulf %get3A_748, %mul3A_749 : vector<16xf32>
        %swap3A_751 = arith.index_cast %add3A_719 : i32 to index
        %swap3A_752 = arith.constant 32 : index
        %swap3A_753 = tpu.vector_load %arg15[%swap3A_751, %swap3A_752] {strides = array<i32>} : memref<128x128xf32, #tpu.memory_space<vmem>>, vector<16xf32>,
        tpu.vector_store %arg15[%swap3A_751, %swap3A_752], %mul3A_750 {strides = array<i32>} : memref<128x128xf32, #tpu.memory_space<vmem>>, vector<16xf32>,
        %abs3A_754 = math.absf %mul3A_750 : vector<16xf32>
        %swap3A_755 = arith.index_cast %add3A_719 : i32 to index
        %swap3A_756 = arith.constant 32 : index
        %swap3A_757 = tpu.vector_load %arg16[%swap3A_755, %swap3A_756] {strides = array<i32>} : memref<128x128xf32, #tpu.memory_space<vmem>>, vector<16xf32>,
        tpu.vector_store %arg16[%swap3A_755, %swap3A_756], %abs3A_754 {strides = array<i32>} : memref<128x128xf32, #tpu.memory_space<vmem>>, vector<16xf32>,
        %get3A_758 = arith.index_cast %add3A_719 : i32 to index
        %get3A_759 = arith.constant 48 : index
        %get3A_760 = tpu.vector_load %arg15[%get3A_758, %get3A_759] {strides = array<i32>} : memref<128x128xf32, #tpu.memory_space<vmem>>, vector<16xf32>,
        %mul3A_761 = vector.broadcast %squeeze3A_721 : f32 to vector<16xf32>
        %mul3A_762 = arith.mulf %get3A_760, %mul3A_761 : vector<16xf32>
        %swap3A_763 = arith.index_cast %add3A_719 : i32 to index
        %swap3A_764 = arith.constant 48 : index
        %swap3A_765 = tpu.vector_load %arg15[%swap3A_763, %swap3A_764] {strides = array<i32>} : memref<128x128xf32, #tpu.memory_space<vmem>>, vector<16xf32>,
        tpu.vector_store %arg15[%swap3A_763, %swap3A_764], %mul3A_762 {strides = array<i32>} : memref<128x128xf32, #tpu.memory_space<vmem>>, vector<16xf32>,
        %abs3A_766 = math.absf %mul3A_762 : vector<16xf32>
        %swap3A_767 = arith.index_cast %add3A_719 : i32 to index
        %swap3A_768 = arith.constant 48 : index
        %swap3A_769 = tpu.vector_load %arg16[%swap3A_767, %swap3A_768] {strides = array<i32>} : memref<128x128xf32, #tpu.memory_space<vmem>>, vector<16xf32>,
        tpu.vector_store %arg16[%swap3A_767, %swap3A_768], %abs3A_766 {strides = array<i32>} : memref<128x128xf32, #tpu.memory_space<vmem>>, vector<16xf32>,
        %get3A_770 = arith.index_cast %add3A_719 : i32 to index
        %get3A_771 = arith.constant 64 : index
        %get3A_772 = tpu.vector_load %arg15[%get3A_770, %get3A_771] {strides = array<i32>} : memref<128x128xf32, #tpu.memory_space<vmem>>, vector<16xf32>,
        %mul3A_773 = vector.broadcast %squeeze3A_721 : f32 to vector<16xf32>
        %mul3A_774 = arith.mulf %get3A_772, %mul3A_773 : vector<16xf32>
        %swap3A_775 = arith.index_cast %add3A_719 : i32 to index
        %swap3A_776 = arith.constant 64 : index
        %swap3A_777 = tpu.vector_load %arg15[%swap3A_775, %swap3A_776] {strides = array<i32>} : memref<128x128xf32, #tpu.memory_space<vmem>>, vector<16xf32>,
        tpu.vector_store %arg15[%swap3A_775, %swap3A_776], %mul3A_774 {strides = array<i32>} : memref<128x128xf32, #tpu.memory_space<vmem>>, vector<16xf32>,
        %abs3A_778 = math.absf %mul3A_774 : vector<16xf32>
        %swap3A_779 = arith.index_cast %add3A_719 : i32 to index
        %swap3A_780 = arith.constant 64 : index
        %swap3A_781 = tpu.vector_load %arg16[%swap3A_779, %swap3A_780] {strides = array<i32>} : memref<128x128xf32, #tpu.memory_space<vmem>>, vector<16xf32>,
        tpu.vector_store %arg16[%swap3A_779, %swap3A_780], %abs3A_778 {strides = array<i32>} : memref<128x128xf32, #tpu.memory_space<vmem>>, vector<16xf32>,
        %get3A_782 = arith.index_cast %add3A_719 : i32 to index
        %get3A_783 = arith.constant 80 : index
        %get3A_784 = tpu.vector_load %arg15[%get3A_782, %get3A_783] {strides = array<i32>} : memref<128x128xf32, #tpu.memory_space<vmem>>, vector<16xf32>,
        %mul3A_785 = vector.broadcast %squeeze3A_721 : f32 to vector<16xf32>
        %mul3A_786 = arith.mulf %get3A_784, %mul3A_785 : vector<16xf32>
        %swap3A_787 = arith.index_cast %add3A_719 : i32 to index
        %swap3A_788 = arith.constant 80 : index
        %swap3A_789 = tpu.vector_load %arg15[%swap3A_787, %swap3A_788] {strides = array<i32>} : memref<128x128xf32, #tpu.memory_space<vmem>>, vector<16xf32>,
        tpu.vector_store %arg15[%swap3A_787, %swap3A_788], %mul3A_786 {strides = array<i32>} : memref<128x128xf32, #tpu.memory_space<vmem>>, vector<16xf32>,
        %abs3A_790 = math.absf %mul3A_786 : vector<16xf32>
        %swap3A_791 = arith.index_cast %add3A_719 : i32 to index
        %swap3A_792 = arith.constant 80 : index
        %swap3A_793 = tpu.vector_load %arg16[%swap3A_791, %swap3A_792] {strides = array<i32>} : memref<128x128xf32, #tpu.memory_space<vmem>>, vector<16xf32>,
        tpu.vector_store %arg16[%swap3A_791, %swap3A_792], %abs3A_790 {strides = array<i32>} : memref<128x128xf32, #tpu.memory_space<vmem>>, vector<16xf32>,
        %get3A_794 = arith.index_cast %add3A_719 : i32 to index
        %get3A_795 = arith.constant 96 : index
        %get3A_796 = tpu.vector_load %arg15[%get3A_794, %get3A_795] {strides = array<i32>} : memref<128x128xf32, #tpu.memory_space<vmem>>, vector<16xf32>,
        %mul3A_797 = vector.broadcast %squeeze3A_721 : f32 to vector<16xf32>
        %mul3A_798 = arith.mulf %get3A_796, %mul3A_797 : vector<16xf32>
        %swap3A_799 = arith.index_cast %add3A_719 : i32 to index
        %swap3A_800 = arith.constant 96 : index
        %swap3A_801 = tpu.vector_load %arg15[%swap3A_799, %swap3A_800] {strides = array<i32>} : memref<128x128xf32, #tpu.memory_space<vmem>>, vector<16xf32>,
        tpu.vector_store %arg15[%swap3A_799, %swap3A_800], %mul3A_798 {strides = array<i32>} : memref<128x128xf32, #tpu.memory_space<vmem>>, vector<16xf32>,
        %abs3A_802 = math.absf %mul3A_798 : vector<16xf32>
        %swap3A_803 = arith.index_cast %add3A_719 : i32 to index
        %swap3A_804 = arith.constant 96 : index
        %swap3A_805 = tpu.vector_load %arg16[%swap3A_803, %swap3A_804] {strides = array<i32>} : memref<128x128xf32, #tpu.memory_space<vmem>>, vector<16xf32>,
        tpu.vector_store %arg16[%swap3A_803, %swap3A_804], %abs3A_802 {strides = array<i32>} : memref<128x128xf32, #tpu.memory_space<vmem>>, vector<16xf32>,
        %get3A_806 = arith.index_cast %add3A_719 : i32 to index
        %get3A_807 = arith.constant 112 : index
        %get3A_808 = tpu.vector_load %arg15[%get3A_806, %get3A_807] {strides = array<i32>} : memref<128x128xf32, #tpu.memory_space<vmem>>, vector<16xf32>,
        %mul3A_809 = vector.broadcast %squeeze3A_721 : f32 to vector<16xf32>
        %mul3A_810 = arith.mulf %get3A_808, %mul3A_809 : vector<16xf32>
        %swap3A_811 = arith.index_cast %add3A_719 : i32 to index
        %swap3A_812 = arith.constant 112 : index
        %swap3A_813 = tpu.vector_load %arg15[%swap3A_811, %swap3A_812] {strides = array<i32>} : memref<128x128xf32, #tpu.memory_space<vmem>>, vector<16xf32>,
        tpu.vector_store %arg15[%swap3A_811, %swap3A_812], %mul3A_810 {strides = array<i32>} : memref<128x128xf32, #tpu.memory_space<vmem>>, vector<16xf32>,
        %abs3A_814 = math.absf %mul3A_810 : vector<16xf32>
        %swap3A_815 = arith.index_cast %add3A_719 : i32 to index
        %swap3A_816 = arith.constant 112 : index
        %swap3A_817 = tpu.vector_load %arg16[%swap3A_815, %swap3A_816] {strides = array<i32>} : memref<128x128xf32, #tpu.memory_space<vmem>>, vector<16xf32>,
        tpu.vector_store %arg16[%swap3A_815, %swap3A_816], %abs3A_814 {strides = array<i32>} : memref<128x128xf32, #tpu.memory_space<vmem>>, vector<16xf32>,
        %mul3A_818 = arith.constant 16 : i32
        %mul3A_819 = arith.muli %scan3A_305, %mul3A_818 : i32
        %add3A_820 = arith.constant 5 : i32
        %add3A_821 = arith.addi %mul3A_819, %add3A_820 : i32
        %slice3A_822 = vector.extract_strided_slice %get3A_310 {offsets = [5], sizes = [1], strides = [1]} : vector<16xf32> to vector<1xf32>
        %squeeze3A_823 = vector.extract %slice3A_822[0] : f32 from vector<1xf32>
        %get3A_824 = arith.index_cast %add3A_821 : i32 to index
        %get3A_825 = arith.constant 0 : index
        %get3A_826 = tpu.vector_load %arg15[%get3A_824, %get3A_825] {strides = array<i32>} : memref<128x128xf32, #tpu.memory_space<vmem>>, vector<16xf32>,
        %mul3A_827 = vector.broadcast %squeeze3A_823 : f32 to vector<16xf32>
        %mul3A_828 = arith.mulf %get3A_826, %mul3A_827 : vector<16xf32>
        %swap3A_829 = arith.index_cast %add3A_821 : i32 to index
        %swap3A_830 = arith.constant 0 : index
        %swap3A_831 = tpu.vector_load %arg15[%swap3A_829, %swap3A_830] {strides = array<i32>} : memref<128x128xf32, #tpu.memory_space<vmem>>, vector<16xf32>,
        tpu.vector_store %arg15[%swap3A_829, %swap3A_830], %mul3A_828 {strides = array<i32>} : memref<128x128xf32, #tpu.memory_space<vmem>>, vector<16xf32>,
        %abs3A_832 = math.absf %mul3A_828 : vector<16xf32>
        %swap3A_833 = arith.index_cast %add3A_821 : i32 to index
        %swap3A_834 = arith.constant 0 : index
        %swap3A_835 = tpu.vector_load %arg16[%swap3A_833, %swap3A_834] {strides = array<i32>} : memref<128x128xf32, #tpu.memory_space<vmem>>, vector<16xf32>,
        tpu.vector_store %arg16[%swap3A_833, %swap3A_834], %abs3A_832 {strides = array<i32>} : memref<128x128xf32, #tpu.memory_space<vmem>>, vector<16xf32>,
        %get3A_836 = arith.index_cast %add3A_821 : i32 to index
        %get3A_837 = arith.constant 16 : index
        %get3A_838 = tpu.vector_load %arg15[%get3A_836, %get3A_837] {strides = array<i32>} : memref<128x128xf32, #tpu.memory_space<vmem>>, vector<16xf32>,
        %mul3A_839 = vector.broadcast %squeeze3A_823 : f32 to vector<16xf32>
        %mul3A_840 = arith.mulf %get3A_838, %mul3A_839 : vector<16xf32>
        %swap3A_841 = arith.index_cast %add3A_821 : i32 to index
        %swap3A_842 = arith.constant 16 : index
        %swap3A_843 = tpu.vector_load %arg15[%swap3A_841, %swap3A_842] {strides = array<i32>} : memref<128x128xf32, #tpu.memory_space<vmem>>, vector<16xf32>,
        tpu.vector_store %arg15[%swap3A_841, %swap3A_842], %mul3A_840 {strides = array<i32>} : memref<128x128xf32, #tpu.memory_space<vmem>>, vector<16xf32>,
        %abs3A_844 = math.absf %mul3A_840 : vector<16xf32>
        %swap3A_845 = arith.index_cast %add3A_821 : i32 to index
        %swap3A_846 = arith.constant 16 : index
        %swap3A_847 = tpu.vector_load %arg16[%swap3A_845, %swap3A_846] {strides = array<i32>} : memref<128x128xf32, #tpu.memory_space<vmem>>, vector<16xf32>,
        tpu.vector_store %arg16[%swap3A_845, %swap3A_846], %abs3A_844 {strides = array<i32>} : memref<128x128xf32, #tpu.memory_space<vmem>>, vector<16xf32>,
        %get3A_848 = arith.index_cast %add3A_821 : i32 to index
        %get3A_849 = arith.constant 32 : index
        %get3A_850 = tpu.vector_load %arg15[%get3A_848, %get3A_849] {strides = array<i32>} : memref<128x128xf32, #tpu.memory_space<vmem>>, vector<16xf32>,
        %mul3A_851 = vector.broadcast %squeeze3A_823 : f32 to vector<16xf32>
        %mul3A_852 = arith.mulf %get3A_850, %mul3A_851 : vector<16xf32>
        %swap3A_853 = arith.index_cast %add3A_821 : i32 to index
        %swap3A_854 = arith.constant 32 : index
        %swap3A_855 = tpu.vector_load %arg15[%swap3A_853, %swap3A_854] {strides = array<i32>} : memref<128x128xf32, #tpu.memory_space<vmem>>, vector<16xf32>,
        tpu.vector_store %arg15[%swap3A_853, %swap3A_854], %mul3A_852 {strides = array<i32>} : memref<128x128xf32, #tpu.memory_space<vmem>>, vector<16xf32>,
        %abs3A_856 = math.absf %mul3A_852 : vector<16xf32>
        %swap3A_857 = arith.index_cast %add3A_821 : i32 to index
        %swap3A_858 = arith.constant 32 : index
        %swap3A_859 = tpu.vector_load %arg16[%swap3A_857, %swap3A_858] {strides = array<i32>} : memref<128x128xf32, #tpu.memory_space<vmem>>, vector<16xf32>,
        tpu.vector_store %arg16[%swap3A_857, %swap3A_858], %abs3A_856 {strides = array<i32>} : memref<128x128xf32, #tpu.memory_space<vmem>>, vector<16xf32>,
        %get3A_860 = arith.index_cast %add3A_821 : i32 to index
        %get3A_861 = arith.constant 48 : index
        %get3A_862 = tpu.vector_load %arg15[%get3A_860, %get3A_861] {strides = array<i32>} : memref<128x128xf32, #tpu.memory_space<vmem>>, vector<16xf32>,
        %mul3A_863 = vector.broadcast %squeeze3A_823 : f32 to vector<16xf32>
        %mul3A_864 = arith.mulf %get3A_862, %mul3A_863 : vector<16xf32>
        %swap3A_865 = arith.index_cast %add3A_821 : i32 to index
        %swap3A_866 = arith.constant 48 : index
        %swap3A_867 = tpu.vector_load %arg15[%swap3A_865, %swap3A_866] {strides = array<i32>} : memref<128x128xf32, #tpu.memory_space<vmem>>, vector<16xf32>,
        tpu.vector_store %arg15[%swap3A_865, %swap3A_866], %mul3A_864 {strides = array<i32>} : memref<128x128xf32, #tpu.memory_space<vmem>>, vector<16xf32>,
        %abs3A_868 = math.absf %mul3A_864 : vector<16xf32>
        %swap3A_869 = arith.index_cast %add3A_821 : i32 to index
        %swap3A_870 = arith.constant 48 : index
        %swap3A_871 = tpu.vector_load %arg16[%swap3A_869, %swap3A_870] {strides = array<i32>} : memref<128x128xf32, #tpu.memory_space<vmem>>, vector<16xf32>,
        tpu.vector_store %arg16[%swap3A_869, %swap3A_870], %abs3A_868 {strides = array<i32>} : memref<128x128xf32, #tpu.memory_space<vmem>>, vector<16xf32>,
        %get3A_872 = arith.index_cast %add3A_821 : i32 to index
        %get3A_873 = arith.constant 64 : index
        %get3A_874 = tpu.vector_load %arg15[%get3A_872, %get3A_873] {strides = array<i32>} : memref<128x128xf32, #tpu.memory_space<vmem>>, vector<16xf32>,
        %mul3A_875 = vector.broadcast %squeeze3A_823 : f32 to vector<16xf32>
        %mul3A_876 = arith.mulf %get3A_874, %mul3A_875 : vector<16xf32>
        %swap3A_877 = arith.index_cast %add3A_821 : i32 to index
        %swap3A_878 = arith.constant 64 : index
        %swap3A_879 = tpu.vector_load %arg15[%swap3A_877, %swap3A_878] {strides = array<i32>} : memref<128x128xf32, #tpu.memory_space<vmem>>, vector<16xf32>,
        tpu.vector_store %arg15[%swap3A_877, %swap3A_878], %mul3A_876 {strides = array<i32>} : memref<128x128xf32, #tpu.memory_space<vmem>>, vector<16xf32>,
        %abs3A_880 = math.absf %mul3A_876 : vector<16xf32>
        %swap3A_881 = arith.index_cast %add3A_821 : i32 to index
        %swap3A_882 = arith.constant 64 : index
        %swap3A_883 = tpu.vector_load %arg16[%swap3A_881, %swap3A_882] {strides = array<i32>} : memref<128x128xf32, #tpu.memory_space<vmem>>, vector<16xf32>,
        tpu.vector_store %arg16[%swap3A_881, %swap3A_882], %abs3A_880 {strides = array<i32>} : memref<128x128xf32, #tpu.memory_space<vmem>>, vector<16xf32>,
        %get3A_884 = arith.index_cast %add3A_821 : i32 to index
        %get3A_885 = arith.constant 80 : index
        %get3A_886 = tpu.vector_load %arg15[%get3A_884, %get3A_885] {strides = array<i32>} : memref<128x128xf32, #tpu.memory_space<vmem>>, vector<16xf32>,
        %mul3A_887 = vector.broadcast %squeeze3A_823 : f32 to vector<16xf32>
        %mul3A_888 = arith.mulf %get3A_886, %mul3A_887 : vector<16xf32>
        %swap3A_889 = arith.index_cast %add3A_821 : i32 to index
        %swap3A_890 = arith.constant 80 : index
        %swap3A_891 = tpu.vector_load %arg15[%swap3A_889, %swap3A_890] {strides = array<i32>} : memref<128x128xf32, #tpu.memory_space<vmem>>, vector<16xf32>,
        tpu.vector_store %arg15[%swap3A_889, %swap3A_890], %mul3A_888 {strides = array<i32>} : memref<128x128xf32, #tpu.memory_space<vmem>>, vector<16xf32>,
        %abs3A_892 = math.absf %mul3A_888 : vector<16xf32>
        %swap3A_893 = arith.index_cast %add3A_821 : i32 to index
        %swap3A_894 = arith.constant 80 : index
        %swap3A_895 = tpu.vector_load %arg16[%swap3A_893, %swap3A_894] {strides = array<i32>} : memref<128x128xf32, #tpu.memory_space<vmem>>, vector<16xf32>,
        tpu.vector_store %arg16[%swap3A_893, %swap3A_894], %abs3A_892 {strides = array<i32>} : memref<128x128xf32, #tpu.memory_space<vmem>>, vector<16xf32>,
        %get3A_896 = arith.index_cast %add3A_821 : i32 to index
        %get3A_897 = arith.constant 96 : index
        %get3A_898 = tpu.vector_load %arg15[%get3A_896, %get3A_897] {strides = array<i32>} : memref<128x128xf32, #tpu.memory_space<vmem>>, vector<16xf32>,
        %mul3A_899 = vector.broadcast %squeeze3A_823 : f32 to vector<16xf32>
        %mul3A_900 = arith.mulf %get3A_898, %mul3A_899 : vector<16xf32>
        %swap3A_901 = arith.index_cast %add3A_821 : i32 to index
        %swap3A_902 = arith.constant 96 : index
        %swap3A_903 = tpu.vector_load %arg15[%swap3A_901, %swap3A_902] {strides = array<i32>} : memref<128x128xf32, #tpu.memory_space<vmem>>, vector<16xf32>,
        tpu.vector_store %arg15[%swap3A_901, %swap3A_902], %mul3A_900 {strides = array<i32>} : memref<128x128xf32, #tpu.memory_space<vmem>>, vector<16xf32>,
        %abs3A_904 = math.absf %mul3A_900 : vector<16xf32>
        %swap3A_905 = arith.index_cast %add3A_821 : i32 to index
        %swap3A_906 = arith.constant 96 : index
        %swap3A_907 = tpu.vector_load %arg16[%swap3A_905, %swap3A_906] {strides = array<i32>} : memref<128x128xf32, #tpu.memory_space<vmem>>, vector<16xf32>,
        tpu.vector_store %arg16[%swap3A_905, %swap3A_906], %abs3A_904 {strides = array<i32>} : memref<128x128xf32, #tpu.memory_space<vmem>>, vector<16xf32>,
        %get3A_908 = arith.index_cast %add3A_821 : i32 to index
        %get3A_909 = arith.constant 112 : index
        %get3A_910 = tpu.vector_load %arg15[%get3A_908, %get3A_909] {strides = array<i32>} : memref<128x128xf32, #tpu.memory_space<vmem>>, vector<16xf32>,
        %mul3A_911 = vector.broadcast %squeeze3A_823 : f32 to vector<16xf32>
        %mul3A_912 = arith.mulf %get3A_910, %mul3A_911 : vector<16xf32>
        %swap3A_913 = arith.index_cast %add3A_821 : i32 to index
        %swap3A_914 = arith.constant 112 : index
        %swap3A_915 = tpu.vector_load %arg15[%swap3A_913, %swap3A_914] {strides = array<i32>} : memref<128x128xf32, #tpu.memory_space<vmem>>, vector<16xf32>,
        tpu.vector_store %arg15[%swap3A_913, %swap3A_914], %mul3A_912 {strides = array<i32>} : memref<128x128xf32, #tpu.memory_space<vmem>>, vector<16xf32>,
        %abs3A_916 = math.absf %mul3A_912 : vector<16xf32>
        %swap3A_917 = arith.index_cast %add3A_821 : i32 to index
        %swap3A_918 = arith.constant 112 : index
        %swap3A_919 = tpu.vector_load %arg16[%swap3A_917, %swap3A_918] {strides = array<i32>} : memref<128x128xf32, #tpu.memory_space<vmem>>, vector<16xf32>,
        tpu.vector_store %arg16[%swap3A_917, %swap3A_918], %abs3A_916 {strides = array<i32>} : memref<128x128xf32, #tpu.memory_space<vmem>>, vector<16xf32>,
        %mul3A_920 = arith.constant 16 : i32
        %mul3A_921 = arith.muli %scan3A_305, %mul3A_920 : i32
        %add3A_922 = arith.constant 6 : i32
        %add3A_923 = arith.addi %mul3A_921, %add3A_922 : i32
        %slice3A_924 = vector.extract_strided_slice %get3A_310 {offsets = [6], sizes = [1], strides = [1]} : vector<16xf32> to vector<1xf32>
        %squeeze3A_925 = vector.extract %slice3A_924[0] : f32 from vector<1xf32>
        %get3A_926 = arith.index_cast %add3A_923 : i32 to index
        %get3A_927 = arith.constant 0 : index
        %get3A_928 = tpu.vector_load %arg15[%get3A_926, %get3A_927] {strides = array<i32>} : memref<128x128xf32, #tpu.memory_space<vmem>>, vector<16xf32>,
        %mul3A_929 = vector.broadcast %squeeze3A_925 : f32 to vector<16xf32>
        %mul3A_930 = arith.mulf %get3A_928, %mul3A_929 : vector<16xf32>
        %swap3A_931 = arith.index_cast %add3A_923 : i32 to index
        %swap3A_932 = arith.constant 0 : index
        %swap3A_933 = tpu.vector_load %arg15[%swap3A_931, %swap3A_932] {strides = array<i32>} : memref<128x128xf32, #tpu.memory_space<vmem>>, vector<16xf32>,
        tpu.vector_store %arg15[%swap3A_931, %swap3A_932], %mul3A_930 {strides = array<i32>} : memref<128x128xf32, #tpu.memory_space<vmem>>, vector<16xf32>,
        %abs3A_934 = math.absf %mul3A_930 : vector<16xf32>
        %swap3A_935 = arith.index_cast %add3A_923 : i32 to index
        %swap3A_936 = arith.constant 0 : index
        %swap3A_937 = tpu.vector_load %arg16[%swap3A_935, %swap3A_936] {strides = array<i32>} : memref<128x128xf32, #tpu.memory_space<vmem>>, vector<16xf32>,
        tpu.vector_store %arg16[%swap3A_935, %swap3A_936], %abs3A_934 {strides = array<i32>} : memref<128x128xf32, #tpu.memory_space<vmem>>, vector<16xf32>,
        %get3A_938 = arith.index_cast %add3A_923 : i32 to index
        %get3A_939 = arith.constant 16 : index
        %get3A_940 = tpu.vector_load %arg15[%get3A_938, %get3A_939] {strides = array<i32>} : memref<128x128xf32, #tpu.memory_space<vmem>>, vector<16xf32>,
        %mul3A_941 = vector.broadcast %squeeze3A_925 : f32 to vector<16xf32>
        %mul3A_942 = arith.mulf %get3A_940, %mul3A_941 : vector<16xf32>
        %swap3A_943 = arith.index_cast %add3A_923 : i32 to index
        %swap3A_944 = arith.constant 16 : index
        %swap3A_945 = tpu.vector_load %arg15[%swap3A_943, %swap3A_944] {strides = array<i32>} : memref<128x128xf32, #tpu.memory_space<vmem>>, vector<16xf32>,
        tpu.vector_store %arg15[%swap3A_943, %swap3A_944], %mul3A_942 {strides = array<i32>} : memref<128x128xf32, #tpu.memory_space<vmem>>, vector<16xf32>,
        %abs3A_946 = math.absf %mul3A_942 : vector<16xf32>
        %swap3A_947 = arith.index_cast %add3A_923 : i32 to index
        %swap3A_948 = arith.constant 16 : index
        %swap3A_949 = tpu.vector_load %arg16[%swap3A_947, %swap3A_948] {strides = array<i32>} : memref<128x128xf32, #tpu.memory_space<vmem>>, vector<16xf32>,
        tpu.vector_store %arg16[%swap3A_947, %swap3A_948], %abs3A_946 {strides = array<i32>} : memref<128x128xf32, #tpu.memory_space<vmem>>, vector<16xf32>,
        %get3A_950 = arith.index_cast %add3A_923 : i32 to index
        %get3A_951 = arith.constant 32 : index
        %get3A_952 = tpu.vector_load %arg15[%get3A_950, %get3A_951] {strides = array<i32>} : memref<128x128xf32, #tpu.memory_space<vmem>>, vector<16xf32>,
        %mul3A_953 = vector.broadcast %squeeze3A_925 : f32 to vector<16xf32>
        %mul3A_954 = arith.mulf %get3A_952, %mul3A_953 : vector<16xf32>
        %swap3A_955 = arith.index_cast %add3A_923 : i32 to index
        %swap3A_956 = arith.constant 32 : index
        %swap3A_957 = tpu.vector_load %arg15[%swap3A_955, %swap3A_956] {strides = array<i32>} : memref<128x128xf32, #tpu.memory_space<vmem>>, vector<16xf32>,
        tpu.vector_store %arg15[%swap3A_955, %swap3A_956], %mul3A_954 {strides = array<i32>} : memref<128x128xf32, #tpu.memory_space<vmem>>, vector<16xf32>,
        %abs3A_958 = math.absf %mul3A_954 : vector<16xf32>
        %swap3A_959 = arith.index_cast %add3A_923 : i32 to index
        %swap3A_960 = arith.constant 32 : index
        %swap3A_961 = tpu.vector_load %arg16[%swap3A_959, %swap3A_960] {strides = array<i32>} : memref<128x128xf32, #tpu.memory_space<vmem>>, vector<16xf32>,
        tpu.vector_store %arg16[%swap3A_959, %swap3A_960], %abs3A_958 {strides = array<i32>} : memref<128x128xf32, #tpu.memory_space<vmem>>, vector<16xf32>,
        %get3A_962 = arith.index_cast %add3A_923 : i32 to index
        %get3A_963 = arith.constant 48 : index
        %get3A_964 = tpu.vector_load %arg15[%get3A_962, %get3A_963] {strides = array<i32>} : memref<128x128xf32, #tpu.memory_space<vmem>>, vector<16xf32>,
        %mul3A_965 = vector.broadcast %squeeze3A_925 : f32 to vector<16xf32>
        %mul3A_966 = arith.mulf %get3A_964, %mul3A_965 : vector<16xf32>
        %swap3A_967 = arith.index_cast %add3A_923 : i32 to index
        %swap3A_968 = arith.constant 48 : index
        %swap3A_969 = tpu.vector_load %arg15[%swap3A_967, %swap3A_968] {strides = array<i32>} : memref<128x128xf32, #tpu.memory_space<vmem>>, vector<16xf32>,
        tpu.vector_store %arg15[%swap3A_967, %swap3A_968], %mul3A_966 {strides = array<i32>} : memref<128x128xf32, #tpu.memory_space<vmem>>, vector<16xf32>,
        %abs3A_970 = math.absf %mul3A_966 : vector<16xf32>
        %swap3A_971 = arith.index_cast %add3A_923 : i32 to index
        %swap3A_972 = arith.constant 48 : index
        %swap3A_973 = tpu.vector_load %arg16[%swap3A_971, %swap3A_972] {strides = array<i32>} : memref<128x128xf32, #tpu.memory_space<vmem>>, vector<16xf32>,
        tpu.vector_store %arg16[%swap3A_971, %swap3A_972], %abs3A_970 {strides = array<i32>} : memref<128x128xf32, #tpu.memory_space<vmem>>, vector<16xf32>,
        %get3A_974 = arith.index_cast %add3A_923 : i32 to index
        %get3A_975 = arith.constant 64 : index
        %get3A_976 = tpu.vector_load %arg15[%get3A_974, %get3A_975] {strides = array<i32>} : memref<128x128xf32, #tpu.memory_space<vmem>>, vector<16xf32>,
        %mul3A_977 = vector.broadcast %squeeze3A_925 : f32 to vector<16xf32>
        %mul3A_978 = arith.mulf %get3A_976, %mul3A_977 : vector<16xf32>
        %swap3A_979 = arith.index_cast %add3A_923 : i32 to index
        %swap3A_980 = arith.constant 64 : index
        %swap3A_981 = tpu.vector_load %arg15[%swap3A_979, %swap3A_980] {strides = array<i32>} : memref<128x128xf32, #tpu.memory_space<vmem>>, vector<16xf32>,
        tpu.vector_store %arg15[%swap3A_979, %swap3A_980], %mul3A_978 {strides = array<i32>} : memref<128x128xf32, #tpu.memory_space<vmem>>, vector<16xf32>,
        %abs3A_982 = math.absf %mul3A_978 : vector<16xf32>
        %swap3A_983 = arith.index_cast %add3A_923 : i32 to index
        %swap3A_984 = arith.constant 64 : index
        %swap3A_985 = tpu.vector_load %arg16[%swap3A_983, %swap3A_984] {strides = array<i32>} : memref<128x128xf32, #tpu.memory_space<vmem>>, vector<16xf32>,
        tpu.vector_store %arg16[%swap3A_983, %swap3A_984], %abs3A_982 {strides = array<i32>} : memref<128x128xf32, #tpu.memory_space<vmem>>, vector<16xf32>,
        %get3A_986 = arith.index_cast %add3A_923 : i32 to index
        %get3A_987 = arith.constant 80 : index
        %get3A_988 = tpu.vector_load %arg15[%get3A_986, %get3A_987] {strides = array<i32>} : memref<128x128xf32, #tpu.memory_space<vmem>>, vector<16xf32>,
        %mul3A_989 = vector.broadcast %squeeze3A_925 : f32 to vector<16xf32>
        %mul3A_990 = arith.mulf %get3A_988, %mul3A_989 : vector<16xf32>
        %swap3A_991 = arith.index_cast %add3A_923 : i32 to index
        %swap3A_992 = arith.constant 80 : index
        %swap3A_993 = tpu.vector_load %arg15[%swap3A_991, %swap3A_992] {strides = array<i32>} : memref<128x128xf32, #tpu.memory_space<vmem>>, vector<16xf32>,
        tpu.vector_store %arg15[%swap3A_991, %swap3A_992], %mul3A_990 {strides = array<i32>} : memref<128x128xf32, #tpu.memory_space<vmem>>, vector<16xf32>,
        %abs3A_994 = math.absf %mul3A_990 : vector<16xf32>
        %swap3A_995 = arith.index_cast %add3A_923 : i32 to index
        %swap3A_996 = arith.constant 80 : index
        %swap3A_997 = tpu.vector_load %arg16[%swap3A_995, %swap3A_996] {strides = array<i32>} : memref<128x128xf32, #tpu.memory_space<vmem>>, vector<16xf32>,
        tpu.vector_store %arg16[%swap3A_995, %swap3A_996], %abs3A_994 {strides = array<i32>} : memref<128x128xf32, #tpu.memory_space<vmem>>, vector<16xf32>,
        %get3A_998 = arith.index_cast %add3A_923 : i32 to index
        %get3A_999 = arith.constant 96 : index
        %get3A_1000 = tpu.vector_load %arg15[%get3A_998, %get3A_999] {strides = array<i32>} : memref<128x128xf32, #tpu.memory_space<vmem>>, vector<16xf32>,
        %mul3A_1001 = vector.broadcast %squeeze3A_925 : f32 to vector<16xf32>
        %mul3A_1002 = arith.mulf %get3A_1000, %mul3A_1001 : vector<16xf32>
        %swap3A_1003 = arith.index_cast %add3A_923 : i32 to index
        %swap3A_1004 = arith.constant 96 : index
        %swap3A_1005 = tpu.vector_load %arg15[%swap3A_1003, %swap3A_1004] {strides = array<i32>} : memref<128x128xf32, #tpu.memory_space<vmem>>, vector<16xf32>,
        tpu.vector_store %arg15[%swap3A_1003, %swap3A_1004], %mul3A_1002 {strides = array<i32>} : memref<128x128xf32, #tpu.memory_space<vmem>>, vector<16xf32>,
        %abs3A_1006 = math.absf %mul3A_1002 : vector<16xf32>
        %swap3A_1007 = arith.index_cast %add3A_923 : i32 to index
        %swap3A_1008 = arith.constant 96 : index
        %swap3A_1009 = tpu.vector_load %arg16[%swap3A_1007, %swap3A_1008] {strides = array<i32>} : memref<128x128xf32, #tpu.memory_space<vmem>>, vector<16xf32>,
        tpu.vector_store %arg16[%swap3A_1007, %swap3A_1008], %abs3A_1006 {strides = array<i32>} : memref<128x128xf32, #tpu.memory_space<vmem>>, vector<16xf32>,
        %get3A_1010 = arith.index_cast %add3A_923 : i32 to index
        %get3A_1011 = arith.constant 112 : index
        %get3A_1012 = tpu.vector_load %arg15[%get3A_1010, %get3A_1011] {strides = array<i32>} : memref<128x128xf32, #tpu.memory_space<vmem>>, vector<16xf32>,
        %mul3A_1013 = vector.broadcast %squeeze3A_925 : f32 to vector<16xf32>
        %mul3A_1014 = arith.mulf %get3A_1012, %mul3A_1013 : vector<16xf32>
        %swap3A_1015 = arith.index_cast %add3A_923 : i32 to index
        %swap3A_1016 = arith.constant 112 : index
        %swap3A_1017 = tpu.vector_load %arg15[%swap3A_1015, %swap3A_1016] {strides = array<i32>} : memref<128x128xf32, #tpu.memory_space<vmem>>, vector<16xf32>,
        tpu.vector_store %arg15[%swap3A_1015, %swap3A_1016], %mul3A_1014 {strides = array<i32>} : memref<128x128xf32, #tpu.memory_space<vmem>>, vector<16xf32>,
        %abs3A_1018 = math.absf %mul3A_1014 : vector<16xf32>
        %swap3A_1019 = arith.index_cast %add3A_923 : i32 to index
        %swap3A_1020 = arith.constant 112 : index
        %swap3A_1021 = tpu.vector_load %arg16[%swap3A_1019, %swap3A_1020] {strides = array<i32>} : memref<128x128xf32, #tpu.memory_space<vmem>>, vector<16xf32>,
        tpu.vector_store %arg16[%swap3A_1019, %swap3A_1020], %abs3A_1018 {strides = array<i32>} : memref<128x128xf32, #tpu.memory_space<vmem>>, vector<16xf32>,
        %mul3A_1022 = arith.constant 16 : i32
        %mul3A_1023 = arith.muli %scan3A_305, %mul3A_1022 : i32
        %add3A_1024 = arith.constant 7 : i32
        %add3A_1025 = arith.addi %mul3A_1023, %add3A_1024 : i32
        %slice3A_1026 = vector.extract_strided_slice %get3A_310 {offsets = [7], sizes = [1], strides = [1]} : vector<16xf32> to vector<1xf32>
        %squeeze3A_1027 = vector.extract %slice3A_1026[0] : f32 from vector<1xf32>
        %get3A_1028 = arith.index_cast %add3A_1025 : i32 to index
        %get3A_1029 = arith.constant 0 : index
        %get3A_1030 = tpu.vector_load %arg15[%get3A_1028, %get3A_1029] {strides = array<i32>} : memref<128x128xf32, #tpu.memory_space<vmem>>, vector<16xf32>,
        %mul3A_1031 = vector.broadcast %squeeze3A_1027 : f32 to vector<16xf32>
        %mul3A_1032 = arith.mulf %get3A_1030, %mul3A_1031 : vector<16xf32>
        %swap3A_1033 = arith.index_cast %add3A_1025 : i32 to index
        %swap3A_1034 = arith.constant 0 : index
        %swap3A_1035 = tpu.vector_load %arg15[%swap3A_1033, %swap3A_1034] {strides = array<i32>} : memref<128x128xf32, #tpu.memory_space<vmem>>, vector<16xf32>,
        tpu.vector_store %arg15[%swap3A_1033, %swap3A_1034], %mul3A_1032 {strides = array<i32>} : memref<128x128xf32, #tpu.memory_space<vmem>>, vector<16xf32>,
        %abs3A_1036 = math.absf %mul3A_1032 : vector<16xf32>
        %swap3A_1037 = arith.index_cast %add3A_1025 : i32 to index
        %swap3A_1038 = arith.constant 0 : index
        %swap3A_1039 = tpu.vector_load %arg16[%swap3A_1037, %swap3A_1038] {strides = array<i32>} : memref<128x128xf32, #tpu.memory_space<vmem>>, vector<16xf32>,
        tpu.vector_store %arg16[%swap3A_1037, %swap3A_1038], %abs3A_1036 {strides = array<i32>} : memref<128x128xf32, #tpu.memory_space<vmem>>, vector<16xf32>,
        %get3A_1040 = arith.index_cast %add3A_1025 : i32 to index
        %get3A_1041 = arith.constant 16 : index
        %get3A_1042 = tpu.vector_load %arg15[%get3A_1040, %get3A_1041] {strides = array<i32>} : memref<128x128xf32, #tpu.memory_space<vmem>>, vector<16xf32>,
        %mul3A_1043 = vector.broadcast %squeeze3A_1027 : f32 to vector<16xf32>
        %mul3A_1044 = arith.mulf %get3A_1042, %mul3A_1043 : vector<16xf32>
        %swap3A_1045 = arith.index_cast %add3A_1025 : i32 to index
        %swap3A_1046 = arith.constant 16 : index
        %swap3A_1047 = tpu.vector_load %arg15[%swap3A_1045, %swap3A_1046] {strides = array<i32>} : memref<128x128xf32, #tpu.memory_space<vmem>>, vector<16xf32>,
        tpu.vector_store %arg15[%swap3A_1045, %swap3A_1046], %mul3A_1044 {strides = array<i32>} : memref<128x128xf32, #tpu.memory_space<vmem>>, vector<16xf32>,
        %abs3A_1048 = math.absf %mul3A_1044 : vector<16xf32>
        %swap3A_1049 = arith.index_cast %add3A_1025 : i32 to index
        %swap3A_1050 = arith.constant 16 : index
        %swap3A_1051 = tpu.vector_load %arg16[%swap3A_1049, %swap3A_1050] {strides = array<i32>} : memref<128x128xf32, #tpu.memory_space<vmem>>, vector<16xf32>,
        tpu.vector_store %arg16[%swap3A_1049, %swap3A_1050], %abs3A_1048 {strides = array<i32>} : memref<128x128xf32, #tpu.memory_space<vmem>>, vector<16xf32>,
        %get3A_1052 = arith.index_cast %add3A_1025 : i32 to index
        %get3A_1053 = arith.constant 32 : index
        %get3A_1054 = tpu.vector_load %arg15[%get3A_1052, %get3A_1053] {strides = array<i32>} : memref<128x128xf32, #tpu.memory_space<vmem>>, vector<16xf32>,
        %mul3A_1055 = vector.broadcast %squeeze3A_1027 : f32 to vector<16xf32>
        %mul3A_1056 = arith.mulf %get3A_1054, %mul3A_1055 : vector<16xf32>
        %swap3A_1057 = arith.index_cast %add3A_1025 : i32 to index
        %swap3A_1058 = arith.constant 32 : index
        %swap3A_1059 = tpu.vector_load %arg15[%swap3A_1057, %swap3A_1058] {strides = array<i32>} : memref<128x128xf32, #tpu.memory_space<vmem>>, vector<16xf32>,
        tpu.vector_store %arg15[%swap3A_1057, %swap3A_1058], %mul3A_1056 {strides = array<i32>} : memref<128x128xf32, #tpu.memory_space<vmem>>, vector<16xf32>,
        %abs3A_1060 = math.absf %mul3A_1056 : vector<16xf32>
        %swap3A_1061 = arith.index_cast %add3A_1025 : i32 to index
        %swap3A_1062 = arith.constant 32 : index
        %swap3A_1063 = tpu.vector_load %arg16[%swap3A_1061, %swap3A_1062] {strides = array<i32>} : memref<128x128xf32, #tpu.memory_space<vmem>>, vector<16xf32>,
        tpu.vector_store %arg16[%swap3A_1061, %swap3A_1062], %abs3A_1060 {strides = array<i32>} : memref<128x128xf32, #tpu.memory_space<vmem>>, vector<16xf32>,
        %get3A_1064 = arith.index_cast %add3A_1025 : i32 to index
        %get3A_1065 = arith.constant 48 : index
        %get3A_1066 = tpu.vector_load %arg15[%get3A_1064, %get3A_1065] {strides = array<i32>} : memref<128x128xf32, #tpu.memory_space<vmem>>, vector<16xf32>,
        %mul3A_1067 = vector.broadcast %squeeze3A_1027 : f32 to vector<16xf32>
        %mul3A_1068 = arith.mulf %get3A_1066, %mul3A_1067 : vector<16xf32>
        %swap3A_1069 = arith.index_cast %add3A_1025 : i32 to index
        %swap3A_1070 = arith.constant 48 : index
        %swap3A_1071 = tpu.vector_load %arg15[%swap3A_1069, %swap3A_1070] {strides = array<i32>} : memref<128x128xf32, #tpu.memory_space<vmem>>, vector<16xf32>,
        tpu.vector_store %arg15[%swap3A_1069, %swap3A_1070], %mul3A_1068 {strides = array<i32>} : memref<128x128xf32, #tpu.memory_space<vmem>>, vector<16xf32>,
        %abs3A_1072 = math.absf %mul3A_1068 : vector<16xf32>
        %swap3A_1073 = arith.index_cast %add3A_1025 : i32 to index
        %swap3A_1074 = arith.constant 48 : index
        %swap3A_1075 = tpu.vector_load %arg16[%swap3A_1073, %swap3A_1074] {strides = array<i32>} : memref<128x128xf32, #tpu.memory_space<vmem>>, vector<16xf32>,
        tpu.vector_store %arg16[%swap3A_1073, %swap3A_1074], %abs3A_1072 {strides = array<i32>} : memref<128x128xf32, #tpu.memory_space<vmem>>, vector<16xf32>,
        %get3A_1076 = arith.index_cast %add3A_1025 : i32 to index
        %get3A_1077 = arith.constant 64 : index
        %get3A_1078 = tpu.vector_load %arg15[%get3A_1076, %get3A_1077] {strides = array<i32>} : memref<128x128xf32, #tpu.memory_space<vmem>>, vector<16xf32>,
        %mul3A_1079 = vector.broadcast %squeeze3A_1027 : f32 to vector<16xf32>
        %mul3A_1080 = arith.mulf %get3A_1078, %mul3A_1079 : vector<16xf32>
        %swap3A_1081 = arith.index_cast %add3A_1025 : i32 to index
        %swap3A_1082 = arith.constant 64 : index
        %swap3A_1083 = tpu.vector_load %arg15[%swap3A_1081, %swap3A_1082] {strides = array<i32>} : memref<128x128xf32, #tpu.memory_space<vmem>>, vector<16xf32>,
        tpu.vector_store %arg15[%swap3A_1081, %swap3A_1082], %mul3A_1080 {strides = array<i32>} : memref<128x128xf32, #tpu.memory_space<vmem>>, vector<16xf32>,
        %abs3A_1084 = math.absf %mul3A_1080 : vector<16xf32>
        %swap3A_1085 = arith.index_cast %add3A_1025 : i32 to index
        %swap3A_1086 = arith.constant 64 : index
        %swap3A_1087 = tpu.vector_load %arg16[%swap3A_1085, %swap3A_1086] {strides = array<i32>} : memref<128x128xf32, #tpu.memory_space<vmem>>, vector<16xf32>,
        tpu.vector_store %arg16[%swap3A_1085, %swap3A_1086], %abs3A_1084 {strides = array<i32>} : memref<128x128xf32, #tpu.memory_space<vmem>>, vector<16xf32>,
        %get3A_1088 = arith.index_cast %add3A_1025 : i32 to index
        %get3A_1089 = arith.constant 80 : index
        %get3A_1090 = tpu.vector_load %arg15[%get3A_1088, %get3A_1089] {strides = array<i32>} : memref<128x128xf32, #tpu.memory_space<vmem>>, vector<16xf32>,
        %mul3A_1091 = vector.broadcast %squeeze3A_1027 : f32 to vector<16xf32>
        %mul3A_1092 = arith.mulf %get3A_1090, %mul3A_1091 : vector<16xf32>
        %swap3A_1093 = arith.index_cast %add3A_1025 : i32 to index
        %swap3A_1094 = arith.constant 80 : index
        %swap3A_1095 = tpu.vector_load %arg15[%swap3A_1093, %swap3A_1094] {strides = array<i32>} : memref<128x128xf32, #tpu.memory_space<vmem>>, vector<16xf32>,
        tpu.vector_store %arg15[%swap3A_1093, %swap3A_1094], %mul3A_1092 {strides = array<i32>} : memref<128x128xf32, #tpu.memory_space<vmem>>, vector<16xf32>,
        %abs3A_1096 = math.absf %mul3A_1092 : vector<16xf32>
        %swap3A_1097 = arith.index_cast %add3A_1025 : i32 to index
        %swap3A_1098 = arith.constant 80 : index
        %swap3A_1099 = tpu.vector_load %arg16[%swap3A_1097, %swap3A_1098] {strides = array<i32>} : memref<128x128xf32, #tpu.memory_space<vmem>>, vector<16xf32>,
        tpu.vector_store %arg16[%swap3A_1097, %swap3A_1098], %abs3A_1096 {strides = array<i32>} : memref<128x128xf32, #tpu.memory_space<vmem>>, vector<16xf32>,
        %get3A_1100 = arith.index_cast %add3A_1025 : i32 to index
        %get3A_1101 = arith.constant 96 : index
        %get3A_1102 = tpu.vector_load %arg15[%get3A_1100, %get3A_1101] {strides = array<i32>} : memref<128x128xf32, #tpu.memory_space<vmem>>, vector<16xf32>,
        %mul3A_1103 = vector.broadcast %squeeze3A_1027 : f32 to vector<16xf32>
        %mul3A_1104 = arith.mulf %get3A_1102, %mul3A_1103 : vector<16xf32>
        %swap3A_1105 = arith.index_cast %add3A_1025 : i32 to index
        %swap3A_1106 = arith.constant 96 : index
        %swap3A_1107 = tpu.vector_load %arg15[%swap3A_1105, %swap3A_1106] {strides = array<i32>} : memref<128x128xf32, #tpu.memory_space<vmem>>, vector<16xf32>,
        tpu.vector_store %arg15[%swap3A_1105, %swap3A_1106], %mul3A_1104 {strides = array<i32>} : memref<128x128xf32, #tpu.memory_space<vmem>>, vector<16xf32>,
        %abs3A_1108 = math.absf %mul3A_1104 : vector<16xf32>
        %swap3A_1109 = arith.index_cast %add3A_1025 : i32 to index
        %swap3A_1110 = arith.constant 96 : index
        %swap3A_1111 = tpu.vector_load %arg16[%swap3A_1109, %swap3A_1110] {strides = array<i32>} : memref<128x128xf32, #tpu.memory_space<vmem>>, vector<16xf32>,
        tpu.vector_store %arg16[%swap3A_1109, %swap3A_1110], %abs3A_1108 {strides = array<i32>} : memref<128x128xf32, #tpu.memory_space<vmem>>, vector<16xf32>,
        %get3A_1112 = arith.index_cast %add3A_1025 : i32 to index
        %get3A_1113 = arith.constant 112 : index
        %get3A_1114 = tpu.vector_load %arg15[%get3A_1112, %get3A_1113] {strides = array<i32>} : memref<128x128xf32, #tpu.memory_space<vmem>>, vector<16xf32>,
        %mul3A_1115 = vector.broadcast %squeeze3A_1027 : f32 to vector<16xf32>
        %mul3A_1116 = arith.mulf %get3A_1114, %mul3A_1115 : vector<16xf32>
        %swap3A_1117 = arith.index_cast %add3A_1025 : i32 to index
        %swap3A_1118 = arith.constant 112 : index
        %swap3A_1119 = tpu.vector_load %arg15[%swap3A_1117, %swap3A_1118] {strides = array<i32>} : memref<128x128xf32, #tpu.memory_space<vmem>>, vector<16xf32>,
        tpu.vector_store %arg15[%swap3A_1117, %swap3A_1118], %mul3A_1116 {strides = array<i32>} : memref<128x128xf32, #tpu.memory_space<vmem>>, vector<16xf32>,
        %abs3A_1120 = math.absf %mul3A_1116 : vector<16xf32>
        %swap3A_1121 = arith.index_cast %add3A_1025 : i32 to index
        %swap3A_1122 = arith.constant 112 : index
        %swap3A_1123 = tpu.vector_load %arg16[%swap3A_1121, %swap3A_1122] {strides = array<i32>} : memref<128x128xf32, #tpu.memory_space<vmem>>, vector<16xf32>,
        tpu.vector_store %arg16[%swap3A_1121, %swap3A_1122], %abs3A_1120 {strides = array<i32>} : memref<128x128xf32, #tpu.memory_space<vmem>>, vector<16xf32>,
        %mul3A_1124 = arith.constant 16 : i32
        %mul3A_1125 = arith.muli %scan3A_305, %mul3A_1124 : i32
        %add3A_1126 = arith.constant 8 : i32
        %add3A_1127 = arith.addi %mul3A_1125, %add3A_1126 : i32
        %slice3A_1128 = vector.extract_strided_slice %get3A_310 {offsets = [8], sizes = [1], strides = [1]} : vector<16xf32> to vector<1xf32>
        %squeeze3A_1129 = vector.extract %slice3A_1128[0] : f32 from vector<1xf32>
        %get3A_1130 = arith.index_cast %add3A_1127 : i32 to index
        %get3A_1131 = arith.constant 0 : index
        %get3A_1132 = tpu.vector_load %arg15[%get3A_1130, %get3A_1131] {strides = array<i32>} : memref<128x128xf32, #tpu.memory_space<vmem>>, vector<16xf32>,
        %mul3A_1133 = vector.broadcast %squeeze3A_1129 : f32 to vector<16xf32>
        %mul3A_1134 = arith.mulf %get3A_1132, %mul3A_1133 : vector<16xf32>
        %swap3A_1135 = arith.index_cast %add3A_1127 : i32 to index
        %swap3A_1136 = arith.constant 0 : index
        %swap3A_1137 = tpu.vector_load %arg15[%swap3A_1135, %swap3A_1136] {strides = array<i32>} : memref<128x128xf32, #tpu.memory_space<vmem>>, vector<16xf32>,
        tpu.vector_store %arg15[%swap3A_1135, %swap3A_1136], %mul3A_1134 {strides = array<i32>} : memref<128x128xf32, #tpu.memory_space<vmem>>, vector<16xf32>,
        %abs3A_1138 = math.absf %mul3A_1134 : vector<16xf32>
        %swap3A_1139 = arith.index_cast %add3A_1127 : i32 to index
        %swap3A_1140 = arith.constant 0 : index
        %swap3A_1141 = tpu.vector_load %arg16[%swap3A_1139, %swap3A_1140] {strides = array<i32>} : memref<128x128xf32, #tpu.memory_space<vmem>>, vector<16xf32>,
        tpu.vector_store %arg16[%swap3A_1139, %swap3A_1140], %abs3A_1138 {strides = array<i32>} : memref<128x128xf32, #tpu.memory_space<vmem>>, vector<16xf32>,
        %get3A_1142 = arith.index_cast %add3A_1127 : i32 to index
        %get3A_1143 = arith.constant 16 : index
        %get3A_1144 = tpu.vector_load %arg15[%get3A_1142, %get3A_1143] {strides = array<i32>} : memref<128x128xf32, #tpu.memory_space<vmem>>, vector<16xf32>,
        %mul3A_1145 = vector.broadcast %squeeze3A_1129 : f32 to vector<16xf32>
        %mul3A_1146 = arith.mulf %get3A_1144, %mul3A_1145 : vector<16xf32>
        %swap3A_1147 = arith.index_cast %add3A_1127 : i32 to index
        %swap3A_1148 = arith.constant 16 : index
        %swap3A_1149 = tpu.vector_load %arg15[%swap3A_1147, %swap3A_1148] {strides = array<i32>} : memref<128x128xf32, #tpu.memory_space<vmem>>, vector<16xf32>,
        tpu.vector_store %arg15[%swap3A_1147, %swap3A_1148], %mul3A_1146 {strides = array<i32>} : memref<128x128xf32, #tpu.memory_space<vmem>>, vector<16xf32>,
        %abs3A_1150 = math.absf %mul3A_1146 : vector<16xf32>
        %swap3A_1151 = arith.index_cast %add3A_1127 : i32 to index
        %swap3A_1152 = arith.constant 16 : index
        %swap3A_1153 = tpu.vector_load %arg16[%swap3A_1151, %swap3A_1152] {strides = array<i32>} : memref<128x128xf32, #tpu.memory_space<vmem>>, vector<16xf32>,
        tpu.vector_store %arg16[%swap3A_1151, %swap3A_1152], %abs3A_1150 {strides = array<i32>} : memref<128x128xf32, #tpu.memory_space<vmem>>, vector<16xf32>,
        %get3A_1154 = arith.index_cast %add3A_1127 : i32 to index
        %get3A_1155 = arith.constant 32 : index
        %get3A_1156 = tpu.vector_load %arg15[%get3A_1154, %get3A_1155] {strides = array<i32>} : memref<128x128xf32, #tpu.memory_space<vmem>>, vector<16xf32>,
        %mul3A_1157 = vector.broadcast %squeeze3A_1129 : f32 to vector<16xf32>
        %mul3A_1158 = arith.mulf %get3A_1156, %mul3A_1157 : vector<16xf32>
        %swap3A_1159 = arith.index_cast %add3A_1127 : i32 to index
        %swap3A_1160 = arith.constant 32 : index
        %swap3A_1161 = tpu.vector_load %arg15[%swap3A_1159, %swap3A_1160] {strides = array<i32>} : memref<128x128xf32, #tpu.memory_space<vmem>>, vector<16xf32>,
        tpu.vector_store %arg15[%swap3A_1159, %swap3A_1160], %mul3A_1158 {strides = array<i32>} : memref<128x128xf32, #tpu.memory_space<vmem>>, vector<16xf32>,
        %abs3A_1162 = math.absf %mul3A_1158 : vector<16xf32>
        %swap3A_1163 = arith.index_cast %add3A_1127 : i32 to index
        %swap3A_1164 = arith.constant 32 : index
        %swap3A_1165 = tpu.vector_load %arg16[%swap3A_1163, %swap3A_1164] {strides = array<i32>} : memref<128x128xf32, #tpu.memory_space<vmem>>, vector<16xf32>,
        tpu.vector_store %arg16[%swap3A_1163, %swap3A_1164], %abs3A_1162 {strides = array<i32>} : memref<128x128xf32, #tpu.memory_space<vmem>>, vector<16xf32>,
        %get3A_1166 = arith.index_cast %add3A_1127 : i32 to index
        %get3A_1167 = arith.constant 48 : index
        %get3A_1168 = tpu.vector_load %arg15[%get3A_1166, %get3A_1167] {strides = array<i32>} : memref<128x128xf32, #tpu.memory_space<vmem>>, vector<16xf32>,
        %mul3A_1169 = vector.broadcast %squeeze3A_1129 : f32 to vector<16xf32>
        %mul3A_1170 = arith.mulf %get3A_1168, %mul3A_1169 : vector<16xf32>
        %swap3A_1171 = arith.index_cast %add3A_1127 : i32 to index
        %swap3A_1172 = arith.constant 48 : index
        %swap3A_1173 = tpu.vector_load %arg15[%swap3A_1171, %swap3A_1172] {strides = array<i32>} : memref<128x128xf32, #tpu.memory_space<vmem>>, vector<16xf32>,
        tpu.vector_store %arg15[%swap3A_1171, %swap3A_1172], %mul3A_1170 {strides = array<i32>} : memref<128x128xf32, #tpu.memory_space<vmem>>, vector<16xf32>,
        %abs3A_1174 = math.absf %mul3A_1170 : vector<16xf32>
        %swap3A_1175 = arith.index_cast %add3A_1127 : i32 to index
        %swap3A_1176 = arith.constant 48 : index
        %swap3A_1177 = tpu.vector_load %arg16[%swap3A_1175, %swap3A_1176] {strides = array<i32>} : memref<128x128xf32, #tpu.memory_space<vmem>>, vector<16xf32>,
        tpu.vector_store %arg16[%swap3A_1175, %swap3A_1176], %abs3A_1174 {strides = array<i32>} : memref<128x128xf32, #tpu.memory_space<vmem>>, vector<16xf32>,
        %get3A_1178 = arith.index_cast %add3A_1127 : i32 to index
        %get3A_1179 = arith.constant 64 : index
        %get3A_1180 = tpu.vector_load %arg15[%get3A_1178, %get3A_1179] {strides = array<i32>} : memref<128x128xf32, #tpu.memory_space<vmem>>, vector<16xf32>,
        %mul3A_1181 = vector.broadcast %squeeze3A_1129 : f32 to vector<16xf32>
        %mul3A_1182 = arith.mulf %get3A_1180, %mul3A_1181 : vector<16xf32>
        %swap3A_1183 = arith.index_cast %add3A_1127 : i32 to index
        %swap3A_1184 = arith.constant 64 : index
        %swap3A_1185 = tpu.vector_load %arg15[%swap3A_1183, %swap3A_1184] {strides = array<i32>} : memref<128x128xf32, #tpu.memory_space<vmem>>, vector<16xf32>,
        tpu.vector_store %arg15[%swap3A_1183, %swap3A_1184], %mul3A_1182 {strides = array<i32>} : memref<128x128xf32, #tpu.memory_space<vmem>>, vector<16xf32>,
        %abs3A_1186 = math.absf %mul3A_1182 : vector<16xf32>
        %swap3A_1187 = arith.index_cast %add3A_1127 : i32 to index
        %swap3A_1188 = arith.constant 64 : index
        %swap3A_1189 = tpu.vector_load %arg16[%swap3A_1187, %swap3A_1188] {strides = array<i32>} : memref<128x128xf32, #tpu.memory_space<vmem>>, vector<16xf32>,
        tpu.vector_store %arg16[%swap3A_1187, %swap3A_1188], %abs3A_1186 {strides = array<i32>} : memref<128x128xf32, #tpu.memory_space<vmem>>, vector<16xf32>,
        %get3A_1190 = arith.index_cast %add3A_1127 : i32 to index
        %get3A_1191 = arith.constant 80 : index
        %get3A_1192 = tpu.vector_load %arg15[%get3A_1190, %get3A_1191] {strides = array<i32>} : memref<128x128xf32, #tpu.memory_space<vmem>>, vector<16xf32>,
        %mul3A_1193 = vector.broadcast %squeeze3A_1129 : f32 to vector<16xf32>
        %mul3A_1194 = arith.mulf %get3A_1192, %mul3A_1193 : vector<16xf32>
        %swap3A_1195 = arith.index_cast %add3A_1127 : i32 to index
        %swap3A_1196 = arith.constant 80 : index
        %swap3A_1197 = tpu.vector_load %arg15[%swap3A_1195, %swap3A_1196] {strides = array<i32>} : memref<128x128xf32, #tpu.memory_space<vmem>>, vector<16xf32>,
        tpu.vector_store %arg15[%swap3A_1195, %swap3A_1196], %mul3A_1194 {strides = array<i32>} : memref<128x128xf32, #tpu.memory_space<vmem>>, vector<16xf32>,
        %abs3A_1198 = math.absf %mul3A_1194 : vector<16xf32>
        %swap3A_1199 = arith.index_cast %add3A_1127 : i32 to index
        %swap3A_1200 = arith.constant 80 : index
        %swap3A_1201 = tpu.vector_load %arg16[%swap3A_1199, %swap3A_1200] {strides = array<i32>} : memref<128x128xf32, #tpu.memory_space<vmem>>, vector<16xf32>,
        tpu.vector_store %arg16[%swap3A_1199, %swap3A_1200], %abs3A_1198 {strides = array<i32>} : memref<128x128xf32, #tpu.memory_space<vmem>>, vector<16xf32>,
        %get3A_1202 = arith.index_cast %add3A_1127 : i32 to index
        %get3A_1203 = arith.constant 96 : index
        %get3A_1204 = tpu.vector_load %arg15[%get3A_1202, %get3A_1203] {strides = array<i32>} : memref<128x128xf32, #tpu.memory_space<vmem>>, vector<16xf32>,
        %mul3A_1205 = vector.broadcast %squeeze3A_1129 : f32 to vector<16xf32>
        %mul3A_1206 = arith.mulf %get3A_1204, %mul3A_1205 : vector<16xf32>
        %swap3A_1207 = arith.index_cast %add3A_1127 : i32 to index
        %swap3A_1208 = arith.constant 96 : index
        %swap3A_1209 = tpu.vector_load %arg15[%swap3A_1207, %swap3A_1208] {strides = array<i32>} : memref<128x128xf32, #tpu.memory_space<vmem>>, vector<16xf32>,
        tpu.vector_store %arg15[%swap3A_1207, %swap3A_1208], %mul3A_1206 {strides = array<i32>} : memref<128x128xf32, #tpu.memory_space<vmem>>, vector<16xf32>,
        %abs3A_1210 = math.absf %mul3A_1206 : vector<16xf32>
        %swap3A_1211 = arith.index_cast %add3A_1127 : i32 to index
        %swap3A_1212 = arith.constant 96 : index
        %swap3A_1213 = tpu.vector_load %arg16[%swap3A_1211, %swap3A_1212] {strides = array<i32>} : memref<128x128xf32, #tpu.memory_space<vmem>>, vector<16xf32>,
        tpu.vector_store %arg16[%swap3A_1211, %swap3A_1212], %abs3A_1210 {strides = array<i32>} : memref<128x128xf32, #tpu.memory_space<vmem>>, vector<16xf32>,
        %get3A_1214 = arith.index_cast %add3A_1127 : i32 to index
        %get3A_1215 = arith.constant 112 : index
        %get3A_1216 = tpu.vector_load %arg15[%get3A_1214, %get3A_1215] {strides = array<i32>} : memref<128x128xf32, #tpu.memory_space<vmem>>, vector<16xf32>,
        %mul3A_1217 = vector.broadcast %squeeze3A_1129 : f32 to vector<16xf32>
        %mul3A_1218 = arith.mulf %get3A_1216, %mul3A_1217 : vector<16xf32>
        %swap3A_1219 = arith.index_cast %add3A_1127 : i32 to index
        %swap3A_1220 = arith.constant 112 : index
        %swap3A_1221 = tpu.vector_load %arg15[%swap3A_1219, %swap3A_1220] {strides = array<i32>} : memref<128x128xf32, #tpu.memory_space<vmem>>, vector<16xf32>,
        tpu.vector_store %arg15[%swap3A_1219, %swap3A_1220], %mul3A_1218 {strides = array<i32>} : memref<128x128xf32, #tpu.memory_space<vmem>>, vector<16xf32>,
        %abs3A_1222 = math.absf %mul3A_1218 : vector<16xf32>
        %swap3A_1223 = arith.index_cast %add3A_1127 : i32 to index
        %swap3A_1224 = arith.constant 112 : index
        %swap3A_1225 = tpu.vector_load %arg16[%swap3A_1223, %swap3A_1224] {strides = array<i32>} : memref<128x128xf32, #tpu.memory_space<vmem>>, vector<16xf32>,
        tpu.vector_store %arg16[%swap3A_1223, %swap3A_1224], %abs3A_1222 {strides = array<i32>} : memref<128x128xf32, #tpu.memory_space<vmem>>, vector<16xf32>,
        %mul3A_1226 = arith.constant 16 : i32
        %mul3A_1227 = arith.muli %scan3A_305, %mul3A_1226 : i32
        %add3A_1228 = arith.constant 9 : i32
        %add3A_1229 = arith.addi %mul3A_1227, %add3A_1228 : i32
        %slice3A_1230 = vector.extract_strided_slice %get3A_310 {offsets = [9], sizes = [1], strides = [1]} : vector<16xf32> to vector<1xf32>
        %squeeze3A_1231 = vector.extract %slice3A_1230[0] : f32 from vector<1xf32>
        %get3A_1232 = arith.index_cast %add3A_1229 : i32 to index
        %get3A_1233 = arith.constant 0 : index
        %get3A_1234 = tpu.vector_load %arg15[%get3A_1232, %get3A_1233] {strides = array<i32>} : memref<128x128xf32, #tpu.memory_space<vmem>>, vector<16xf32>,
        %mul3A_1235 = vector.broadcast %squeeze3A_1231 : f32 to vector<16xf32>
        %mul3A_1236 = arith.mulf %get3A_1234, %mul3A_1235 : vector<16xf32>
        %swap3A_1237 = arith.index_cast %add3A_1229 : i32 to index
        %swap3A_1238 = arith.constant 0 : index
        %swap3A_1239 = tpu.vector_load %arg15[%swap3A_1237, %swap3A_1238] {strides = array<i32>} : memref<128x128xf32, #tpu.memory_space<vmem>>, vector<16xf32>,
        tpu.vector_store %arg15[%swap3A_1237, %swap3A_1238], %mul3A_1236 {strides = array<i32>} : memref<128x128xf32, #tpu.memory_space<vmem>>, vector<16xf32>,
        %abs3A_1240 = math.absf %mul3A_1236 : vector<16xf32>
        %swap3A_1241 = arith.index_cast %add3A_1229 : i32 to index
        %swap3A_1242 = arith.constant 0 : index
        %swap3A_1243 = tpu.vector_load %arg16[%swap3A_1241, %swap3A_1242] {strides = array<i32>} : memref<128x128xf32, #tpu.memory_space<vmem>>, vector<16xf32>,
        tpu.vector_store %arg16[%swap3A_1241, %swap3A_1242], %abs3A_1240 {strides = array<i32>} : memref<128x128xf32, #tpu.memory_space<vmem>>, vector<16xf32>,
        %get3A_1244 = arith.index_cast %add3A_1229 : i32 to index
        %get3A_1245 = arith.constant 16 : index
        %get3A_1246 = tpu.vector_load %arg15[%get3A_1244, %get3A_1245] {strides = array<i32>} : memref<128x128xf32, #tpu.memory_space<vmem>>, vector<16xf32>,
        %mul3A_1247 = vector.broadcast %squeeze3A_1231 : f32 to vector<16xf32>
        %mul3A_1248 = arith.mulf %get3A_1246, %mul3A_1247 : vector<16xf32>
        %swap3A_1249 = arith.index_cast %add3A_1229 : i32 to index
        %swap3A_1250 = arith.constant 16 : index
        %swap3A_1251 = tpu.vector_load %arg15[%swap3A_1249, %swap3A_1250] {strides = array<i32>} : memref<128x128xf32, #tpu.memory_space<vmem>>, vector<16xf32>,
        tpu.vector_store %arg15[%swap3A_1249, %swap3A_1250], %mul3A_1248 {strides = array<i32>} : memref<128x128xf32, #tpu.memory_space<vmem>>, vector<16xf32>,
        %abs3A_1252 = math.absf %mul3A_1248 : vector<16xf32>
        %swap3A_1253 = arith.index_cast %add3A_1229 : i32 to index
        %swap3A_1254 = arith.constant 16 : index
        %swap3A_1255 = tpu.vector_load %arg16[%swap3A_1253, %swap3A_1254] {strides = array<i32>} : memref<128x128xf32, #tpu.memory_space<vmem>>, vector<16xf32>,
        tpu.vector_store %arg16[%swap3A_1253, %swap3A_1254], %abs3A_1252 {strides = array<i32>} : memref<128x128xf32, #tpu.memory_space<vmem>>, vector<16xf32>,
        %get3A_1256 = arith.index_cast %add3A_1229 : i32 to index
        %get3A_1257 = arith.constant 32 : index
        %get3A_1258 = tpu.vector_load %arg15[%get3A_1256, %get3A_1257] {strides = array<i32>} : memref<128x128xf32, #tpu.memory_space<vmem>>, vector<16xf32>,
        %mul3A_1259 = vector.broadcast %squeeze3A_1231 : f32 to vector<16xf32>
        %mul3A_1260 = arith.mulf %get3A_1258, %mul3A_1259 : vector<16xf32>
        %swap3A_1261 = arith.index_cast %add3A_1229 : i32 to index
        %swap3A_1262 = arith.constant 32 : index
        %swap3A_1263 = tpu.vector_load %arg15[%swap3A_1261, %swap3A_1262] {strides = array<i32>} : memref<128x128xf32, #tpu.memory_space<vmem>>, vector<16xf32>,
        tpu.vector_store %arg15[%swap3A_1261, %swap3A_1262], %mul3A_1260 {strides = array<i32>} : memref<128x128xf32, #tpu.memory_space<vmem>>, vector<16xf32>,
        %abs3A_1264 = math.absf %mul3A_1260 : vector<16xf32>
        %swap3A_1265 = arith.index_cast %add3A_1229 : i32 to index
        %swap3A_1266 = arith.constant 32 : index
        %swap3A_1267 = tpu.vector_load %arg16[%swap3A_1265, %swap3A_1266] {strides = array<i32>} : memref<128x128xf32, #tpu.memory_space<vmem>>, vector<16xf32>,
        tpu.vector_store %arg16[%swap3A_1265, %swap3A_1266], %abs3A_1264 {strides = array<i32>} : memref<128x128xf32, #tpu.memory_space<vmem>>, vector<16xf32>,
        %get3A_1268 = arith.index_cast %add3A_1229 : i32 to index
        %get3A_1269 = arith.constant 48 : index
        %get3A_1270 = tpu.vector_load %arg15[%get3A_1268, %get3A_1269] {strides = array<i32>} : memref<128x128xf32, #tpu.memory_space<vmem>>, vector<16xf32>,
        %mul3A_1271 = vector.broadcast %squeeze3A_1231 : f32 to vector<16xf32>
        %mul3A_1272 = arith.mulf %get3A_1270, %mul3A_1271 : vector<16xf32>
        %swap3A_1273 = arith.index_cast %add3A_1229 : i32 to index
        %swap3A_1274 = arith.constant 48 : index
        %swap3A_1275 = tpu.vector_load %arg15[%swap3A_1273, %swap3A_1274] {strides = array<i32>} : memref<128x128xf32, #tpu.memory_space<vmem>>, vector<16xf32>,
        tpu.vector_store %arg15[%swap3A_1273, %swap3A_1274], %mul3A_1272 {strides = array<i32>} : memref<128x128xf32, #tpu.memory_space<vmem>>, vector<16xf32>,
        %abs3A_1276 = math.absf %mul3A_1272 : vector<16xf32>
        %swap3A_1277 = arith.index_cast %add3A_1229 : i32 to index
        %swap3A_1278 = arith.constant 48 : index
        %swap3A_1279 = tpu.vector_load %arg16[%swap3A_1277, %swap3A_1278] {strides = array<i32>} : memref<128x128xf32, #tpu.memory_space<vmem>>, vector<16xf32>,
        tpu.vector_store %arg16[%swap3A_1277, %swap3A_1278], %abs3A_1276 {strides = array<i32>} : memref<128x128xf32, #tpu.memory_space<vmem>>, vector<16xf32>,
        %get3A_1280 = arith.index_cast %add3A_1229 : i32 to index
        %get3A_1281 = arith.constant 64 : index
        %get3A_1282 = tpu.vector_load %arg15[%get3A_1280, %get3A_1281] {strides = array<i32>} : memref<128x128xf32, #tpu.memory_space<vmem>>, vector<16xf32>,
        %mul3A_1283 = vector.broadcast %squeeze3A_1231 : f32 to vector<16xf32>
        %mul3A_1284 = arith.mulf %get3A_1282, %mul3A_1283 : vector<16xf32>
        %swap3A_1285 = arith.index_cast %add3A_1229 : i32 to index
        %swap3A_1286 = arith.constant 64 : index
        %swap3A_1287 = tpu.vector_load %arg15[%swap3A_1285, %swap3A_1286] {strides = array<i32>} : memref<128x128xf32, #tpu.memory_space<vmem>>, vector<16xf32>,
        tpu.vector_store %arg15[%swap3A_1285, %swap3A_1286], %mul3A_1284 {strides = array<i32>} : memref<128x128xf32, #tpu.memory_space<vmem>>, vector<16xf32>,
        %abs3A_1288 = math.absf %mul3A_1284 : vector<16xf32>
        %swap3A_1289 = arith.index_cast %add3A_1229 : i32 to index
        %swap3A_1290 = arith.constant 64 : index
        %swap3A_1291 = tpu.vector_load %arg16[%swap3A_1289, %swap3A_1290] {strides = array<i32>} : memref<128x128xf32, #tpu.memory_space<vmem>>, vector<16xf32>,
        tpu.vector_store %arg16[%swap3A_1289, %swap3A_1290], %abs3A_1288 {strides = array<i32>} : memref<128x128xf32, #tpu.memory_space<vmem>>, vector<16xf32>,
        %get3A_1292 = arith.index_cast %add3A_1229 : i32 to index
        %get3A_1293 = arith.constant 80 : index
        %get3A_1294 = tpu.vector_load %arg15[%get3A_1292, %get3A_1293] {strides = array<i32>} : memref<128x128xf32, #tpu.memory_space<vmem>>, vector<16xf32>,
        %mul3A_1295 = vector.broadcast %squeeze3A_1231 : f32 to vector<16xf32>
        %mul3A_1296 = arith.mulf %get3A_1294, %mul3A_1295 : vector<16xf32>
        %swap3A_1297 = arith.index_cast %add3A_1229 : i32 to index
        %swap3A_1298 = arith.constant 80 : index
        %swap3A_1299 = tpu.vector_load %arg15[%swap3A_1297, %swap3A_1298] {strides = array<i32>} : memref<128x128xf32, #tpu.memory_space<vmem>>, vector<16xf32>,
        tpu.vector_store %arg15[%swap3A_1297, %swap3A_1298], %mul3A_1296 {strides = array<i32>} : memref<128x128xf32, #tpu.memory_space<vmem>>, vector<16xf32>,
        %abs3A_1300 = math.absf %mul3A_1296 : vector<16xf32>
        %swap3A_1301 = arith.index_cast %add3A_1229 : i32 to index
        %swap3A_1302 = arith.constant 80 : index
        %swap3A_1303 = tpu.vector_load %arg16[%swap3A_1301, %swap3A_1302] {strides = array<i32>} : memref<128x128xf32, #tpu.memory_space<vmem>>, vector<16xf32>,
        tpu.vector_store %arg16[%swap3A_1301, %swap3A_1302], %abs3A_1300 {strides = array<i32>} : memref<128x128xf32, #tpu.memory_space<vmem>>, vector<16xf32>,
        %get3A_1304 = arith.index_cast %add3A_1229 : i32 to index
        %get3A_1305 = arith.constant 96 : index
        %get3A_1306 = tpu.vector_load %arg15[%get3A_1304, %get3A_1305] {strides = array<i32>} : memref<128x128xf32, #tpu.memory_space<vmem>>, vector<16xf32>,
        %mul3A_1307 = vector.broadcast %squeeze3A_1231 : f32 to vector<16xf32>
        %mul3A_1308 = arith.mulf %get3A_1306, %mul3A_1307 : vector<16xf32>
        %swap3A_1309 = arith.index_cast %add3A_1229 : i32 to index
        %swap3A_1310 = arith.constant 96 : index
        %swap3A_1311 = tpu.vector_load %arg15[%swap3A_1309, %swap3A_1310] {strides = array<i32>} : memref<128x128xf32, #tpu.memory_space<vmem>>, vector<16xf32>,
        tpu.vector_store %arg15[%swap3A_1309, %swap3A_1310], %mul3A_1308 {strides = array<i32>} : memref<128x128xf32, #tpu.memory_space<vmem>>, vector<16xf32>,
        %abs3A_1312 = math.absf %mul3A_1308 : vector<16xf32>
        %swap3A_1313 = arith.index_cast %add3A_1229 : i32 to index
        %swap3A_1314 = arith.constant 96 : index
        %swap3A_1315 = tpu.vector_load %arg16[%swap3A_1313, %swap3A_1314] {strides = array<i32>} : memref<128x128xf32, #tpu.memory_space<vmem>>, vector<16xf32>,
        tpu.vector_store %arg16[%swap3A_1313, %swap3A_1314], %abs3A_1312 {strides = array<i32>} : memref<128x128xf32, #tpu.memory_space<vmem>>, vector<16xf32>,
        %get3A_1316 = arith.index_cast %add3A_1229 : i32 to index
        %get3A_1317 = arith.constant 112 : index
        %get3A_1318 = tpu.vector_load %arg15[%get3A_1316, %get3A_1317] {strides = array<i32>} : memref<128x128xf32, #tpu.memory_space<vmem>>, vector<16xf32>,
        %mul3A_1319 = vector.broadcast %squeeze3A_1231 : f32 to vector<16xf32>
        %mul3A_1320 = arith.mulf %get3A_1318, %mul3A_1319 : vector<16xf32>
        %swap3A_1321 = arith.index_cast %add3A_1229 : i32 to index
        %swap3A_1322 = arith.constant 112 : index
        %swap3A_1323 = tpu.vector_load %arg15[%swap3A_1321, %swap3A_1322] {strides = array<i32>} : memref<128x128xf32, #tpu.memory_space<vmem>>, vector<16xf32>,
        tpu.vector_store %arg15[%swap3A_1321, %swap3A_1322], %mul3A_1320 {strides = array<i32>} : memref<128x128xf32, #tpu.memory_space<vmem>>, vector<16xf32>,
        %abs3A_1324 = math.absf %mul3A_1320 : vector<16xf32>
        %swap3A_1325 = arith.index_cast %add3A_1229 : i32 to index
        %swap3A_1326 = arith.constant 112 : index
        %swap3A_1327 = tpu.vector_load %arg16[%swap3A_1325, %swap3A_1326] {strides = array<i32>} : memref<128x128xf32, #tpu.memory_space<vmem>>, vector<16xf32>,
        tpu.vector_store %arg16[%swap3A_1325, %swap3A_1326], %abs3A_1324 {strides = array<i32>} : memref<128x128xf32, #tpu.memory_space<vmem>>, vector<16xf32>,
        %mul3A_1328 = arith.constant 16 : i32
        %mul3A_1329 = arith.muli %scan3A_305, %mul3A_1328 : i32
        %add3A_1330 = arith.constant 10 : i32
        %add3A_1331 = arith.addi %mul3A_1329, %add3A_1330 : i32
        %slice3A_1332 = vector.extract_strided_slice %get3A_310 {offsets = [10], sizes = [1], strides = [1]} : vector<16xf32> to vector<1xf32>
        %squeeze3A_1333 = vector.extract %slice3A_1332[0] : f32 from vector<1xf32>
        %get3A_1334 = arith.index_cast %add3A_1331 : i32 to index
        %get3A_1335 = arith.constant 0 : index
        %get3A_1336 = tpu.vector_load %arg15[%get3A_1334, %get3A_1335] {strides = array<i32>} : memref<128x128xf32, #tpu.memory_space<vmem>>, vector<16xf32>,
        %mul3A_1337 = vector.broadcast %squeeze3A_1333 : f32 to vector<16xf32>
        %mul3A_1338 = arith.mulf %get3A_1336, %mul3A_1337 : vector<16xf32>
        %swap3A_1339 = arith.index_cast %add3A_1331 : i32 to index
        %swap3A_1340 = arith.constant 0 : index
        %swap3A_1341 = tpu.vector_load %arg15[%swap3A_1339, %swap3A_1340] {strides = array<i32>} : memref<128x128xf32, #tpu.memory_space<vmem>>, vector<16xf32>,
        tpu.vector_store %arg15[%swap3A_1339, %swap3A_1340], %mul3A_1338 {strides = array<i32>} : memref<128x128xf32, #tpu.memory_space<vmem>>, vector<16xf32>,
        %abs3A_1342 = math.absf %mul3A_1338 : vector<16xf32>
        %swap3A_1343 = arith.index_cast %add3A_1331 : i32 to index
        %swap3A_1344 = arith.constant 0 : index
        %swap3A_1345 = tpu.vector_load %arg16[%swap3A_1343, %swap3A_1344] {strides = array<i32>} : memref<128x128xf32, #tpu.memory_space<vmem>>, vector<16xf32>,
        tpu.vector_store %arg16[%swap3A_1343, %swap3A_1344], %abs3A_1342 {strides = array<i32>} : memref<128x128xf32, #tpu.memory_space<vmem>>, vector<16xf32>,
        %get3A_1346 = arith.index_cast %add3A_1331 : i32 to index
        %get3A_1347 = arith.constant 16 : index
        %get3A_1348 = tpu.vector_load %arg15[%get3A_1346, %get3A_1347] {strides = array<i32>} : memref<128x128xf32, #tpu.memory_space<vmem>>, vector<16xf32>,
        %mul3A_1349 = vector.broadcast %squeeze3A_1333 : f32 to vector<16xf32>
        %mul3A_1350 = arith.mulf %get3A_1348, %mul3A_1349 : vector<16xf32>
        %swap3A_1351 = arith.index_cast %add3A_1331 : i32 to index
        %swap3A_1352 = arith.constant 16 : index
        %swap3A_1353 = tpu.vector_load %arg15[%swap3A_1351, %swap3A_1352] {strides = array<i32>} : memref<128x128xf32, #tpu.memory_space<vmem>>, vector<16xf32>,
        tpu.vector_store %arg15[%swap3A_1351, %swap3A_1352], %mul3A_1350 {strides = array<i32>} : memref<128x128xf32, #tpu.memory_space<vmem>>, vector<16xf32>,
        %abs3A_1354 = math.absf %mul3A_1350 : vector<16xf32>
        %swap3A_1355 = arith.index_cast %add3A_1331 : i32 to index
        %swap3A_1356 = arith.constant 16 : index
        %swap3A_1357 = tpu.vector_load %arg16[%swap3A_1355, %swap3A_1356] {strides = array<i32>} : memref<128x128xf32, #tpu.memory_space<vmem>>, vector<16xf32>,
        tpu.vector_store %arg16[%swap3A_1355, %swap3A_1356], %abs3A_1354 {strides = array<i32>} : memref<128x128xf32, #tpu.memory_space<vmem>>, vector<16xf32>,
        %get3A_1358 = arith.index_cast %add3A_1331 : i32 to index
        %get3A_1359 = arith.constant 32 : index
        %get3A_1360 = tpu.vector_load %arg15[%get3A_1358, %get3A_1359] {strides = array<i32>} : memref<128x128xf32, #tpu.memory_space<vmem>>, vector<16xf32>,
        %mul3A_1361 = vector.broadcast %squeeze3A_1333 : f32 to vector<16xf32>
        %mul3A_1362 = arith.mulf %get3A_1360, %mul3A_1361 : vector<16xf32>
        %swap3A_1363 = arith.index_cast %add3A_1331 : i32 to index
        %swap3A_1364 = arith.constant 32 : index
        %swap3A_1365 = tpu.vector_load %arg15[%swap3A_1363, %swap3A_1364] {strides = array<i32>} : memref<128x128xf32, #tpu.memory_space<vmem>>, vector<16xf32>,
        tpu.vector_store %arg15[%swap3A_1363, %swap3A_1364], %mul3A_1362 {strides = array<i32>} : memref<128x128xf32, #tpu.memory_space<vmem>>, vector<16xf32>,
        %abs3A_1366 = math.absf %mul3A_1362 : vector<16xf32>
        %swap3A_1367 = arith.index_cast %add3A_1331 : i32 to index
        %swap3A_1368 = arith.constant 32 : index
        %swap3A_1369 = tpu.vector_load %arg16[%swap3A_1367, %swap3A_1368] {strides = array<i32>} : memref<128x128xf32, #tpu.memory_space<vmem>>, vector<16xf32>,
        tpu.vector_store %arg16[%swap3A_1367, %swap3A_1368], %abs3A_1366 {strides = array<i32>} : memref<128x128xf32, #tpu.memory_space<vmem>>, vector<16xf32>,
        %get3A_1370 = arith.index_cast %add3A_1331 : i32 to index
        %get3A_1371 = arith.constant 48 : index
        %get3A_1372 = tpu.vector_load %arg15[%get3A_1370, %get3A_1371] {strides = array<i32>} : memref<128x128xf32, #tpu.memory_space<vmem>>, vector<16xf32>,
        %mul3A_1373 = vector.broadcast %squeeze3A_1333 : f32 to vector<16xf32>
        %mul3A_1374 = arith.mulf %get3A_1372, %mul3A_1373 : vector<16xf32>
        %swap3A_1375 = arith.index_cast %add3A_1331 : i32 to index
        %swap3A_1376 = arith.constant 48 : index
        %swap3A_1377 = tpu.vector_load %arg15[%swap3A_1375, %swap3A_1376] {strides = array<i32>} : memref<128x128xf32, #tpu.memory_space<vmem>>, vector<16xf32>,
        tpu.vector_store %arg15[%swap3A_1375, %swap3A_1376], %mul3A_1374 {strides = array<i32>} : memref<128x128xf32, #tpu.memory_space<vmem>>, vector<16xf32>,
        %abs3A_1378 = math.absf %mul3A_1374 : vector<16xf32>
        %swap3A_1379 = arith.index_cast %add3A_1331 : i32 to index
        %swap3A_1380 = arith.constant 48 : index
        %swap3A_1381 = tpu.vector_load %arg16[%swap3A_1379, %swap3A_1380] {strides = array<i32>} : memref<128x128xf32, #tpu.memory_space<vmem>>, vector<16xf32>,
        tpu.vector_store %arg16[%swap3A_1379, %swap3A_1380], %abs3A_1378 {strides = array<i32>} : memref<128x128xf32, #tpu.memory_space<vmem>>, vector<16xf32>,
        %get3A_1382 = arith.index_cast %add3A_1331 : i32 to index
        %get3A_1383 = arith.constant 64 : index
        %get3A_1384 = tpu.vector_load %arg15[%get3A_1382, %get3A_1383] {strides = array<i32>} : memref<128x128xf32, #tpu.memory_space<vmem>>, vector<16xf32>,
        %mul3A_1385 = vector.broadcast %squeeze3A_1333 : f32 to vector<16xf32>
        %mul3A_1386 = arith.mulf %get3A_1384, %mul3A_1385 : vector<16xf32>
        %swap3A_1387 = arith.index_cast %add3A_1331 : i32 to index
        %swap3A_1388 = arith.constant 64 : index
        %swap3A_1389 = tpu.vector_load %arg15[%swap3A_1387, %swap3A_1388] {strides = array<i32>} : memref<128x128xf32, #tpu.memory_space<vmem>>, vector<16xf32>,
        tpu.vector_store %arg15[%swap3A_1387, %swap3A_1388], %mul3A_1386 {strides = array<i32>} : memref<128x128xf32, #tpu.memory_space<vmem>>, vector<16xf32>,
        %abs3A_1390 = math.absf %mul3A_1386 : vector<16xf32>
        %swap3A_1391 = arith.index_cast %add3A_1331 : i32 to index
        %swap3A_1392 = arith.constant 64 : index
        %swap3A_1393 = tpu.vector_load %arg16[%swap3A_1391, %swap3A_1392] {strides = array<i32>} : memref<128x128xf32, #tpu.memory_space<vmem>>, vector<16xf32>,
        tpu.vector_store %arg16[%swap3A_1391, %swap3A_1392], %abs3A_1390 {strides = array<i32>} : memref<128x128xf32, #tpu.memory_space<vmem>>, vector<16xf32>,
        %get3A_1394 = arith.index_cast %add3A_1331 : i32 to index
        %get3A_1395 = arith.constant 80 : index
        %get3A_1396 = tpu.vector_load %arg15[%get3A_1394, %get3A_1395] {strides = array<i32>} : memref<128x128xf32, #tpu.memory_space<vmem>>, vector<16xf32>,
        %mul3A_1397 = vector.broadcast %squeeze3A_1333 : f32 to vector<16xf32>
        %mul3A_1398 = arith.mulf %get3A_1396, %mul3A_1397 : vector<16xf32>
        %swap3A_1399 = arith.index_cast %add3A_1331 : i32 to index
        %swap3A_1400 = arith.constant 80 : index
        %swap3A_1401 = tpu.vector_load %arg15[%swap3A_1399, %swap3A_1400] {strides = array<i32>} : memref<128x128xf32, #tpu.memory_space<vmem>>, vector<16xf32>,
        tpu.vector_store %arg15[%swap3A_1399, %swap3A_1400], %mul3A_1398 {strides = array<i32>} : memref<128x128xf32, #tpu.memory_space<vmem>>, vector<16xf32>,
        %abs3A_1402 = math.absf %mul3A_1398 : vector<16xf32>
        %swap3A_1403 = arith.index_cast %add3A_1331 : i32 to index
        %swap3A_1404 = arith.constant 80 : index
        %swap3A_1405 = tpu.vector_load %arg16[%swap3A_1403, %swap3A_1404] {strides = array<i32>} : memref<128x128xf32, #tpu.memory_space<vmem>>, vector<16xf32>,
        tpu.vector_store %arg16[%swap3A_1403, %swap3A_1404], %abs3A_1402 {strides = array<i32>} : memref<128x128xf32, #tpu.memory_space<vmem>>, vector<16xf32>,
        %get3A_1406 = arith.index_cast %add3A_1331 : i32 to index
        %get3A_1407 = arith.constant 96 : index
        %get3A_1408 = tpu.vector_load %arg15[%get3A_1406, %get3A_1407] {strides = array<i32>} : memref<128x128xf32, #tpu.memory_space<vmem>>, vector<16xf32>,
        %mul3A_1409 = vector.broadcast %squeeze3A_1333 : f32 to vector<16xf32>
        %mul3A_1410 = arith.mulf %get3A_1408, %mul3A_1409 : vector<16xf32>
        %swap3A_1411 = arith.index_cast %add3A_1331 : i32 to index
        %swap3A_1412 = arith.constant 96 : index
        %swap3A_1413 = tpu.vector_load %arg15[%swap3A_1411, %swap3A_1412] {strides = array<i32>} : memref<128x128xf32, #tpu.memory_space<vmem>>, vector<16xf32>,
        tpu.vector_store %arg15[%swap3A_1411, %swap3A_1412], %mul3A_1410 {strides = array<i32>} : memref<128x128xf32, #tpu.memory_space<vmem>>, vector<16xf32>,
        %abs3A_1414 = math.absf %mul3A_1410 : vector<16xf32>
        %swap3A_1415 = arith.index_cast %add3A_1331 : i32 to index
        %swap3A_1416 = arith.constant 96 : index
        %swap3A_1417 = tpu.vector_load %arg16[%swap3A_1415, %swap3A_1416] {strides = array<i32>} : memref<128x128xf32, #tpu.memory_space<vmem>>, vector<16xf32>,
        tpu.vector_store %arg16[%swap3A_1415, %swap3A_1416], %abs3A_1414 {strides = array<i32>} : memref<128x128xf32, #tpu.memory_space<vmem>>, vector<16xf32>,
        %get3A_1418 = arith.index_cast %add3A_1331 : i32 to index
        %get3A_1419 = arith.constant 112 : index
        %get3A_1420 = tpu.vector_load %arg15[%get3A_1418, %get3A_1419] {strides = array<i32>} : memref<128x128xf32, #tpu.memory_space<vmem>>, vector<16xf32>,
        %mul3A_1421 = vector.broadcast %squeeze3A_1333 : f32 to vector<16xf32>
        %mul3A_1422 = arith.mulf %get3A_1420, %mul3A_1421 : vector<16xf32>
        %swap3A_1423 = arith.index_cast %add3A_1331 : i32 to index
        %swap3A_1424 = arith.constant 112 : index
        %swap3A_1425 = tpu.vector_load %arg15[%swap3A_1423, %swap3A_1424] {strides = array<i32>} : memref<128x128xf32, #tpu.memory_space<vmem>>, vector<16xf32>,
        tpu.vector_store %arg15[%swap3A_1423, %swap3A_1424], %mul3A_1422 {strides = array<i32>} : memref<128x128xf32, #tpu.memory_space<vmem>>, vector<16xf32>,
        %abs3A_1426 = math.absf %mul3A_1422 : vector<16xf32>
        %swap3A_1427 = arith.index_cast %add3A_1331 : i32 to index
        %swap3A_1428 = arith.constant 112 : index
        %swap3A_1429 = tpu.vector_load %arg16[%swap3A_1427, %swap3A_1428] {strides = array<i32>} : memref<128x128xf32, #tpu.memory_space<vmem>>, vector<16xf32>,
        tpu.vector_store %arg16[%swap3A_1427, %swap3A_1428], %abs3A_1426 {strides = array<i32>} : memref<128x128xf32, #tpu.memory_space<vmem>>, vector<16xf32>,
        %mul3A_1430 = arith.constant 16 : i32
        %mul3A_1431 = arith.muli %scan3A_305, %mul3A_1430 : i32
        %add3A_1432 = arith.constant 11 : i32
        %add3A_1433 = arith.addi %mul3A_1431, %add3A_1432 : i32
        %slice3A_1434 = vector.extract_strided_slice %get3A_310 {offsets = [11], sizes = [1], strides = [1]} : vector<16xf32> to vector<1xf32>
        %squeeze3A_1435 = vector.extract %slice3A_1434[0] : f32 from vector<1xf32>
        %get3A_1436 = arith.index_cast %add3A_1433 : i32 to index
        %get3A_1437 = arith.constant 0 : index
        %get3A_1438 = tpu.vector_load %arg15[%get3A_1436, %get3A_1437] {strides = array<i32>} : memref<128x128xf32, #tpu.memory_space<vmem>>, vector<16xf32>,
        %mul3A_1439 = vector.broadcast %squeeze3A_1435 : f32 to vector<16xf32>
        %mul3A_1440 = arith.mulf %get3A_1438, %mul3A_1439 : vector<16xf32>
        %swap3A_1441 = arith.index_cast %add3A_1433 : i32 to index
        %swap3A_1442 = arith.constant 0 : index
        %swap3A_1443 = tpu.vector_load %arg15[%swap3A_1441, %swap3A_1442] {strides = array<i32>} : memref<128x128xf32, #tpu.memory_space<vmem>>, vector<16xf32>,
        tpu.vector_store %arg15[%swap3A_1441, %swap3A_1442], %mul3A_1440 {strides = array<i32>} : memref<128x128xf32, #tpu.memory_space<vmem>>, vector<16xf32>,
        %abs3A_1444 = math.absf %mul3A_1440 : vector<16xf32>
        %swap3A_1445 = arith.index_cast %add3A_1433 : i32 to index
        %swap3A_1446 = arith.constant 0 : index
        %swap3A_1447 = tpu.vector_load %arg16[%swap3A_1445, %swap3A_1446] {strides = array<i32>} : memref<128x128xf32, #tpu.memory_space<vmem>>, vector<16xf32>,
        tpu.vector_store %arg16[%swap3A_1445, %swap3A_1446], %abs3A_1444 {strides = array<i32>} : memref<128x128xf32, #tpu.memory_space<vmem>>, vector<16xf32>,
        %get3A_1448 = arith.index_cast %add3A_1433 : i32 to index
        %get3A_1449 = arith.constant 16 : index
        %get3A_1450 = tpu.vector_load %arg15[%get3A_1448, %get3A_1449] {strides = array<i32>} : memref<128x128xf32, #tpu.memory_space<vmem>>, vector<16xf32>,
        %mul3A_1451 = vector.broadcast %squeeze3A_1435 : f32 to vector<16xf32>
        %mul3A_1452 = arith.mulf %get3A_1450, %mul3A_1451 : vector<16xf32>
        %swap3A_1453 = arith.index_cast %add3A_1433 : i32 to index
        %swap3A_1454 = arith.constant 16 : index
        %swap3A_1455 = tpu.vector_load %arg15[%swap3A_1453, %swap3A_1454] {strides = array<i32>} : memref<128x128xf32, #tpu.memory_space<vmem>>, vector<16xf32>,
        tpu.vector_store %arg15[%swap3A_1453, %swap3A_1454], %mul3A_1452 {strides = array<i32>} : memref<128x128xf32, #tpu.memory_space<vmem>>, vector<16xf32>,
        %abs3A_1456 = math.absf %mul3A_1452 : vector<16xf32>
        %swap3A_1457 = arith.index_cast %add3A_1433 : i32 to index
        %swap3A_1458 = arith.constant 16 : index
        %swap3A_1459 = tpu.vector_load %arg16[%swap3A_1457, %swap3A_1458] {strides = array<i32>} : memref<128x128xf32, #tpu.memory_space<vmem>>, vector<16xf32>,
        tpu.vector_store %arg16[%swap3A_1457, %swap3A_1458], %abs3A_1456 {strides = array<i32>} : memref<128x128xf32, #tpu.memory_space<vmem>>, vector<16xf32>,
        %get3A_1460 = arith.index_cast %add3A_1433 : i32 to index
        %get3A_1461 = arith.constant 32 : index
        %get3A_1462 = tpu.vector_load %arg15[%get3A_1460, %get3A_1461] {strides = array<i32>} : memref<128x128xf32, #tpu.memory_space<vmem>>, vector<16xf32>,
        %mul3A_1463 = vector.broadcast %squeeze3A_1435 : f32 to vector<16xf32>
        %mul3A_1464 = arith.mulf %get3A_1462, %mul3A_1463 : vector<16xf32>
        %swap3A_1465 = arith.index_cast %add3A_1433 : i32 to index
        %swap3A_1466 = arith.constant 32 : index
        %swap3A_1467 = tpu.vector_load %arg15[%swap3A_1465, %swap3A_1466] {strides = array<i32>} : memref<128x128xf32, #tpu.memory_space<vmem>>, vector<16xf32>,
        tpu.vector_store %arg15[%swap3A_1465, %swap3A_1466], %mul3A_1464 {strides = array<i32>} : memref<128x128xf32, #tpu.memory_space<vmem>>, vector<16xf32>,
        %abs3A_1468 = math.absf %mul3A_1464 : vector<16xf32>
        %swap3A_1469 = arith.index_cast %add3A_1433 : i32 to index
        %swap3A_1470 = arith.constant 32 : index
        %swap3A_1471 = tpu.vector_load %arg16[%swap3A_1469, %swap3A_1470] {strides = array<i32>} : memref<128x128xf32, #tpu.memory_space<vmem>>, vector<16xf32>,
        tpu.vector_store %arg16[%swap3A_1469, %swap3A_1470], %abs3A_1468 {strides = array<i32>} : memref<128x128xf32, #tpu.memory_space<vmem>>, vector<16xf32>,
        %get3A_1472 = arith.index_cast %add3A_1433 : i32 to index
        %get3A_1473 = arith.constant 48 : index
        %get3A_1474 = tpu.vector_load %arg15[%get3A_1472, %get3A_1473] {strides = array<i32>} : memref<128x128xf32, #tpu.memory_space<vmem>>, vector<16xf32>,
        %mul3A_1475 = vector.broadcast %squeeze3A_1435 : f32 to vector<16xf32>
        %mul3A_1476 = arith.mulf %get3A_1474, %mul3A_1475 : vector<16xf32>
        %swap3A_1477 = arith.index_cast %add3A_1433 : i32 to index
        %swap3A_1478 = arith.constant 48 : index
        %swap3A_1479 = tpu.vector_load %arg15[%swap3A_1477, %swap3A_1478] {strides = array<i32>} : memref<128x128xf32, #tpu.memory_space<vmem>>, vector<16xf32>,
        tpu.vector_store %arg15[%swap3A_1477, %swap3A_1478], %mul3A_1476 {strides = array<i32>} : memref<128x128xf32, #tpu.memory_space<vmem>>, vector<16xf32>,
        %abs3A_1480 = math.absf %mul3A_1476 : vector<16xf32>
        %swap3A_1481 = arith.index_cast %add3A_1433 : i32 to index
        %swap3A_1482 = arith.constant 48 : index
        %swap3A_1483 = tpu.vector_load %arg16[%swap3A_1481, %swap3A_1482] {strides = array<i32>} : memref<128x128xf32, #tpu.memory_space<vmem>>, vector<16xf32>,
        tpu.vector_store %arg16[%swap3A_1481, %swap3A_1482], %abs3A_1480 {strides = array<i32>} : memref<128x128xf32, #tpu.memory_space<vmem>>, vector<16xf32>,
        %get3A_1484 = arith.index_cast %add3A_1433 : i32 to index
        %get3A_1485 = arith.constant 64 : index
        %get3A_1486 = tpu.vector_load %arg15[%get3A_1484, %get3A_1485] {strides = array<i32>} : memref<128x128xf32, #tpu.memory_space<vmem>>, vector<16xf32>,
        %mul3A_1487 = vector.broadcast %squeeze3A_1435 : f32 to vector<16xf32>
        %mul3A_1488 = arith.mulf %get3A_1486, %mul3A_1487 : vector<16xf32>
        %swap3A_1489 = arith.index_cast %add3A_1433 : i32 to index
        %swap3A_1490 = arith.constant 64 : index
        %swap3A_1491 = tpu.vector_load %arg15[%swap3A_1489, %swap3A_1490] {strides = array<i32>} : memref<128x128xf32, #tpu.memory_space<vmem>>, vector<16xf32>,
        tpu.vector_store %arg15[%swap3A_1489, %swap3A_1490], %mul3A_1488 {strides = array<i32>} : memref<128x128xf32, #tpu.memory_space<vmem>>, vector<16xf32>,
        %abs3A_1492 = math.absf %mul3A_1488 : vector<16xf32>
        %swap3A_1493 = arith.index_cast %add3A_1433 : i32 to index
        %swap3A_1494 = arith.constant 64 : index
        %swap3A_1495 = tpu.vector_load %arg16[%swap3A_1493, %swap3A_1494] {strides = array<i32>} : memref<128x128xf32, #tpu.memory_space<vmem>>, vector<16xf32>,
        tpu.vector_store %arg16[%swap3A_1493, %swap3A_1494], %abs3A_1492 {strides = array<i32>} : memref<128x128xf32, #tpu.memory_space<vmem>>, vector<16xf32>,
        %get3A_1496 = arith.index_cast %add3A_1433 : i32 to index
        %get3A_1497 = arith.constant 80 : index
        %get3A_1498 = tpu.vector_load %arg15[%get3A_1496, %get3A_1497] {strides = array<i32>} : memref<128x128xf32, #tpu.memory_space<vmem>>, vector<16xf32>,
        %mul3A_1499 = vector.broadcast %squeeze3A_1435 : f32 to vector<16xf32>
        %mul3A_1500 = arith.mulf %get3A_1498, %mul3A_1499 : vector<16xf32>
        %swap3A_1501 = arith.index_cast %add3A_1433 : i32 to index
        %swap3A_1502 = arith.constant 80 : index
        %swap3A_1503 = tpu.vector_load %arg15[%swap3A_1501, %swap3A_1502] {strides = array<i32>} : memref<128x128xf32, #tpu.memory_space<vmem>>, vector<16xf32>,
        tpu.vector_store %arg15[%swap3A_1501, %swap3A_1502], %mul3A_1500 {strides = array<i32>} : memref<128x128xf32, #tpu.memory_space<vmem>>, vector<16xf32>,
        %abs3A_1504 = math.absf %mul3A_1500 : vector<16xf32>
        %swap3A_1505 = arith.index_cast %add3A_1433 : i32 to index
        %swap3A_1506 = arith.constant 80 : index
        %swap3A_1507 = tpu.vector_load %arg16[%swap3A_1505, %swap3A_1506] {strides = array<i32>} : memref<128x128xf32, #tpu.memory_space<vmem>>, vector<16xf32>,
        tpu.vector_store %arg16[%swap3A_1505, %swap3A_1506], %abs3A_1504 {strides = array<i32>} : memref<128x128xf32, #tpu.memory_space<vmem>>, vector<16xf32>,
        %get3A_1508 = arith.index_cast %add3A_1433 : i32 to index
        %get3A_1509 = arith.constant 96 : index
        %get3A_1510 = tpu.vector_load %arg15[%get3A_1508, %get3A_1509] {strides = array<i32>} : memref<128x128xf32, #tpu.memory_space<vmem>>, vector<16xf32>,
        %mul3A_1511 = vector.broadcast %squeeze3A_1435 : f32 to vector<16xf32>
        %mul3A_1512 = arith.mulf %get3A_1510, %mul3A_1511 : vector<16xf32>
        %swap3A_1513 = arith.index_cast %add3A_1433 : i32 to index
        %swap3A_1514 = arith.constant 96 : index
        %swap3A_1515 = tpu.vector_load %arg15[%swap3A_1513, %swap3A_1514] {strides = array<i32>} : memref<128x128xf32, #tpu.memory_space<vmem>>, vector<16xf32>,
        tpu.vector_store %arg15[%swap3A_1513, %swap3A_1514], %mul3A_1512 {strides = array<i32>} : memref<128x128xf32, #tpu.memory_space<vmem>>, vector<16xf32>,
        %abs3A_1516 = math.absf %mul3A_1512 : vector<16xf32>
        %swap3A_1517 = arith.index_cast %add3A_1433 : i32 to index
        %swap3A_1518 = arith.constant 96 : index
        %swap3A_1519 = tpu.vector_load %arg16[%swap3A_1517, %swap3A_1518] {strides = array<i32>} : memref<128x128xf32, #tpu.memory_space<vmem>>, vector<16xf32>,
        tpu.vector_store %arg16[%swap3A_1517, %swap3A_1518], %abs3A_1516 {strides = array<i32>} : memref<128x128xf32, #tpu.memory_space<vmem>>, vector<16xf32>,
        %get3A_1520 = arith.index_cast %add3A_1433 : i32 to index
        %get3A_1521 = arith.constant 112 : index
        %get3A_1522 = tpu.vector_load %arg15[%get3A_1520, %get3A_1521] {strides = array<i32>} : memref<128x128xf32, #tpu.memory_space<vmem>>, vector<16xf32>,
        %mul3A_1523 = vector.broadcast %squeeze3A_1435 : f32 to vector<16xf32>
        %mul3A_1524 = arith.mulf %get3A_1522, %mul3A_1523 : vector<16xf32>
        %swap3A_1525 = arith.index_cast %add3A_1433 : i32 to index
        %swap3A_1526 = arith.constant 112 : index
        %swap3A_1527 = tpu.vector_load %arg15[%swap3A_1525, %swap3A_1526] {strides = array<i32>} : memref<128x128xf32, #tpu.memory_space<vmem>>, vector<16xf32>,
        tpu.vector_store %arg15[%swap3A_1525, %swap3A_1526], %mul3A_1524 {strides = array<i32>} : memref<128x128xf32, #tpu.memory_space<vmem>>, vector<16xf32>,
        %abs3A_1528 = math.absf %mul3A_1524 : vector<16xf32>
        %swap3A_1529 = arith.index_cast %add3A_1433 : i32 to index
        %swap3A_1530 = arith.constant 112 : index
        %swap3A_1531 = tpu.vector_load %arg16[%swap3A_1529, %swap3A_1530] {strides = array<i32>} : memref<128x128xf32, #tpu.memory_space<vmem>>, vector<16xf32>,
        tpu.vector_store %arg16[%swap3A_1529, %swap3A_1530], %abs3A_1528 {strides = array<i32>} : memref<128x128xf32, #tpu.memory_space<vmem>>, vector<16xf32>,
        %mul3A_1532 = arith.constant 16 : i32
        %mul3A_1533 = arith.muli %scan3A_305, %mul3A_1532 : i32
        %add3A_1534 = arith.constant 12 : i32
        %add3A_1535 = arith.addi %mul3A_1533, %add3A_1534 : i32
        %slice3A_1536 = vector.extract_strided_slice %get3A_310 {offsets = [12], sizes = [1], strides = [1]} : vector<16xf32> to vector<1xf32>
        %squeeze3A_1537 = vector.extract %slice3A_1536[0] : f32 from vector<1xf32>
        %get3A_1538 = arith.index_cast %add3A_1535 : i32 to index
        %get3A_1539 = arith.constant 0 : index
        %get3A_1540 = tpu.vector_load %arg15[%get3A_1538, %get3A_1539] {strides = array<i32>} : memref<128x128xf32, #tpu.memory_space<vmem>>, vector<16xf32>,
        %mul3A_1541 = vector.broadcast %squeeze3A_1537 : f32 to vector<16xf32>
        %mul3A_1542 = arith.mulf %get3A_1540, %mul3A_1541 : vector<16xf32>
        %swap3A_1543 = arith.index_cast %add3A_1535 : i32 to index
        %swap3A_1544 = arith.constant 0 : index
        %swap3A_1545 = tpu.vector_load %arg15[%swap3A_1543, %swap3A_1544] {strides = array<i32>} : memref<128x128xf32, #tpu.memory_space<vmem>>, vector<16xf32>,
        tpu.vector_store %arg15[%swap3A_1543, %swap3A_1544], %mul3A_1542 {strides = array<i32>} : memref<128x128xf32, #tpu.memory_space<vmem>>, vector<16xf32>,
        %abs3A_1546 = math.absf %mul3A_1542 : vector<16xf32>
        %swap3A_1547 = arith.index_cast %add3A_1535 : i32 to index
        %swap3A_1548 = arith.constant 0 : index
        %swap3A_1549 = tpu.vector_load %arg16[%swap3A_1547, %swap3A_1548] {strides = array<i32>} : memref<128x128xf32, #tpu.memory_space<vmem>>, vector<16xf32>,
        tpu.vector_store %arg16[%swap3A_1547, %swap3A_1548], %abs3A_1546 {strides = array<i32>} : memref<128x128xf32, #tpu.memory_space<vmem>>, vector<16xf32>,
        %get3A_1550 = arith.index_cast %add3A_1535 : i32 to index
        %get3A_1551 = arith.constant 16 : index
        %get3A_1552 = tpu.vector_load %arg15[%get3A_1550, %get3A_1551] {strides = array<i32>} : memref<128x128xf32, #tpu.memory_space<vmem>>, vector<16xf32>,
        %mul3A_1553 = vector.broadcast %squeeze3A_1537 : f32 to vector<16xf32>
        %mul3A_1554 = arith.mulf %get3A_1552, %mul3A_1553 : vector<16xf32>
        %swap3A_1555 = arith.index_cast %add3A_1535 : i32 to index
        %swap3A_1556 = arith.constant 16 : index
        %swap3A_1557 = tpu.vector_load %arg15[%swap3A_1555, %swap3A_1556] {strides = array<i32>} : memref<128x128xf32, #tpu.memory_space<vmem>>, vector<16xf32>,
        tpu.vector_store %arg15[%swap3A_1555, %swap3A_1556], %mul3A_1554 {strides = array<i32>} : memref<128x128xf32, #tpu.memory_space<vmem>>, vector<16xf32>,
        %abs3A_1558 = math.absf %mul3A_1554 : vector<16xf32>
        %swap3A_1559 = arith.index_cast %add3A_1535 : i32 to index
        %swap3A_1560 = arith.constant 16 : index
        %swap3A_1561 = tpu.vector_load %arg16[%swap3A_1559, %swap3A_1560] {strides = array<i32>} : memref<128x128xf32, #tpu.memory_space<vmem>>, vector<16xf32>,
        tpu.vector_store %arg16[%swap3A_1559, %swap3A_1560], %abs3A_1558 {strides = array<i32>} : memref<128x128xf32, #tpu.memory_space<vmem>>, vector<16xf32>,
        %get3A_1562 = arith.index_cast %add3A_1535 : i32 to index
        %get3A_1563 = arith.constant 32 : index
        %get3A_1564 = tpu.vector_load %arg15[%get3A_1562, %get3A_1563] {strides = array<i32>} : memref<128x128xf32, #tpu.memory_space<vmem>>, vector<16xf32>,
        %mul3A_1565 = vector.broadcast %squeeze3A_1537 : f32 to vector<16xf32>
        %mul3A_1566 = arith.mulf %get3A_1564, %mul3A_1565 : vector<16xf32>
        %swap3A_1567 = arith.index_cast %add3A_1535 : i32 to index
        %swap3A_1568 = arith.constant 32 : index
        %swap3A_1569 = tpu.vector_load %arg15[%swap3A_1567, %swap3A_1568] {strides = array<i32>} : memref<128x128xf32, #tpu.memory_space<vmem>>, vector<16xf32>,
        tpu.vector_store %arg15[%swap3A_1567, %swap3A_1568], %mul3A_1566 {strides = array<i32>} : memref<128x128xf32, #tpu.memory_space<vmem>>, vector<16xf32>,
        %abs3A_1570 = math.absf %mul3A_1566 : vector<16xf32>
        %swap3A_1571 = arith.index_cast %add3A_1535 : i32 to index
        %swap3A_1572 = arith.constant 32 : index
        %swap3A_1573 = tpu.vector_load %arg16[%swap3A_1571, %swap3A_1572] {strides = array<i32>} : memref<128x128xf32, #tpu.memory_space<vmem>>, vector<16xf32>,
        tpu.vector_store %arg16[%swap3A_1571, %swap3A_1572], %abs3A_1570 {strides = array<i32>} : memref<128x128xf32, #tpu.memory_space<vmem>>, vector<16xf32>,
        %get3A_1574 = arith.index_cast %add3A_1535 : i32 to index
        %get3A_1575 = arith.constant 48 : index
        %get3A_1576 = tpu.vector_load %arg15[%get3A_1574, %get3A_1575] {strides = array<i32>} : memref<128x128xf32, #tpu.memory_space<vmem>>, vector<16xf32>,
        %mul3A_1577 = vector.broadcast %squeeze3A_1537 : f32 to vector<16xf32>
        %mul3A_1578 = arith.mulf %get3A_1576, %mul3A_1577 : vector<16xf32>
        %swap3A_1579 = arith.index_cast %add3A_1535 : i32 to index
        %swap3A_1580 = arith.constant 48 : index
        %swap3A_1581 = tpu.vector_load %arg15[%swap3A_1579, %swap3A_1580] {strides = array<i32>} : memref<128x128xf32, #tpu.memory_space<vmem>>, vector<16xf32>,
        tpu.vector_store %arg15[%swap3A_1579, %swap3A_1580], %mul3A_1578 {strides = array<i32>} : memref<128x128xf32, #tpu.memory_space<vmem>>, vector<16xf32>,
        %abs3A_1582 = math.absf %mul3A_1578 : vector<16xf32>
        %swap3A_1583 = arith.index_cast %add3A_1535 : i32 to index
        %swap3A_1584 = arith.constant 48 : index
        %swap3A_1585 = tpu.vector_load %arg16[%swap3A_1583, %swap3A_1584] {strides = array<i32>} : memref<128x128xf32, #tpu.memory_space<vmem>>, vector<16xf32>,
        tpu.vector_store %arg16[%swap3A_1583, %swap3A_1584], %abs3A_1582 {strides = array<i32>} : memref<128x128xf32, #tpu.memory_space<vmem>>, vector<16xf32>,
        %get3A_1586 = arith.index_cast %add3A_1535 : i32 to index
        %get3A_1587 = arith.constant 64 : index
        %get3A_1588 = tpu.vector_load %arg15[%get3A_1586, %get3A_1587] {strides = array<i32>} : memref<128x128xf32, #tpu.memory_space<vmem>>, vector<16xf32>,
        %mul3A_1589 = vector.broadcast %squeeze3A_1537 : f32 to vector<16xf32>
        %mul3A_1590 = arith.mulf %get3A_1588, %mul3A_1589 : vector<16xf32>
        %swap3A_1591 = arith.index_cast %add3A_1535 : i32 to index
        %swap3A_1592 = arith.constant 64 : index
        %swap3A_1593 = tpu.vector_load %arg15[%swap3A_1591, %swap3A_1592] {strides = array<i32>} : memref<128x128xf32, #tpu.memory_space<vmem>>, vector<16xf32>,
        tpu.vector_store %arg15[%swap3A_1591, %swap3A_1592], %mul3A_1590 {strides = array<i32>} : memref<128x128xf32, #tpu.memory_space<vmem>>, vector<16xf32>,
        %abs3A_1594 = math.absf %mul3A_1590 : vector<16xf32>
        %swap3A_1595 = arith.index_cast %add3A_1535 : i32 to index
        %swap3A_1596 = arith.constant 64 : index
        %swap3A_1597 = tpu.vector_load %arg16[%swap3A_1595, %swap3A_1596] {strides = array<i32>} : memref<128x128xf32, #tpu.memory_space<vmem>>, vector<16xf32>,
        tpu.vector_store %arg16[%swap3A_1595, %swap3A_1596], %abs3A_1594 {strides = array<i32>} : memref<128x128xf32, #tpu.memory_space<vmem>>, vector<16xf32>,
        %get3A_1598 = arith.index_cast %add3A_1535 : i32 to index
        %get3A_1599 = arith.constant 80 : index
        %get3A_1600 = tpu.vector_load %arg15[%get3A_1598, %get3A_1599] {strides = array<i32>} : memref<128x128xf32, #tpu.memory_space<vmem>>, vector<16xf32>,
        %mul3A_1601 = vector.broadcast %squeeze3A_1537 : f32 to vector<16xf32>
        %mul3A_1602 = arith.mulf %get3A_1600, %mul3A_1601 : vector<16xf32>
        %swap3A_1603 = arith.index_cast %add3A_1535 : i32 to index
        %swap3A_1604 = arith.constant 80 : index
        %swap3A_1605 = tpu.vector_load %arg15[%swap3A_1603, %swap3A_1604] {strides = array<i32>} : memref<128x128xf32, #tpu.memory_space<vmem>>, vector<16xf32>,
        tpu.vector_store %arg15[%swap3A_1603, %swap3A_1604], %mul3A_1602 {strides = array<i32>} : memref<128x128xf32, #tpu.memory_space<vmem>>, vector<16xf32>,
        %abs3A_1606 = math.absf %mul3A_1602 : vector<16xf32>
        %swap3A_1607 = arith.index_cast %add3A_1535 : i32 to index
        %swap3A_1608 = arith.constant 80 : index
        %swap3A_1609 = tpu.vector_load %arg16[%swap3A_1607, %swap3A_1608] {strides = array<i32>} : memref<128x128xf32, #tpu.memory_space<vmem>>, vector<16xf32>,
        tpu.vector_store %arg16[%swap3A_1607, %swap3A_1608], %abs3A_1606 {strides = array<i32>} : memref<128x128xf32, #tpu.memory_space<vmem>>, vector<16xf32>,
        %get3A_1610 = arith.index_cast %add3A_1535 : i32 to index
        %get3A_1611 = arith.constant 96 : index
        %get3A_1612 = tpu.vector_load %arg15[%get3A_1610, %get3A_1611] {strides = array<i32>} : memref<128x128xf32, #tpu.memory_space<vmem>>, vector<16xf32>,
        %mul3A_1613 = vector.broadcast %squeeze3A_1537 : f32 to vector<16xf32>
        %mul3A_1614 = arith.mulf %get3A_1612, %mul3A_1613 : vector<16xf32>
        %swap3A_1615 = arith.index_cast %add3A_1535 : i32 to index
        %swap3A_1616 = arith.constant 96 : index
        %swap3A_1617 = tpu.vector_load %arg15[%swap3A_1615, %swap3A_1616] {strides = array<i32>} : memref<128x128xf32, #tpu.memory_space<vmem>>, vector<16xf32>,
        tpu.vector_store %arg15[%swap3A_1615, %swap3A_1616], %mul3A_1614 {strides = array<i32>} : memref<128x128xf32, #tpu.memory_space<vmem>>, vector<16xf32>,
        %abs3A_1618 = math.absf %mul3A_1614 : vector<16xf32>
        %swap3A_1619 = arith.index_cast %add3A_1535 : i32 to index
        %swap3A_1620 = arith.constant 96 : index
        %swap3A_1621 = tpu.vector_load %arg16[%swap3A_1619, %swap3A_1620] {strides = array<i32>} : memref<128x128xf32, #tpu.memory_space<vmem>>, vector<16xf32>,
        tpu.vector_store %arg16[%swap3A_1619, %swap3A_1620], %abs3A_1618 {strides = array<i32>} : memref<128x128xf32, #tpu.memory_space<vmem>>, vector<16xf32>,
        %get3A_1622 = arith.index_cast %add3A_1535 : i32 to index
        %get3A_1623 = arith.constant 112 : index
        %get3A_1624 = tpu.vector_load %arg15[%get3A_1622, %get3A_1623] {strides = array<i32>} : memref<128x128xf32, #tpu.memory_space<vmem>>, vector<16xf32>,
        %mul3A_1625 = vector.broadcast %squeeze3A_1537 : f32 to vector<16xf32>
        %mul3A_1626 = arith.mulf %get3A_1624, %mul3A_1625 : vector<16xf32>
        %swap3A_1627 = arith.index_cast %add3A_1535 : i32 to index
        %swap3A_1628 = arith.constant 112 : index
        %swap3A_1629 = tpu.vector_load %arg15[%swap3A_1627, %swap3A_1628] {strides = array<i32>} : memref<128x128xf32, #tpu.memory_space<vmem>>, vector<16xf32>,
        tpu.vector_store %arg15[%swap3A_1627, %swap3A_1628], %mul3A_1626 {strides = array<i32>} : memref<128x128xf32, #tpu.memory_space<vmem>>, vector<16xf32>,
        %abs3A_1630 = math.absf %mul3A_1626 : vector<16xf32>
        %swap3A_1631 = arith.index_cast %add3A_1535 : i32 to index
        %swap3A_1632 = arith.constant 112 : index
        %swap3A_1633 = tpu.vector_load %arg16[%swap3A_1631, %swap3A_1632] {strides = array<i32>} : memref<128x128xf32, #tpu.memory_space<vmem>>, vector<16xf32>,
        tpu.vector_store %arg16[%swap3A_1631, %swap3A_1632], %abs3A_1630 {strides = array<i32>} : memref<128x128xf32, #tpu.memory_space<vmem>>, vector<16xf32>,
        %mul3A_1634 = arith.constant 16 : i32
        %mul3A_1635 = arith.muli %scan3A_305, %mul3A_1634 : i32
        %add3A_1636 = arith.constant 13 : i32
        %add3A_1637 = arith.addi %mul3A_1635, %add3A_1636 : i32
        %slice3A_1638 = vector.extract_strided_slice %get3A_310 {offsets = [13], sizes = [1], strides = [1]} : vector<16xf32> to vector<1xf32>
        %squeeze3A_1639 = vector.extract %slice3A_1638[0] : f32 from vector<1xf32>
        %get3A_1640 = arith.index_cast %add3A_1637 : i32 to index
        %get3A_1641 = arith.constant 0 : index
        %get3A_1642 = tpu.vector_load %arg15[%get3A_1640, %get3A_1641] {strides = array<i32>} : memref<128x128xf32, #tpu.memory_space<vmem>>, vector<16xf32>,
        %mul3A_1643 = vector.broadcast %squeeze3A_1639 : f32 to vector<16xf32>
        %mul3A_1644 = arith.mulf %get3A_1642, %mul3A_1643 : vector<16xf32>
        %swap3A_1645 = arith.index_cast %add3A_1637 : i32 to index
        %swap3A_1646 = arith.constant 0 : index
        %swap3A_1647 = tpu.vector_load %arg15[%swap3A_1645, %swap3A_1646] {strides = array<i32>} : memref<128x128xf32, #tpu.memory_space<vmem>>, vector<16xf32>,
        tpu.vector_store %arg15[%swap3A_1645, %swap3A_1646], %mul3A_1644 {strides = array<i32>} : memref<128x128xf32, #tpu.memory_space<vmem>>, vector<16xf32>,
        %abs3A_1648 = math.absf %mul3A_1644 : vector<16xf32>
        %swap3A_1649 = arith.index_cast %add3A_1637 : i32 to index
        %swap3A_1650 = arith.constant 0 : index
        %swap3A_1651 = tpu.vector_load %arg16[%swap3A_1649, %swap3A_1650] {strides = array<i32>} : memref<128x128xf32, #tpu.memory_space<vmem>>, vector<16xf32>,
        tpu.vector_store %arg16[%swap3A_1649, %swap3A_1650], %abs3A_1648 {strides = array<i32>} : memref<128x128xf32, #tpu.memory_space<vmem>>, vector<16xf32>,
        %get3A_1652 = arith.index_cast %add3A_1637 : i32 to index
        %get3A_1653 = arith.constant 16 : index
        %get3A_1654 = tpu.vector_load %arg15[%get3A_1652, %get3A_1653] {strides = array<i32>} : memref<128x128xf32, #tpu.memory_space<vmem>>, vector<16xf32>,
        %mul3A_1655 = vector.broadcast %squeeze3A_1639 : f32 to vector<16xf32>
        %mul3A_1656 = arith.mulf %get3A_1654, %mul3A_1655 : vector<16xf32>
        %swap3A_1657 = arith.index_cast %add3A_1637 : i32 to index
        %swap3A_1658 = arith.constant 16 : index
        %swap3A_1659 = tpu.vector_load %arg15[%swap3A_1657, %swap3A_1658] {strides = array<i32>} : memref<128x128xf32, #tpu.memory_space<vmem>>, vector<16xf32>,
        tpu.vector_store %arg15[%swap3A_1657, %swap3A_1658], %mul3A_1656 {strides = array<i32>} : memref<128x128xf32, #tpu.memory_space<vmem>>, vector<16xf32>,
        %abs3A_1660 = math.absf %mul3A_1656 : vector<16xf32>
        %swap3A_1661 = arith.index_cast %add3A_1637 : i32 to index
        %swap3A_1662 = arith.constant 16 : index
        %swap3A_1663 = tpu.vector_load %arg16[%swap3A_1661, %swap3A_1662] {strides = array<i32>} : memref<128x128xf32, #tpu.memory_space<vmem>>, vector<16xf32>,
        tpu.vector_store %arg16[%swap3A_1661, %swap3A_1662], %abs3A_1660 {strides = array<i32>} : memref<128x128xf32, #tpu.memory_space<vmem>>, vector<16xf32>,
        %get3A_1664 = arith.index_cast %add3A_1637 : i32 to index
        %get3A_1665 = arith.constant 32 : index
        %get3A_1666 = tpu.vector_load %arg15[%get3A_1664, %get3A_1665] {strides = array<i32>} : memref<128x128xf32, #tpu.memory_space<vmem>>, vector<16xf32>,
        %mul3A_1667 = vector.broadcast %squeeze3A_1639 : f32 to vector<16xf32>
        %mul3A_1668 = arith.mulf %get3A_1666, %mul3A_1667 : vector<16xf32>
        %swap3A_1669 = arith.index_cast %add3A_1637 : i32 to index
        %swap3A_1670 = arith.constant 32 : index
        %swap3A_1671 = tpu.vector_load %arg15[%swap3A_1669, %swap3A_1670] {strides = array<i32>} : memref<128x128xf32, #tpu.memory_space<vmem>>, vector<16xf32>,
        tpu.vector_store %arg15[%swap3A_1669, %swap3A_1670], %mul3A_1668 {strides = array<i32>} : memref<128x128xf32, #tpu.memory_space<vmem>>, vector<16xf32>,
        %abs3A_1672 = math.absf %mul3A_1668 : vector<16xf32>
        %swap3A_1673 = arith.index_cast %add3A_1637 : i32 to index
        %swap3A_1674 = arith.constant 32 : index
        %swap3A_1675 = tpu.vector_load %arg16[%swap3A_1673, %swap3A_1674] {strides = array<i32>} : memref<128x128xf32, #tpu.memory_space<vmem>>, vector<16xf32>,
        tpu.vector_store %arg16[%swap3A_1673, %swap3A_1674], %abs3A_1672 {strides = array<i32>} : memref<128x128xf32, #tpu.memory_space<vmem>>, vector<16xf32>,
        %get3A_1676 = arith.index_cast %add3A_1637 : i32 to index
        %get3A_1677 = arith.constant 48 : index
        %get3A_1678 = tpu.vector_load %arg15[%get3A_1676, %get3A_1677] {strides = array<i32>} : memref<128x128xf32, #tpu.memory_space<vmem>>, vector<16xf32>,
        %mul3A_1679 = vector.broadcast %squeeze3A_1639 : f32 to vector<16xf32>
        %mul3A_1680 = arith.mulf %get3A_1678, %mul3A_1679 : vector<16xf32>
        %swap3A_1681 = arith.index_cast %add3A_1637 : i32 to index
        %swap3A_1682 = arith.constant 48 : index
        %swap3A_1683 = tpu.vector_load %arg15[%swap3A_1681, %swap3A_1682] {strides = array<i32>} : memref<128x128xf32, #tpu.memory_space<vmem>>, vector<16xf32>,
        tpu.vector_store %arg15[%swap3A_1681, %swap3A_1682], %mul3A_1680 {strides = array<i32>} : memref<128x128xf32, #tpu.memory_space<vmem>>, vector<16xf32>,
        %abs3A_1684 = math.absf %mul3A_1680 : vector<16xf32>
        %swap3A_1685 = arith.index_cast %add3A_1637 : i32 to index
        %swap3A_1686 = arith.constant 48 : index
        %swap3A_1687 = tpu.vector_load %arg16[%swap3A_1685, %swap3A_1686] {strides = array<i32>} : memref<128x128xf32, #tpu.memory_space<vmem>>, vector<16xf32>,
        tpu.vector_store %arg16[%swap3A_1685, %swap3A_1686], %abs3A_1684 {strides = array<i32>} : memref<128x128xf32, #tpu.memory_space<vmem>>, vector<16xf32>,
        %get3A_1688 = arith.index_cast %add3A_1637 : i32 to index
        %get3A_1689 = arith.constant 64 : index
        %get3A_1690 = tpu.vector_load %arg15[%get3A_1688, %get3A_1689] {strides = array<i32>} : memref<128x128xf32, #tpu.memory_space<vmem>>, vector<16xf32>,
        %mul3A_1691 = vector.broadcast %squeeze3A_1639 : f32 to vector<16xf32>
        %mul3A_1692 = arith.mulf %get3A_1690, %mul3A_1691 : vector<16xf32>
        %swap3A_1693 = arith.index_cast %add3A_1637 : i32 to index
        %swap3A_1694 = arith.constant 64 : index
        %swap3A_1695 = tpu.vector_load %arg15[%swap3A_1693, %swap3A_1694] {strides = array<i32>} : memref<128x128xf32, #tpu.memory_space<vmem>>, vector<16xf32>,
        tpu.vector_store %arg15[%swap3A_1693, %swap3A_1694], %mul3A_1692 {strides = array<i32>} : memref<128x128xf32, #tpu.memory_space<vmem>>, vector<16xf32>,
        %abs3A_1696 = math.absf %mul3A_1692 : vector<16xf32>
        %swap3A_1697 = arith.index_cast %add3A_1637 : i32 to index
        %swap3A_1698 = arith.constant 64 : index
        %swap3A_1699 = tpu.vector_load %arg16[%swap3A_1697, %swap3A_1698] {strides = array<i32>} : memref<128x128xf32, #tpu.memory_space<vmem>>, vector<16xf32>,
        tpu.vector_store %arg16[%swap3A_1697, %swap3A_1698], %abs3A_1696 {strides = array<i32>} : memref<128x128xf32, #tpu.memory_space<vmem>>, vector<16xf32>,
        %get3A_1700 = arith.index_cast %add3A_1637 : i32 to index
        %get3A_1701 = arith.constant 80 : index
        %get3A_1702 = tpu.vector_load %arg15[%get3A_1700, %get3A_1701] {strides = array<i32>} : memref<128x128xf32, #tpu.memory_space<vmem>>, vector<16xf32>,
        %mul3A_1703 = vector.broadcast %squeeze3A_1639 : f32 to vector<16xf32>
        %mul3A_1704 = arith.mulf %get3A_1702, %mul3A_1703 : vector<16xf32>
        %swap3A_1705 = arith.index_cast %add3A_1637 : i32 to index
        %swap3A_1706 = arith.constant 80 : index
        %swap3A_1707 = tpu.vector_load %arg15[%swap3A_1705, %swap3A_1706] {strides = array<i32>} : memref<128x128xf32, #tpu.memory_space<vmem>>, vector<16xf32>,
        tpu.vector_store %arg15[%swap3A_1705, %swap3A_1706], %mul3A_1704 {strides = array<i32>} : memref<128x128xf32, #tpu.memory_space<vmem>>, vector<16xf32>,
        %abs3A_1708 = math.absf %mul3A_1704 : vector<16xf32>
        %swap3A_1709 = arith.index_cast %add3A_1637 : i32 to index
        %swap3A_1710 = arith.constant 80 : index
        %swap3A_1711 = tpu.vector_load %arg16[%swap3A_1709, %swap3A_1710] {strides = array<i32>} : memref<128x128xf32, #tpu.memory_space<vmem>>, vector<16xf32>,
        tpu.vector_store %arg16[%swap3A_1709, %swap3A_1710], %abs3A_1708 {strides = array<i32>} : memref<128x128xf32, #tpu.memory_space<vmem>>, vector<16xf32>,
        %get3A_1712 = arith.index_cast %add3A_1637 : i32 to index
        %get3A_1713 = arith.constant 96 : index
        %get3A_1714 = tpu.vector_load %arg15[%get3A_1712, %get3A_1713] {strides = array<i32>} : memref<128x128xf32, #tpu.memory_space<vmem>>, vector<16xf32>,
        %mul3A_1715 = vector.broadcast %squeeze3A_1639 : f32 to vector<16xf32>
        %mul3A_1716 = arith.mulf %get3A_1714, %mul3A_1715 : vector<16xf32>
        %swap3A_1717 = arith.index_cast %add3A_1637 : i32 to index
        %swap3A_1718 = arith.constant 96 : index
        %swap3A_1719 = tpu.vector_load %arg15[%swap3A_1717, %swap3A_1718] {strides = array<i32>} : memref<128x128xf32, #tpu.memory_space<vmem>>, vector<16xf32>,
        tpu.vector_store %arg15[%swap3A_1717, %swap3A_1718], %mul3A_1716 {strides = array<i32>} : memref<128x128xf32, #tpu.memory_space<vmem>>, vector<16xf32>,
        %abs3A_1720 = math.absf %mul3A_1716 : vector<16xf32>
        %swap3A_1721 = arith.index_cast %add3A_1637 : i32 to index
        %swap3A_1722 = arith.constant 96 : index
        %swap3A_1723 = tpu.vector_load %arg16[%swap3A_1721, %swap3A_1722] {strides = array<i32>} : memref<128x128xf32, #tpu.memory_space<vmem>>, vector<16xf32>,
        tpu.vector_store %arg16[%swap3A_1721, %swap3A_1722], %abs3A_1720 {strides = array<i32>} : memref<128x128xf32, #tpu.memory_space<vmem>>, vector<16xf32>,
        %get3A_1724 = arith.index_cast %add3A_1637 : i32 to index
        %get3A_1725 = arith.constant 112 : index
        %get3A_1726 = tpu.vector_load %arg15[%get3A_1724, %get3A_1725] {strides = array<i32>} : memref<128x128xf32, #tpu.memory_space<vmem>>, vector<16xf32>,
        %mul3A_1727 = vector.broadcast %squeeze3A_1639 : f32 to vector<16xf32>
        %mul3A_1728 = arith.mulf %get3A_1726, %mul3A_1727 : vector<16xf32>
        %swap3A_1729 = arith.index_cast %add3A_1637 : i32 to index
        %swap3A_1730 = arith.constant 112 : index
        %swap3A_1731 = tpu.vector_load %arg15[%swap3A_1729, %swap3A_1730] {strides = array<i32>} : memref<128x128xf32, #tpu.memory_space<vmem>>, vector<16xf32>,
        tpu.vector_store %arg15[%swap3A_1729, %swap3A_1730], %mul3A_1728 {strides = array<i32>} : memref<128x128xf32, #tpu.memory_space<vmem>>, vector<16xf32>,
        %abs3A_1732 = math.absf %mul3A_1728 : vector<16xf32>
        %swap3A_1733 = arith.index_cast %add3A_1637 : i32 to index
        %swap3A_1734 = arith.constant 112 : index
        %swap3A_1735 = tpu.vector_load %arg16[%swap3A_1733, %swap3A_1734] {strides = array<i32>} : memref<128x128xf32, #tpu.memory_space<vmem>>, vector<16xf32>,
        tpu.vector_store %arg16[%swap3A_1733, %swap3A_1734], %abs3A_1732 {strides = array<i32>} : memref<128x128xf32, #tpu.memory_space<vmem>>, vector<16xf32>,
        %mul3A_1736 = arith.constant 16 : i32
        %mul3A_1737 = arith.muli %scan3A_305, %mul3A_1736 : i32
        %add3A_1738 = arith.constant 14 : i32
        %add3A_1739 = arith.addi %mul3A_1737, %add3A_1738 : i32
        %slice3A_1740 = vector.extract_strided_slice %get3A_310 {offsets = [14], sizes = [1], strides = [1]} : vector<16xf32> to vector<1xf32>
        %squeeze3A_1741 = vector.extract %slice3A_1740[0] : f32 from vector<1xf32>
        %get3A_1742 = arith.index_cast %add3A_1739 : i32 to index
        %get3A_1743 = arith.constant 0 : index
        %get3A_1744 = tpu.vector_load %arg15[%get3A_1742, %get3A_1743] {strides = array<i32>} : memref<128x128xf32, #tpu.memory_space<vmem>>, vector<16xf32>,
        %mul3A_1745 = vector.broadcast %squeeze3A_1741 : f32 to vector<16xf32>
        %mul3A_1746 = arith.mulf %get3A_1744, %mul3A_1745 : vector<16xf32>
        %swap3A_1747 = arith.index_cast %add3A_1739 : i32 to index
        %swap3A_1748 = arith.constant 0 : index
        %swap3A_1749 = tpu.vector_load %arg15[%swap3A_1747, %swap3A_1748] {strides = array<i32>} : memref<128x128xf32, #tpu.memory_space<vmem>>, vector<16xf32>,
        tpu.vector_store %arg15[%swap3A_1747, %swap3A_1748], %mul3A_1746 {strides = array<i32>} : memref<128x128xf32, #tpu.memory_space<vmem>>, vector<16xf32>,
        %abs3A_1750 = math.absf %mul3A_1746 : vector<16xf32>
        %swap3A_1751 = arith.index_cast %add3A_1739 : i32 to index
        %swap3A_1752 = arith.constant 0 : index
        %swap3A_1753 = tpu.vector_load %arg16[%swap3A_1751, %swap3A_1752] {strides = array<i32>} : memref<128x128xf32, #tpu.memory_space<vmem>>, vector<16xf32>,
        tpu.vector_store %arg16[%swap3A_1751, %swap3A_1752], %abs3A_1750 {strides = array<i32>} : memref<128x128xf32, #tpu.memory_space<vmem>>, vector<16xf32>,
        %get3A_1754 = arith.index_cast %add3A_1739 : i32 to index
        %get3A_1755 = arith.constant 16 : index
        %get3A_1756 = tpu.vector_load %arg15[%get3A_1754, %get3A_1755] {strides = array<i32>} : memref<128x128xf32, #tpu.memory_space<vmem>>, vector<16xf32>,
        %mul3A_1757 = vector.broadcast %squeeze3A_1741 : f32 to vector<16xf32>
        %mul3A_1758 = arith.mulf %get3A_1756, %mul3A_1757 : vector<16xf32>
        %swap3A_1759 = arith.index_cast %add3A_1739 : i32 to index
        %swap3A_1760 = arith.constant 16 : index
        %swap3A_1761 = tpu.vector_load %arg15[%swap3A_1759, %swap3A_1760] {strides = array<i32>} : memref<128x128xf32, #tpu.memory_space<vmem>>, vector<16xf32>,
        tpu.vector_store %arg15[%swap3A_1759, %swap3A_1760], %mul3A_1758 {strides = array<i32>} : memref<128x128xf32, #tpu.memory_space<vmem>>, vector<16xf32>,
        %abs3A_1762 = math.absf %mul3A_1758 : vector<16xf32>
        %swap3A_1763 = arith.index_cast %add3A_1739 : i32 to index
        %swap3A_1764 = arith.constant 16 : index
        %swap3A_1765 = tpu.vector_load %arg16[%swap3A_1763, %swap3A_1764] {strides = array<i32>} : memref<128x128xf32, #tpu.memory_space<vmem>>, vector<16xf32>,
        tpu.vector_store %arg16[%swap3A_1763, %swap3A_1764], %abs3A_1762 {strides = array<i32>} : memref<128x128xf32, #tpu.memory_space<vmem>>, vector<16xf32>,
        %get3A_1766 = arith.index_cast %add3A_1739 : i32 to index
        %get3A_1767 = arith.constant 32 : index
        %get3A_1768 = tpu.vector_load %arg15[%get3A_1766, %get3A_1767] {strides = array<i32>} : memref<128x128xf32, #tpu.memory_space<vmem>>, vector<16xf32>,
        %mul3A_1769 = vector.broadcast %squeeze3A_1741 : f32 to vector<16xf32>
        %mul3A_1770 = arith.mulf %get3A_1768, %mul3A_1769 : vector<16xf32>
        %swap3A_1771 = arith.index_cast %add3A_1739 : i32 to index
        %swap3A_1772 = arith.constant 32 : index
        %swap3A_1773 = tpu.vector_load %arg15[%swap3A_1771, %swap3A_1772] {strides = array<i32>} : memref<128x128xf32, #tpu.memory_space<vmem>>, vector<16xf32>,
        tpu.vector_store %arg15[%swap3A_1771, %swap3A_1772], %mul3A_1770 {strides = array<i32>} : memref<128x128xf32, #tpu.memory_space<vmem>>, vector<16xf32>,
        %abs3A_1774 = math.absf %mul3A_1770 : vector<16xf32>
        %swap3A_1775 = arith.index_cast %add3A_1739 : i32 to index
        %swap3A_1776 = arith.constant 32 : index
        %swap3A_1777 = tpu.vector_load %arg16[%swap3A_1775, %swap3A_1776] {strides = array<i32>} : memref<128x128xf32, #tpu.memory_space<vmem>>, vector<16xf32>,
        tpu.vector_store %arg16[%swap3A_1775, %swap3A_1776], %abs3A_1774 {strides = array<i32>} : memref<128x128xf32, #tpu.memory_space<vmem>>, vector<16xf32>,
        %get3A_1778 = arith.index_cast %add3A_1739 : i32 to index
        %get3A_1779 = arith.constant 48 : index
        %get3A_1780 = tpu.vector_load %arg15[%get3A_1778, %get3A_1779] {strides = array<i32>} : memref<128x128xf32, #tpu.memory_space<vmem>>, vector<16xf32>,
        %mul3A_1781 = vector.broadcast %squeeze3A_1741 : f32 to vector<16xf32>
        %mul3A_1782 = arith.mulf %get3A_1780, %mul3A_1781 : vector<16xf32>
        %swap3A_1783 = arith.index_cast %add3A_1739 : i32 to index
        %swap3A_1784 = arith.constant 48 : index
        %swap3A_1785 = tpu.vector_load %arg15[%swap3A_1783, %swap3A_1784] {strides = array<i32>} : memref<128x128xf32, #tpu.memory_space<vmem>>, vector<16xf32>,
        tpu.vector_store %arg15[%swap3A_1783, %swap3A_1784], %mul3A_1782 {strides = array<i32>} : memref<128x128xf32, #tpu.memory_space<vmem>>, vector<16xf32>,
        %abs3A_1786 = math.absf %mul3A_1782 : vector<16xf32>
        %swap3A_1787 = arith.index_cast %add3A_1739 : i32 to index
        %swap3A_1788 = arith.constant 48 : index
        %swap3A_1789 = tpu.vector_load %arg16[%swap3A_1787, %swap3A_1788] {strides = array<i32>} : memref<128x128xf32, #tpu.memory_space<vmem>>, vector<16xf32>,
        tpu.vector_store %arg16[%swap3A_1787, %swap3A_1788], %abs3A_1786 {strides = array<i32>} : memref<128x128xf32, #tpu.memory_space<vmem>>, vector<16xf32>,
        %get3A_1790 = arith.index_cast %add3A_1739 : i32 to index
        %get3A_1791 = arith.constant 64 : index
        %get3A_1792 = tpu.vector_load %arg15[%get3A_1790, %get3A_1791] {strides = array<i32>} : memref<128x128xf32, #tpu.memory_space<vmem>>, vector<16xf32>,
        %mul3A_1793 = vector.broadcast %squeeze3A_1741 : f32 to vector<16xf32>
        %mul3A_1794 = arith.mulf %get3A_1792, %mul3A_1793 : vector<16xf32>
        %swap3A_1795 = arith.index_cast %add3A_1739 : i32 to index
        %swap3A_1796 = arith.constant 64 : index
        %swap3A_1797 = tpu.vector_load %arg15[%swap3A_1795, %swap3A_1796] {strides = array<i32>} : memref<128x128xf32, #tpu.memory_space<vmem>>, vector<16xf32>,
        tpu.vector_store %arg15[%swap3A_1795, %swap3A_1796], %mul3A_1794 {strides = array<i32>} : memref<128x128xf32, #tpu.memory_space<vmem>>, vector<16xf32>,
        %abs3A_1798 = math.absf %mul3A_1794 : vector<16xf32>
        %swap3A_1799 = arith.index_cast %add3A_1739 : i32 to index
        %swap3A_1800 = arith.constant 64 : index
        %swap3A_1801 = tpu.vector_load %arg16[%swap3A_1799, %swap3A_1800] {strides = array<i32>} : memref<128x128xf32, #tpu.memory_space<vmem>>, vector<16xf32>,
        tpu.vector_store %arg16[%swap3A_1799, %swap3A_1800], %abs3A_1798 {strides = array<i32>} : memref<128x128xf32, #tpu.memory_space<vmem>>, vector<16xf32>,
        %get3A_1802 = arith.index_cast %add3A_1739 : i32 to index
        %get3A_1803 = arith.constant 80 : index
        %get3A_1804 = tpu.vector_load %arg15[%get3A_1802, %get3A_1803] {strides = array<i32>} : memref<128x128xf32, #tpu.memory_space<vmem>>, vector<16xf32>,
        %mul3A_1805 = vector.broadcast %squeeze3A_1741 : f32 to vector<16xf32>
        %mul3A_1806 = arith.mulf %get3A_1804, %mul3A_1805 : vector<16xf32>
        %swap3A_1807 = arith.index_cast %add3A_1739 : i32 to index
        %swap3A_1808 = arith.constant 80 : index
        %swap3A_1809 = tpu.vector_load %arg15[%swap3A_1807, %swap3A_1808] {strides = array<i32>} : memref<128x128xf32, #tpu.memory_space<vmem>>, vector<16xf32>,
        tpu.vector_store %arg15[%swap3A_1807, %swap3A_1808], %mul3A_1806 {strides = array<i32>} : memref<128x128xf32, #tpu.memory_space<vmem>>, vector<16xf32>,
        %abs3A_1810 = math.absf %mul3A_1806 : vector<16xf32>
        %swap3A_1811 = arith.index_cast %add3A_1739 : i32 to index
        %swap3A_1812 = arith.constant 80 : index
        %swap3A_1813 = tpu.vector_load %arg16[%swap3A_1811, %swap3A_1812] {strides = array<i32>} : memref<128x128xf32, #tpu.memory_space<vmem>>, vector<16xf32>,
        tpu.vector_store %arg16[%swap3A_1811, %swap3A_1812], %abs3A_1810 {strides = array<i32>} : memref<128x128xf32, #tpu.memory_space<vmem>>, vector<16xf32>,
        %get3A_1814 = arith.index_cast %add3A_1739 : i32 to index
        %get3A_1815 = arith.constant 96 : index
        %get3A_1816 = tpu.vector_load %arg15[%get3A_1814, %get3A_1815] {strides = array<i32>} : memref<128x128xf32, #tpu.memory_space<vmem>>, vector<16xf32>,
        %mul3A_1817 = vector.broadcast %squeeze3A_1741 : f32 to vector<16xf32>
        %mul3A_1818 = arith.mulf %get3A_1816, %mul3A_1817 : vector<16xf32>
        %swap3A_1819 = arith.index_cast %add3A_1739 : i32 to index
        %swap3A_1820 = arith.constant 96 : index
        %swap3A_1821 = tpu.vector_load %arg15[%swap3A_1819, %swap3A_1820] {strides = array<i32>} : memref<128x128xf32, #tpu.memory_space<vmem>>, vector<16xf32>,
        tpu.vector_store %arg15[%swap3A_1819, %swap3A_1820], %mul3A_1818 {strides = array<i32>} : memref<128x128xf32, #tpu.memory_space<vmem>>, vector<16xf32>,
        %abs3A_1822 = math.absf %mul3A_1818 : vector<16xf32>
        %swap3A_1823 = arith.index_cast %add3A_1739 : i32 to index
        %swap3A_1824 = arith.constant 96 : index
        %swap3A_1825 = tpu.vector_load %arg16[%swap3A_1823, %swap3A_1824] {strides = array<i32>} : memref<128x128xf32, #tpu.memory_space<vmem>>, vector<16xf32>,
        tpu.vector_store %arg16[%swap3A_1823, %swap3A_1824], %abs3A_1822 {strides = array<i32>} : memref<128x128xf32, #tpu.memory_space<vmem>>, vector<16xf32>,
        %get3A_1826 = arith.index_cast %add3A_1739 : i32 to index
        %get3A_1827 = arith.constant 112 : index
        %get3A_1828 = tpu.vector_load %arg15[%get3A_1826, %get3A_1827] {strides = array<i32>} : memref<128x128xf32, #tpu.memory_space<vmem>>, vector<16xf32>,
        %mul3A_1829 = vector.broadcast %squeeze3A_1741 : f32 to vector<16xf32>
        %mul3A_1830 = arith.mulf %get3A_1828, %mul3A_1829 : vector<16xf32>
        %swap3A_1831 = arith.index_cast %add3A_1739 : i32 to index
        %swap3A_1832 = arith.constant 112 : index
        %swap3A_1833 = tpu.vector_load %arg15[%swap3A_1831, %swap3A_1832] {strides = array<i32>} : memref<128x128xf32, #tpu.memory_space<vmem>>, vector<16xf32>,
        tpu.vector_store %arg15[%swap3A_1831, %swap3A_1832], %mul3A_1830 {strides = array<i32>} : memref<128x128xf32, #tpu.memory_space<vmem>>, vector<16xf32>,
        %abs3A_1834 = math.absf %mul3A_1830 : vector<16xf32>
        %swap3A_1835 = arith.index_cast %add3A_1739 : i32 to index
        %swap3A_1836 = arith.constant 112 : index
        %swap3A_1837 = tpu.vector_load %arg16[%swap3A_1835, %swap3A_1836] {strides = array<i32>} : memref<128x128xf32, #tpu.memory_space<vmem>>, vector<16xf32>,
        tpu.vector_store %arg16[%swap3A_1835, %swap3A_1836], %abs3A_1834 {strides = array<i32>} : memref<128x128xf32, #tpu.memory_space<vmem>>, vector<16xf32>,
        %mul3A_1838 = arith.constant 16 : i32
        %mul3A_1839 = arith.muli %scan3A_305, %mul3A_1838 : i32
        %add3A_1840 = arith.constant 15 : i32
        %add3A_1841 = arith.addi %mul3A_1839, %add3A_1840 : i32
        %slice3A_1842 = vector.extract_strided_slice %get3A_310 {offsets = [15], sizes = [1], strides = [1]} : vector<16xf32> to vector<1xf32>
        %squeeze3A_1843 = vector.extract %slice3A_1842[0] : f32 from vector<1xf32>
        %get3A_1844 = arith.index_cast %add3A_1841 : i32 to index
        %get3A_1845 = arith.constant 0 : index
        %get3A_1846 = tpu.vector_load %arg15[%get3A_1844, %get3A_1845] {strides = array<i32>} : memref<128x128xf32, #tpu.memory_space<vmem>>, vector<16xf32>,
        %mul3A_1847 = vector.broadcast %squeeze3A_1843 : f32 to vector<16xf32>
        %mul3A_1848 = arith.mulf %get3A_1846, %mul3A_1847 : vector<16xf32>
        %swap3A_1849 = arith.index_cast %add3A_1841 : i32 to index
        %swap3A_1850 = arith.constant 0 : index
        %swap3A_1851 = tpu.vector_load %arg15[%swap3A_1849, %swap3A_1850] {strides = array<i32>} : memref<128x128xf32, #tpu.memory_space<vmem>>, vector<16xf32>,
        tpu.vector_store %arg15[%swap3A_1849, %swap3A_1850], %mul3A_1848 {strides = array<i32>} : memref<128x128xf32, #tpu.memory_space<vmem>>, vector<16xf32>,
        %abs3A_1852 = math.absf %mul3A_1848 : vector<16xf32>
        %swap3A_1853 = arith.index_cast %add3A_1841 : i32 to index
        %swap3A_1854 = arith.constant 0 : index
        %swap3A_1855 = tpu.vector_load %arg16[%swap3A_1853, %swap3A_1854] {strides = array<i32>} : memref<128x128xf32, #tpu.memory_space<vmem>>, vector<16xf32>,
        tpu.vector_store %arg16[%swap3A_1853, %swap3A_1854], %abs3A_1852 {strides = array<i32>} : memref<128x128xf32, #tpu.memory_space<vmem>>, vector<16xf32>,
        %get3A_1856 = arith.index_cast %add3A_1841 : i32 to index
        %get3A_1857 = arith.constant 16 : index
        %get3A_1858 = tpu.vector_load %arg15[%get3A_1856, %get3A_1857] {strides = array<i32>} : memref<128x128xf32, #tpu.memory_space<vmem>>, vector<16xf32>,
        %mul3A_1859 = vector.broadcast %squeeze3A_1843 : f32 to vector<16xf32>
        %mul3A_1860 = arith.mulf %get3A_1858, %mul3A_1859 : vector<16xf32>
        %swap3A_1861 = arith.index_cast %add3A_1841 : i32 to index
        %swap3A_1862 = arith.constant 16 : index
        %swap3A_1863 = tpu.vector_load %arg15[%swap3A_1861, %swap3A_1862] {strides = array<i32>} : memref<128x128xf32, #tpu.memory_space<vmem>>, vector<16xf32>,
        tpu.vector_store %arg15[%swap3A_1861, %swap3A_1862], %mul3A_1860 {strides = array<i32>} : memref<128x128xf32, #tpu.memory_space<vmem>>, vector<16xf32>,
        %abs3A_1864 = math.absf %mul3A_1860 : vector<16xf32>
        %swap3A_1865 = arith.index_cast %add3A_1841 : i32 to index
        %swap3A_1866 = arith.constant 16 : index
        %swap3A_1867 = tpu.vector_load %arg16[%swap3A_1865, %swap3A_1866] {strides = array<i32>} : memref<128x128xf32, #tpu.memory_space<vmem>>, vector<16xf32>,
        tpu.vector_store %arg16[%swap3A_1865, %swap3A_1866], %abs3A_1864 {strides = array<i32>} : memref<128x128xf32, #tpu.memory_space<vmem>>, vector<16xf32>,
        %get3A_1868 = arith.index_cast %add3A_1841 : i32 to index
        %get3A_1869 = arith.constant 32 : index
        %get3A_1870 = tpu.vector_load %arg15[%get3A_1868, %get3A_1869] {strides = array<i32>} : memref<128x128xf32, #tpu.memory_space<vmem>>, vector<16xf32>,
        %mul3A_1871 = vector.broadcast %squeeze3A_1843 : f32 to vector<16xf32>
        %mul3A_1872 = arith.mulf %get3A_1870, %mul3A_1871 : vector<16xf32>
        %swap3A_1873 = arith.index_cast %add3A_1841 : i32 to index
        %swap3A_1874 = arith.constant 32 : index
        %swap3A_1875 = tpu.vector_load %arg15[%swap3A_1873, %swap3A_1874] {strides = array<i32>} : memref<128x128xf32, #tpu.memory_space<vmem>>, vector<16xf32>,
        tpu.vector_store %arg15[%swap3A_1873, %swap3A_1874], %mul3A_1872 {strides = array<i32>} : memref<128x128xf32, #tpu.memory_space<vmem>>, vector<16xf32>,
        %abs3A_1876 = math.absf %mul3A_1872 : vector<16xf32>
        %swap3A_1877 = arith.index_cast %add3A_1841 : i32 to index
        %swap3A_1878 = arith.constant 32 : index
        %swap3A_1879 = tpu.vector_load %arg16[%swap3A_1877, %swap3A_1878] {strides = array<i32>} : memref<128x128xf32, #tpu.memory_space<vmem>>, vector<16xf32>,
        tpu.vector_store %arg16[%swap3A_1877, %swap3A_1878], %abs3A_1876 {strides = array<i32>} : memref<128x128xf32, #tpu.memory_space<vmem>>, vector<16xf32>,
        %get3A_1880 = arith.index_cast %add3A_1841 : i32 to index
        %get3A_1881 = arith.constant 48 : index
        %get3A_1882 = tpu.vector_load %arg15[%get3A_1880, %get3A_1881] {strides = array<i32>} : memref<128x128xf32, #tpu.memory_space<vmem>>, vector<16xf32>,
        %mul3A_1883 = vector.broadcast %squeeze3A_1843 : f32 to vector<16xf32>
        %mul3A_1884 = arith.mulf %get3A_1882, %mul3A_1883 : vector<16xf32>
        %swap3A_1885 = arith.index_cast %add3A_1841 : i32 to index
        %swap3A_1886 = arith.constant 48 : index
        %swap3A_1887 = tpu.vector_load %arg15[%swap3A_1885, %swap3A_1886] {strides = array<i32>} : memref<128x128xf32, #tpu.memory_space<vmem>>, vector<16xf32>,
        tpu.vector_store %arg15[%swap3A_1885, %swap3A_1886], %mul3A_1884 {strides = array<i32>} : memref<128x128xf32, #tpu.memory_space<vmem>>, vector<16xf32>,
        %abs3A_1888 = math.absf %mul3A_1884 : vector<16xf32>
        %swap3A_1889 = arith.index_cast %add3A_1841 : i32 to index
        %swap3A_1890 = arith.constant 48 : index
        %swap3A_1891 = tpu.vector_load %arg16[%swap3A_1889, %swap3A_1890] {strides = array<i32>} : memref<128x128xf32, #tpu.memory_space<vmem>>, vector<16xf32>,
        tpu.vector_store %arg16[%swap3A_1889, %swap3A_1890], %abs3A_1888 {strides = array<i32>} : memref<128x128xf32, #tpu.memory_space<vmem>>, vector<16xf32>,
        %get3A_1892 = arith.index_cast %add3A_1841 : i32 to index
        %get3A_1893 = arith.constant 64 : index
        %get3A_1894 = tpu.vector_load %arg15[%get3A_1892, %get3A_1893] {strides = array<i32>} : memref<128x128xf32, #tpu.memory_space<vmem>>, vector<16xf32>,
        %mul3A_1895 = vector.broadcast %squeeze3A_1843 : f32 to vector<16xf32>
        %mul3A_1896 = arith.mulf %get3A_1894, %mul3A_1895 : vector<16xf32>
        %swap3A_1897 = arith.index_cast %add3A_1841 : i32 to index
        %swap3A_1898 = arith.constant 64 : index
        %swap3A_1899 = tpu.vector_load %arg15[%swap3A_1897, %swap3A_1898] {strides = array<i32>} : memref<128x128xf32, #tpu.memory_space<vmem>>, vector<16xf32>,
        tpu.vector_store %arg15[%swap3A_1897, %swap3A_1898], %mul3A_1896 {strides = array<i32>} : memref<128x128xf32, #tpu.memory_space<vmem>>, vector<16xf32>,
        %abs3A_1900 = math.absf %mul3A_1896 : vector<16xf32>
        %swap3A_1901 = arith.index_cast %add3A_1841 : i32 to index
        %swap3A_1902 = arith.constant 64 : index
        %swap3A_1903 = tpu.vector_load %arg16[%swap3A_1901, %swap3A_1902] {strides = array<i32>} : memref<128x128xf32, #tpu.memory_space<vmem>>, vector<16xf32>,
        tpu.vector_store %arg16[%swap3A_1901, %swap3A_1902], %abs3A_1900 {strides = array<i32>} : memref<128x128xf32, #tpu.memory_space<vmem>>, vector<16xf32>,
        %get3A_1904 = arith.index_cast %add3A_1841 : i32 to index
        %get3A_1905 = arith.constant 80 : index
        %get3A_1906 = tpu.vector_load %arg15[%get3A_1904, %get3A_1905] {strides = array<i32>} : memref<128x128xf32, #tpu.memory_space<vmem>>, vector<16xf32>,
        %mul3A_1907 = vector.broadcast %squeeze3A_1843 : f32 to vector<16xf32>
        %mul3A_1908 = arith.mulf %get3A_1906, %mul3A_1907 : vector<16xf32>
        %swap3A_1909 = arith.index_cast %add3A_1841 : i32 to index
        %swap3A_1910 = arith.constant 80 : index
        %swap3A_1911 = tpu.vector_load %arg15[%swap3A_1909, %swap3A_1910] {strides = array<i32>} : memref<128x128xf32, #tpu.memory_space<vmem>>, vector<16xf32>,
        tpu.vector_store %arg15[%swap3A_1909, %swap3A_1910], %mul3A_1908 {strides = array<i32>} : memref<128x128xf32, #tpu.memory_space<vmem>>, vector<16xf32>,
        %abs3A_1912 = math.absf %mul3A_1908 : vector<16xf32>
        %swap3A_1913 = arith.index_cast %add3A_1841 : i32 to index
        %swap3A_1914 = arith.constant 80 : index
        %swap3A_1915 = tpu.vector_load %arg16[%swap3A_1913, %swap3A_1914] {strides = array<i32>} : memref<128x128xf32, #tpu.memory_space<vmem>>, vector<16xf32>,
        tpu.vector_store %arg16[%swap3A_1913, %swap3A_1914], %abs3A_1912 {strides = array<i32>} : memref<128x128xf32, #tpu.memory_space<vmem>>, vector<16xf32>,
        %get3A_1916 = arith.index_cast %add3A_1841 : i32 to index
        %get3A_1917 = arith.constant 96 : index
        %get3A_1918 = tpu.vector_load %arg15[%get3A_1916, %get3A_1917] {strides = array<i32>} : memref<128x128xf32, #tpu.memory_space<vmem>>, vector<16xf32>,
        %mul3A_1919 = vector.broadcast %squeeze3A_1843 : f32 to vector<16xf32>
        %mul3A_1920 = arith.mulf %get3A_1918, %mul3A_1919 : vector<16xf32>
        %swap3A_1921 = arith.index_cast %add3A_1841 : i32 to index
        %swap3A_1922 = arith.constant 96 : index
        %swap3A_1923 = tpu.vector_load %arg15[%swap3A_1921, %swap3A_1922] {strides = array<i32>} : memref<128x128xf32, #tpu.memory_space<vmem>>, vector<16xf32>,
        tpu.vector_store %arg15[%swap3A_1921, %swap3A_1922], %mul3A_1920 {strides = array<i32>} : memref<128x128xf32, #tpu.memory_space<vmem>>, vector<16xf32>,
        %abs3A_1924 = math.absf %mul3A_1920 : vector<16xf32>
        %swap3A_1925 = arith.index_cast %add3A_1841 : i32 to index
        %swap3A_1926 = arith.constant 96 : index
        %swap3A_1927 = tpu.vector_load %arg16[%swap3A_1925, %swap3A_1926] {strides = array<i32>} : memref<128x128xf32, #tpu.memory_space<vmem>>, vector<16xf32>,
        tpu.vector_store %arg16[%swap3A_1925, %swap3A_1926], %abs3A_1924 {strides = array<i32>} : memref<128x128xf32, #tpu.memory_space<vmem>>, vector<16xf32>,
        %get3A_1928 = arith.index_cast %add3A_1841 : i32 to index
        %get3A_1929 = arith.constant 112 : index
        %get3A_1930 = tpu.vector_load %arg15[%get3A_1928, %get3A_1929] {strides = array<i32>} : memref<128x128xf32, #tpu.memory_space<vmem>>, vector<16xf32>,
        %mul3A_1931 = vector.broadcast %squeeze3A_1843 : f32 to vector<16xf32>
        %mul3A_1932 = arith.mulf %get3A_1930, %mul3A_1931 : vector<16xf32>
        %swap3A_1933 = arith.index_cast %add3A_1841 : i32 to index
        %swap3A_1934 = arith.constant 112 : index
        %swap3A_1935 = tpu.vector_load %arg15[%swap3A_1933, %swap3A_1934] {strides = array<i32>} : memref<128x128xf32, #tpu.memory_space<vmem>>, vector<16xf32>,
        tpu.vector_store %arg15[%swap3A_1933, %swap3A_1934], %mul3A_1932 {strides = array<i32>} : memref<128x128xf32, #tpu.memory_space<vmem>>, vector<16xf32>,
        %abs3A_1936 = math.absf %mul3A_1932 : vector<16xf32>
        %swap3A_1937 = arith.index_cast %add3A_1841 : i32 to index
        %swap3A_1938 = arith.constant 112 : index
        %swap3A_1939 = tpu.vector_load %arg16[%swap3A_1937, %swap3A_1938] {strides = array<i32>} : memref<128x128xf32, #tpu.memory_space<vmem>>, vector<16xf32>,
        tpu.vector_store %arg16[%swap3A_1937, %swap3A_1938], %abs3A_1936 {strides = array<i32>} : memref<128x128xf32, #tpu.memory_space<vmem>>, vector<16xf32>,
        %scan3A_1940 = arith.constant 0 : i32
        scf.yield %scan3A_1940 : i32
      }
      %scan3A_303 = arith.constant 8 : i32
      "tpu.region"() ({
        %run_scoped3A = tpu.sem_alloc : memref<!tpu.dma_semaphore, #tpu.memory_space<semaphore_mem>>
        %dma_start3A = arith.constant 0 : i32
        %dma_start3A_305 = arith.constant 0 : i32
        %dma_start3A_306 = tpu.memref_slice %arg17[%dma_start3A, %dma_start3A_305] : memref<5120x128xf32, #tpu.memory_space<vmem_shared>> -> memref<5120x128xf32, #tpu.memory_space<vmem_shared>>
        tpu.enqueue_indirect_dma source(%arg15 : memref<128x128xf32, #tpu.memory_space<vmem>>) target(%dma_start3A_306 : memref<5120x128xf32, #tpu.memory_space<vmem_shared>>) offsets(%arg11 : memref<128xi32, #tpu.memory_space<vmem>>) semaphore(%run_scoped3A : memref<!tpu.dma_semaphore, #tpu.memory_space<semaphore_mem>>) {add = true}
        %dma_wait3A = arith.constant 0 : i32
        %dma_wait3A_307 = arith.constant 0 : i32
        %dma_wait3A_308 = tpu.memref_slice %arg17[%dma_wait3A, %dma_wait3A_307] : memref<5120x128xf32, #tpu.memory_space<vmem_shared>> -> memref<5120x128xf32, #tpu.memory_space<vmem_shared>>
        tpu.wait_indirect_dma semaphore(%run_scoped3A : memref<!tpu.dma_semaphore, #tpu.memory_space<semaphore_mem>>) src(%arg15 : memref<128x128xf32, #tpu.memory_space<vmem>>) dst(%dma_wait3A_308 : memref<5120x128xf32, #tpu.memory_space<vmem_shared>>)
        tpu.yield
      }) : () -> ()
      "tpu.region"() ({
        %run_scoped3A = tpu.sem_alloc : memref<!tpu.dma_semaphore, #tpu.memory_space<semaphore_mem>>
        %dma_start3A = arith.constant 0 : i32
        %dma_start3A_305 = arith.constant 0 : i32
        %dma_start3A_306 = tpu.memref_slice %arg18[%dma_start3A, %dma_start3A_305] : memref<5120x128xf32, #tpu.memory_space<vmem_shared>> -> memref<5120x128xf32, #tpu.memory_space<vmem_shared>>
        tpu.enqueue_indirect_dma source(%arg16 : memref<128x128xf32, #tpu.memory_space<vmem>>) target(%dma_start3A_306 : memref<5120x128xf32, #tpu.memory_space<vmem_shared>>) offsets(%arg11 : memref<128xi32, #tpu.memory_space<vmem>>) semaphore(%run_scoped3A : memref<!tpu.dma_semaphore, #tpu.memory_space<semaphore_mem>>) {add = true}
        %dma_wait3A = arith.constant 0 : i32
        %dma_wait3A_307 = arith.constant 0 : i32
        %dma_wait3A_308 = tpu.memref_slice %arg18[%dma_wait3A, %dma_wait3A_307] : memref<5120x128xf32, #tpu.memory_space<vmem_shared>> -> memref<5120x128xf32, #tpu.memory_space<vmem_shared>>
        tpu.wait_indirect_dma semaphore(%run_scoped3A : memref<!tpu.dma_semaphore, #tpu.memory_space<semaphore_mem>>) src(%arg16 : memref<128x128xf32, #tpu.memory_space<vmem>>) dst(%dma_wait3A_308 : memref<5120x128xf32, #tpu.memory_space<vmem_shared>>)
        tpu.yield
      }) : () -> ()
      %while3A_304 = arith.constant 0 : i32
      scf.yield %while3A_304 : i32
    }
    %barrier3A_47 = arith.constant 0 : index
    tpu.barrier barrier_id(%barrier3A_47)
    %lt3A = arith.constant 15 : i32
    %lt3A_48 = arith.cmpi slt, %arg1, %lt3A : i32
    %convert_element_type3A = arith.extui %lt3A_48 : i1 to i32
    %cond3A = arith.constant 0 : i32
    %cond3A_49 = arith.cmpi ne, %convert_element_type3A, %cond3A : i32
    scf.if %cond3A_49 {
      %mul3A_54 = arith.constant 312 : i32
      %mul3A_55 = arith.muli %arg1, %mul3A_54 : i32
      %add3A_56 = arith.addi %mul3A_0, %mul3A_55 : i32
      "tpu.region"() ({
        %run_scoped3A = tpu.sem_alloc : memref<!tpu.dma_semaphore, #tpu.memory_space<semaphore_mem>>
        %dma_start3A = arith.constant 0 : i32
        %dma_start3A_58 = tpu.memref_slice %arg7[%add3A_56, %dma_start3A] : memref<10000x128xf32, #tpu.memory_space<hbm>> -> memref<312x128xf32, #tpu.memory_space<hbm>>
        %dma_start3A_59 = arith.constant 0 : i32
        %dma_start3A_60 = tpu.memref_slice %arg17[%mul3A_55, %dma_start3A_59] : memref<5120x128xf32, #tpu.memory_space<vmem_shared>> -> memref<312x128xf32, #tpu.memory_space<vmem_shared>>
        tpu.enqueue_dma source(%dma_start3A_60 : memref<312x128xf32, #tpu.memory_space<vmem_shared>>) target(%dma_start3A_58 : memref<312x128xf32, #tpu.memory_space<hbm>>) target_semaphore(%run_scoped3A : memref<!tpu.dma_semaphore, #tpu.memory_space<semaphore_mem>>)
        %dma_wait3A = arith.constant 0 : i32
        %dma_wait3A_61 = tpu.memref_slice %arg7[%add3A_56, %dma_wait3A] : memref<10000x128xf32, #tpu.memory_space<hbm>> -> memref<312x128xf32, #tpu.memory_space<hbm>>
        %dma_wait3A_62 = arith.constant 0 : i32
        %dma_wait3A_63 = tpu.memref_slice %arg17[%mul3A_55, %dma_wait3A_62] : memref<5120x128xf32, #tpu.memory_space<vmem_shared>> -> memref<312x128xf32, #tpu.memory_space<vmem_shared>>
        tpu.wait_dma2 semaphore(%run_scoped3A : memref<!tpu.dma_semaphore, #tpu.memory_space<semaphore_mem>>) src(%dma_wait3A_63 : memref<312x128xf32, #tpu.memory_space<vmem_shared>>) dst(%dma_wait3A_61 : memref<312x128xf32, #tpu.memory_space<hbm>>)
        tpu.yield
      }) : () -> ()
      %add3A_57 = arith.addi %mul3A_0, %mul3A_55 : i32
      "tpu.region"() ({
        %run_scoped3A = tpu.sem_alloc : memref<!tpu.dma_semaphore, #tpu.memory_space<semaphore_mem>>
        %dma_start3A = arith.constant 0 : i32
        %dma_start3A_58 = tpu.memref_slice %arg8[%add3A_57, %dma_start3A] : memref<10000x128xf32, #tpu.memory_space<hbm>> -> memref<312x128xf32, #tpu.memory_space<hbm>>
        %dma_start3A_59 = arith.constant 0 : i32
        %dma_start3A_60 = tpu.memref_slice %arg18[%mul3A_55, %dma_start3A_59] : memref<5120x128xf32, #tpu.memory_space<vmem_shared>> -> memref<312x128xf32, #tpu.memory_space<vmem_shared>>
        tpu.enqueue_dma source(%dma_start3A_60 : memref<312x128xf32, #tpu.memory_space<vmem_shared>>) target(%dma_start3A_58 : memref<312x128xf32, #tpu.memory_space<hbm>>) target_semaphore(%run_scoped3A : memref<!tpu.dma_semaphore, #tpu.memory_space<semaphore_mem>>)
        %dma_wait3A = arith.constant 0 : i32
        %dma_wait3A_61 = tpu.memref_slice %arg8[%add3A_57, %dma_wait3A] : memref<10000x128xf32, #tpu.memory_space<hbm>> -> memref<312x128xf32, #tpu.memory_space<hbm>>
        %dma_wait3A_62 = arith.constant 0 : i32
        %dma_wait3A_63 = tpu.memref_slice %arg18[%mul3A_55, %dma_wait3A_62] : memref<5120x128xf32, #tpu.memory_space<vmem_shared>> -> memref<312x128xf32, #tpu.memory_space<vmem_shared>>
        tpu.wait_dma2 semaphore(%run_scoped3A : memref<!tpu.dma_semaphore, #tpu.memory_space<semaphore_mem>>) src(%dma_wait3A_63 : memref<312x128xf32, #tpu.memory_space<vmem_shared>>) dst(%dma_wait3A_61 : memref<312x128xf32, #tpu.memory_space<hbm>>)
        tpu.yield
      }) : () -> ()
    } else {
    }
    %eq3A = arith.constant 15 : i32
    %eq3A_50 = arith.cmpi eq, %arg1, %eq3A : i32
    %convert_element_type3A_51 = arith.extui %eq3A_50 : i1 to i32
    %cond3A_52 = arith.constant 0 : i32
    %cond3A_53 = arith.cmpi ne, %convert_element_type3A_51, %cond3A_52 : i32
    scf.if %cond3A_53 {
      %add3A_54 = arith.constant 4680 : i32
      %add3A_55 = arith.addi %mul3A_0, %add3A_54 : i32
      "tpu.region"() ({
        %run_scoped3A = tpu.sem_alloc : memref<!tpu.dma_semaphore, #tpu.memory_space<semaphore_mem>>
        %dma_start3A = arith.constant 0 : i32
        %dma_start3A_58 = tpu.memref_slice %arg7[%add3A_55, %dma_start3A] : memref<10000x128xf32, #tpu.memory_space<hbm>> -> memref<320x128xf32, #tpu.memory_space<hbm>>
        %dma_start3A_59 = arith.constant 4680 : i32
        %dma_start3A_60 = arith.constant 0 : i32
        %dma_start3A_61 = tpu.memref_slice %arg17[%dma_start3A_59, %dma_start3A_60] : memref<5120x128xf32, #tpu.memory_space<vmem_shared>> -> memref<320x128xf32, #tpu.memory_space<vmem_shared>>
        tpu.enqueue_dma source(%dma_start3A_61 : memref<320x128xf32, #tpu.memory_space<vmem_shared>>) target(%dma_start3A_58 : memref<320x128xf32, #tpu.memory_space<hbm>>) target_semaphore(%run_scoped3A : memref<!tpu.dma_semaphore, #tpu.memory_space<semaphore_mem>>)
        %dma_wait3A = arith.constant 0 : i32
        %dma_wait3A_62 = tpu.memref_slice %arg7[%add3A_55, %dma_wait3A] : memref<10000x128xf32, #tpu.memory_space<hbm>> -> memref<320x128xf32, #tpu.memory_space<hbm>>
        %dma_wait3A_63 = arith.constant 4680 : i32
        %dma_wait3A_64 = arith.constant 0 : i32
        %dma_wait3A_65 = tpu.memref_slice %arg17[%dma_wait3A_63, %dma_wait3A_64] : memref<5120x128xf32, #tpu.memory_space<vmem_shared>> -> memref<320x128xf32, #tpu.memory_space<vmem_shared>>
        tpu.wait_dma2 semaphore(%run_scoped3A : memref<!tpu.dma_semaphore, #tpu.memory_space<semaphore_mem>>) src(%dma_wait3A_65 : memref<320x128xf32, #tpu.memory_space<vmem_shared>>) dst(%dma_wait3A_62 : memref<320x128xf32, #tpu.memory_space<hbm>>)
        tpu.yield
      }) : () -> ()
      %add3A_56 = arith.constant 4680 : i32
      %add3A_57 = arith.addi %mul3A_0, %add3A_56 : i32
      "tpu.region"() ({
        %run_scoped3A = tpu.sem_alloc : memref<!tpu.dma_semaphore, #tpu.memory_space<semaphore_mem>>
        %dma_start3A = arith.constant 0 : i32
        %dma_start3A_58 = tpu.memref_slice %arg8[%add3A_57, %dma_start3A] : memref<10000x128xf32, #tpu.memory_space<hbm>> -> memref<320x128xf32, #tpu.memory_space<hbm>>
        %dma_start3A_59 = arith.constant 4680 : i32
        %dma_start3A_60 = arith.constant 0 : i32
        %dma_start3A_61 = tpu.memref_slice %arg18[%dma_start3A_59, %dma_start3A_60] : memref<5120x128xf32, #tpu.memory_space<vmem_shared>> -> memref<320x128xf32, #tpu.memory_space<vmem_shared>>
        tpu.enqueue_dma source(%dma_start3A_61 : memref<320x128xf32, #tpu.memory_space<vmem_shared>>) target(%dma_start3A_58 : memref<320x128xf32, #tpu.memory_space<hbm>>) target_semaphore(%run_scoped3A : memref<!tpu.dma_semaphore, #tpu.memory_space<semaphore_mem>>)
        %dma_wait3A = arith.constant 0 : i32
        %dma_wait3A_62 = tpu.memref_slice %arg8[%add3A_57, %dma_wait3A] : memref<10000x128xf32, #tpu.memory_space<hbm>> -> memref<320x128xf32, #tpu.memory_space<hbm>>
        %dma_wait3A_63 = arith.constant 4680 : i32
        %dma_wait3A_64 = arith.constant 0 : i32
        %dma_wait3A_65 = tpu.memref_slice %arg18[%dma_wait3A_63, %dma_wait3A_64] : memref<5120x128xf32, #tpu.memory_space<vmem_shared>> -> memref<320x128xf32, #tpu.memory_space<vmem_shared>>
        tpu.wait_dma2 semaphore(%run_scoped3A : memref<!tpu.dma_semaphore, #tpu.memory_space<semaphore_mem>>) src(%dma_wait3A_65 : memref<320x128xf32, #tpu.memory_space<vmem_shared>>) dst(%dma_wait3A_62 : memref<320x128xf32, #tpu.memory_space<hbm>>)
        tpu.yield
      }) : () -> ()
    } else {
    }
    return
  }
}

module attributes {stable_mosaic.version = 14 : i64} {
  func.func @body(%arg0: i32, %arg1: memref<2000x128xf32, #tpu.memory_space<vmem>>, %arg2: memref<128x256xf32, #tpu.memory_space<vmem>>, %arg3: memref<1x256xf32, #tpu.memory_space<vmem>>, %arg4: memref<2000x256xf32, #tpu.memory_space<vmem>>) attributes {dimension_semantics = [#tpu.dimension_semantics<arbitrary>], iteration_bounds = array<i64: 5>, scalar_prefetch = 0 : i64, scratch_operands = 0 : i64, tpu.core_type = #tpu.core_type<tc>, window_params = [{transform_indices = @transform_0, window_bounds = array<i64: 2000, 128>}, {pipeline_mode = #tpu.pipeline_mode<synchronous>, transform_indices = @transform_1, window_bounds = array<i64: 128, 256>}, {pipeline_mode = #tpu.pipeline_mode<synchronous>, transform_indices = @transform_2, window_bounds = array<i64: 1, 256>}, {transform_indices = @transform_3, window_bounds = array<i64: 2000, 256>}]} {
    %get3A = arith.constant 0 : index
    %get3A_0 = arith.constant 0 : index
    %get3A_1 = vector.load %arg1[%get3A, %get3A_0] : memref<2000x128xf32, #tpu.memory_space<vmem>>, vector<2000x128xf32>
    %get3A_2 = arith.constant 0 : index
    %get3A_3 = arith.constant 0 : index
    %get3A_4 = vector.load %arg2[%get3A_2, %get3A_3] : memref<128x256xf32, #tpu.memory_space<vmem>>, vector<128x256xf32>
    %dot_general3A = arith.constant dense<0.000000e+00> : vector<2000x256xf32>
    %dot_general3A_5 = tpu.matmul %get3A_1, %get3A_4, %dot_general3A {dimension_numbers = #tpu.dot_dimension_numbers<[1], [0], [0], [1], [0, 0, 1, 1], [], []>, transpose_lhs_hint = false} : vector<2000x128xf32>, vector<128x256xf32>, vector<2000x256xf32> -> vector<2000x256xf32>
    %get3A_6 = arith.constant 0 : index
    %get3A_7 = arith.constant 0 : index
    %get3A_8 = vector.load %arg3[%get3A_6, %get3A_7] : memref<1x256xf32, #tpu.memory_space<vmem>>, vector<1x256xf32>
    %add3A = vector.broadcast %get3A_8 : vector<1x256xf32> to vector<2000x256xf32>
    %add3A_9 = arith.addf %dot_general3A_5, %add3A : vector<2000x256xf32>
    %swap3A = arith.constant 0 : index
    %swap3A_10 = arith.constant 0 : index
    %swap3A_11 = vector.load %arg4[%swap3A, %swap3A_10] : memref<2000x256xf32, #tpu.memory_space<vmem>>, vector<2000x256xf32>
    tpu.vector_store %arg4[%swap3A, %swap3A_10], %add3A_9 {strides = array<i32>} : memref<2000x256xf32, #tpu.memory_space<vmem>>, vector<2000x256xf32>,
    return
  }
  func.func @transform_0(%arg0: i32) -> (i32, i32) {
    %c0_i32 = arith.constant 0 : i32
    %c0_i32_0 = arith.constant 0 : i32
    return %arg0, %c0_i32 : i32, i32
  }
  func.func @transform_1(%arg0: i32) -> (i32, i32) {
    %c0_i32 = arith.constant 0 : i32
    %c0_i32_0 = arith.constant 0 : i32
    %c0_i32_1 = arith.constant 0 : i32
    return %c0_i32, %c0_i32_0 : i32, i32
  }
  func.func @transform_2(%arg0: i32) -> (i32, i32) {
    %c0_i32 = arith.constant 0 : i32
    %c0_i32_0 = arith.constant 0 : i32
    %c0_i32_1 = arith.constant 0 : i32
    return %c0_i32, %c0_i32_0 : i32, i32
  }
  func.func @transform_3(%arg0: i32) -> (i32, i32) {
    %c0_i32 = arith.constant 0 : i32
    %c0_i32_0 = arith.constant 0 : i32
    return %arg0, %c0_i32 : i32, i32
  }
}

</mosaic_0001>

<sc_bundles>
// kernel: kernel.4.cloned.1.call-start
scs
__scs_entry_jumppad:
0x0: {  	(pc) =	sbr.rel $0x88, $3  }
0x1: {  	(tag) =	ssettag $0x0;
	lr =	simm.s32 $0x1  }
0x2: {  	[smem:$0x3F9C] =	sst lr;
	_ =	strace $0xD0000000  }
0x3: {  	_ = 	snop  }
0x4: {  	_ = 	snop  }
0x5: {  	_ = 	snop  }
0x6: {  	_ = 	snop  }
0x7: {  	_ = 	snop  }
__scs_overlays_trampoline_lowered:
0x8: {  	[smem:$0x3FAB] =	sst s0  }
0x9: {  	[smem:$0x3FAC] =	sst s1  }
0xa: {  	[smem:$0x3FAD] =	sst s2  }
0xb: {  	[smem:$0x3FAE] =	sst s3  }
0xc: {  	[smem:$0x3FAF] =	sst s4  }
0xd: {  	[smem:$0x3FB0] =	sst s5  }
0xe: {  	[smem:$0x3FB1] =	sst s6  }
0xf: {  	[smem:$0x3FB2] =	sst s7  }
0x10: {  	[smem:$0x3FB3] =	sst s8  }
0x11: {  	[smem:$0x3FB4] =	sst s9;
	s0 =	simm.s32 @!p0 $0x0  }
0x12: {  	s1 =	sld [smem:$0x3F9A];
	s0 =	simm.s32 @p0 $0x1  }
0x13: {  	[smem:$0x3FB5] =	sst s0;
	s0 =	simm.s32 @!p1 $0x0  }
0x14: {  	s2 =	sld [smem:$0x3F99];
	s0 =	simm.s32 @p1 $0x1  }
0x15: {  	[smem:$0x3FB6] =	sst s0;
	s0 =	simm.s32 @!p2 $0x0  }
0x16: {  	s3 =	sld [smem:$0x3FDB];
	s0 =	simm.s32 @p2 $0x1  }
0x17: {  	s4 =	simm.s32 $0x1BF5;
	[smem:$0x3FB8] =	sst s0  }
0x18: {  	s0 =	sld [smem:$0x3F9B];
	_ =	swait.ge [sflag:s4], $0x0  }
0x19: {  	s7 =	sld [smem:$0x3F9C]  }
0x1a: {  	s8 =	sadd.s32 $0xFFFFE003, lr  }
0x1b: {  	s9 =	sadd.s32 $0xFFFFFEF7, lr;
	s5 =	simm.s32 $0xFFFFFFFF;
	p2 =	slt.u32 s8, $0xFFFFF086  }
0x1c: {  	p1 =	slt.u32 s9, $0xF7A;
	s5 =	simm.s32 @!p2 $0x0  }
0x1d: {  	s5 =	simm.s32 @p1 $0x1;
	p0 =	seq.s32 s7, s2  }
0x1e: {  	s7 =	smul.u32 @!p0 $0xF7A, s2;
	p2 =	seq.s32 @!p0 s5, $0x0  }
0x1f: {  	s9 =	smul.u32 $0xF7A, s1;
	s8 =	simm.s32 @!p0 $0x1BF5;
	p2 =	por !p2, p0  }
0x20: {  	[sflag:s8] =	ssyncset.s32 @!p0 $0xFFFFF086;
	s6 =	sadd.s32 @!p0 s3, s7;
	s7 =	simm.s32 @!p0 $0x108  }
0x21: {  	s3 =	sadd.s32 s3, s9;
	s6 =	sadd.s32 @!p0 $0x88, s6;
	s7 =	simm.s32 @p2 $0x1082  }
0x22: {  	[simem:s7], [sflag:s8] =	dma.local @!p0 [hbm:s6], $0xF7A  }
0x23: {  	s9 =	sor.u32 $0xD0000000, s2;
	s6 =	simm.s32 $0x108;
	_ =	swait.ge @!p0 [sflag:s8], $0x0  }
0x24: {  	s3 =	sadd.s32 $0x88, s3;
	s6 =	simm.s32 @!p1 $0x1082;
	[sflag:s4] =	ssyncset.s32 $0xFFFFF086  }
0x25: {  	[simem:s6], [sflag:s4] =	dma.local [hbm:s3], $0xF7A  }
0x26: {  	[smem:$0x3F9C] =	sst s1;
	(tag) =	ssettag s2;
	_ =	strace s9  }
0x27: {  	s1 =	sld [smem:$0x3FAC]  }
0x28: {  	s2 =	sld [smem:$0x3FAD]  }
0x29: {  	s4 =	sld [smem:$0x3FAF]  }
0x2a: {  	p0 =	seq.s32 s5, $0x0;
	s5 =	sld [smem:$0x3FB0]  }
0x2b: {  	s6 =	sld [smem:$0x3FB1]  }
0x2c: {  	s7 =	sld [smem:$0x3FB2]  }
0x2d: {  	s3 =	simm.s32 $0x108;
	s8 =	sld [smem:$0x3FB3]  }
0x2e: {  	s3 =	simm.s32 @!p0 $0x1082;
	s9 =	sld [smem:$0x3FB4]  }
0x2f: {  	lr =	sadd.s32 s0, s3;
	s0 =	sld [smem:$0x3FAB]  }
0x30: {  	s3 =	sld [smem:$0x3FAE]  }
0x31: {  	[smem:$0x3FB7] =	sst s10  }
0x32: {  	s10 =	sld [smem:$0x3FB5];
	_ =	sdelay $0x3  }
0x33: {  	p0 =	seq.s32 s10, $0x1;
	s10 =	sld [smem:$0x3FB7];
	_ =	sdelay $0x3  }
0x34: {  	[smem:$0x3FB7] =	sst s10  }
0x35: {  	s10 =	sld [smem:$0x3FB6];
	_ =	sdelay $0x3  }
0x36: {  	p1 =	seq.s32 s10, $0x1;
	s10 =	sld [smem:$0x3FB7];
	_ =	sdelay $0x3  }
0x37: {  	[smem:$0x3FB7] =	sst s10  }
0x38: {  	s10 =	sld [smem:$0x3FB8]  }
0x39: {  	_ = 	snop;
	(pc) =	sbr.ind lr, $3  }
0x3a: {  	_ = 	snop  }
0x3b: {  	_ = 	snop  }
0x3c: {  	p2 =	seq.s32 s10, $0x1;
	s10 =	sld [smem:$0x3FB7]  }
0x3d: {  	_ =	shalt  }
0x3e: {  	_ =	shalt  }
0x3f: {  	_ =	shalt  }
0x40: {  	_ =	shalt  }
0x41: {  	_ =	shalt  }
0x42: {  	_ =	shalt  }
0x43: {  	_ =	shalt  }
0x44: {  	_ =	shalt  }
0x45: {  	_ =	shalt  }
0x46: {  	_ =	shalt  }
0x47: {  	_ =	shalt  }
0x48: {  	_ =	shalt  }
0x49: {  	_ =	shalt  }
0x4a: {  	_ =	shalt  }
0x4b: {  	_ =	shalt  }
0x4c: {  	_ =	shalt  }
0x4d: {  	_ =	shalt  }
0x4e: {  	_ =	shalt  }
0x4f: {  	_ =	shalt  }
0x50: {  	_ =	shalt  }
0x51: {  	_ =	shalt  }
0x52: {  	_ =	shalt  }
0x53: {  	_ =	shalt  }
0x54: {  	_ =	shalt  }
0x55: {  	_ =	shalt  }
0x56: {  	_ =	shalt  }
0x57: {  	_ =	shalt  }
0x58: {  	_ =	shalt  }
0x59: {  	_ =	shalt  }
0x5a: {  	_ =	shalt  }
0x5b: {  	_ =	shalt  }
0x5c: {  	_ =	shalt  }
0x5d: {  	_ =	shalt  }
0x5e: {  	_ =	shalt  }
0x5f: {  	_ =	shalt  }
0x60: {  	_ =	shalt  }
0x61: {  	_ =	shalt  }
0x62: {  	_ =	shalt  }
0x63: {  	_ =	shalt  }
0x64: {  	_ =	shalt  }
0x65: {  	_ =	shalt  }
0x66: {  	_ =	shalt  }
0x67: {  	_ =	shalt  }
0x68: {  	_ =	shalt  }
0x69: {  	_ =	shalt  }
0x6a: {  	_ =	shalt  }
0x6b: {  	_ =	shalt  }
0x6c: {  	_ =	shalt  }
0x6d: {  	_ =	shalt  }
0x6e: {  	_ =	shalt  }
0x6f: {  	_ =	shalt  }
0x70: {  	_ =	shalt  }
0x71: {  	_ =	shalt  }
0x72: {  	_ =	shalt  }
0x73: {  	_ =	shalt  }
0x74: {  	_ =	shalt  }
0x75: {  	_ =	shalt  }
0x76: {  	_ =	shalt  }
0x77: {  	_ =	shalt  }
0x78: {  	_ =	shalt  }
0x79: {  	_ =	shalt  }
0x7a: {  	_ =	shalt  }
0x7b: {  	_ =	shalt  }
0x7c: {  	_ =	shalt  }
0x7d: {  	_ =	shalt  }
0x7e: {  	_ =	shalt  }
0x7f: {  	_ =	shalt  }
0x80: {  	_ =	shalt  }
0x81: {  	_ =	shalt  }
0x82: {  	_ =	shalt  }
0x83: {  	_ =	shalt  }
0x84: {  	_ =	shalt  }
0x85: {  	_ =	shalt  }
0x86: {  	_ =	shalt  }
0x87: {  	_ =	shalt  }
.Lfunc_end0:
.L_simem_size_0:
called_computation_lowered:
.L_overlay_start_0:
0x88: {  	s2 =	sld [smem:$0x3FD9]  }
0x89: {  	s3 =	sld [smem:$0x3FFE];
	_ =	sdelay $0x1  }
0x8a: {  	s1 =	srdreg.scid  }
0x8b: {  	s0 =	sand.u32 $0x1, s1  }
0x8c: {  	s14 =	sshll.u32 s0, $0xA;
	s2 =	sadd.s32 s3, s2  }
0x8d: {  	s2 =	sadd.s32 s2, s14  }
0x8e: {  	[smem:$0x3FC3] =	sst s2  }
0x8f: {  	_ = 	snop  }
0x90: {  	s2 =	sld [smem:$0x3FD0];
	_ =	sdelay $0x2  }
0x91: {  	s15 =	simm.s32 $0xA;
	s4 =	simm.s32 $0x10  }
0x92: {  	[smem:s4], [sflag:s15] =	dma.local [hbm:s2], $0x1  }
0x93: {  	_ =	swait.eq [sflag:s15], $0x1  }
0x94: {  	[sflag:s15] =	ssyncset.done $0x0  }
0x95: {  	s16 =	sld [smem:$0x10];
	[sflag:s15] =	ssyncadd.s32 $0xFFFFFFFF  }
0x96: {  	s17 =	sld [smem:$0x11];
	(tm) =	ssettm $0x1  }
0x97: {  	s18 =	sld [smem:$0x3FFB];
	_ =	sdelay $0x3  }
0x98: {  	_ =	strace s18  }
0x99: {  	s4 =	sld [smem:$0x3FFC];
	_ =	sdelay $0x3  }
0x9a: {  	_ =	strace s4  }
0x9b: {  	s4 =	sld [smem:$0x3FFD];
	_ =	sdelay $0x3  }
0x9c: {  	_ =	strace s4  }
0x9d: {  	_ =	strace $0x8FFFFFFF  }
0x9e: {  	s19 =	sld [smem:$0x3FDB];
	_ =	sdelay $0x1  }
0x9f: {  	s5 =	simm.s32 $_scs_section_size  }
0xa0: {  	s6 =	simm.s32 $_size__tile_overlayer_lowered;
	s7 =	simm.s32 $_tile_overlayer_lowered  }
0xa1: {  	s22 =	simm.s32 $0x1BFF;
	s21 =	sshll.u32 s7, $0x1;
	s4 =	sadd.s32 s5, s19  }
0xa2: {  	s8 =	simm.s32 $0x0;
	s20 =	sshll.u32 s6, $0x1;
	s6 =	sadd.s32 s21, s4  }
0xa3: {  	[timem:s8], [sflag:s22] =	dma.local [hbm:s6], s20  }
0xa4: {  	_ =	swait.ge [sflag:s22], s20  }
0xa5: {  	s5 =	ssub.s32 $0x0, s20;
	[sflag:s22] =	ssyncset.done $0x0  }
0xa6: {  	[sflag:s22] =	ssyncadd.s32 s5;
	_ =	sdelay $0x1  }
0xa7: {  	s23 =	simm.s32 $0x1B8B  }
0xa8: {  	_ =	swait.ge [sflag:s23], $0x1  }
0xa9: {  	[sflag:s23] =	ssyncset.done $0x0  }
0xaa: {  	s25 =	simm.s32 $0x1B8E;
	s24 =	sld [smem:$0x3FFE];
	[sflag:s23] =	ssyncadd.s32 $0xFFFFFFFF  }
0xab: {  	s26 =	simm.s32 $execute0_lowered;
	[smem:$0x3FD2] =	sst s25  }
0xac: {  	s6 =	sshll.u32 s26, $0x1;
	_ =	strace $0x80000046;
	[dreg:$0x1] =	wrdreg $0xFFFFFFFF  }
0xad: {  	s28 =	simm.s32 $_size_execute0_lowered;
	s4 =	sadd.s32 s4, s6;
	[dreg:$0x0] =	wrdreg $0x0  }
0xae: {  	s6 =	sshll.u32 s28, $0x1;
	[dreg:$0x2] =	wrdreg s4  }
0xaf: {  	[dreg:$0x3] =	wrdreg s6  }
0xb0: {  	[dreg:$0x4] =	wrdreg $0xC0  }
0xb1: {  	_ =	task [dreg:s8], $0x5FFFF  }
0xb2: {  	[dreg:$0x1] =	wrdreg $0xFFFFFFFF  }
0xb3: {  	[dreg:$0x0] =	wrdreg $0x60  }
0xb4: {  	[dreg:$0x2] =	wrdreg s24  }
0xb5: {  	[dreg:$0x3] =	wrdreg s16  }
0xb6: {  	[dreg:$0x4] =	wrdreg s17  }
0xb7: {  	[dreg:$0x5] =	wrdreg $0x83000  }
0xb8: {  	[dreg:$0x6] =	wrdreg $0x123000  }
0xb9: {  	[dreg:$0x7] =	wrdreg $0x9  }
0xba: {  	_ =	task.clear_ibuf [dreg:s8], $0x8FFFF;
	_ =	strace $0x90000046  }
0xbb: {  	s29 =	simm.s32 $0x9;
	_ =	strace $0x80000048  }
0xbc: {  	_ =	swait.ge [sflag:s29], $0x1  }
0xbd: {  	[sflag:s29] =	ssyncadd.s32 $0xFFFFFFFF  }
0xbe: {  	_ =	strace $0x90000048  }
0xbf: {  	_ =	sfence  }
0xc0: {  	s30 =	sld [smem:$0x0];
	_ =	sdelay $0x2  }
0xc1: {  	s31 =	sshll.u32 s1, $0xD;
	s1 =	sshrl.u32 s1, $0x2  }
0xc2: {  	s3 =	sand.u32 $0x4000, s31;
	s1 =	sadd.s32 s1, s30  }
0xc3: {  	s0 =	sor.u32 s3, s0;
	s1 =	sshll.u32 s1, $0x11  }
0xc4: {  	s0 =	sor.u32 s1, s0  }
0xc5: {  	s0 =	sadd.s32 $0x8F2B, s0  }
0xc6: {  	[sflag:s0] =	ssyncadd.remote.s32 $0x1  }
0xc7: {  	_ =	sfence.sel $0xFFFF  }
0xc8: {  	[dreg:$0x0] =	wrdreg $0xFFFFFFFF;
	(pc) =	sbr.abs _section_cstart, $3  }
0xc9: {  	[dreg:$0x1] =	wrdreg $0xFFFFFFFF  }
0xca: {  	_ =	task.clear_ibuf [dreg:s8], $0x2FFFF;
	_ =	strace $0x9FFFFFFF  }
0xcb: {  	(tm) =	ssettm $0x7FFFFFFF  }
tec
execute0_lowered:
.L_overlay_start_1:
0x0: {  	(tag) =	ssettag $0x1  }
0x1: {  	s1 =	rddreg [dreg:$0x0]  }
0x2: {  	s0 =	rddreg [dreg:$0x1]  }
0x3: {  	s4 =	rddreg [dreg:$0x2]  }
0x4: {  	s2 =	rddreg [dreg:$0x3]  }
0x5: {  	s3 =	rddreg [dreg:$0x4]  }
0x6: {  	s5 =	simm.s32 $0x0;
	s6 =	srdreg.scid;
	s26 =	stileid.u32  }
0x7: {  	s28 =	simm.s32 $0x300;
	s29 =	simm.s32 $0x1;
	s30 =	simm.s32 $0x80  }
0x8: {  	s31 =	simm.s32 $0x180;
	[smem:$0x7FF] =	sst s5;
	s11 =	smul.u32 $0xA000, s26  }
0x9: {  	s9 =	sand.u32 $0x1, s6;
	s6 =	sadd.s32 $0x31C00, s1;
	s22 =	smul.u32 $0x138, s26  }
0xa: {  	s7 =	sadd.s32 $0x27E00, s1;
	s8 =	sadd.s32 $0x600, s1;
	s24 =	smul.u32 $0x9C00, s26  }
0xb: {  	s25 =	ssub.s32 $0x9C3, s26;
	p0 =	seq.s32 s26, $0xF;
	s26 =	sshll.u32 s26, $0x7  }
0xc: {  	_ =	strace $0x80000047;
	s13 =	sadd.s32 $0x4000, s11;
	s14 =	sadd.s32 s11, s2  }
0xd: {  	s21 =	sadd.s32 $0x8000, s11;
	s11 =	sadd.s32 s11, s3;
	[dreg:$0x6] =	wrdreg s14  }
0xe: {  	s10 =	ssub.s32 $0x2, s9;
	s20 =	sadd.s32 s13, s2;
	[dreg:$0x9] =	wrdreg s11  }
0xf: {  	s12 =	sshrl.u32 s10, $0x1;
	s15 =	sadd.s32 s21, s2;
	[dreg:$0x7] =	wrdreg s20  }
0x10: {  	s10 =	ssub.s32 s10, s12;
	s13 =	sadd.s32 s13, s3;
	[dreg:$0x8] =	wrdreg s15  }
0x11: {  	s12 =	smul.u32 $0x1388, s9;
	s23 =	sadd.s32 s21, s3;
	[dreg:$0xa] =	wrdreg s13  }
0x12: {  	s9 =	smul.u32 $0x9C400, s9;
	[dreg:$0xb] =	wrdreg s23;
	s15 =	sshrl.u32 s25, $0x4  }
0x13: {  	s23 =	sadd.s32 s24, s2;
	s13 =	sadd.s32 s24, s3;
	s20 =	smax.u32 s10, $0x1  }
0x14: {  	s25 =	sadd.s32 $0xC00, s1;
	s11 =	sadd.s32 s22, s12;
	s9 =	sshrl.u32 s9, $0x3  }
0x15: {  	s23 =	sshrl.u32 @!p0 s23, $0x3;
	s24 =	sshrl.u32 @!p0 s13, $0x3;
	s11 =	sshll.u32 s11, $0x4  }
0x16: {  	s9 =	sadd.s32 $0x12480, s9;
	s16 =	sadd.s32 s0, s11;
	s17 =	sadd.s32 s4, s11  }
0x17: {  	s11 =	sadd.s32 $0x92400, s2;
	s18 =	sadd.s32 s0, s9;
	s19 =	sadd.s32 s4, s9  }
0x18: {  	s0 =	sadd.s32 $0x92400, s3;
	s4 =	simm.s32 $0x100;
	s9 =	simm.s32 $0x4300  }
0x19: {  	v1 =	vimm.f32 $0.0e+00;
	v0 =	vmov s12;
	s21 =	sshrl.u32 @p0 s11, $0x3;
	s22 =	sshrl.u32 @p0 s0, $0x3;
	s0 =	simm.s32 $0x200  }
.LBB2_1:
0x1a: {  	s10 =	simm.s32 $0x0;
	s11 =	simm.s32 $0x200  }
.LBB2_2:
0x1b: {  	p1 =	sne.s32 s11, $0xFE00;
	[tilespmem:s10+$0x370] =	vst v1  }
0x1c: {  	[tilespmem:s10+$0x300] =	vst v1  }
0x1d: {  	[tilespmem:s10+$0x310] =	vst v1  }
.Ltmp0:
0x1e: {  	[tilespmem:s10+$0x320] =	vst v1;
	(pc) =	sbr.rel @p1 .LBB2_2-.Ltmp0, $4  }
0x1f: {  	[tilespmem:s10+$0x330] =	vst v1  }
0x20: {  	[tilespmem:s10+$0x340] =	vst v1  }
0x21: {  	[tilespmem:s10+$0x350] =	vst v1  }
0x22: {  	[tilespmem:s10+$0x360] =	vst v1;
	s10 =	sshra.s32 s11, $0x2;
	s11 =	sadd.s32 $0x200, s11  }
0x23: {  	[tilespmem:s10+$0x370] =	vst v1  }
0x24: {  	[tilespmem:s10+$0x300] =	vst v1  }
0x25: {  	[tilespmem:s10+$0x310] =	vst v1  }
0x26: {  	[tilespmem:s10+$0x320] =	vst v1  }
0x27: {  	[tilespmem:s10+$0x330] =	vst v1  }
0x28: {  	[tilespmem:s10+$0x340] =	vst v1  }
0x29: {  	[tilespmem:s10+$0x350] =	vst v1  }
0x2a: {  	[tilespmem:s10+$0x360] =	vst v1;
	s13 =	rddreg [dreg:$0x6]  }
0x2b: {  	[spmem:s13] =	stream.linear.scatter [tilespmem:s28], [sflag:$0x1], $0x4000, $0x38;
	[tilespmem:$0x1C300] =	vst v63  }
0x2c: {  	_ =	swait.ge [sflag:s29], $0x4000  }
0x2d: {  	[sflag:s29] =	ssyncset.done $0x0  }
0x2e: {  	s14 =	rddreg [dreg:$0x7];
	[sflag:s29] =	ssyncadd.s32 $0xFFFFC000  }
0x2f: {  	[spmem:s14] =	stream.linear.scatter [tilespmem:s28], [sflag:$0x1], $0x4000, $0x38;
	[tilespmem:$0x1C300] =	vst v63  }
0x30: {  	_ =	swait.ge [sflag:s29], $0x4000  }
0x31: {  	[sflag:s29] =	ssyncset.done $0x0  }
0x32: {  	s11 =	rddreg [dreg:$0x8];
	[sflag:s29] =	ssyncadd.s32 $0xFFFFC000  }
0x33: {  	[spmem:s11] =	stream.linear.scatter [tilespmem:s28], [sflag:$0x1], $0x2000, $0x38;
	[tilespmem:$0x1C300] =	vst v63  }
0x34: {  	_ =	swait.ge [sflag:s29], $0x2000  }
0x35: {  	[sflag:s29] =	ssyncset.done $0x0  }
0x36: {  	s12 =	rddreg [dreg:$0x9];
	[sflag:s29] =	ssyncadd.s32 $0xFFFFE000  }
0x37: {  	[spmem:s12] =	stream.linear.scatter [tilespmem:s28], [sflag:$0x1], $0x4000, $0x38;
	[tilespmem:$0x1C300] =	vst v63  }
0x38: {  	_ =	swait.ge [sflag:s29], $0x4000  }
0x39: {  	[sflag:s29] =	ssyncset.done $0x0  }
0x3a: {  	s13 =	rddreg [dreg:$0xa];
	[sflag:s29] =	ssyncadd.s32 $0xFFFFC000  }
0x3b: {  	[spmem:s13] =	stream.linear.scatter [tilespmem:s28], [sflag:$0x1], $0x4000, $0x38;
	[tilespmem:$0x1C300] =	vst v63  }
0x3c: {  	_ =	swait.ge [sflag:s29], $0x4000  }
0x3d: {  	[sflag:s29] =	ssyncset.done $0x0  }
0x3e: {  	s14 =	rddreg [dreg:$0xb];
	[sflag:s29] =	ssyncadd.s32 $0xFFFFC000  }
0x3f: {  	[spmem:s14] =	stream.linear.scatter [tilespmem:s28], [sflag:$0x1], $0x2000, $0x38;
	[tilespmem:$0x1C300] =	vst v63  }
0x40: {  	_ =	swait.ge [sflag:s29], $0x2000  }
0x41: {  	[sflag:s29] =	ssyncset.done $0x0  }
0x42: {  	[sflag:s29] =	ssyncadd.s32 $0xFFFFE000  }
0x43: {  	s10 =	simm.s32 $0x0;
	s11 =	simm.s32 $0x0;
	[bflag:$0x0] =	sbarrier.arrive $0xFFFF  }
.LBB2_4:
0x44: {  	s12 =	sshll.u32 s11, $0xB  }
0x45: {  	s12 =	sor.u32 s26, s12  }
0x46: {  	s12 =	sshrl.u32 s12, $0x3  }
0x47: {  	s13 =	sadd.s32 s6, s12  }
0x48: {  	[tilespmem:s10], [sflag:$0x1] =	stream.linear.gather [hbm4b:s13+s10], $0x80, $0x38;
	[tilespmem:$0x1C300] =	vst v63  }
0x49: {  	_ =	swait.ge [sflag:s29], $0x80  }
0x4a: {  	[sflag:s29] =	ssyncset.done $0x0  }
0x4b: {  	s12 =	sadd.s32 s7, s12;
	[sflag:s29] =	ssyncadd.s32 $0xFFFFFF80  }
0x4c: {  	[tilespmem:s30], [sflag:$0x1] =	stream.linear.gather [hbm4b:s12+s10], $0x80, $0x38;
	[tilespmem:$0x1C300] =	vst v63  }
0x4d: {  	_ =	swait.ge [sflag:s29], $0x80  }
0x4e: {  	[sflag:s29] =	ssyncset.done $0x0  }
0x4f: {  	[sflag:s29] =	ssyncadd.s32 $0xFFFFFF80  }
0x50: {  	[tilespmem:s28], [sflag:$0x1] =	stream.indirect.gather [hbm4b:s25+s30], $0x80, s10, s30, $0xb8;
	[tilespmem:$0x1C300] =	vst v63  }
0x51: {  	_ =	swait.ge [sflag:s29], $0x4000  }
0x52: {  	[sflag:s29] =	ssyncset.done $0x0  }
0x53: {  	[sflag:s29] =	ssyncadd.s32 $0xFFFFC000  }
0x54: {  	[tilespmem:s31], [sflag:$0x1] =	stream.indirect.gather [hbm4b:s8+s30], $0x1, s10, s30, $0xb8;
	[tilespmem:$0x1C300] =	vst v63  }
0x55: {  	_ =	swait.ge [sflag:s29], $0x80  }
0x56: {  	[sflag:s29] =	ssyncset.done $0x0  }
0x57: {  	[sflag:s29] =	ssyncadd.s32 $0xFFFFFF80  }
0x58: {  	[tilespmem:s0], [sflag:$0x1] =	stream.indirect.gather [hbm4b:s1+s30], $0x1, s30, s30, $0xb8;
	[tilespmem:$0x1C300] =	vst v63  }
0x59: {  	_ =	swait.ge [sflag:s29], $0x80  }
0x5a: {  	[sflag:s29] =	ssyncset.done $0x0  }
0x5b: {  	[sflag:s29] =	ssyncadd.s32 $0xFFFFFF80  }
0x5c: {  	v2 =	vld [tilespmem:$0x180]  }
0x5d: {  	v3 =	vld [tilespmem:$0x200]  }
0x5e: {  	v4 =	vld [tilespmem:$0x80]  }
0x5f: {  	v5 =	vld [tilespmem:$0x190]  }
0x60: {  	v6 =	vld [tilespmem:$0x210]  }
0x61: {  	v7 =	vld [tilespmem:$0x90]  }
0x62: {  	v8 =	vld [tilespmem:$0x1A0]  }
0x63: {  	v9 =	vld [tilespmem:$0x220]  }
0x64: {  	v10 =	vld [tilespmem:$0xA0]  }
0x65: {  	v11 =	vld [tilespmem:$0x1B0]  }
0x66: {  	v12 =	vld [tilespmem:$0x230]  }
0x67: {  	v13 =	vld [tilespmem:$0x1C0]  }
0x68: {  	v43 =	vld [tilespmem:$0x240]  }
0x69: {  	v15 =	vld [tilespmem:$0xC0];
	v2 =	vadd.f32 v3, v2  }
0x6a: {  	v16 =	vld [tilespmem:$0x1D0];
	v5 =	vadd.f32 v6, v5  }
0x6b: {  	v45 =	vld [tilespmem:$0x250];
	v4 =	vsub.s32 v4, v0;
	v50 =	vsub.s32 v10, v0;
	v14 =	vmul.f32 $9.999999770e-03, v2  }
0x6c: {  	v49 =	vld [tilespmem:$0x1E0];
	v52 =	vmin.u32 v50, $0x1388;
	vm0 =	vge.f32 v2, $0.0e+00;
	v44 =	vmul.f32 $9.999999770e-03, v5  }
0x6d: {  	v3 =	vld [tilespmem:$0xB0];
	v8 =	vadd.f32 v9, v8;
	vm9 =	vge.f32 v5, $0.0e+00;
	[tilespmem:$0x120] =	vst v52;
	v2 =	vsel vm0, v2, v14  }
0x6e: {  	v51 =	vld [tilespmem:$0x260];
	v46 =	vsub.s32 v7, v0;
	v11 =	vadd.f32 v12, v11;
	v5 =	vsel vm9, v5, v44;
	[tilespmem:$0x280] =	vst v2  }
0x6f: {  	v47 =	vld [tilespmem:$0xD0];
	v6 =	vadd.f32 v43, v13;
	v48 =	vmul.f32 $9.999999770e-03, v8;
	v2 =	vmin.u32 v4, $0x1388;
	[tilespmem:$0x290] =	vst v5  }
0x70: {  	v54 =	vld [tilespmem:$0x1F0];
	vm10 =	vge.f32 v8, $0.0e+00;
	v53 =	vmul.f32 $9.999999770e-03, v11;
	[tilespmem:$0x100] =	vst v2;
	v2 =	vmin.u32 v46, $0x1388  }
0x71: {  	v55 =	vld [tilespmem:$0x270];
	v9 =	vadd.f32 v45, v16;
	vm11 =	vge.f32 v11, $0.0e+00;
	[tilespmem:$0x110] =	vst v2;
	v2 =	vsel vm10, v8, v48  }
0x72: {  	v5 =	vsel vm11, v11, v53;
	v3 =	vsub.s32 v3, v0;
	[tilespmem:$0x2A0] =	vst v2;
	v2 =	vmul.f32 $9.999999770e-03, v6  }
0x73: {  	v57 =	vld [tilespmem:$0xE0];
	v58 =	vadd.f32 v51, v49;
	vm12 =	vge.f32 v6, $0.0e+00;
	[tilespmem:$0x2B0] =	vst v5;
	v3 =	vmin.u32 v3, $0x1388  }
0x74: {  	v56 =	vmul.f32 $9.999999770e-03, v9;
	[tilespmem:$0x130] =	vst v3;
	v3 =	vsub.s32 v15, v0;
	v2 =	vsel vm12, v6, v2  }
0x75: {  	v59 =	vld [tilespmem:$0xF0];
	vm13 =	vge.f32 v9, $0.0e+00;
	v60 =	vmul.f32 $9.999999770e-03, v58;
	[tilespmem:$0x2C0] =	vst v2;
	v2 =	vmin.u32 v3, $0x1388  }
0x76: {  	v8 =	vadd.f32 v55, v54;
	v3 =	vsel vm13, v9, v56;
	[tilespmem:$0x140] =	vst v2;
	v2 =	vsub.s32 v47, v0  }
0x77: {  	vm14 =	vge.f32 v58, $0.0e+00;
	[tilespmem:$0x2D0] =	vst v3;
	v2 =	vmin.u32 v2, $0x1388  }
0x78: {  	v61 =	vmul.f32 $9.999999770e-03, v8;
	v3 =	vsub.s32 v57, v0;
	[tilespmem:$0x150] =	vst v2;
	v2 =	vsel vm14, v58, v60  }
0x79: {  	vm15 =	vge.f32 v8, $0.0e+00;
	[tilespmem:$0x2E0] =	vst v2;
	v2 =	vmin.u32 v3, $0x1388  }
0x7a: {  	v3 =	vsub.s32 v59, v0;
	[tilespmem:$0x160] =	vst v2;
	v2 =	vsel vm15, v8, v61  }
0x7b: {  	s14 =	simm.s32 $0x0;
	[tilespmem:$0x2F0] =	vst v2;
	v2 =	vmin.u32 v3, $0x1388  }
0x7c: {  	s12 =	sand.u32 $0x3FFFFFF0, s14;
	[tilespmem:$0x170] =	vst v2  }
0x7d: {  	v2 =	vld [tilespmem:s12+$0x280]  }
0x7e: {  	s12 =	simm.s32 $0x0  }
0x7f: {  	v3 =	vld [tilespmem:s12+$0x300]  }
0x80: {  	v62 =	vld [tilespmem:s12+$0x310]  }
0x81: {  	v9 =	vld [tilespmem:s12+$0x320]  }
0x82: {  	v63 =	vbroadcast v2, $0x0  }
0x83: {  	v10 =	vld [tilespmem:s12+$0x330]  }
0x84: {  	v13 =	vld [tilespmem:s12+$0x370];
	v3 =	vmul.f32 v63, v3  }
0x85: {  	v4 =	vmul.f32 v62, v63  }
0x86: {  	v6 =	vmul.f32 v9, v63;
	[tilespmem:s12+$0x300] =	vst v3  }
0x87: {  	[tilespmem:s12+$0x310] =	vst v4  }
0x88: {  	v7 =	vmul.f32 v10, v63;
	v3 =	vand.u32 $0x7FFFFFFF, v3;
	[tilespmem:s12+$0x320] =	vst v6  }
0x89: {  	v5 =	vmul.f32 v13, v63;
	[tilespmem:s12+$0x4300] =	vst v3;
	v3 =	vld [tilespmem:s12+$0x340]  }
0x8a: {  	[tilespmem:s12+$0x330] =	vst v7  }
0x8b: {  	v11 =	vld [tilespmem:s12+$0x350];
	v4 =	vand.u32 $0x7FFFFFFF, v4;
	[tilespmem:s12+$0x370] =	vst v5  }
0x8c: {  	v12 =	vld [tilespmem:s12+$0x360];
	v6 =	vand.u32 $0x7FFFFFFF, v6;
	[tilespmem:s12+$0x4310] =	vst v4  }
0x8d: {  	v16 =	vld [tilespmem:s12+$0x3A0];
	v7 =	vand.u32 $0x7FFFFFFF, v7;
	[tilespmem:s12+$0x4320] =	vst v6  }
0x8e: {  	v17 =	vld [tilespmem:s12+$0x3B0];
	v5 =	vand.u32 $0x7FFFFFFF, v5;
	[tilespmem:s12+$0x4330] =	vst v7;
	v3 =	vmul.f32 v3, v63  }
0x8f: {  	[tilespmem:s12+$0x4370] =	vst v5  }
0x90: {  	v15 =	vbroadcast v2, $0x1;
	v4 =	vmul.f32 v11, v63;
	[tilespmem:s12+$0x340] =	vst v3;
	v3 =	vand.u32 $0x7FFFFFFF, v3  }
0x91: {  	v6 =	vmul.f32 v12, v63;
	[tilespmem:s12+$0x4340] =	vst v3;
	v3 =	vld [tilespmem:s12+$0x380]  }
0x92: {  	v7 =	vmul.f32 v16, v15;
	[tilespmem:s12+$0x350] =	vst v4  }
0x93: {  	v5 =	vmul.f32 v17, v15;
	[tilespmem:s12+$0x360] =	vst v6  }
0x94: {  	[tilespmem:s12+$0x3A0] =	vst v7  }
0x95: {  	v14 =	vld [tilespmem:s12+$0x390];
	v4 =	vand.u32 $0x7FFFFFFF, v4;
	[tilespmem:s12+$0x3B0] =	vst v5  }
0x96: {  	v19 =	vld [tilespmem:s12+$0x3E0];
	v6 =	vand.u32 $0x7FFFFFFF, v6;
	[tilespmem:s12+$0x4350] =	vst v4;
	v3 =	vmul.f32 v3, v15  }
0x97: {  	v20 =	vld [tilespmem:s12+$0x3F0];
	[tilespmem:s12+$0x4360] =	vst v6  }
0x98: {  	[tilespmem:s12+$0x380] =	vst v3;
	v3 =	vand.u32 $0x7FFFFFFF, v3  }
0x99: {  	v7 =	vand.u32 $0x7FFFFFFF, v7;
	[tilespmem:s12+$0x4380] =	vst v3;
	v3 =	vld [tilespmem:s12+$0x3C0]  }
0x9a: {  	v5 =	vand.u32 $0x7FFFFFFF, v5;
	v4 =	vmul.f32 v14, v15;
	[tilespmem:s12+$0x43A0] =	vst v7  }
0x9b: {  	[tilespmem:s12+$0x43B0] =	vst v5;
	v7 =	vmul.f32 v19, v15  }
0x9c: {  	v5 =	vmul.f32 v20, v15;
	[tilespmem:s12+$0x390] =	vst v4  }
0x9d: {  	v18 =	vld [tilespmem:s12+$0x3D0];
	[tilespmem:s12+$0x3E0] =	vst v7  }
0x9e: {  	v23 =	vld [tilespmem:s12+$0x420];
	v4 =	vand.u32 $0x7FFFFFFF, v4;
	[tilespmem:s12+$0x3F0] =	vst v5;
	v3 =	vmul.f32 v3, v15  }
0x9f: {  	v24 =	vld [tilespmem:s12+$0x430];
	[tilespmem:s12+$0x4390] =	vst v4  }
0xa0: {  	[tilespmem:s12+$0x3C0] =	vst v3;
	v3 =	vand.u32 $0x7FFFFFFF, v3  }
0xa1: {  	v22 =	vbroadcast v2, $0x2;
	v7 =	vand.u32 $0x7FFFFFFF, v7;
	[tilespmem:s12+$0x43C0] =	vst v3;
	v3 =	vld [tilespmem:s12+$0x400]  }
0xa2: {  	v5 =	vand.u32 $0x7FFFFFFF, v5;
	v4 =	vmul.f32 v18, v15;
	[tilespmem:s12+$0x43E0] =	vst v7  }
0xa3: {  	[tilespmem:s12+$0x43F0] =	vst v5;
	v7 =	vmul.f32 v23, v22  }
0xa4: {  	v5 =	vmul.f32 v24, v22;
	[tilespmem:s12+$0x3D0] =	vst v4  }
0xa5: {  	v21 =	vld [tilespmem:s12+$0x410];
	[tilespmem:s12+$0x420] =	vst v7  }
0xa6: {  	v26 =	vld [tilespmem:s12+$0x460];
	v4 =	vand.u32 $0x7FFFFFFF, v4;
	[tilespmem:s12+$0x430] =	vst v5;
	v3 =	vmul.f32 v3, v22  }
0xa7: {  	v27 =	vld [tilespmem:s12+$0x470];
	[tilespmem:s12+$0x43D0] =	vst v4  }
0xa8: {  	[tilespmem:s12+$0x400] =	vst v3;
	v3 =	vand.u32 $0x7FFFFFFF, v3  }
0xa9: {  	v7 =	vand.u32 $0x7FFFFFFF, v7;
	[tilespmem:s12+$0x4400] =	vst v3;
	v3 =	vld [tilespmem:s12+$0x440]  }
0xaa: {  	v5 =	vand.u32 $0x7FFFFFFF, v5;
	v4 =	vmul.f32 v21, v22;
	[tilespmem:s12+$0x4420] =	vst v7  }
0xab: {  	[tilespmem:s12+$0x4430] =	vst v5;
	v7 =	vmul.f32 v26, v22  }
0xac: {  	v5 =	vmul.f32 v27, v22;
	[tilespmem:s12+$0x410] =	vst v4  }
0xad: {  	v25 =	vld [tilespmem:s12+$0x450];
	[tilespmem:s12+$0x460] =	vst v7  }
0xae: {  	v30 =	vld [tilespmem:s12+$0x4A0];
	v4 =	vand.u32 $0x7FFFFFFF, v4;
	[tilespmem:s12+$0x470] =	vst v5;
	v3 =	vmul.f32 v3, v22  }
0xaf: {  	v31 =	vld [tilespmem:s12+$0x4B0];
	[tilespmem:s12+$0x4410] =	vst v4  }
0xb0: {  	[tilespmem:s12+$0x440] =	vst v3;
	v3 =	vand.u32 $0x7FFFFFFF, v3  }
0xb1: {  	v29 =	vbroadcast v2, $0x3;
	v7 =	vand.u32 $0x7FFFFFFF, v7;
	[tilespmem:s12+$0x4440] =	vst v3;
	v3 =	vld [tilespmem:s12+$0x480]  }
0xb2: {  	v5 =	vand.u32 $0x7FFFFFFF, v5;
	v4 =	vmul.f32 v25, v22;
	[tilespmem:s12+$0x4460] =	vst v7  }
0xb3: {  	[tilespmem:s12+$0x4470] =	vst v5;
	v7 =	vmul.f32 v30, v29  }
0xb4: {  	v5 =	vmul.f32 v31, v29;
	[tilespmem:s12+$0x450] =	vst v4  }
0xb5: {  	v28 =	vld [tilespmem:s12+$0x490];
	[tilespmem:s12+$0x4A0] =	vst v7  }
0xb6: {  	v33 =	vld [tilespmem:s12+$0x4E0];
	v4 =	vand.u32 $0x7FFFFFFF, v4;
	[tilespmem:s12+$0x4B0] =	vst v5;
	v3 =	vmul.f32 v3, v29  }
0xb7: {  	v34 =	vld [tilespmem:s12+$0x4F0];
	[tilespmem:s12+$0x4450] =	vst v4  }
0xb8: {  	[tilespmem:s12+$0x480] =	vst v3;
	v3 =	vand.u32 $0x7FFFFFFF, v3  }
0xb9: {  	v7 =	vand.u32 $0x7FFFFFFF, v7;
	[tilespmem:s12+$0x4480] =	vst v3;
	v3 =	vld [tilespmem:s12+$0x4C0]  }
0xba: {  	v5 =	vand.u32 $0x7FFFFFFF, v5;
	v4 =	vmul.f32 v28, v29;
	[tilespmem:s12+$0x44A0] =	vst v7  }
0xbb: {  	[tilespmem:s12+$0x44B0] =	vst v5;
	v7 =	vmul.f32 v33, v29  }
0xbc: {  	v5 =	vmul.f32 v34, v29;
	[tilespmem:s12+$0x490] =	vst v4  }
0xbd: {  	v32 =	vld [tilespmem:s12+$0x4D0];
	[tilespmem:s12+$0x4E0] =	vst v7  }
0xbe: {  	v37 =	vld [tilespmem:s12+$0x520];
	v4 =	vand.u32 $0x7FFFFFFF, v4;
	[tilespmem:s12+$0x4F0] =	vst v5;
	v3 =	vmul.f32 v3, v29  }
0xbf: {  	v38 =	vld [tilespmem:s12+$0x530];
	[tilespmem:s12+$0x4490] =	vst v4  }
0xc0: {  	[tilespmem:s12+$0x4C0] =	vst v3;
	v3 =	vand.u32 $0x7FFFFFFF, v3  }
0xc1: {  	v36 =	vbroadcast v2, $0x4;
	v7 =	vand.u32 $0x7FFFFFFF, v7;
	[tilespmem:s12+$0x44C0] =	vst v3;
	v3 =	vld [tilespmem:s12+$0x500]  }
0xc2: {  	v5 =	vand.u32 $0x7FFFFFFF, v5;
	v4 =	vmul.f32 v32, v29;
	[tilespmem:s12+$0x44E0] =	vst v7  }
0xc3: {  	[tilespmem:s12+$0x44F0] =	vst v5;
	v7 =	vmul.f32 v37, v36  }
0xc4: {  	v5 =	vmul.f32 v38, v36;
	[tilespmem:s12+$0x4D0] =	vst v4  }
0xc5: {  	v35 =	vld [tilespmem:s12+$0x510];
	[tilespmem:s12+$0x520] =	vst v7  }
0xc6: {  	v40 =	vld [tilespmem:s12+$0x560];
	v4 =	vand.u32 $0x7FFFFFFF, v4;
	[tilespmem:s12+$0x530] =	vst v5;
	v3 =	vmul.f32 v3, v36  }
0xc7: {  	v41 =	vld [tilespmem:s12+$0x570];
	[tilespmem:s12+$0x44D0] =	vst v4  }
0xc8: {  	[tilespmem:s12+$0x500] =	vst v3;
	v3 =	vand.u32 $0x7FFFFFFF, v3  }
0xc9: {  	v7 =	vand.u32 $0x7FFFFFFF, v7;
	[tilespmem:s12+$0x4500] =	vst v3;
	v3 =	vld [tilespmem:s12+$0x540]  }
0xca: {  	v5 =	vand.u32 $0x7FFFFFFF, v5;
	v4 =	vmul.f32 v35, v36;
	[tilespmem:s12+$0x4520] =	vst v7  }
0xcb: {  	[tilespmem:s12+$0x4530] =	vst v5;
	v7 =	vmul.f32 v40, v36  }
0xcc: {  	v5 =	vmul.f32 v41, v36;
	[tilespmem:s12+$0x510] =	vst v4  }
0xcd: {  	v39 =	vld [tilespmem:s12+$0x550];
	[tilespmem:s12+$0x560] =	vst v7  }
0xce: {  	v44 =	vld [tilespmem:s12+$0x5A0];
	v4 =	vand.u32 $0x7FFFFFFF, v4;
	[tilespmem:s12+$0x570] =	vst v5;
	v3 =	vmul.f32 v3, v36  }
0xcf: {  	v45 =	vld [tilespmem:s12+$0x5B0];
	[tilespmem:s12+$0x4510] =	vst v4  }
0xd0: {  	[tilespmem:s12+$0x540] =	vst v3;
	v3 =	vand.u32 $0x7FFFFFFF, v3  }
0xd1: {  	v43 =	vbroadcast v2, $0x5;
	v7 =	vand.u32 $0x7FFFFFFF, v7;
	[tilespmem:s12+$0x4540] =	vst v3;
	v3 =	vld [tilespmem:s12+$0x580]  }
0xd2: {  	v5 =	vand.u32 $0x7FFFFFFF, v5;
	v4 =	vmul.f32 v39, v36;
	[tilespmem:s12+$0x4560] =	vst v7  }
0xd3: {  	[tilespmem:s12+$0x4570] =	vst v5;
	v7 =	vmul.f32 v44, v43  }
0xd4: {  	v5 =	vmul.f32 v45, v43;
	[tilespmem:s12+$0x550] =	vst v4  }
0xd5: {  	v42 =	vld [tilespmem:s12+$0x590];
	[tilespmem:s12+$0x5A0] =	vst v7  }
0xd6: {  	v47 =	vld [tilespmem:s12+$0x5E0];
	v4 =	vand.u32 $0x7FFFFFFF, v4;
	[tilespmem:s12+$0x5B0] =	vst v5;
	v3 =	vmul.f32 v3, v43  }
0xd7: {  	v48 =	vld [tilespmem:s12+$0x5F0];
	[tilespmem:s12+$0x4550] =	vst v4  }
0xd8: {  	[tilespmem:s12+$0x580] =	vst v3;
	v3 =	vand.u32 $0x7FFFFFFF, v3  }
0xd9: {  	v7 =	vand.u32 $0x7FFFFFFF, v7;
	[tilespmem:s12+$0x4580] =	vst v3;
	v3 =	vld [tilespmem:s12+$0x5C0]  }
0xda: {  	v5 =	vand.u32 $0x7FFFFFFF, v5;
	v4 =	vmul.f32 v42, v43;
	[tilespmem:s12+$0x45A0] =	vst v7  }
0xdb: {  	[tilespmem:s12+$0x45B0] =	vst v5;
	v7 =	vmul.f32 v47, v43  }
0xdc: {  	v5 =	vmul.f32 v48, v43;
	[tilespmem:s12+$0x590] =	vst v4  }
0xdd: {  	v46 =	vld [tilespmem:s12+$0x5D0];
	[tilespmem:s12+$0x5E0] =	vst v7  }
0xde: {  	v51 =	vld [tilespmem:s12+$0x620];
	v4 =	vand.u32 $0x7FFFFFFF, v4;
	[tilespmem:s12+$0x5F0] =	vst v5;
	v3 =	vmul.f32 v3, v43  }
0xdf: {  	v52 =	vld [tilespmem:s12+$0x630];
	[tilespmem:s12+$0x4590] =	vst v4  }
0xe0: {  	[tilespmem:s12+$0x5C0] =	vst v3;
	v3 =	vand.u32 $0x7FFFFFFF, v3  }
0xe1: {  	v50 =	vbroadcast v2, $0x6;
	v7 =	vand.u32 $0x7FFFFFFF, v7;
	[tilespmem:s12+$0x45C0] =	vst v3;
	v3 =	vld [tilespmem:s12+$0x600]  }
0xe2: {  	v5 =	vand.u32 $0x7FFFFFFF, v5;
	v4 =	vmul.f32 v46, v43;
	[tilespmem:s12+$0x45E0] =	vst v7  }
0xe3: {  	[tilespmem:s12+$0x45F0] =	vst v5;
	v7 =	vmul.f32 v51, v50  }
0xe4: {  	v5 =	vmul.f32 v52, v50;
	[tilespmem:s12+$0x5D0] =	vst v4  }
0xe5: {  	v49 =	vld [tilespmem:s12+$0x610];
	[tilespmem:s12+$0x620] =	vst v7  }
0xe6: {  	v54 =	vld [tilespmem:s12+$0x660];
	v4 =	vand.u32 $0x7FFFFFFF, v4;
	[tilespmem:s12+$0x630] =	vst v5;
	v3 =	vmul.f32 v3, v50  }
0xe7: {  	v55 =	vld [tilespmem:s12+$0x670];
	[tilespmem:s12+$0x45D0] =	vst v4  }
0xe8: {  	[tilespmem:s12+$0x600] =	vst v3;
	v3 =	vand.u32 $0x7FFFFFFF, v3  }
0xe9: {  	v7 =	vand.u32 $0x7FFFFFFF, v7;
	[tilespmem:s12+$0x4600] =	vst v3;
	v3 =	vld [tilespmem:s12+$0x640]  }
0xea: {  	v5 =	vand.u32 $0x7FFFFFFF, v5;
	v4 =	vmul.f32 v49, v50;
	[tilespmem:s12+$0x4620] =	vst v7  }
0xeb: {  	[tilespmem:s12+$0x4630] =	vst v5;
	v7 =	vmul.f32 v54, v50  }
0xec: {  	v5 =	vmul.f32 v55, v50;
	[tilespmem:s12+$0x610] =	vst v4  }
0xed: {  	v53 =	vld [tilespmem:s12+$0x650];
	[tilespmem:s12+$0x660] =	vst v7  }
0xee: {  	v58 =	vld [tilespmem:s12+$0x6A0];
	v4 =	vand.u32 $0x7FFFFFFF, v4;
	[tilespmem:s12+$0x670] =	vst v5;
	v3 =	vmul.f32 v3, v50  }
0xef: {  	v59 =	vld [tilespmem:s12+$0x6B0];
	[tilespmem:s12+$0x4610] =	vst v4  }
0xf0: {  	[tilespmem:s12+$0x640] =	vst v3;
	v3 =	vand.u32 $0x7FFFFFFF, v3  }
0xf1: {  	v57 =	vbroadcast v2, $0x7;
	v7 =	vand.u32 $0x7FFFFFFF, v7;
	[tilespmem:s12+$0x4640] =	vst v3;
	v3 =	vld [tilespmem:s12+$0x680]  }
0xf2: {  	v5 =	vand.u32 $0x7FFFFFFF, v5;
	v4 =	vmul.f32 v53, v50;
	[tilespmem:s12+$0x4660] =	vst v7  }
0xf3: {  	[tilespmem:s12+$0x4670] =	vst v5;
	v7 =	vmul.f32 v58, v57  }
0xf4: {  	v5 =	vmul.f32 v59, v57;
	[tilespmem:s12+$0x650] =	vst v4  }
0xf5: {  	v56 =	vld [tilespmem:s12+$0x690];
	[tilespmem:s12+$0x6A0] =	vst v7  }
0xf6: {  	v61 =	vld [tilespmem:s12+$0x6E0];
	v4 =	vand.u32 $0x7FFFFFFF, v4;
	[tilespmem:s12+$0x6B0] =	vst v5;
	v3 =	vmul.f32 v3, v57  }
0xf7: {  	v62 =	vld [tilespmem:s12+$0x6F0];
	[tilespmem:s12+$0x4650] =	vst v4  }
0xf8: {  	[tilespmem:s12+$0x680] =	vst v3;
	v3 =	vand.u32 $0x7FFFFFFF, v3  }
0xf9: {  	v7 =	vand.u32 $0x7FFFFFFF, v7;
	[tilespmem:s12+$0x4680] =	vst v3;
	v3 =	vld [tilespmem:s12+$0x6C0]  }
0xfa: {  	v5 =	vand.u32 $0x7FFFFFFF, v5;
	v4 =	vmul.f32 v56, v57;
	[tilespmem:s12+$0x46A0] =	vst v7  }
0xfb: {  	[tilespmem:s12+$0x46B0] =	vst v5;
	v7 =	vmul.f32 v61, v57  }
0xfc: {  	v5 =	vmul.f32 v62, v57;
	[tilespmem:s12+$0x690] =	vst v4  }
0xfd: {  	v60 =	vld [tilespmem:s12+$0x6D0];
	[tilespmem:s12+$0x6E0] =	vst v7  }
0xfe: {  	v10 =	vld [tilespmem:s12+$0x720];
	v4 =	vand.u32 $0x7FFFFFFF, v4;
	[tilespmem:s12+$0x6F0] =	vst v5;
	v3 =	vmul.f32 v3, v57  }
0xff: {  	v11 =	vld [tilespmem:s12+$0x730];
	[tilespmem:s12+$0x4690] =	vst v4  }
0x100: {  	[tilespmem:s12+$0x6C0] =	vst v3;
	v3 =	vand.u32 $0x7FFFFFFF, v3  }
0x101: {  	v9 =	vbroadcast v2, $0x8;
	v7 =	vand.u32 $0x7FFFFFFF, v7;
	[tilespmem:s12+$0x46C0] =	vst v3;
	v3 =	vld [tilespmem:s12+$0x700]  }
0x102: {  	v5 =	vand.u32 $0x7FFFFFFF, v5;
	v4 =	vmul.f32 v60, v57;
	[tilespmem:s12+$0x46E0] =	vst v7  }
0x103: {  	[tilespmem:s12+$0x46F0] =	vst v5;
	v7 =	vmul.f32 v10, v9  }
0x104: {  	v5 =	vmul.f32 v11, v9;
	[tilespmem:s12+$0x6D0] =	vst v4  }
0x105: {  	v63 =	vld [tilespmem:s12+$0x710];
	[tilespmem:s12+$0x720] =	vst v7  }
0x106: {  	v13 =	vld [tilespmem:s12+$0x760];
	v4 =	vand.u32 $0x7FFFFFFF, v4;
	[tilespmem:s12+$0x730] =	vst v5;
	v3 =	vmul.f32 v3, v9  }
0x107: {  	v14 =	vld [tilespmem:s12+$0x770];
	[tilespmem:s12+$0x46D0] =	vst v4  }
0x108: {  	[tilespmem:s12+$0x700] =	vst v3;
	v3 =	vand.u32 $0x7FFFFFFF, v3  }
0x109: {  	v7 =	vand.u32 $0x7FFFFFFF, v7;
	[tilespmem:s12+$0x4700] =	vst v3;
	v3 =	vld [tilespmem:s12+$0x740]  }
0x10a: {  	v5 =	vand.u32 $0x7FFFFFFF, v5;
	v4 =	vmul.f32 v63, v9;
	[tilespmem:s12+$0x4720] =	vst v7  }
0x10b: {  	[tilespmem:s12+$0x4730] =	vst v5;
	v7 =	vmul.f32 v13, v9  }
0x10c: {  	v5 =	vmul.f32 v14, v9;
	[tilespmem:s12+$0x710] =	vst v4  }
0x10d: {  	v12 =	vld [tilespmem:s12+$0x750];
	[tilespmem:s12+$0x760] =	vst v7  }
0x10e: {  	v17 =	vld [tilespmem:s12+$0x7A0];
	v4 =	vand.u32 $0x7FFFFFFF, v4;
	[tilespmem:s12+$0x770] =	vst v5;
	v3 =	vmul.f32 v3, v9  }
0x10f: {  	v18 =	vld [tilespmem:s12+$0x7B0];
	[tilespmem:s12+$0x4710] =	vst v4  }
0x110: {  	[tilespmem:s12+$0x740] =	vst v3;
	v3 =	vand.u32 $0x7FFFFFFF, v3  }
0x111: {  	v16 =	vbroadcast v2, $0x9;
	v7 =	vand.u32 $0x7FFFFFFF, v7;
	[tilespmem:s12+$0x4740] =	vst v3;
	v3 =	vld [tilespmem:s12+$0x780]  }
0x112: {  	v5 =	vand.u32 $0x7FFFFFFF, v5;
	v4 =	vmul.f32 v12, v9;
	[tilespmem:s12+$0x4760] =	vst v7  }
0x113: {  	[tilespmem:s12+$0x4770] =	vst v5;
	v7 =	vmul.f32 v17, v16  }
0x114: {  	v15 =	vld [tilespmem:s12+$0x790];
	v5 =	vmul.f32 v18, v16;
	[tilespmem:s12+$0x750] =	vst v4  }
0x115: {  	[tilespmem:s12+$0x7A0] =	vst v7  }
0x116: {  	v4 =	vand.u32 $0x7FFFFFFF, v4;
	[tilespmem:s12+$0x7B0] =	vst v5;
	v3 =	vmul.f32 v3, v16  }
0x117: {  	v19 =	vld [tilespmem:s12+$0x7D0];
	[tilespmem:s12+$0x4750] =	vst v4  }
0x118: {  	v20 =	vld [tilespmem:s12+$0x7E0];
	[tilespmem:s12+$0x780] =	vst v3;
	v3 =	vand.u32 $0x7FFFFFFF, v3  }
0x119: {  	v7 =	vand.u32 $0x7FFFFFFF, v7;
	v4 =	vmul.f32 v15, v16;
	[tilespmem:s12+$0x4780] =	vst v3;
	v3 =	vld [tilespmem:s12+$0x7C0]  }
0x11a: {  	[tilespmem:s12+$0x47A0] =	vst v7  }
0x11b: {  	[tilespmem:s12+$0x790] =	vst v4;
	v4 =	vand.u32 $0x7FFFFFFF, v4  }
0x11c: {  	v5 =	vand.u32 $0x7FFFFFFF, v5;
	[tilespmem:s12+$0x4790] =	vst v4;
	v4 =	vmul.f32 v19, v16  }
0x11d: {  	v21 =	vld [tilespmem:s12+$0x7F0];
	[tilespmem:s12+$0x47B0] =	vst v5;
	v7 =	vmul.f32 v20, v16  }
0x11e: {  	[tilespmem:s12+$0x7D0] =	vst v4;
	v3 =	vmul.f32 v3, v16  }
0x11f: {  	v22 =	vld [tilespmem:s12+$0x810];
	[tilespmem:s12+$0x7E0] =	vst v7  }
0x120: {  	[tilespmem:s12+$0x7C0] =	vst v3;
	v3 =	vand.u32 $0x7FFFFFFF, v3  }
0x121: {  	v4 =	vand.u32 $0x7FFFFFFF, v4;
	[tilespmem:s12+$0x47C0] =	vst v3;
	v3 =	vld [tilespmem:s12+$0x800]  }
0x122: {  	v23 =	vbroadcast v2, $0xA;
	v5 =	vmul.f32 v21, v16;
	v7 =	vand.u32 $0x7FFFFFFF, v7;
	[tilespmem:s12+$0x47D0] =	vst v4  }
0x123: {  	[tilespmem:s12+$0x47E0] =	vst v7;
	v24 =	vld [tilespmem:s12+$0x820]  }
0x124: {  	[tilespmem:s12+$0x7F0] =	vst v5;
	v5 =	vand.u32 $0x7FFFFFFF, v5;
	v4 =	vmul.f32 v22, v23  }
0x125: {  	v25 =	vld [tilespmem:s12+$0x830];
	[tilespmem:s12+$0x47F0] =	vst v5  }
0x126: {  	v26 =	vld [tilespmem:s12+$0x850];
	[tilespmem:s12+$0x810] =	vst v4;
	v4 =	vand.u32 $0x7FFFFFFF, v4;
	v3 =	vmul.f32 v3, v23  }
0x127: {  	[tilespmem:s12+$0x4810] =	vst v4  }
0x128: {  	v7 =	vmul.f32 v24, v23;
	[tilespmem:s12+$0x800] =	vst v3;
	v3 =	vand.u32 $0x7FFFFFFF, v3  }
0x129: {  	[tilespmem:s12+$0x4800] =	vst v3;
	v3 =	vld [tilespmem:s12+$0x840]  }
0x12a: {  	v5 =	vmul.f32 v25, v23;
	[tilespmem:s12+$0x820] =	vst v7;
	v7 =	vand.u32 $0x7FFFFFFF, v7  }
0x12b: {  	v4 =	vmul.f32 v26, v23;
	[tilespmem:s12+$0x4820] =	vst v7;
	v27 =	vld [tilespmem:s12+$0x860]  }
0x12c: {  	[tilespmem:s12+$0x830] =	vst v5  }
0x12d: {  	v5 =	vand.u32 $0x7FFFFFFF, v5;
	v28 =	vld [tilespmem:s12+$0x870];
	[tilespmem:s12+$0x850] =	vst v4  }
0x12e: {  	v4 =	vand.u32 $0x7FFFFFFF, v4;
	v29 =	vld [tilespmem:s12+$0x890];
	[tilespmem:s12+$0x4830] =	vst v5;
	v3 =	vmul.f32 v3, v23  }
0x12f: {  	[tilespmem:s12+$0x4850] =	vst v4  }
0x130: {  	v7 =	vmul.f32 v27, v23;
	[tilespmem:s12+$0x840] =	vst v3;
	v3 =	vand.u32 $0x7FFFFFFF, v3  }
0x131: {  	v30 =	vbroadcast v2, $0xB;
	[tilespmem:s12+$0x4840] =	vst v3;
	v3 =	vld [tilespmem:s12+$0x880]  }
0x132: {  	v5 =	vmul.f32 v28, v23;
	[tilespmem:s12+$0x860] =	vst v7;
	v7 =	vand.u32 $0x7FFFFFFF, v7  }
0x133: {  	v4 =	vmul.f32 v29, v30;
	[tilespmem:s12+$0x4860] =	vst v7;
	v31 =	vld [tilespmem:s12+$0x8A0]  }
0x134: {  	[tilespmem:s12+$0x870] =	vst v5  }
0x135: {  	v5 =	vand.u32 $0x7FFFFFFF, v5;
	v32 =	vld [tilespmem:s12+$0x8B0];
	[tilespmem:s12+$0x890] =	vst v4  }
0x136: {  	v4 =	vand.u32 $0x7FFFFFFF, v4;
	v33 =	vld [tilespmem:s12+$0x8D0];
	[tilespmem:s12+$0x4870] =	vst v5;
	v3 =	vmul.f32 v3, v30  }
0x137: {  	[tilespmem:s12+$0x4890] =	vst v4  }
0x138: {  	v7 =	vmul.f32 v31, v30;
	[tilespmem:s12+$0x880] =	vst v3;
	v3 =	vand.u32 $0x7FFFFFFF, v3  }
0x139: {  	[tilespmem:s12+$0x4880] =	vst v3;
	v3 =	vld [tilespmem:s12+$0x8C0]  }
0x13a: {  	v5 =	vmul.f32 v32, v30;
	[tilespmem:s12+$0x8A0] =	vst v7;
	v7 =	vand.u32 $0x7FFFFFFF, v7  }
0x13b: {  	v4 =	vmul.f32 v33, v30;
	[tilespmem:s12+$0x48A0] =	vst v7;
	v34 =	vld [tilespmem:s12+$0x8E0]  }
0x13c: {  	[tilespmem:s12+$0x8B0] =	vst v5  }
0x13d: {  	v5 =	vand.u32 $0x7FFFFFFF, v5;
	v35 =	vld [tilespmem:s12+$0x8F0];
	[tilespmem:s12+$0x8D0] =	vst v4  }
0x13e: {  	v4 =	vand.u32 $0x7FFFFFFF, v4;
	v36 =	vld [tilespmem:s12+$0x910];
	[tilespmem:s12+$0x48B0] =	vst v5;
	v3 =	vmul.f32 v3, v30  }
0x13f: {  	[tilespmem:s12+$0x48D0] =	vst v4  }
0x140: {  	v7 =	vmul.f32 v34, v30;
	[tilespmem:s12+$0x8C0] =	vst v3;
	v3 =	vand.u32 $0x7FFFFFFF, v3  }
0x141: {  	v37 =	vbroadcast v2, $0xC;
	[tilespmem:s12+$0x48C0] =	vst v3;
	v3 =	vld [tilespmem:s12+$0x900]  }
0x142: {  	v5 =	vmul.f32 v35, v30;
	[tilespmem:s12+$0x8E0] =	vst v7;
	v7 =	vand.u32 $0x7FFFFFFF, v7  }
0x143: {  	v4 =	vmul.f32 v36, v37;
	[tilespmem:s12+$0x48E0] =	vst v7;
	v38 =	vld [tilespmem:s12+$0x920]  }
0x144: {  	[tilespmem:s12+$0x8F0] =	vst v5  }
0x145: {  	v5 =	vand.u32 $0x7FFFFFFF, v5;
	v39 =	vld [tilespmem:s12+$0x930];
	[tilespmem:s12+$0x910] =	vst v4  }
0x146: {  	v4 =	vand.u32 $0x7FFFFFFF, v4;
	v40 =	vld [tilespmem:s12+$0x950];
	[tilespmem:s12+$0x48F0] =	vst v5;
	v3 =	vmul.f32 v3, v37  }
0x147: {  	[tilespmem:s12+$0x4910] =	vst v4  }
0x148: {  	v7 =	vmul.f32 v38, v37;
	[tilespmem:s12+$0x900] =	vst v3;
	v3 =	vand.u32 $0x7FFFFFFF, v3  }
0x149: {  	[tilespmem:s12+$0x4900] =	vst v3;
	v3 =	vld [tilespmem:s12+$0x940]  }
0x14a: {  	v5 =	vmul.f32 v39, v37;
	[tilespmem:s12+$0x920] =	vst v7;
	v7 =	vand.u32 $0x7FFFFFFF, v7  }
0x14b: {  	v4 =	vmul.f32 v40, v37;
	[tilespmem:s12+$0x4920] =	vst v7;
	v41 =	vld [tilespmem:s12+$0x960]  }
0x14c: {  	[tilespmem:s12+$0x930] =	vst v5  }
0x14d: {  	v5 =	vand.u32 $0x7FFFFFFF, v5;
	v42 =	vld [tilespmem:s12+$0x970];
	[tilespmem:s12+$0x950] =	vst v4  }
0x14e: {  	v4 =	vand.u32 $0x7FFFFFFF, v4;
	v43 =	vld [tilespmem:s12+$0x990];
	[tilespmem:s12+$0x4930] =	vst v5;
	v3 =	vmul.f32 v3, v37  }
0x14f: {  	[tilespmem:s12+$0x4950] =	vst v4  }
0x150: {  	v7 =	vmul.f32 v41, v37;
	[tilespmem:s12+$0x940] =	vst v3;
	v3 =	vand.u32 $0x7FFFFFFF, v3  }
0x151: {  	v44 =	vbroadcast v2, $0xD;
	[tilespmem:s12+$0x4940] =	vst v3;
	v3 =	vld [tilespmem:s12+$0x980]  }
0x152: {  	v5 =	vmul.f32 v42, v37;
	[tilespmem:s12+$0x960] =	vst v7;
	v7 =	vand.u32 $0x7FFFFFFF, v7  }
0x153: {  	v4 =	vmul.f32 v43, v44;
	[tilespmem:s12+$0x4960] =	vst v7;
	v45 =	vld [tilespmem:s12+$0x9A0]  }
0x154: {  	[tilespmem:s12+$0x970] =	vst v5  }
0x155: {  	v5 =	vand.u32 $0x7FFFFFFF, v5;
	v46 =	vld [tilespmem:s12+$0x9B0];
	[tilespmem:s12+$0x990] =	vst v4  }
0x156: {  	v4 =	vand.u32 $0x7FFFFFFF, v4;
	v47 =	vld [tilespmem:s12+$0x9D0];
	[tilespmem:s12+$0x4970] =	vst v5;
	v3 =	vmul.f32 v3, v44  }
0x157: {  	[tilespmem:s12+$0x4990] =	vst v4  }
0x158: {  	v7 =	vmul.f32 v45, v44;
	[tilespmem:s12+$0x980] =	vst v3;
	v3 =	vand.u32 $0x7FFFFFFF, v3  }
0x159: {  	[tilespmem:s12+$0x4980] =	vst v3;
	v3 =	vld [tilespmem:s12+$0x9C0]  }
0x15a: {  	v5 =	vmul.f32 v46, v44;
	[tilespmem:s12+$0x9A0] =	vst v7;
	v7 =	vand.u32 $0x7FFFFFFF, v7  }
0x15b: {  	v4 =	vmul.f32 v47, v44;
	[tilespmem:s12+$0x49A0] =	vst v7;
	v48 =	vld [tilespmem:s12+$0x9E0]  }
0x15c: {  	[tilespmem:s12+$0x9B0] =	vst v5  }
0x15d: {  	v5 =	vand.u32 $0x7FFFFFFF, v5;
	v49 =	vld [tilespmem:s12+$0x9F0];
	[tilespmem:s12+$0x9D0] =	vst v4  }
0x15e: {  	v4 =	vand.u32 $0x7FFFFFFF, v4;
	v50 =	vld [tilespmem:s12+$0xA10];
	[tilespmem:s12+$0x49B0] =	vst v5;
	v3 =	vmul.f32 v3, v44  }
0x15f: {  	[tilespmem:s12+$0x49D0] =	vst v4  }
0x160: {  	v7 =	vmul.f32 v48, v44;
	[tilespmem:s12+$0x9C0] =	vst v3;
	v3 =	vand.u32 $0x7FFFFFFF, v3  }
0x161: {  	v51 =	vbroadcast v2, $0xE;
	[tilespmem:s12+$0x49C0] =	vst v3;
	v3 =	vld [tilespmem:s12+$0xA00]  }
0x162: {  	v5 =	vmul.f32 v49, v44;
	[tilespmem:s12+$0x9E0] =	vst v7;
	v7 =	vand.u32 $0x7FFFFFFF, v7  }
0x163: {  	v4 =	vmul.f32 v50, v51;
	[tilespmem:s12+$0x49E0] =	vst v7;
	v52 =	vld [tilespmem:s12+$0xA20]  }
0x164: {  	[tilespmem:s12+$0x9F0] =	vst v5  }
0x165: {  	v5 =	vand.u32 $0x7FFFFFFF, v5;
	v53 =	vld [tilespmem:s12+$0xA30];
	[tilespmem:s12+$0xA10] =	vst v4  }
0x166: {  	v4 =	vand.u32 $0x7FFFFFFF, v4;
	v54 =	vld [tilespmem:s12+$0xA50];
	[tilespmem:s12+$0x49F0] =	vst v5;
	v3 =	vmul.f32 v3, v51  }
0x167: {  	[tilespmem:s12+$0x4A10] =	vst v4  }
0x168: {  	v7 =	vmul.f32 v52, v51;
	[tilespmem:s12+$0xA00] =	vst v3;
	v3 =	vand.u32 $0x7FFFFFFF, v3  }
0x169: {  	[tilespmem:s12+$0x4A00] =	vst v3;
	v3 =	vld [tilespmem:s12+$0xA40]  }
0x16a: {  	v5 =	vmul.f32 v53, v51;
	[tilespmem:s12+$0xA20] =	vst v7;
	v7 =	vand.u32 $0x7FFFFFFF, v7  }
0x16b: {  	v4 =	vmul.f32 v54, v51;
	[tilespmem:s12+$0x4A20] =	vst v7;
	v55 =	vld [tilespmem:s12+$0xA60]  }
0x16c: {  	[tilespmem:s12+$0xA30] =	vst v5  }
0x16d: {  	v5 =	vand.u32 $0x7FFFFFFF, v5;
	v56 =	vld [tilespmem:s12+$0xA70];
	[tilespmem:s12+$0xA50] =	vst v4  }
0x16e: {  	v4 =	vand.u32 $0x7FFFFFFF, v4;
	v57 =	vld [tilespmem:s12+$0xA90];
	[tilespmem:s12+$0x4A30] =	vst v5;
	v3 =	vmul.f32 v3, v51  }
0x16f: {  	[tilespmem:s12+$0x4A50] =	vst v4  }
0x170: {  	v7 =	vmul.f32 v55, v51;
	[tilespmem:s12+$0xA40] =	vst v3;
	v3 =	vand.u32 $0x7FFFFFFF, v3  }
0x171: {  	v2 =	vbroadcast v2, $0xF;
	[tilespmem:s12+$0x4A40] =	vst v3;
	v3 =	vld [tilespmem:s12+$0xA80]  }
0x172: {  	v5 =	vmul.f32 v56, v51;
	[tilespmem:s12+$0xA60] =	vst v7;
	v7 =	vand.u32 $0x7FFFFFFF, v7  }
0x173: {  	v4 =	vmul.f32 v57, v2;
	[tilespmem:s12+$0x4A60] =	vst v7;
	v58 =	vld [tilespmem:s12+$0xAA0]  }
0x174: {  	[tilespmem:s12+$0xA70] =	vst v5  }
0x175: {  	v5 =	vand.u32 $0x7FFFFFFF, v5;
	v59 =	vld [tilespmem:s12+$0xAB0];
	[tilespmem:s12+$0xA90] =	vst v4  }
0x176: {  	v4 =	vand.u32 $0x7FFFFFFF, v4;
	v60 =	vld [tilespmem:s12+$0xAD0];
	[tilespmem:s12+$0x4A70] =	vst v5;
	v3 =	vmul.f32 v3, v2  }
0x177: {  	[tilespmem:s12+$0x4A90] =	vst v4  }
0x178: {  	v6 =	vmul.f32 v58, v2;
	v61 =	vld [tilespmem:s12+$0xAE0];
	[tilespmem:s12+$0xA80] =	vst v3;
	v3 =	vand.u32 $0x7FFFFFFF, v3  }
0x179: {  	[tilespmem:s12+$0x4A80] =	vst v3;
	v3 =	vld [tilespmem:s12+$0xAC0]  }
0x17a: {  	v5 =	vmul.f32 v59, v2;
	[tilespmem:s12+$0xAA0] =	vst v6;
	v6 =	vand.u32 $0x7FFFFFFF, v6;
	v62 =	vld [tilespmem:s12+$0xAF0]  }
0x17b: {  	v4 =	vmul.f32 v60, v2;
	[tilespmem:s12+$0x4AA0] =	vst v6  }
0x17c: {  	[tilespmem:s12+$0xAB0] =	vst v5  }
0x17d: {  	v5 =	vand.u32 $0x7FFFFFFF, v5;
	[tilespmem:s12+$0xAD0] =	vst v4;
	v63 =	vmul.f32 v61, v2  }
0x17e: {  	[tilespmem:s12+$0x4AB0] =	vst v5;
	v3 =	vmul.f32 v3, v2  }
0x17f: {  	[tilespmem:s12+$0xAE0] =	vst v63;
	v2 =	vmul.f32 v62, v2  }
0x180: {  	[tilespmem:s12+$0xAC0] =	vst v3  }
0x181: {  	v3 =	vand.u32 $0x7FFFFFFF, v3;
	[tilespmem:s12+$0xAF0] =	vst v2  }
0x182: {  	[tilespmem:s12+$0x4AC0] =	vst v3;
	v3 =	vand.u32 $0x7FFFFFFF, v4  }
0x183: {  	[tilespmem:s12+$0x4AD0] =	vst v3;
	v3 =	vand.u32 $0x7FFFFFFF, v63  }
0x184: {  	s13 =	simm.s32 $0x1;
	v2 =	vand.u32 $0x7FFFFFFF, v2;
	[tilespmem:s12+$0x4AE0] =	vst v3  }
.LBB2_5:
0x185: {  	s14 =	sshll.u32 s13, $0x4  }
0x186: {  	p1 =	sne.s32 s13, $0x7;
	[tilespmem:s12+$0x4AF0] =	vst v2;
	s12 =	smov.u32 s13;
	s13 =	sadd.s32 $0x1, s13  }
0x187: {  	s14 =	sand.u32 $0x3FFFFFF0, s14  }
0x188: {  	v2 =	vld [tilespmem:s14+$0x280]  }
0x189: {  	s12 =	sshll.u32 s12, $0xB  }
0x18a: {  	v3 =	vld [tilespmem:s12+$0x300];
	_ =	sdelay $0x1  }
0x18b: {  	v9 =	vld [tilespmem:s12+$0x310]  }
0x18c: {  	v10 =	vbroadcast v2, $0x0;
	v8 =	vbroadcast v2, $0x4  }
0x18d: {  	v7 =	vbroadcast v2, $0x5;
	v6 =	vbroadcast v2, $0x8;
	v11 =	vld [tilespmem:s12+$0x320]  }
0x18e: {  	v5 =	vbroadcast v2, $0xA;
	v12 =	vmul.f32 v10, v3  }
0x18f: {  	v4 =	vbroadcast v2, $0xB;
	v3 =	vbroadcast v2, $0xE;
	v13 =	vld [tilespmem:s12+$0x330]  }
0x190: {  	[tilespmem:s12+$0x300] =	vst v12;
	v12 =	vand.u32 $0x7FFFFFFF, v12;
	v9 =	vmul.f32 v9, v10  }
0x191: {  	[tilespmem:s12+$0x4300] =	vst v12;
	v12 =	vld [tilespmem:s12+$0x340]  }
0x192: {  	[tilespmem:s12+$0x310] =	vst v9;
	v9 =	vand.u32 $0x7FFFFFFF, v9;
	v11 =	vmul.f32 v11, v10  }
0x193: {  	[tilespmem:s12+$0x4310] =	vst v9;
	v9 =	vld [tilespmem:s12+$0x350]  }
0x194: {  	[tilespmem:s12+$0x320] =	vst v11;
	v11 =	vand.u32 $0x7FFFFFFF, v11;
	v13 =	vmul.f32 v13, v10  }
0x195: {  	[tilespmem:s12+$0x4320] =	vst v11;
	v11 =	vld [tilespmem:s12+$0x360]  }
0x196: {  	[tilespmem:s12+$0x330] =	vst v13;
	v13 =	vand.u32 $0x7FFFFFFF, v13;
	v12 =	vmul.f32 v12, v10  }
0x197: {  	[tilespmem:s12+$0x4330] =	vst v13;
	v13 =	vld [tilespmem:s12+$0x370]  }
0x198: {  	[tilespmem:s12+$0x340] =	vst v12;
	v12 =	vand.u32 $0x7FFFFFFF, v12;
	v9 =	vmul.f32 v9, v10  }
0x199: {  	[tilespmem:s12+$0x4340] =	vst v12;
	v12 =	vld [tilespmem:s12+$0x380]  }
0x19a: {  	[tilespmem:s12+$0x350] =	vst v9;
	v9 =	vand.u32 $0x7FFFFFFF, v9;
	v11 =	vmul.f32 v11, v10  }
0x19b: {  	[tilespmem:s12+$0x4350] =	vst v9;
	v9 =	vld [tilespmem:s12+$0x390]  }
0x19c: {  	[tilespmem:s12+$0x360] =	vst v11;
	v11 =	vand.u32 $0x7FFFFFFF, v11;
	v10 =	vmul.f32 v13, v10;
	v13 =	vbroadcast v2, $0x1  }
0x19d: {  	[tilespmem:s12+$0x4360] =	vst v11;
	v11 =	vld [tilespmem:s12+$0x3A0]  }
0x19e: {  	[tilespmem:s12+$0x370] =	vst v10;
	v10 =	vand.u32 $0x7FFFFFFF, v10;
	v12 =	vmul.f32 v12, v13  }
0x19f: {  	[tilespmem:s12+$0x4370] =	vst v10;
	v10 =	vld [tilespmem:s12+$0x3B0]  }
0x1a0: {  	[tilespmem:s12+$0x380] =	vst v12;
	v12 =	vand.u32 $0x7FFFFFFF, v12;
	v9 =	vmul.f32 v9, v13  }
0x1a1: {  	[tilespmem:s12+$0x4380] =	vst v12;
	v12 =	vld [tilespmem:s12+$0x3C0]  }
0x1a2: {  	[tilespmem:s12+$0x390] =	vst v9;
	v9 =	vand.u32 $0x7FFFFFFF, v9;
	v11 =	vmul.f32 v11, v13  }
0x1a3: {  	[tilespmem:s12+$0x4390] =	vst v9;
	v9 =	vld [tilespmem:s12+$0x3D0]  }
0x1a4: {  	[tilespmem:s12+$0x3A0] =	vst v11;
	v11 =	vand.u32 $0x7FFFFFFF, v11;
	v10 =	vmul.f32 v10, v13  }
0x1a5: {  	[tilespmem:s12+$0x43A0] =	vst v11;
	v11 =	vld [tilespmem:s12+$0x3E0]  }
0x1a6: {  	[tilespmem:s12+$0x3B0] =	vst v10;
	v10 =	vand.u32 $0x7FFFFFFF, v10;
	v12 =	vmul.f32 v12, v13  }
0x1a7: {  	[tilespmem:s12+$0x43B0] =	vst v10;
	v10 =	vld [tilespmem:s12+$0x3F0]  }
0x1a8: {  	[tilespmem:s12+$0x3C0] =	vst v12;
	v12 =	vand.u32 $0x7FFFFFFF, v12;
	v9 =	vmul.f32 v9, v13  }
0x1a9: {  	[tilespmem:s12+$0x43C0] =	vst v12;
	v12 =	vld [tilespmem:s12+$0x400]  }
0x1aa: {  	[tilespmem:s12+$0x3D0] =	vst v9;
	v9 =	vand.u32 $0x7FFFFFFF, v9;
	v11 =	vmul.f32 v11, v13  }
0x1ab: {  	[tilespmem:s12+$0x43D0] =	vst v9;
	v9 =	vld [tilespmem:s12+$0x410]  }
0x1ac: {  	[tilespmem:s12+$0x3E0] =	vst v11;
	v11 =	vand.u32 $0x7FFFFFFF, v11;
	v10 =	vmul.f32 v10, v13;
	v13 =	vbroadcast v2, $0x2  }
0x1ad: {  	[tilespmem:s12+$0x43E0] =	vst v11;
	v11 =	vld [tilespmem:s12+$0x420]  }
0x1ae: {  	[tilespmem:s12+$0x3F0] =	vst v10;
	v10 =	vand.u32 $0x7FFFFFFF, v10;
	v12 =	vmul.f32 v12, v13  }
0x1af: {  	[tilespmem:s12+$0x43F0] =	vst v10;
	v10 =	vld [tilespmem:s12+$0x430]  }
0x1b0: {  	[tilespmem:s12+$0x400] =	vst v12;
	v12 =	vand.u32 $0x7FFFFFFF, v12;
	v9 =	vmul.f32 v9, v13  }
0x1b1: {  	[tilespmem:s12+$0x4400] =	vst v12;
	v12 =	vld [tilespmem:s12+$0x440]  }
0x1b2: {  	[tilespmem:s12+$0x410] =	vst v9;
	v9 =	vand.u32 $0x7FFFFFFF, v9;
	v11 =	vmul.f32 v11, v13  }
0x1b3: {  	[tilespmem:s12+$0x4410] =	vst v9;
	v9 =	vld [tilespmem:s12+$0x450]  }
0x1b4: {  	[tilespmem:s12+$0x420] =	vst v11;
	v11 =	vand.u32 $0x7FFFFFFF, v11;
	v10 =	vmul.f32 v10, v13  }
0x1b5: {  	[tilespmem:s12+$0x4420] =	vst v11;
	v11 =	vld [tilespmem:s12+$0x460]  }
0x1b6: {  	[tilespmem:s12+$0x430] =	vst v10;
	v10 =	vand.u32 $0x7FFFFFFF, v10;
	v12 =	vmul.f32 v12, v13  }
0x1b7: {  	[tilespmem:s12+$0x4430] =	vst v10;
	v10 =	vld [tilespmem:s12+$0x470]  }
0x1b8: {  	[tilespmem:s12+$0x440] =	vst v12;
	v12 =	vand.u32 $0x7FFFFFFF, v12;
	v9 =	vmul.f32 v9, v13  }
0x1b9: {  	[tilespmem:s12+$0x4440] =	vst v12;
	v12 =	vld [tilespmem:s12+$0x480]  }
0x1ba: {  	[tilespmem:s12+$0x450] =	vst v9;
	v9 =	vand.u32 $0x7FFFFFFF, v9;
	v11 =	vmul.f32 v11, v13  }
0x1bb: {  	[tilespmem:s12+$0x4450] =	vst v9;
	v9 =	vld [tilespmem:s12+$0x490]  }
0x1bc: {  	[tilespmem:s12+$0x460] =	vst v11;
	v11 =	vand.u32 $0x7FFFFFFF, v11;
	v10 =	vmul.f32 v10, v13;
	v13 =	vbroadcast v2, $0x3  }
0x1bd: {  	[tilespmem:s12+$0x4460] =	vst v11;
	v11 =	vld [tilespmem:s12+$0x4A0]  }
0x1be: {  	[tilespmem:s12+$0x470] =	vst v10;
	v10 =	vand.u32 $0x7FFFFFFF, v10;
	v12 =	vmul.f32 v12, v13  }
0x1bf: {  	[tilespmem:s12+$0x4470] =	vst v10;
	v10 =	vld [tilespmem:s12+$0x4B0]  }
0x1c0: {  	[tilespmem:s12+$0x480] =	vst v12;
	v12 =	vand.u32 $0x7FFFFFFF, v12;
	v9 =	vmul.f32 v9, v13  }
0x1c1: {  	[tilespmem:s12+$0x4480] =	vst v12;
	v12 =	vld [tilespmem:s12+$0x4C0]  }
0x1c2: {  	[tilespmem:s12+$0x490] =	vst v9;
	v9 =	vand.u32 $0x7FFFFFFF, v9;
	v11 =	vmul.f32 v11, v13  }
0x1c3: {  	[tilespmem:s12+$0x4490] =	vst v9;
	v9 =	vld [tilespmem:s12+$0x4D0]  }
0x1c4: {  	[tilespmem:s12+$0x4A0] =	vst v11;
	v11 =	vand.u32 $0x7FFFFFFF, v11;
	v10 =	vmul.f32 v10, v13  }
0x1c5: {  	[tilespmem:s12+$0x44A0] =	vst v11;
	v11 =	vld [tilespmem:s12+$0x4E0]  }
0x1c6: {  	[tilespmem:s12+$0x4B0] =	vst v10;
	v10 =	vand.u32 $0x7FFFFFFF, v10;
	v12 =	vmul.f32 v12, v13  }
0x1c7: {  	[tilespmem:s12+$0x44B0] =	vst v10;
	v10 =	vld [tilespmem:s12+$0x4F0]  }
0x1c8: {  	[tilespmem:s12+$0x4C0] =	vst v12;
	v12 =	vand.u32 $0x7FFFFFFF, v12;
	v9 =	vmul.f32 v9, v13  }
0x1c9: {  	[tilespmem:s12+$0x44C0] =	vst v12;
	v12 =	vld [tilespmem:s12+$0x500]  }
0x1ca: {  	[tilespmem:s12+$0x4D0] =	vst v9;
	v9 =	vand.u32 $0x7FFFFFFF, v9;
	v11 =	vmul.f32 v11, v13  }
0x1cb: {  	[tilespmem:s12+$0x44D0] =	vst v9;
	v9 =	vld [tilespmem:s12+$0x510]  }
0x1cc: {  	[tilespmem:s12+$0x4E0] =	vst v11;
	v11 =	vand.u32 $0x7FFFFFFF, v11;
	v10 =	vmul.f32 v10, v13  }
0x1cd: {  	[tilespmem:s12+$0x44E0] =	vst v11;
	v11 =	vld [tilespmem:s12+$0x520]  }
0x1ce: {  	[tilespmem:s12+$0x4F0] =	vst v10;
	v10 =	vand.u32 $0x7FFFFFFF, v10;
	v12 =	vmul.f32 v12, v8  }
0x1cf: {  	[tilespmem:s12+$0x44F0] =	vst v10;
	v10 =	vld [tilespmem:s12+$0x530]  }
0x1d0: {  	[tilespmem:s12+$0x500] =	vst v12;
	v12 =	vand.u32 $0x7FFFFFFF, v12;
	v9 =	vmul.f32 v9, v8  }
0x1d1: {  	[tilespmem:s12+$0x4500] =	vst v12;
	v12 =	vld [tilespmem:s12+$0x540]  }
0x1d2: {  	[tilespmem:s12+$0x510] =	vst v9;
	v9 =	vand.u32 $0x7FFFFFFF, v9;
	v11 =	vmul.f32 v11, v8  }
0x1d3: {  	[tilespmem:s12+$0x4510] =	vst v9;
	v9 =	vld [tilespmem:s12+$0x550]  }
0x1d4: {  	[tilespmem:s12+$0x520] =	vst v11;
	v11 =	vand.u32 $0x7FFFFFFF, v11;
	v10 =	vmul.f32 v10, v8  }
0x1d5: {  	[tilespmem:s12+$0x4520] =	vst v11;
	v11 =	vld [tilespmem:s12+$0x560]  }
0x1d6: {  	[tilespmem:s12+$0x530] =	vst v10;
	v10 =	vand.u32 $0x7FFFFFFF, v10;
	v12 =	vmul.f32 v12, v8  }
0x1d7: {  	[tilespmem:s12+$0x4530] =	vst v10;
	v10 =	vld [tilespmem:s12+$0x570]  }
0x1d8: {  	[tilespmem:s12+$0x540] =	vst v12;
	v12 =	vand.u32 $0x7FFFFFFF, v12;
	v9 =	vmul.f32 v9, v8  }
0x1d9: {  	[tilespmem:s12+$0x4540] =	vst v12;
	v12 =	vld [tilespmem:s12+$0x580]  }
0x1da: {  	[tilespmem:s12+$0x550] =	vst v9;
	v9 =	vand.u32 $0x7FFFFFFF, v9;
	v11 =	vmul.f32 v11, v8  }
0x1db: {  	[tilespmem:s12+$0x4550] =	vst v9;
	v9 =	vld [tilespmem:s12+$0x590]  }
0x1dc: {  	[tilespmem:s12+$0x560] =	vst v11;
	v11 =	vand.u32 $0x7FFFFFFF, v11;
	v8 =	vmul.f32 v10, v8  }
0x1dd: {  	[tilespmem:s12+$0x4560] =	vst v11;
	v10 =	vld [tilespmem:s12+$0x5A0]  }
0x1de: {  	[tilespmem:s12+$0x570] =	vst v8;
	v8 =	vand.u32 $0x7FFFFFFF, v8;
	v11 =	vmul.f32 v12, v7  }
0x1df: {  	[tilespmem:s12+$0x4570] =	vst v8;
	v8 =	vld [tilespmem:s12+$0x5B0]  }
0x1e0: {  	[tilespmem:s12+$0x580] =	vst v11;
	v11 =	vand.u32 $0x7FFFFFFF, v11;
	v9 =	vmul.f32 v9, v7  }
0x1e1: {  	[tilespmem:s12+$0x4580] =	vst v11;
	v11 =	vld [tilespmem:s12+$0x5C0]  }
0x1e2: {  	[tilespmem:s12+$0x590] =	vst v9;
	v9 =	vand.u32 $0x7FFFFFFF, v9;
	v10 =	vmul.f32 v10, v7  }
0x1e3: {  	[tilespmem:s12+$0x4590] =	vst v9;
	v9 =	vld [tilespmem:s12+$0x5D0]  }
0x1e4: {  	[tilespmem:s12+$0x5A0] =	vst v10;
	v10 =	vand.u32 $0x7FFFFFFF, v10;
	v8 =	vmul.f32 v8, v7  }
0x1e5: {  	[tilespmem:s12+$0x45A0] =	vst v10;
	v10 =	vld [tilespmem:s12+$0x5E0]  }
0x1e6: {  	[tilespmem:s12+$0x5B0] =	vst v8;
	v8 =	vand.u32 $0x7FFFFFFF, v8;
	v11 =	vmul.f32 v11, v7  }
0x1e7: {  	[tilespmem:s12+$0x45B0] =	vst v8;
	v8 =	vld [tilespmem:s12+$0x5F0]  }
0x1e8: {  	[tilespmem:s12+$0x5C0] =	vst v11;
	v11 =	vand.u32 $0x7FFFFFFF, v11;
	v9 =	vmul.f32 v9, v7  }
0x1e9: {  	[tilespmem:s12+$0x45C0] =	vst v11;
	v11 =	vld [tilespmem:s12+$0x600]  }
0x1ea: {  	[tilespmem:s12+$0x5D0] =	vst v9;
	v9 =	vand.u32 $0x7FFFFFFF, v9;
	v10 =	vmul.f32 v10, v7  }
0x1eb: {  	[tilespmem:s12+$0x45D0] =	vst v9;
	v9 =	vld [tilespmem:s12+$0x610]  }
0x1ec: {  	[tilespmem:s12+$0x5E0] =	vst v10;
	v10 =	vand.u32 $0x7FFFFFFF, v10;
	v7 =	vmul.f32 v8, v7;
	v8 =	vbroadcast v2, $0x6  }
0x1ed: {  	[tilespmem:s12+$0x45E0] =	vst v10;
	v10 =	vld [tilespmem:s12+$0x620]  }
0x1ee: {  	[tilespmem:s12+$0x5F0] =	vst v7;
	v7 =	vand.u32 $0x7FFFFFFF, v7;
	v11 =	vmul.f32 v11, v8  }
0x1ef: {  	[tilespmem:s12+$0x45F0] =	vst v7;
	v7 =	vld [tilespmem:s12+$0x630]  }
0x1f0: {  	[tilespmem:s12+$0x600] =	vst v11;
	v11 =	vand.u32 $0x7FFFFFFF, v11;
	v9 =	vmul.f32 v9, v8  }
0x1f1: {  	[tilespmem:s12+$0x4600] =	vst v11;
	v11 =	vld [tilespmem:s12+$0x640]  }
0x1f2: {  	[tilespmem:s12+$0x610] =	vst v9;
	v9 =	vand.u32 $0x7FFFFFFF, v9;
	v10 =	vmul.f32 v10, v8  }
0x1f3: {  	[tilespmem:s12+$0x4610] =	vst v9;
	v9 =	vld [tilespmem:s12+$0x650]  }
0x1f4: {  	[tilespmem:s12+$0x620] =	vst v10;
	v10 =	vand.u32 $0x7FFFFFFF, v10;
	v7 =	vmul.f32 v7, v8  }
0x1f5: {  	[tilespmem:s12+$0x4620] =	vst v10;
	v10 =	vld [tilespmem:s12+$0x660]  }
0x1f6: {  	[tilespmem:s12+$0x630] =	vst v7;
	v7 =	vand.u32 $0x7FFFFFFF, v7;
	v11 =	vmul.f32 v11, v8  }
0x1f7: {  	[tilespmem:s12+$0x4630] =	vst v7;
	v7 =	vld [tilespmem:s12+$0x670]  }
0x1f8: {  	[tilespmem:s12+$0x640] =	vst v11;
	v11 =	vand.u32 $0x7FFFFFFF, v11;
	v9 =	vmul.f32 v9, v8  }
0x1f9: {  	[tilespmem:s12+$0x4640] =	vst v11;
	v11 =	vld [tilespmem:s12+$0x680]  }
0x1fa: {  	[tilespmem:s12+$0x650] =	vst v9;
	v9 =	vand.u32 $0x7FFFFFFF, v9;
	v10 =	vmul.f32 v10, v8  }
0x1fb: {  	[tilespmem:s12+$0x4650] =	vst v9;
	v9 =	vld [tilespmem:s12+$0x690]  }
0x1fc: {  	[tilespmem:s12+$0x660] =	vst v10;
	v10 =	vand.u32 $0x7FFFFFFF, v10;
	v7 =	vmul.f32 v7, v8;
	v8 =	vbroadcast v2, $0x7  }
0x1fd: {  	[tilespmem:s12+$0x4660] =	vst v10;
	v10 =	vld [tilespmem:s12+$0x6A0]  }
0x1fe: {  	[tilespmem:s12+$0x670] =	vst v7;
	v7 =	vand.u32 $0x7FFFFFFF, v7;
	v11 =	vmul.f32 v11, v8  }
0x1ff: {  	[tilespmem:s12+$0x4670] =	vst v7;
	v7 =	vld [tilespmem:s12+$0x6B0]  }
0x200: {  	[tilespmem:s12+$0x680] =	vst v11;
	v11 =	vand.u32 $0x7FFFFFFF, v11;
	v9 =	vmul.f32 v9, v8  }
0x201: {  	[tilespmem:s12+$0x4680] =	vst v11;
	v11 =	vld [tilespmem:s12+$0x6C0]  }
0x202: {  	[tilespmem:s12+$0x690] =	vst v9;
	v9 =	vand.u32 $0x7FFFFFFF, v9;
	v10 =	vmul.f32 v10, v8  }
0x203: {  	[tilespmem:s12+$0x4690] =	vst v9;
	v9 =	vld [tilespmem:s12+$0x6D0]  }
0x204: {  	[tilespmem:s12+$0x6A0] =	vst v10;
	v10 =	vand.u32 $0x7FFFFFFF, v10;
	v7 =	vmul.f32 v7, v8  }
0x205: {  	[tilespmem:s12+$0x46A0] =	vst v10;
	v10 =	vld [tilespmem:s12+$0x6E0]  }
0x206: {  	[tilespmem:s12+$0x6B0] =	vst v7;
	v7 =	vand.u32 $0x7FFFFFFF, v7;
	v11 =	vmul.f32 v11, v8  }
0x207: {  	[tilespmem:s12+$0x46B0] =	vst v7;
	v7 =	vld [tilespmem:s12+$0x6F0]  }
0x208: {  	[tilespmem:s12+$0x6C0] =	vst v11;
	v11 =	vand.u32 $0x7FFFFFFF, v11;
	v9 =	vmul.f32 v9, v8  }
0x209: {  	[tilespmem:s12+$0x46C0] =	vst v11;
	v11 =	vld [tilespmem:s12+$0x700]  }
0x20a: {  	[tilespmem:s12+$0x6D0] =	vst v9;
	v9 =	vand.u32 $0x7FFFFFFF, v9;
	v10 =	vmul.f32 v10, v8  }
0x20b: {  	[tilespmem:s12+$0x46D0] =	vst v9;
	v9 =	vld [tilespmem:s12+$0x710]  }
0x20c: {  	[tilespmem:s12+$0x6E0] =	vst v10;
	v10 =	vand.u32 $0x7FFFFFFF, v10;
	v7 =	vmul.f32 v7, v8  }
0x20d: {  	[tilespmem:s12+$0x46E0] =	vst v10;
	v8 =	vld [tilespmem:s12+$0x720]  }
0x20e: {  	[tilespmem:s12+$0x6F0] =	vst v7;
	v7 =	vand.u32 $0x7FFFFFFF, v7;
	v10 =	vmul.f32 v11, v6  }
0x20f: {  	[tilespmem:s12+$0x46F0] =	vst v7;
	v7 =	vld [tilespmem:s12+$0x730]  }
0x210: {  	[tilespmem:s12+$0x700] =	vst v10;
	v10 =	vand.u32 $0x7FFFFFFF, v10;
	v9 =	vmul.f32 v9, v6  }
0x211: {  	[tilespmem:s12+$0x4700] =	vst v10;
	v10 =	vld [tilespmem:s12+$0x740]  }
0x212: {  	[tilespmem:s12+$0x710] =	vst v9;
	v9 =	vand.u32 $0x7FFFFFFF, v9;
	v8 =	vmul.f32 v8, v6  }
0x213: {  	[tilespmem:s12+$0x4710] =	vst v9;
	v9 =	vld [tilespmem:s12+$0x750]  }
0x214: {  	[tilespmem:s12+$0x720] =	vst v8;
	v8 =	vand.u32 $0x7FFFFFFF, v8;
	v7 =	vmul.f32 v7, v6  }
0x215: {  	[tilespmem:s12+$0x4720] =	vst v8;
	v8 =	vld [tilespmem:s12+$0x760]  }
0x216: {  	[tilespmem:s12+$0x730] =	vst v7;
	v7 =	vand.u32 $0x7FFFFFFF, v7;
	v10 =	vmul.f32 v10, v6  }
0x217: {  	[tilespmem:s12+$0x4730] =	vst v7;
	v7 =	vld [tilespmem:s12+$0x770]  }
0x218: {  	[tilespmem:s12+$0x740] =	vst v10;
	v10 =	vand.u32 $0x7FFFFFFF, v10;
	v9 =	vmul.f32 v9, v6  }
0x219: {  	[tilespmem:s12+$0x4740] =	vst v10;
	v10 =	vld [tilespmem:s12+$0x780]  }
0x21a: {  	[tilespmem:s12+$0x750] =	vst v9;
	v9 =	vand.u32 $0x7FFFFFFF, v9;
	v8 =	vmul.f32 v8, v6  }
0x21b: {  	[tilespmem:s12+$0x4750] =	vst v9;
	v9 =	vld [tilespmem:s12+$0x790]  }
0x21c: {  	[tilespmem:s12+$0x760] =	vst v8;
	v8 =	vand.u32 $0x7FFFFFFF, v8;
	v6 =	vmul.f32 v7, v6;
	v7 =	vbroadcast v2, $0x9  }
0x21d: {  	[tilespmem:s12+$0x4760] =	vst v8;
	v8 =	vld [tilespmem:s12+$0x7A0]  }
0x21e: {  	[tilespmem:s12+$0x770] =	vst v6;
	v6 =	vand.u32 $0x7FFFFFFF, v6;
	v10 =	vmul.f32 v10, v7  }
0x21f: {  	[tilespmem:s12+$0x4770] =	vst v6;
	v6 =	vld [tilespmem:s12+$0x7B0]  }
0x220: {  	[tilespmem:s12+$0x780] =	vst v10;
	v10 =	vand.u32 $0x7FFFFFFF, v10;
	v9 =	vmul.f32 v9, v7  }
0x221: {  	[tilespmem:s12+$0x4780] =	vst v10;
	v10 =	vld [tilespmem:s12+$0x7C0]  }
0x222: {  	[tilespmem:s12+$0x790] =	vst v9;
	v9 =	vand.u32 $0x7FFFFFFF, v9;
	v8 =	vmul.f32 v8, v7  }
0x223: {  	[tilespmem:s12+$0x4790] =	vst v9;
	v9 =	vld [tilespmem:s12+$0x7D0]  }
0x224: {  	[tilespmem:s12+$0x7A0] =	vst v8;
	v8 =	vand.u32 $0x7FFFFFFF, v8;
	v6 =	vmul.f32 v6, v7  }
0x225: {  	[tilespmem:s12+$0x47A0] =	vst v8;
	v8 =	vld [tilespmem:s12+$0x7E0]  }
0x226: {  	[tilespmem:s12+$0x7B0] =	vst v6;
	v6 =	vand.u32 $0x7FFFFFFF, v6;
	v10 =	vmul.f32 v10, v7  }
0x227: {  	[tilespmem:s12+$0x47B0] =	vst v6;
	v6 =	vld [tilespmem:s12+$0x7F0]  }
0x228: {  	[tilespmem:s12+$0x7C0] =	vst v10;
	v10 =	vand.u32 $0x7FFFFFFF, v10;
	v9 =	vmul.f32 v9, v7  }
0x229: {  	[tilespmem:s12+$0x47C0] =	vst v10;
	v10 =	vld [tilespmem:s12+$0x800]  }
0x22a: {  	[tilespmem:s12+$0x7D0] =	vst v9;
	v9 =	vand.u32 $0x7FFFFFFF, v9;
	v8 =	vmul.f32 v8, v7  }
0x22b: {  	[tilespmem:s12+$0x47D0] =	vst v9;
	v9 =	vld [tilespmem:s12+$0x810]  }
0x22c: {  	[tilespmem:s12+$0x7E0] =	vst v8;
	v8 =	vand.u32 $0x7FFFFFFF, v8;
	v6 =	vmul.f32 v6, v7  }
0x22d: {  	[tilespmem:s12+$0x47E0] =	vst v8;
	v7 =	vld [tilespmem:s12+$0x820]  }
0x22e: {  	[tilespmem:s12+$0x7F0] =	vst v6;
	v6 =	vand.u32 $0x7FFFFFFF, v6;
	v8 =	vmul.f32 v10, v5  }
0x22f: {  	[tilespmem:s12+$0x47F0] =	vst v6;
	v6 =	vld [tilespmem:s12+$0x830]  }
0x230: {  	[tilespmem:s12+$0x800] =	vst v8;
	v8 =	vand.u32 $0x7FFFFFFF, v8;
	v9 =	vmul.f32 v9, v5  }
0x231: {  	[tilespmem:s12+$0x4800] =	vst v8;
	v8 =	vld [tilespmem:s12+$0x840]  }
0x232: {  	[tilespmem:s12+$0x810] =	vst v9;
	v9 =	vand.u32 $0x7FFFFFFF, v9;
	v7 =	vmul.f32 v7, v5  }
0x233: {  	[tilespmem:s12+$0x4810] =	vst v9;
	v9 =	vld [tilespmem:s12+$0x850]  }
0x234: {  	[tilespmem:s12+$0x820] =	vst v7;
	v7 =	vand.u32 $0x7FFFFFFF, v7;
	v6 =	vmul.f32 v6, v5  }
0x235: {  	[tilespmem:s12+$0x4820] =	vst v7;
	v7 =	vld [tilespmem:s12+$0x860]  }
0x236: {  	[tilespmem:s12+$0x830] =	vst v6;
	v6 =	vand.u32 $0x7FFFFFFF, v6;
	v8 =	vmul.f32 v8, v5  }
0x237: {  	[tilespmem:s12+$0x4830] =	vst v6;
	v6 =	vld [tilespmem:s12+$0x870]  }
0x238: {  	[tilespmem:s12+$0x840] =	vst v8;
	v8 =	vand.u32 $0x7FFFFFFF, v8;
	v9 =	vmul.f32 v9, v5  }
0x239: {  	[tilespmem:s12+$0x4840] =	vst v8;
	v8 =	vld [tilespmem:s12+$0x880]  }
0x23a: {  	[tilespmem:s12+$0x850] =	vst v9;
	v9 =	vand.u32 $0x7FFFFFFF, v9;
	v7 =	vmul.f32 v7, v5  }
0x23b: {  	[tilespmem:s12+$0x4850] =	vst v9;
	v9 =	vld [tilespmem:s12+$0x890]  }
0x23c: {  	[tilespmem:s12+$0x860] =	vst v7;
	v7 =	vand.u32 $0x7FFFFFFF, v7;
	v5 =	vmul.f32 v6, v5  }
0x23d: {  	[tilespmem:s12+$0x4860] =	vst v7;
	v6 =	vld [tilespmem:s12+$0x8A0]  }
0x23e: {  	[tilespmem:s12+$0x870] =	vst v5;
	v5 =	vand.u32 $0x7FFFFFFF, v5;
	v7 =	vmul.f32 v8, v4  }
0x23f: {  	[tilespmem:s12+$0x4870] =	vst v5;
	v5 =	vld [tilespmem:s12+$0x8B0]  }
0x240: {  	[tilespmem:s12+$0x880] =	vst v7;
	v7 =	vand.u32 $0x7FFFFFFF, v7;
	v8 =	vmul.f32 v9, v4  }
0x241: {  	[tilespmem:s12+$0x4880] =	vst v7;
	v7 =	vld [tilespmem:s12+$0x8C0]  }
0x242: {  	[tilespmem:s12+$0x890] =	vst v8;
	v8 =	vand.u32 $0x7FFFFFFF, v8;
	v6 =	vmul.f32 v6, v4  }
0x243: {  	[tilespmem:s12+$0x4890] =	vst v8;
	v8 =	vld [tilespmem:s12+$0x8D0]  }
0x244: {  	[tilespmem:s12+$0x8A0] =	vst v6;
	v6 =	vand.u32 $0x7FFFFFFF, v6;
	v5 =	vmul.f32 v5, v4  }
0x245: {  	[tilespmem:s12+$0x48A0] =	vst v6;
	v6 =	vld [tilespmem:s12+$0x8E0]  }
0x246: {  	[tilespmem:s12+$0x8B0] =	vst v5;
	v5 =	vand.u32 $0x7FFFFFFF, v5;
	v7 =	vmul.f32 v7, v4  }
0x247: {  	[tilespmem:s12+$0x48B0] =	vst v5;
	v5 =	vld [tilespmem:s12+$0x8F0]  }
0x248: {  	[tilespmem:s12+$0x8C0] =	vst v7;
	v7 =	vand.u32 $0x7FFFFFFF, v7;
	v8 =	vmul.f32 v8, v4  }
0x249: {  	[tilespmem:s12+$0x48C0] =	vst v7;
	v7 =	vld [tilespmem:s12+$0x900]  }
0x24a: {  	[tilespmem:s12+$0x8D0] =	vst v8;
	v8 =	vand.u32 $0x7FFFFFFF, v8;
	v6 =	vmul.f32 v6, v4  }
0x24b: {  	[tilespmem:s12+$0x48D0] =	vst v8;
	v8 =	vld [tilespmem:s12+$0x910]  }
0x24c: {  	[tilespmem:s12+$0x8E0] =	vst v6;
	v6 =	vand.u32 $0x7FFFFFFF, v6;
	v4 =	vmul.f32 v5, v4;
	v5 =	vbroadcast v2, $0xC  }
0x24d: {  	[tilespmem:s12+$0x48E0] =	vst v6;
	v6 =	vld [tilespmem:s12+$0x920]  }
0x24e: {  	[tilespmem:s12+$0x8F0] =	vst v4;
	v4 =	vand.u32 $0x7FFFFFFF, v4;
	v7 =	vmul.f32 v7, v5  }
0x24f: {  	[tilespmem:s12+$0x48F0] =	vst v4;
	v4 =	vld [tilespmem:s12+$0x930]  }
0x250: {  	[tilespmem:s12+$0x900] =	vst v7;
	v7 =	vand.u32 $0x7FFFFFFF, v7;
	v8 =	vmul.f32 v8, v5  }
0x251: {  	[tilespmem:s12+$0x4900] =	vst v7;
	v7 =	vld [tilespmem:s12+$0x940]  }
0x252: {  	[tilespmem:s12+$0x910] =	vst v8;
	v8 =	vand.u32 $0x7FFFFFFF, v8;
	v6 =	vmul.f32 v6, v5  }
0x253: {  	[tilespmem:s12+$0x4910] =	vst v8;
	v8 =	vld [tilespmem:s12+$0x950]  }
0x254: {  	[tilespmem:s12+$0x920] =	vst v6;
	v6 =	vand.u32 $0x7FFFFFFF, v6;
	v4 =	vmul.f32 v4, v5  }
0x255: {  	[tilespmem:s12+$0x4920] =	vst v6;
	v6 =	vld [tilespmem:s12+$0x960]  }
0x256: {  	[tilespmem:s12+$0x930] =	vst v4;
	v4 =	vand.u32 $0x7FFFFFFF, v4;
	v7 =	vmul.f32 v7, v5  }
0x257: {  	[tilespmem:s12+$0x4930] =	vst v4;
	v4 =	vld [tilespmem:s12+$0x970]  }
0x258: {  	[tilespmem:s12+$0x940] =	vst v7;
	v7 =	vand.u32 $0x7FFFFFFF, v7;
	v8 =	vmul.f32 v8, v5  }
0x259: {  	[tilespmem:s12+$0x4940] =	vst v7;
	v7 =	vld [tilespmem:s12+$0x980]  }
0x25a: {  	[tilespmem:s12+$0x950] =	vst v8;
	v8 =	vand.u32 $0x7FFFFFFF, v8;
	v6 =	vmul.f32 v6, v5  }
0x25b: {  	[tilespmem:s12+$0x4950] =	vst v8;
	v8 =	vld [tilespmem:s12+$0x990]  }
0x25c: {  	[tilespmem:s12+$0x960] =	vst v6;
	v6 =	vand.u32 $0x7FFFFFFF, v6;
	v4 =	vmul.f32 v4, v5;
	v5 =	vbroadcast v2, $0xD  }
0x25d: {  	[tilespmem:s12+$0x4960] =	vst v6;
	v6 =	vld [tilespmem:s12+$0x9A0]  }
0x25e: {  	[tilespmem:s12+$0x970] =	vst v4;
	v4 =	vand.u32 $0x7FFFFFFF, v4;
	v7 =	vmul.f32 v7, v5  }
0x25f: {  	[tilespmem:s12+$0x4970] =	vst v4;
	v4 =	vld [tilespmem:s12+$0x9B0]  }
0x260: {  	[tilespmem:s12+$0x980] =	vst v7;
	v7 =	vand.u32 $0x7FFFFFFF, v7;
	v8 =	vmul.f32 v8, v5  }
0x261: {  	[tilespmem:s12+$0x4980] =	vst v7;
	v7 =	vld [tilespmem:s12+$0x9C0]  }
0x262: {  	[tilespmem:s12+$0x990] =	vst v8;
	v8 =	vand.u32 $0x7FFFFFFF, v8;
	v6 =	vmul.f32 v6, v5  }
0x263: {  	[tilespmem:s12+$0x4990] =	vst v8;
	v8 =	vld [tilespmem:s12+$0x9D0]  }
0x264: {  	[tilespmem:s12+$0x9A0] =	vst v6;
	v6 =	vand.u32 $0x7FFFFFFF, v6;
	v4 =	vmul.f32 v4, v5  }
0x265: {  	[tilespmem:s12+$0x49A0] =	vst v6;
	v6 =	vld [tilespmem:s12+$0x9E0]  }
0x266: {  	[tilespmem:s12+$0x9B0] =	vst v4;
	v4 =	vand.u32 $0x7FFFFFFF, v4;
	v7 =	vmul.f32 v7, v5  }
0x267: {  	[tilespmem:s12+$0x49B0] =	vst v4;
	v4 =	vld [tilespmem:s12+$0x9F0]  }
0x268: {  	[tilespmem:s12+$0x9C0] =	vst v7;
	v7 =	vand.u32 $0x7FFFFFFF, v7;
	v8 =	vmul.f32 v8, v5  }
0x269: {  	[tilespmem:s12+$0x49C0] =	vst v7;
	v7 =	vld [tilespmem:s12+$0xA00]  }
0x26a: {  	[tilespmem:s12+$0x9D0] =	vst v8;
	v8 =	vand.u32 $0x7FFFFFFF, v8;
	v6 =	vmul.f32 v6, v5  }
0x26b: {  	[tilespmem:s12+$0x49D0] =	vst v8;
	v8 =	vld [tilespmem:s12+$0xA10]  }
0x26c: {  	[tilespmem:s12+$0x9E0] =	vst v6;
	v6 =	vand.u32 $0x7FFFFFFF, v6;
	v4 =	vmul.f32 v4, v5  }
0x26d: {  	[tilespmem:s12+$0x49E0] =	vst v6;
	v5 =	vld [tilespmem:s12+$0xA20]  }
0x26e: {  	[tilespmem:s12+$0x9F0] =	vst v4;
	v4 =	vand.u32 $0x7FFFFFFF, v4;
	v6 =	vmul.f32 v7, v3  }
0x26f: {  	[tilespmem:s12+$0x49F0] =	vst v4;
	v4 =	vld [tilespmem:s12+$0xA30]  }
0x270: {  	[tilespmem:s12+$0xA00] =	vst v6;
	v6 =	vand.u32 $0x7FFFFFFF, v6;
	v7 =	vmul.f32 v8, v3  }
0x271: {  	[tilespmem:s12+$0x4A00] =	vst v6;
	v6 =	vld [tilespmem:s12+$0xA40]  }
0x272: {  	[tilespmem:s12+$0xA10] =	vst v7;
	v7 =	vand.u32 $0x7FFFFFFF, v7;
	v5 =	vmul.f32 v5, v3  }
0x273: {  	[tilespmem:s12+$0x4A10] =	vst v7;
	v7 =	vld [tilespmem:s12+$0xA50]  }
0x274: {  	[tilespmem:s12+$0xA20] =	vst v5;
	v5 =	vand.u32 $0x7FFFFFFF, v5;
	v4 =	vmul.f32 v4, v3  }
0x275: {  	[tilespmem:s12+$0x4A20] =	vst v5;
	v5 =	vld [tilespmem:s12+$0xA60]  }
0x276: {  	[tilespmem:s12+$0xA30] =	vst v4;
	v4 =	vand.u32 $0x7FFFFFFF, v4;
	v6 =	vmul.f32 v6, v3  }
0x277: {  	[tilespmem:s12+$0x4A30] =	vst v4;
	v4 =	vld [tilespmem:s12+$0xA70]  }
0x278: {  	[tilespmem:s12+$0xA40] =	vst v6;
	v6 =	vand.u32 $0x7FFFFFFF, v6;
	v7 =	vmul.f32 v7, v3  }
0x279: {  	[tilespmem:s12+$0x4A40] =	vst v6;
	v6 =	vld [tilespmem:s12+$0xA80]  }
0x27a: {  	[tilespmem:s12+$0xA50] =	vst v7;
	v7 =	vand.u32 $0x7FFFFFFF, v7;
	v5 =	vmul.f32 v5, v3  }
0x27b: {  	[tilespmem:s12+$0x4A50] =	vst v7;
	v7 =	vld [tilespmem:s12+$0xA90]  }
0x27c: {  	v2 =	vbroadcast v2, $0xF;
	[tilespmem:s12+$0xA60] =	vst v5;
	v5 =	vand.u32 $0x7FFFFFFF, v5;
	v3 =	vmul.f32 v4, v3  }
0x27d: {  	[tilespmem:s12+$0x4A60] =	vst v5;
	v4 =	vld [tilespmem:s12+$0xAA0]  }
0x27e: {  	[tilespmem:s12+$0xA70] =	vst v3;
	v3 =	vand.u32 $0x7FFFFFFF, v3;
	v5 =	vmul.f32 v6, v2  }
0x27f: {  	[tilespmem:s12+$0x4A70] =	vst v3;
	v3 =	vld [tilespmem:s12+$0xAB0]  }
0x280: {  	[tilespmem:s12+$0xA80] =	vst v5;
	v5 =	vand.u32 $0x7FFFFFFF, v5;
	v6 =	vmul.f32 v7, v2  }
0x281: {  	[tilespmem:s12+$0x4A80] =	vst v5;
	v5 =	vld [tilespmem:s12+$0xAC0]  }
0x282: {  	[tilespmem:s12+$0xA90] =	vst v6;
	v6 =	vand.u32 $0x7FFFFFFF, v6;
	v4 =	vmul.f32 v4, v2  }
0x283: {  	[tilespmem:s12+$0x4A90] =	vst v6;
	v6 =	vld [tilespmem:s12+$0xAD0]  }
0x284: {  	[tilespmem:s12+$0xAA0] =	vst v4;
	v4 =	vand.u32 $0x7FFFFFFF, v4;
	v3 =	vmul.f32 v3, v2  }
0x285: {  	[tilespmem:s12+$0x4AA0] =	vst v4;
	v4 =	vld [tilespmem:s12+$0xAE0]  }
0x286: {  	[tilespmem:s12+$0xAB0] =	vst v3;
	v3 =	vand.u32 $0x7FFFFFFF, v3;
	v5 =	vmul.f32 v5, v2  }
0x287: {  	[tilespmem:s12+$0x4AB0] =	vst v3;
	v3 =	vld [tilespmem:s12+$0xAF0]  }
0x288: {  	[tilespmem:s12+$0xAC0] =	vst v5;
	v5 =	vand.u32 $0x7FFFFFFF, v5;
	v6 =	vmul.f32 v6, v2  }
0x289: {  	[tilespmem:s12+$0x4AC0] =	vst v5  }
.Ltmp1:
0x28a: {  	[tilespmem:s12+$0xAD0] =	vst v6;
	v5 =	vand.u32 $0x7FFFFFFF, v6;
	v4 =	vmul.f32 v4, v2;
	(pc) =	sbr.rel @p1 .LBB2_5-.Ltmp1, $4  }
0x28b: {  	[tilespmem:s12+$0x4AD0] =	vst v5  }
0x28c: {  	[tilespmem:s12+$0xAE0] =	vst v4;
	v4 =	vand.u32 $0x7FFFFFFF, v4;
	v2 =	vmul.f32 v3, v2  }
0x28d: {  	[tilespmem:s12+$0x4AE0] =	vst v4  }
0x28e: {  	[tilespmem:s12+$0xAF0] =	vst v2;
	v2 =	vand.u32 $0x7FFFFFFF, v2  }
0x28f: {  	[tilespmem:s12+$0x4AF0] =	vst v2  }
0x290: {  	[spmem:s2] =	stream.indirect.scatter.add.f32 [tilespmem:s28], [sflag:$0x1], $0x80, s4, s30, $0xb8;
	[tilespmem:$0x1C300] =	vst v63  }
0x291: {  	_ =	swait.ge [sflag:s29], $0x4000  }
0x292: {  	p1 =	sne.s32 s11, s15;
	[sflag:s29] =	ssyncset.done $0x0  }
.Ltmp2:
0x293: {  	[sflag:s29] =	ssyncadd.s32 $0xFFFFC000;
	(pc) =	sbr.rel @p1 .LBB2_4-.Ltmp2, $4  }
0x294: {  	[spmem:s3] =	stream.indirect.scatter.add.f32 [tilespmem:s9], [sflag:$0x1], $0x80, s4, s30, $0xb8;
	[tilespmem:$0x1C300] =	vst v63  }
0x295: {  	_ =	swait.ge [sflag:s29], $0x4000  }
0x296: {  	s14 =	sadd.s32 $0x1, s11;
	[sflag:s29] =	ssyncset.done $0x0  }
0x297: {  	s11 =	smov.u32 s14;
	[sflag:s29] =	ssyncadd.s32 $0xFFFFC000  }
0x298: {  	[bflag:$0x0] =	sbarrier.arrive $0xFFFF;
	s10 =	simm.s32 @p0 $0x1FC1;
	s11 =	simm.s32 @p0 $0x1  }
0x299: {  	[hbm:s18], [sflag:s10] =	dma.local @p0 [spmem:s21], $0x1400  }
0x29a: {  	_ =	swait.ge @p0 [sflag:s11], $0x1400  }
0x29b: {  	[sflag:s11] =	ssyncset.done @p0 $0x0  }
0x29c: {  	[sflag:s11] =	ssyncadd.s32 @p0 $0xFFFFEC00  }
0x29d: {  	[hbm:s19], [sflag:s10] =	dma.local @p0 [spmem:s22], $0x1400  }
0x29e: {  	s10 =	stileid.u32;
	_ =	swait.ge @p0 [sflag:s11], $0x1400  }
0x29f: {  	s10 =	sshll.u32 @!p0 s10, $0x6;
	[sflag:s11] =	ssyncset.done @p0 $0x0  }
0x2a0: {  	s10 =	sor.u32 @!p0 $0x1C01, s10;
	[sflag:s11] =	ssyncadd.s32 @p0 $0xFFFFEC00;
	s11 =	simm.s32 @!p0 $0x1  }
0x2a1: {  	[hbm:s16], [sflag:s10] =	dma.local @!p0 [spmem:s23], $0x1380  }
0x2a2: {  	s5 =	sadd.s32 $0x1, s5;
	_ =	swait.ge @!p0 [sflag:s11], $0x1380  }
0x2a3: {  	p1 =	sne.s32 s5, s20;
	[sflag:s11] =	ssyncset.done @!p0 $0x0  }
.Ltmp3:
0x2a4: {  	[sflag:s11] =	ssyncadd.s32 @!p0 $0xFFFFEC80;
	(pc) =	sbr.rel @p1 .LBB2_1-.Ltmp3, $4  }
0x2a5: {  	[hbm:s17], [sflag:s10] =	dma.local @!p0 [spmem:s24], $0x1380  }
0x2a6: {  	_ =	swait.ge @!p0 [sflag:s11], $0x1380  }
0x2a7: {  	[sflag:s11] =	ssyncset.done @!p0 $0x0  }
0x2a8: {  	[sflag:s11] =	ssyncadd.s32 @!p0 $0xFFFFEC80  }
0x2a9: {  	_ =	sfence.sel $0x180000  }
0x2aa: {  	[bflag:$0x0] =	sbarrier.arrive $0xFFFF  }
0x2ab: {  	_ =	strace $0x90000047  }
0x2ac: {  	s0 =	stileid.u32;
	[bflag:$0x2] =	sbarrier.arrive $0xFFFF  }
0x2ad: {  	p0 =	sne.s32 s0, $0x0;
	s0 =	rddreg [dreg:$0x5]  }
0x2ae: {  	s0 =	sadd.s32 @!p0 $0x100000, s0  }
0x2af: {  	[sflag:s0] =	ssyncadd.tile.s32 @!p0 $0x1;
	_ =	shalt  }
.Lfunc_end2:
_tile_overlayer_lowered:
.L_overlay_start_2:
0x2b0: {  	(tag) =	ssettag $0x2  }
0x2b1: {  	s0 =	rddreg [dreg:$0x0];
	s2 =	stileid.u32  }
0x2b2: {  	s1 =	rddreg [dreg:$0x1];
	p0 =	sne.s32 s2, $0x0  }
0x2b3: {  	s3 =	rddreg [dreg:$0x2];
	[bflag:$0x3] =	sbarrier.arrive $0xFFFF;
	s2 =	simm.s32 @!p0 $0x1C01  }
0x2b4: {  	[timem:s3], [sflag:s2] =	dma.local @!p0 [hbm:s0], s1  }
0x2b5: {  	s0 =	simm.s32 @!p0 $0x1  }
0x2b6: {  	_ =	swait.ge @!p0 [sflag:s0], s1  }
0x2b7: {  	s1 =	ssub.s32 @!p0 $0x0, s1;
	[sflag:s0] =	ssyncset.done @!p0 $0x0  }
0x2b8: {  	[sflag:s0] =	ssyncadd.s32 @!p0 s1  }
0x2b9: {  	[bflag:$0x3] =	sbarrier.arrive $0xFFFF  }
0x2ba: {  	_ =	shalt  }

</sc_bundles>
